<compile_context>
chip_gen: v7x
topology: tpu7x:2x2x1
jax: 0.10.2.dev20260603
libtpu: 0.0.44.dev20260713+nightly
codegen_flags: <defaults>
</compile_context>

<pallas_src>
import jax
import jax.numpy as jnp
from jax import lax
from jax.experimental import pallas as pl
from jax.experimental.pallas import tpu as pltpu
from jax.experimental.pallas import tpu_sc as plsc

M = 2097152
B = 1048576
D = 28
DP = 32

NC = 2
NS = 16
L = 16

HALF = M // NC
RM = 49152
NPM = 21
RT = HALF - NPM * RM
SPT = B // NS
SUB = 4096
NSUB = SPT // SUB
CAP = 2048
Q = 128
TRASH = CAP + Q
PADROWS = L
ZW = 4096


def _body(val_hbm, rew_hbm, idx_hbm,
          out_data, out_tr, out_nv,
          acc_data, acc_tr, acc_nv,
          idx_blk, rew_blk, zbuf,
          sel_lidx, sel_sid, sel_rew, sel_one,
          rows, gsem, ssem):
    c = lax.axis_index("c")
    s = lax.axis_index("s")
    iota = lax.iota(jnp.int32, L)

    def zf_body(i, _):
        zbuf[i, pl.ds(0, L)] = jnp.zeros((L,), jnp.float32)
        zbuf[i, pl.ds(L, L)] = jnp.zeros((L,), jnp.float32)
        return 0
    lax.fori_loop(0, ZW // DP, zf_body, 0)

    def zi_body(i, _):
        idx_blk[pl.ds(i * L, L)] = jnp.zeros((L,), jnp.int32)
        rew_blk[pl.ds(i * L, L)] = jnp.zeros((L,), jnp.float32)
        return 0
    lax.fori_loop(0, SUB // L, zi_body, 0)

    def do_pass(base, r_chunk, slc):
        def zrow_body(z, _):
            pltpu.sync_copy(
                zbuf,
                acc_data.at[pl.ds(s * slc + z * (ZW // DP), ZW // DP), :])
            return 0
        lax.fori_loop(0, (slc * DP) // ZW, zrow_body, 0)
        pltpu.sync_copy(rew_blk.at[pl.ds(0, slc)],
                        acc_tr.at[pl.ds(s * slc, slc)])
        pltpu.sync_copy(idx_blk.at[pl.ds(0, slc)],
                        acc_nv.at[pl.ds(s * slc, slc)])

        plsc.subcore_barrier()

        def sub_body(b, n):
            row = s * NSUB + b
            pltpu.sync_copy(idx_hbm.at[row], idx_blk)
            pltpu.sync_copy(rew_hbm.at[row], rew_blk)

            def vec_body(i, n):
                iv = idx_blk[pl.ds(i * L, L)]
                lv = iv - base
                mi = (jnp.right_shift(lv, 31) + 1) * \
                     (jnp.right_shift(r_chunk - 1 - lv, 31) + 1)
                rv = rew_blk[pl.ds(i * L, L)]
                cs = plsc.cumsum(mi)
                pos = mi * (n + cs - 1) + (1 - mi) * (TRASH + iota)
                sid = row * SUB + i * L + iota
                plsc.store_scatter(sel_lidx, [pos], lv)
                plsc.store_scatter(sel_sid, [pos], sid)
                plsc.store_scatter(sel_rew, [pos], rv)
                plsc.store_scatter(sel_one, [pos], mi)
                return n + cs[15]

            return lax.fori_loop(0, SUB // L, vec_body, n)

        n = lax.fori_loop(0, NSUB, sub_body, jnp.int32(0))

        lax.fori_loop(0, SUB // L, zi_body, 0)

        for j in range(Q // L):
            sel_lidx[pl.ds(n + j * L, L)] = r_chunk + iota
            sel_sid[pl.ds(n + j * L, L)] = j * L + iota
            sel_rew[pl.ds(n + j * L, L)] = jnp.zeros((L,), jnp.float32)
            sel_one[pl.ds(n + j * L, L)] = jnp.zeros((L,), jnp.int32)

        nch = (n + Q - 1) // Q

        def chunk_body(k, _):
            o = k * Q
            descs = []
            for g in range(Q // L):
                siv = sel_sid[pl.ds(o + g * L, L)]
                descs.append(pltpu.async_copy(
                    val_hbm.at[siv], rows.at[pl.ds(g * L, L), :], gsem))
            for dsc in descs:
                dsc.wait()

            adescs = []
            for g in range(Q // L):
                liv = sel_lidx[pl.ds(o + g * L, L)]
                adescs.append(pltpu.async_copy(
                    rows.at[pl.ds(g * L, L), :], acc_data.at[liv], ssem,
                    add=True))
                adescs.append(pltpu.async_copy(
                    sel_rew.at[pl.ds(o + g * L, L)], acc_tr.at[liv], ssem,
                    add=True))
                adescs.append(pltpu.async_copy(
                    sel_one.at[pl.ds(o + g * L, L)], acc_nv.at[liv], ssem,
                    add=True))
            for dsc in adescs:
                dsc.wait()
            return 0

        lax.fori_loop(0, nch, chunk_body, 0)

        plsc.subcore_barrier()

        pltpu.sync_copy(acc_data.at[pl.ds(s * slc, slc), :],
                        out_data.at[pl.ds(base + s * slc, slc), :])
        pltpu.sync_copy(acc_tr.at[pl.ds(s * slc, slc)],
                        out_tr.at[pl.ds(base + s * slc, slc)])
        pltpu.sync_copy(acc_nv.at[pl.ds(s * slc, slc)],
                        out_nv.at[pl.ds(base + s * slc, slc)])
        return 0

    def main_pass(p, carry):
        do_pass(c * HALF + p * RM, RM, RM // NS)
        return carry

    lax.fori_loop(0, NPM, main_pass, jnp.int32(0))
    do_pass(c * HALF + NPM * RM, RT, RT // NS)


@jax.jit
def kernel(mem, val, reward, total_reward, idx):
    mesh = plsc.VectorSubcoreMesh(core_axis_name="c", subcore_axis_name="s",
                                  num_cores=NC, num_subcores=NS)
    f = pl.kernel(
        _body,
        out_type=(
            jax.ShapeDtypeStruct((M, DP), jnp.float32),
            jax.ShapeDtypeStruct((M,), jnp.float32),
            jax.ShapeDtypeStruct((M,), jnp.int32),
        ),
        mesh=mesh,
        scratch_types=(
            pltpu.VMEM_SHARED((RM + PADROWS, DP), jnp.float32),
            pltpu.VMEM_SHARED((RM + PADROWS,), jnp.float32),
            pltpu.VMEM_SHARED((RM + PADROWS,), jnp.int32),
            pltpu.VMEM((SUB,), jnp.int32),
            pltpu.VMEM((SUB,), jnp.float32),
            pltpu.VMEM((ZW // DP, DP), jnp.float32),
            pltpu.VMEM((TRASH + L,), jnp.int32),
            pltpu.VMEM((TRASH + L,), jnp.int32),
            pltpu.VMEM((TRASH + L,), jnp.float32),
            pltpu.VMEM((TRASH + L,), jnp.int32),
            pltpu.VMEM((Q, DP), jnp.float32),
            pltpu.SemaphoreType.DMA,
            pltpu.SemaphoreType.DMA,
        ),
        name="mcts_scatter_add",
        compiler_params=pltpu.CompilerParams(needs_layout_passes=False,
                                             use_tc_tiling_on_sc=False),
    )
    val32 = jnp.pad(val * reward[:, None], ((0, 0), (0, DP - D)))
    d32, d_tr, nv = f(val32, reward.reshape(B // SUB, SUB),
                      idx.reshape(B // SUB, SUB))
    return mem + d32[:, :D], total_reward + d_tr, nv

# --- scband reference (transcript-rebuilt; emitter-appended) ---
"""Pipeline reference for scband-mcots-62929860821648 (READ-ONLY COPY).

The authoritative reference and input builder live on the scoring server;
editing this copy changes nothing except your own understanding.
"""

import jax, jax.numpy as jnp
import numpy as np

M = 2097152   # capacity * N^3 flat leaf slots (262144 internal nodes, N=2)
B = 1048576   # number of MCTS samples written back per round
D = 28        # SH9 data_dim: 9 SH coeffs * 3 channels + 1 density

def setup_inputs(seed: int = 0) -> dict:
    key = jax.random.key(seed)
    k1, k2, k3, k4 = jax.random.split(key, 4)
    mem = jax.random.normal(k1, (M, D), dtype=jnp.float32)
    val = jax.random.normal(k2, (B, D), dtype=jnp.float32)
    reward = jax.random.uniform(k3, (B,), dtype=jnp.float32)
    total_reward = jnp.zeros((M,), dtype=jnp.float32)
    idx = jax.random.randint(k4, (B,), 0, M, dtype=jnp.int64 if jax.config.jax_enable_x64 else jnp.int32).astype(jnp.int32)
    return {"mem": mem, "val": val, "reward": reward, "total_reward": total_reward, "idx": idx}

def reference(mem, val, reward, total_reward, idx):
    # MCTS record/backpropagation step on the flattened N3Tree leaf storage:
    # scatter reward-weighted SH data into tree data buffer, accumulate rewards
    # and visit counts at visited leaves (duplicate indices accumulate).
    new_data = mem.at[idx].add(val * reward[:, None])
    new_total_reward = total_reward.at[idx].add(reward)
    new_num_visits = jnp.zeros((mem.shape[0],), dtype=jnp.int32).at[idx].add(1)
    return new_data, new_total_reward, new_num_visits

if __name__ == "__main__":
    import jax
    _d = setup_inputs()
    print(jax.jit(kernel)(*tuple(_d.values())))

</pallas_src>

<mosaic_0001>
#map = affine_map<(d0, d1) -> (0, 0)>
#map1 = affine_map<(d0, d1) -> (0)>
module attributes {stable_mosaic.version = 14 : i64} {
  func.func @mcts_scatter_add(%arg0: i32, %arg1: i32, %arg2: memref<1048576x32xf32, #tpu.memory_space<hbm>>, %arg3: memref<256x4096xf32, #tpu.memory_space<hbm>>, %arg4: memref<256x4096xi32, #tpu.memory_space<hbm>>, %arg5: memref<2097152x32xf32, #tpu.memory_space<hbm>>, %arg6: memref<2097152xf32, #tpu.memory_space<hbm>>, %arg7: memref<2097152xi32, #tpu.memory_space<hbm>>, %arg8: memref<49168x32xf32, #tpu.memory_space<vmem_shared>>, %arg9: memref<49168xf32, #tpu.memory_space<vmem_shared>>, %arg10: memref<49168xi32, #tpu.memory_space<vmem_shared>>, %arg11: memref<4096xi32, #tpu.memory_space<vmem>>, %arg12: memref<4096xf32, #tpu.memory_space<vmem>>, %arg13: memref<128x32xf32, #tpu.memory_space<vmem>>, %arg14: memref<2192xi32, #tpu.memory_space<vmem>>, %arg15: memref<2192xi32, #tpu.memory_space<vmem>>, %arg16: memref<2192xf32, #tpu.memory_space<vmem>>, %arg17: memref<2192xi32, #tpu.memory_space<vmem>>, %arg18: memref<128x32xf32, #tpu.memory_space<vmem>>, %arg19: memref<!tpu.dma_semaphore, #tpu.memory_space<semaphore_mem>>, %arg20: memref<!tpu.dma_semaphore, #tpu.memory_space<semaphore_mem>>) attributes {dimension_semantics = [#tpu.dimension_semantics<core_parallel>, #tpu.dimension_semantics<subcore_parallel>], iteration_bounds = array<i64: 2, 16>, scalar_prefetch = 0 : i64, scratch_operands = 13 : i64, tpu.core_type = #tpu.core_type<sc_vector_subcore>, window_params = [{transform_indices = #map}, {transform_indices = #map}, {transform_indices = #map}, {transform_indices = #map}, {transform_indices = #map1}, {transform_indices = #map1}]} {
    %iota3A = tpu.iota {dimensions = array<i32: 0>} : vector<16xi32>
    %scan3A = arith.constant 0 : i32
    %scan3A_0 = arith.constant 0 : i32
    %scan3A_1 = arith.constant 128 : i32
    %scan3A_2 = arith.addi %scan3A_0, %scan3A_1 : i32
    %scan3A_3 = arith.constant 1 : i32
    %scan3A_4 = scf.for %scan3A_299 = %scan3A_0 to %scan3A_2 step %scan3A_3 iter_args(%scan3A_300 = %scan3A) -> (i32)  : i32 {
      %broadcast_in_dim3A_301 = arith.constant 0.000000e+00 : f32
      %broadcast_in_dim3A_302 = vector.broadcast %broadcast_in_dim3A_301 : f32 to vector<16xf32>
      %swap3A_303 = arith.index_cast %scan3A_299 : i32 to index
      %swap3A_304 = arith.constant 0 : index
      %swap3A_305 = tpu.vector_load %arg13[%swap3A_303, %swap3A_304] {strides = array<i32>} : memref<128x32xf32, #tpu.memory_space<vmem>>, vector<16xf32>,
      tpu.vector_store %arg13[%swap3A_303, %swap3A_304], %broadcast_in_dim3A_302 {strides = array<i32>} : memref<128x32xf32, #tpu.memory_space<vmem>>, vector<16xf32>,
      %broadcast_in_dim3A_306 = arith.constant 0.000000e+00 : f32
      %broadcast_in_dim3A_307 = vector.broadcast %broadcast_in_dim3A_306 : f32 to vector<16xf32>
      %swap3A_308 = arith.index_cast %scan3A_299 : i32 to index
      %swap3A_309 = arith.constant 16 : index
      %swap3A_310 = tpu.vector_load %arg13[%swap3A_308, %swap3A_309] {strides = array<i32>} : memref<128x32xf32, #tpu.memory_space<vmem>>, vector<16xf32>,
      tpu.vector_store %arg13[%swap3A_308, %swap3A_309], %broadcast_in_dim3A_307 {strides = array<i32>} : memref<128x32xf32, #tpu.memory_space<vmem>>, vector<16xf32>,
      %scan3A_311 = arith.constant 0 : i32
      scf.yield %scan3A_311 : i32
    }
    %scan3A_5 = arith.constant 128 : i32
    %scan3A_6 = arith.constant 0 : i32
    %scan3A_7 = arith.constant 0 : i32
    %scan3A_8 = arith.constant 256 : i32
    %scan3A_9 = arith.addi %scan3A_7, %scan3A_8 : i32
    %scan3A_10 = arith.constant 1 : i32
    %scan3A_11 = scf.for %scan3A_299 = %scan3A_7 to %scan3A_9 step %scan3A_10 iter_args(%scan3A_300 = %scan3A_6) -> (i32)  : i32 {
      %broadcast_in_dim3A_301 = arith.constant 0 : i32
      %broadcast_in_dim3A_302 = vector.broadcast %broadcast_in_dim3A_301 : i32 to vector<16xi32>
      %mul3A_303 = arith.constant 16 : i32
      %mul3A_304 = arith.muli %scan3A_299, %mul3A_303 : i32
      %swap3A_305 = arith.index_cast %mul3A_304 : i32 to index
      %swap3A_306 = tpu.vector_load %arg11[%swap3A_305] {strides = array<i32>} : memref<4096xi32, #tpu.memory_space<vmem>>, vector<16xi32>,
      tpu.vector_store %arg11[%swap3A_305], %broadcast_in_dim3A_302 {strides = array<i32>} : memref<4096xi32, #tpu.memory_space<vmem>>, vector<16xi32>,
      %broadcast_in_dim3A_307 = arith.constant 0.000000e+00 : f32
      %broadcast_in_dim3A_308 = vector.broadcast %broadcast_in_dim3A_307 : f32 to vector<16xf32>
      %mul3A_309 = arith.constant 16 : i32
      %mul3A_310 = arith.muli %scan3A_299, %mul3A_309 : i32
      %swap3A_311 = arith.index_cast %mul3A_310 : i32 to index
      %swap3A_312 = tpu.vector_load %arg12[%swap3A_311] {strides = array<i32>} : memref<4096xf32, #tpu.memory_space<vmem>>, vector<16xf32>,
      tpu.vector_store %arg12[%swap3A_311], %broadcast_in_dim3A_308 {strides = array<i32>} : memref<4096xf32, #tpu.memory_space<vmem>>, vector<16xf32>,
      %scan3A_313 = arith.constant 0 : i32
      scf.yield %scan3A_313 : i32
    }
    %scan3A_12 = arith.constant 256 : i32
    %scan3A_13 = arith.constant 0 : i32
    %scan3A_14 = arith.constant 0 : i32
    %scan3A_15 = arith.constant 21 : i32
    %scan3A_16 = arith.addi %scan3A_14, %scan3A_15 : i32
    %scan3A_17 = arith.constant 1 : i32
    scf.for %scan3A_299 = %scan3A_14 to %scan3A_16 step %scan3A_17  : i32 {
      %mul3A_300 = arith.constant 1048576 : i32
      %mul3A_301 = arith.muli %arg0, %mul3A_300 : i32
      %mul3A_302 = arith.constant 49152 : i32
      %mul3A_303 = arith.muli %scan3A_299, %mul3A_302 : i32
      %add3A_304 = arith.addi %mul3A_301, %mul3A_303 : i32
      %scan3A_305 = arith.constant 0 : i32
      %scan3A_306 = arith.constant 0 : i32
      %scan3A_307 = arith.constant 24 : i32
      %scan3A_308 = arith.addi %scan3A_306, %scan3A_307 : i32
      %scan3A_309 = arith.constant 1 : i32
      %scan3A_310 = scf.for %scan3A_595 = %scan3A_306 to %scan3A_308 step %scan3A_309 iter_args(%scan3A_596 = %scan3A_305) -> (i32)  : i32 {
        %mul3A_597 = arith.constant 3072 : i32
        %mul3A_598 = arith.muli %arg1, %mul3A_597 : i32
        %mul3A_599 = arith.constant 128 : i32
        %mul3A_600 = arith.muli %scan3A_595, %mul3A_599 : i32
        %add3A_601 = arith.addi %mul3A_598, %mul3A_600 : i32
        "tpu.region"() ({
          %run_scoped3A = tpu.sem_alloc : memref<!tpu.dma_semaphore, #tpu.memory_space<semaphore_mem>>
          %dma_start3A = arith.constant 0 : i32
          %dma_start3A_603 = tpu.memref_slice %arg8[%add3A_601, %dma_start3A] : memref<49168x32xf32, #tpu.memory_space<vmem_shared>> -> memref<128x32xf32, #tpu.memory_space<vmem_shared>>
          %dma_start3A_604 = arith.constant 0 : i32
          %dma_start3A_605 = tpu.memref_slice %arg8[%add3A_601, %dma_start3A_604] : memref<49168x32xf32, #tpu.memory_space<vmem_shared>> -> memref<128x32xf32, #tpu.memory_space<vmem_shared>>
          tpu.enqueue_dma source(%arg13 : memref<128x32xf32, #tpu.memory_space<vmem>>) target(%dma_start3A_605 : memref<128x32xf32, #tpu.memory_space<vmem_shared>>) target_semaphore(%run_scoped3A : memref<!tpu.dma_semaphore, #tpu.memory_space<semaphore_mem>>)
          %dma_wait3A = arith.constant 0 : i32
          %dma_wait3A_606 = tpu.memref_slice %arg8[%add3A_601, %dma_wait3A] : memref<49168x32xf32, #tpu.memory_space<vmem_shared>> -> memref<128x32xf32, #tpu.memory_space<vmem_shared>>
          %dma_wait3A_607 = arith.constant 0 : i32
          %dma_wait3A_608 = tpu.memref_slice %arg8[%add3A_601, %dma_wait3A_607] : memref<49168x32xf32, #tpu.memory_space<vmem_shared>> -> memref<128x32xf32, #tpu.memory_space<vmem_shared>>
          tpu.wait_dma2 semaphore(%run_scoped3A : memref<!tpu.dma_semaphore, #tpu.memory_space<semaphore_mem>>) src(%arg13 : memref<128x32xf32, #tpu.memory_space<vmem>>) dst(%dma_wait3A_608 : memref<128x32xf32, #tpu.memory_space<vmem_shared>>)
          tpu.yield
        }) : () -> ()
        %scan3A_602 = arith.constant 0 : i32
        scf.yield %scan3A_602 : i32
      }
      %scan3A_311 = arith.constant 24 : i32
      %mul3A_312 = arith.constant 3072 : i32
      %mul3A_313 = arith.muli %arg1, %mul3A_312 : i32
      "tpu.region"() ({
        %run_scoped3A = tpu.sem_alloc : memref<!tpu.dma_semaphore, #tpu.memory_space<semaphore_mem>>
        %dma_start3A = arith.constant 0 : i32
        %dma_start3A_595 = tpu.memref_slice %arg12[%dma_start3A] : memref<4096xf32, #tpu.memory_space<vmem>> -> memref<3072xf32, #tpu.memory_space<vmem>>
        %dma_start3A_596 = tpu.memref_slice %arg9[%mul3A_313] : memref<49168xf32, #tpu.memory_space<vmem_shared>> -> memref<3072xf32, #tpu.memory_space<vmem_shared>>
        %dma_start3A_597 = tpu.memref_slice %arg9[%mul3A_313] : memref<49168xf32, #tpu.memory_space<vmem_shared>> -> memref<3072xf32, #tpu.memory_space<vmem_shared>>
        %dma_start3A_598 = arith.constant 0 : i32
        %dma_start3A_599 = tpu.memref_slice %arg12[%dma_start3A_598] : memref<4096xf32, #tpu.memory_space<vmem>> -> memref<3072xf32, #tpu.memory_space<vmem>>
        tpu.enqueue_dma source(%dma_start3A_599 : memref<3072xf32, #tpu.memory_space<vmem>>) target(%dma_start3A_597 : memref<3072xf32, #tpu.memory_space<vmem_shared>>) target_semaphore(%run_scoped3A : memref<!tpu.dma_semaphore, #tpu.memory_space<semaphore_mem>>)
        %dma_wait3A = arith.constant 0 : i32
        %dma_wait3A_600 = tpu.memref_slice %arg12[%dma_wait3A] : memref<4096xf32, #tpu.memory_space<vmem>> -> memref<3072xf32, #tpu.memory_space<vmem>>
        %dma_wait3A_601 = tpu.memref_slice %arg9[%mul3A_313] : memref<49168xf32, #tpu.memory_space<vmem_shared>> -> memref<3072xf32, #tpu.memory_space<vmem_shared>>
        %dma_wait3A_602 = tpu.memref_slice %arg9[%mul3A_313] : memref<49168xf32, #tpu.memory_space<vmem_shared>> -> memref<3072xf32, #tpu.memory_space<vmem_shared>>
        %dma_wait3A_603 = arith.constant 0 : i32
        %dma_wait3A_604 = tpu.memref_slice %arg12[%dma_wait3A_603] : memref<4096xf32, #tpu.memory_space<vmem>> -> memref<3072xf32, #tpu.memory_space<vmem>>
        tpu.wait_dma2 semaphore(%run_scoped3A : memref<!tpu.dma_semaphore, #tpu.memory_space<semaphore_mem>>) src(%dma_wait3A_604 : memref<3072xf32, #tpu.memory_space<vmem>>) dst(%dma_wait3A_602 : memref<3072xf32, #tpu.memory_space<vmem_shared>>)
        tpu.yield
      }) : () -> ()
      %mul3A_314 = arith.constant 3072 : i32
      %mul3A_315 = arith.muli %arg1, %mul3A_314 : i32
      "tpu.region"() ({
        %run_scoped3A = tpu.sem_alloc : memref<!tpu.dma_semaphore, #tpu.memory_space<semaphore_mem>>
        %dma_start3A = arith.constant 0 : i32
        %dma_start3A_595 = tpu.memref_slice %arg11[%dma_start3A] : memref<4096xi32, #tpu.memory_space<vmem>> -> memref<3072xi32, #tpu.memory_space<vmem>>
        %dma_start3A_596 = tpu.memref_slice %arg10[%mul3A_315] : memref<49168xi32, #tpu.memory_space<vmem_shared>> -> memref<3072xi32, #tpu.memory_space<vmem_shared>>
        %dma_start3A_597 = tpu.memref_slice %arg10[%mul3A_315] : memref<49168xi32, #tpu.memory_space<vmem_shared>> -> memref<3072xi32, #tpu.memory_space<vmem_shared>>
        %dma_start3A_598 = arith.constant 0 : i32
        %dma_start3A_599 = tpu.memref_slice %arg11[%dma_start3A_598] : memref<4096xi32, #tpu.memory_space<vmem>> -> memref<3072xi32, #tpu.memory_space<vmem>>
        tpu.enqueue_dma source(%dma_start3A_599 : memref<3072xi32, #tpu.memory_space<vmem>>) target(%dma_start3A_597 : memref<3072xi32, #tpu.memory_space<vmem_shared>>) target_semaphore(%run_scoped3A : memref<!tpu.dma_semaphore, #tpu.memory_space<semaphore_mem>>)
        %dma_wait3A = arith.constant 0 : i32
        %dma_wait3A_600 = tpu.memref_slice %arg11[%dma_wait3A] : memref<4096xi32, #tpu.memory_space<vmem>> -> memref<3072xi32, #tpu.memory_space<vmem>>
        %dma_wait3A_601 = tpu.memref_slice %arg10[%mul3A_315] : memref<49168xi32, #tpu.memory_space<vmem_shared>> -> memref<3072xi32, #tpu.memory_space<vmem_shared>>
        %dma_wait3A_602 = tpu.memref_slice %arg10[%mul3A_315] : memref<49168xi32, #tpu.memory_space<vmem_shared>> -> memref<3072xi32, #tpu.memory_space<vmem_shared>>
        %dma_wait3A_603 = arith.constant 0 : i32
        %dma_wait3A_604 = tpu.memref_slice %arg11[%dma_wait3A_603] : memref<4096xi32, #tpu.memory_space<vmem>> -> memref<3072xi32, #tpu.memory_space<vmem>>
        tpu.wait_dma2 semaphore(%run_scoped3A : memref<!tpu.dma_semaphore, #tpu.memory_space<semaphore_mem>>) src(%dma_wait3A_604 : memref<3072xi32, #tpu.memory_space<vmem>>) dst(%dma_wait3A_602 : memref<3072xi32, #tpu.memory_space<vmem_shared>>)
        tpu.yield
      }) : () -> ()
      %barrier3A_316 = arith.constant 0 : index
      tpu.barrier barrier_id(%barrier3A_316)
      %scan3A_317 = arith.constant 0 : i32
      %scan3A_318 = arith.constant 0 : i32
      %scan3A_319 = arith.constant 16 : i32
      %scan3A_320 = arith.addi %scan3A_318, %scan3A_319 : i32
      %scan3A_321 = arith.constant 1 : i32
      %scan3A_322 = scf.for %scan3A_595 = %scan3A_318 to %scan3A_320 step %scan3A_321 iter_args(%scan3A_596 = %scan3A_317) -> (i32)  : i32 {
        %mul3A_597 = arith.constant 16 : i32
        %mul3A_598 = arith.muli %arg1, %mul3A_597 : i32
        %add3A_599 = arith.addi %mul3A_598, %scan3A_595 : i32
        "tpu.region"() ({
          %run_scoped3A = tpu.sem_alloc : memref<!tpu.dma_semaphore, #tpu.memory_space<semaphore_mem>>
          %dma_start3A = arith.constant 0 : i32
          %dma_start3A_606 = tpu.memref_slice %arg4[%add3A_599, %dma_start3A] : memref<256x4096xi32, #tpu.memory_space<hbm>> -> memref<1x4096xi32, #tpu.memory_space<hbm>>
          %dma_start3A_607 = tpu.memref_squeeze %dma_start3A_606 : memref<1x4096xi32, #tpu.memory_space<hbm>> -> memref<4096xi32, #tpu.memory_space<hbm>>
          %dma_start3A_608 = arith.constant 0 : i32
          %dma_start3A_609 = tpu.memref_slice %arg4[%add3A_599, %dma_start3A_608] : memref<256x4096xi32, #tpu.memory_space<hbm>> -> memref<1x4096xi32, #tpu.memory_space<hbm>>
          %dma_start3A_610 = tpu.memref_squeeze %dma_start3A_609 : memref<1x4096xi32, #tpu.memory_space<hbm>> -> memref<4096xi32, #tpu.memory_space<hbm>>
          tpu.enqueue_dma source(%dma_start3A_610 : memref<4096xi32, #tpu.memory_space<hbm>>) target(%arg11 : memref<4096xi32, #tpu.memory_space<vmem>>) target_semaphore(%run_scoped3A : memref<!tpu.dma_semaphore, #tpu.memory_space<semaphore_mem>>)
          %dma_wait3A = arith.constant 0 : i32
          %dma_wait3A_611 = tpu.memref_slice %arg4[%add3A_599, %dma_wait3A] : memref<256x4096xi32, #tpu.memory_space<hbm>> -> memref<1x4096xi32, #tpu.memory_space<hbm>>
          %dma_wait3A_612 = tpu.memref_squeeze %dma_wait3A_611 : memref<1x4096xi32, #tpu.memory_space<hbm>> -> memref<4096xi32, #tpu.memory_space<hbm>>
          %dma_wait3A_613 = arith.constant 0 : i32
          %dma_wait3A_614 = tpu.memref_slice %arg4[%add3A_599, %dma_wait3A_613] : memref<256x4096xi32, #tpu.memory_space<hbm>> -> memref<1x4096xi32, #tpu.memory_space<hbm>>
          %dma_wait3A_615 = tpu.memref_squeeze %dma_wait3A_614 : memref<1x4096xi32, #tpu.memory_space<hbm>> -> memref<4096xi32, #tpu.memory_space<hbm>>
          tpu.wait_dma2 semaphore(%run_scoped3A : memref<!tpu.dma_semaphore, #tpu.memory_space<semaphore_mem>>) src(%dma_wait3A_615 : memref<4096xi32, #tpu.memory_space<hbm>>) dst(%arg11 : memref<4096xi32, #tpu.memory_space<vmem>>)
          tpu.yield
        }) : () -> ()
        "tpu.region"() ({
          %run_scoped3A = tpu.sem_alloc : memref<!tpu.dma_semaphore, #tpu.memory_space<semaphore_mem>>
          %dma_start3A = arith.constant 0 : i32
          %dma_start3A_606 = tpu.memref_slice %arg3[%add3A_599, %dma_start3A] : memref<256x4096xf32, #tpu.memory_space<hbm>> -> memref<1x4096xf32, #tpu.memory_space<hbm>>
          %dma_start3A_607 = tpu.memref_squeeze %dma_start3A_606 : memref<1x4096xf32, #tpu.memory_space<hbm>> -> memref<4096xf32, #tpu.memory_space<hbm>>
          %dma_start3A_608 = arith.constant 0 : i32
          %dma_start3A_609 = tpu.memref_slice %arg3[%add3A_599, %dma_start3A_608] : memref<256x4096xf32, #tpu.memory_space<hbm>> -> memref<1x4096xf32, #tpu.memory_space<hbm>>
          %dma_start3A_610 = tpu.memref_squeeze %dma_start3A_609 : memref<1x4096xf32, #tpu.memory_space<hbm>> -> memref<4096xf32, #tpu.memory_space<hbm>>
          tpu.enqueue_dma source(%dma_start3A_610 : memref<4096xf32, #tpu.memory_space<hbm>>) target(%arg12 : memref<4096xf32, #tpu.memory_space<vmem>>) target_semaphore(%run_scoped3A : memref<!tpu.dma_semaphore, #tpu.memory_space<semaphore_mem>>)
          %dma_wait3A = arith.constant 0 : i32
          %dma_wait3A_611 = tpu.memref_slice %arg3[%add3A_599, %dma_wait3A] : memref<256x4096xf32, #tpu.memory_space<hbm>> -> memref<1x4096xf32, #tpu.memory_space<hbm>>
          %dma_wait3A_612 = tpu.memref_squeeze %dma_wait3A_611 : memref<1x4096xf32, #tpu.memory_space<hbm>> -> memref<4096xf32, #tpu.memory_space<hbm>>
          %dma_wait3A_613 = arith.constant 0 : i32
          %dma_wait3A_614 = tpu.memref_slice %arg3[%add3A_599, %dma_wait3A_613] : memref<256x4096xf32, #tpu.memory_space<hbm>> -> memref<1x4096xf32, #tpu.memory_space<hbm>>
          %dma_wait3A_615 = tpu.memref_squeeze %dma_wait3A_614 : memref<1x4096xf32, #tpu.memory_space<hbm>> -> memref<4096xf32, #tpu.memory_space<hbm>>
          tpu.wait_dma2 semaphore(%run_scoped3A : memref<!tpu.dma_semaphore, #tpu.memory_space<semaphore_mem>>) src(%dma_wait3A_615 : memref<4096xf32, #tpu.memory_space<hbm>>) dst(%arg12 : memref<4096xf32, #tpu.memory_space<vmem>>)
          tpu.yield
        }) : () -> ()
        %scan3A_600 = arith.constant 0 : i32
        %scan3A_601 = arith.constant 256 : i32
        %scan3A_602 = arith.addi %scan3A_600, %scan3A_601 : i32
        %scan3A_603 = arith.constant 1 : i32
        %scan3A_604 = scf.for %scan3A_606 = %scan3A_600 to %scan3A_602 step %scan3A_603 iter_args(%scan3A_607 = %scan3A_596) -> (i32)  : i32 {
          %mul3A_608 = arith.constant 16 : i32
          %mul3A_609 = arith.muli %scan3A_606, %mul3A_608 : i32
          %get3A = arith.index_cast %mul3A_609 : i32 to index
          %get3A_610 = tpu.vector_load %arg11[%get3A] {strides = array<i32>} : memref<4096xi32, #tpu.memory_space<vmem>>, vector<16xi32>,
          %sub3A_611 = vector.broadcast %add3A_304 : i32 to vector<16xi32>
          %sub3A_612 = arith.subi %get3A_610, %sub3A_611 : vector<16xi32>
          %shift_right_arithmetic3A = arith.constant 31 : i32
          %shift_right_arithmetic3A_613 = vector.broadcast %shift_right_arithmetic3A : i32 to vector<16xi32>
          %shift_right_arithmetic3A_614 = arith.shrsi %sub3A_612, %shift_right_arithmetic3A_613 : vector<16xi32>
          %add3A_615 = arith.constant 1 : i32
          %add3A_616 = vector.broadcast %add3A_615 : i32 to vector<16xi32>
          %add3A_617 = arith.addi %shift_right_arithmetic3A_614, %add3A_616 : vector<16xi32>
          %sub3A_618 = arith.constant 49151 : i32
          %sub3A_619 = vector.broadcast %sub3A_618 : i32 to vector<16xi32>
          %sub3A_620 = arith.subi %sub3A_619, %sub3A_612 : vector<16xi32>
          %shift_right_arithmetic3A_621 = arith.constant 31 : i32
          %shift_right_arithmetic3A_622 = vector.broadcast %shift_right_arithmetic3A_621 : i32 to vector<16xi32>
          %shift_right_arithmetic3A_623 = arith.shrsi %sub3A_620, %shift_right_arithmetic3A_622 : vector<16xi32>
          %add3A_624 = arith.constant 1 : i32
          %add3A_625 = vector.broadcast %add3A_624 : i32 to vector<16xi32>
          %add3A_626 = arith.addi %shift_right_arithmetic3A_623, %add3A_625 : vector<16xi32>
          %mul3A_627 = arith.muli %add3A_617, %add3A_626 : vector<16xi32>
          %mul3A_628 = arith.constant 16 : i32
          %mul3A_629 = arith.muli %scan3A_606, %mul3A_628 : i32
          %get3A_630 = arith.index_cast %mul3A_629 : i32 to index
          %get3A_631 = tpu.vector_load %arg12[%get3A_630] {strides = array<i32>} : memref<4096xf32, #tpu.memory_space<vmem>>, vector<16xf32>,
          %broadcast_in_dim3A_632 = arith.constant true
          %broadcast_in_dim3A_633 = vector.broadcast %broadcast_in_dim3A_632 : i1 to vector<16xi1>
          %masked_cumsum3A = tpu.scan <sum>, %mul3A_627 masked %broadcast_in_dim3A_633 : vector<16xi32>, vector<16xi1> -> vector<16xi32>
          %add3A_634 = vector.broadcast %scan3A_607 : i32 to vector<16xi32>
          %add3A_635 = arith.addi %add3A_634, %masked_cumsum3A : vector<16xi32>
          %sub3A_636 = arith.constant 1 : i32
          %sub3A_637 = vector.broadcast %sub3A_636 : i32 to vector<16xi32>
          %sub3A_638 = arith.subi %add3A_635, %sub3A_637 : vector<16xi32>
          %mul3A_639 = arith.muli %mul3A_627, %sub3A_638 : vector<16xi32>
          %sub3A_640 = arith.constant 1 : i32
          %sub3A_641 = vector.broadcast %sub3A_640 : i32 to vector<16xi32>
          %sub3A_642 = arith.subi %sub3A_641, %mul3A_627 : vector<16xi32>
          %add3A_643 = arith.constant 2176 : i32
          %add3A_644 = vector.broadcast %add3A_643 : i32 to vector<16xi32>
          %add3A_645 = arith.addi %add3A_644, %iota3A : vector<16xi32>
          %mul3A_646 = arith.muli %sub3A_642, %add3A_645 : vector<16xi32>
          %add3A_647 = arith.addi %mul3A_639, %mul3A_646 : vector<16xi32>
          %mul3A_648 = arith.constant 4096 : i32
          %mul3A_649 = arith.muli %add3A_599, %mul3A_648 : i32
          %mul3A_650 = arith.constant 16 : i32
          %mul3A_651 = arith.muli %scan3A_606, %mul3A_650 : i32
          %add3A_652 = arith.addi %mul3A_649, %mul3A_651 : i32
          %add3A_653 = vector.broadcast %add3A_652 : i32 to vector<16xi32>
          %add3A_654 = arith.addi %add3A_653, %iota3A : vector<16xi32>
          tpu.vector_store_idx %arg14[%add3A_647], %sub3A_612 : memref<2192xi32, #tpu.memory_space<vmem>>[vector<16xi32>], vector<16xi32>,
          tpu.vector_store_idx %arg15[%add3A_647], %add3A_654 : memref<2192xi32, #tpu.memory_space<vmem>>[vector<16xi32>], vector<16xi32>,
          tpu.vector_store_idx %arg16[%add3A_647], %get3A_631 : memref<2192xf32, #tpu.memory_space<vmem>>[vector<16xi32>], vector<16xf32>,
          tpu.vector_store_idx %arg17[%add3A_647], %mul3A_627 : memref<2192xi32, #tpu.memory_space<vmem>>[vector<16xi32>], vector<16xi32>,
          %slice3A = vector.extract_strided_slice %masked_cumsum3A {offsets = [15], sizes = [1], strides = [1]} : vector<16xi32> to vector<1xi32>
          %squeeze3A = vector.extract %slice3A[0] : i32 from vector<1xi32>
          %add3A_655 = arith.addi %scan3A_607, %squeeze3A : i32
          scf.yield %add3A_655 : i32
        }
        %scan3A_605 = arith.constant 256 : i32
        scf.yield %scan3A_604 : i32
      }
      %scan3A_323 = arith.constant 16 : i32
      %scan3A_324 = arith.constant 0 : i32
      %scan3A_325 = arith.constant 0 : i32
      %scan3A_326 = arith.constant 256 : i32
      %scan3A_327 = arith.addi %scan3A_325, %scan3A_326 : i32
      %scan3A_328 = arith.constant 1 : i32
      %scan3A_329 = scf.for %scan3A_595 = %scan3A_325 to %scan3A_327 step %scan3A_328 iter_args(%scan3A_596 = %scan3A_324) -> (i32)  : i32 {
        %broadcast_in_dim3A_597 = arith.constant 0 : i32
        %broadcast_in_dim3A_598 = vector.broadcast %broadcast_in_dim3A_597 : i32 to vector<16xi32>
        %mul3A_599 = arith.constant 16 : i32
        %mul3A_600 = arith.muli %scan3A_595, %mul3A_599 : i32
        %swap3A_601 = arith.index_cast %mul3A_600 : i32 to index
        %swap3A_602 = tpu.vector_load %arg11[%swap3A_601] {strides = array<i32>} : memref<4096xi32, #tpu.memory_space<vmem>>, vector<16xi32>,
        tpu.vector_store %arg11[%swap3A_601], %broadcast_in_dim3A_598 {strides = array<i32>} : memref<4096xi32, #tpu.memory_space<vmem>>, vector<16xi32>,
        %broadcast_in_dim3A_603 = arith.constant 0.000000e+00 : f32
        %broadcast_in_dim3A_604 = vector.broadcast %broadcast_in_dim3A_603 : f32 to vector<16xf32>
        %mul3A_605 = arith.constant 16 : i32
        %mul3A_606 = arith.muli %scan3A_595, %mul3A_605 : i32
        %swap3A_607 = arith.index_cast %mul3A_606 : i32 to index
        %swap3A_608 = tpu.vector_load %arg12[%swap3A_607] {strides = array<i32>} : memref<4096xf32, #tpu.memory_space<vmem>>, vector<16xf32>,
        tpu.vector_store %arg12[%swap3A_607], %broadcast_in_dim3A_604 {strides = array<i32>} : memref<4096xf32, #tpu.memory_space<vmem>>, vector<16xf32>,
        %scan3A_609 = arith.constant 0 : i32
        scf.yield %scan3A_609 : i32
      }
      %scan3A_330 = arith.constant 256 : i32
      %add3A_331 = arith.constant 49152 : i32
      %add3A_332 = vector.broadcast %add3A_331 : i32 to vector<16xi32>
      %add3A_333 = arith.addi %add3A_332, %iota3A : vector<16xi32>
      %add3A_334 = arith.constant 0 : i32
      %add3A_335 = arith.addi %scan3A_322, %add3A_334 : i32
      %swap3A_336 = arith.index_cast %add3A_335 : i32 to index
      %swap3A_337 = tpu.vector_load %arg14[%swap3A_336] {strides = array<i32>} : memref<2192xi32, #tpu.memory_space<vmem>>, vector<16xi32>,
      tpu.vector_store %arg14[%swap3A_336], %add3A_333 {strides = array<i32>} : memref<2192xi32, #tpu.memory_space<vmem>>, vector<16xi32>,
      %add3A_338 = arith.constant 0 : i32
      %add3A_339 = vector.broadcast %add3A_338 : i32 to vector<16xi32>
      %add3A_340 = arith.addi %add3A_339, %iota3A : vector<16xi32>
      %add3A_341 = arith.constant 0 : i32
      %add3A_342 = arith.addi %scan3A_322, %add3A_341 : i32
      %swap3A_343 = arith.index_cast %add3A_342 : i32 to index
      %swap3A_344 = tpu.vector_load %arg15[%swap3A_343] {strides = array<i32>} : memref<2192xi32, #tpu.memory_space<vmem>>, vector<16xi32>,
      tpu.vector_store %arg15[%swap3A_343], %add3A_340 {strides = array<i32>} : memref<2192xi32, #tpu.memory_space<vmem>>, vector<16xi32>,
      %broadcast_in_dim3A_345 = arith.constant 0.000000e+00 : f32
      %broadcast_in_dim3A_346 = vector.broadcast %broadcast_in_dim3A_345 : f32 to vector<16xf32>
      %add3A_347 = arith.constant 0 : i32
      %add3A_348 = arith.addi %scan3A_322, %add3A_347 : i32
      %swap3A_349 = arith.index_cast %add3A_348 : i32 to index
      %swap3A_350 = tpu.vector_load %arg16[%swap3A_349] {strides = array<i32>} : memref<2192xf32, #tpu.memory_space<vmem>>, vector<16xf32>,
      tpu.vector_store %arg16[%swap3A_349], %broadcast_in_dim3A_346 {strides = array<i32>} : memref<2192xf32, #tpu.memory_space<vmem>>, vector<16xf32>,
      %broadcast_in_dim3A_351 = arith.constant 0 : i32
      %broadcast_in_dim3A_352 = vector.broadcast %broadcast_in_dim3A_351 : i32 to vector<16xi32>
      %add3A_353 = arith.constant 0 : i32
      %add3A_354 = arith.addi %scan3A_322, %add3A_353 : i32
      %swap3A_355 = arith.index_cast %add3A_354 : i32 to index
      %swap3A_356 = tpu.vector_load %arg17[%swap3A_355] {strides = array<i32>} : memref<2192xi32, #tpu.memory_space<vmem>>, vector<16xi32>,
      tpu.vector_store %arg17[%swap3A_355], %broadcast_in_dim3A_352 {strides = array<i32>} : memref<2192xi32, #tpu.memory_space<vmem>>, vector<16xi32>,
      %add3A_357 = arith.constant 49152 : i32
      %add3A_358 = vector.broadcast %add3A_357 : i32 to vector<16xi32>
      %add3A_359 = arith.addi %add3A_358, %iota3A : vector<16xi32>
      %add3A_360 = arith.constant 16 : i32
      %add3A_361 = arith.addi %scan3A_322, %add3A_360 : i32
      %swap3A_362 = arith.index_cast %add3A_361 : i32 to index
      %swap3A_363 = tpu.vector_load %arg14[%swap3A_362] {strides = array<i32>} : memref<2192xi32, #tpu.memory_space<vmem>>, vector<16xi32>,
      tpu.vector_store %arg14[%swap3A_362], %add3A_359 {strides = array<i32>} : memref<2192xi32, #tpu.memory_space<vmem>>, vector<16xi32>,
      %add3A_364 = arith.constant 16 : i32
      %add3A_365 = vector.broadcast %add3A_364 : i32 to vector<16xi32>
      %add3A_366 = arith.addi %add3A_365, %iota3A : vector<16xi32>
      %add3A_367 = arith.constant 16 : i32
      %add3A_368 = arith.addi %scan3A_322, %add3A_367 : i32
      %swap3A_369 = arith.index_cast %add3A_368 : i32 to index
      %swap3A_370 = tpu.vector_load %arg15[%swap3A_369] {strides = array<i32>} : memref<2192xi32, #tpu.memory_space<vmem>>, vector<16xi32>,
      tpu.vector_store %arg15[%swap3A_369], %add3A_366 {strides = array<i32>} : memref<2192xi32, #tpu.memory_space<vmem>>, vector<16xi32>,
      %broadcast_in_dim3A_371 = arith.constant 0.000000e+00 : f32
      %broadcast_in_dim3A_372 = vector.broadcast %broadcast_in_dim3A_371 : f32 to vector<16xf32>
      %add3A_373 = arith.constant 16 : i32
      %add3A_374 = arith.addi %scan3A_322, %add3A_373 : i32
      %swap3A_375 = arith.index_cast %add3A_374 : i32 to index
      %swap3A_376 = tpu.vector_load %arg16[%swap3A_375] {strides = array<i32>} : memref<2192xf32, #tpu.memory_space<vmem>>, vector<16xf32>,
      tpu.vector_store %arg16[%swap3A_375], %broadcast_in_dim3A_372 {strides = array<i32>} : memref<2192xf32, #tpu.memory_space<vmem>>, vector<16xf32>,
      %broadcast_in_dim3A_377 = arith.constant 0 : i32
      %broadcast_in_dim3A_378 = vector.broadcast %broadcast_in_dim3A_377 : i32 to vector<16xi32>
      %add3A_379 = arith.constant 16 : i32
      %add3A_380 = arith.addi %scan3A_322, %add3A_379 : i32
      %swap3A_381 = arith.index_cast %add3A_380 : i32 to index
      %swap3A_382 = tpu.vector_load %arg17[%swap3A_381] {strides = array<i32>} : memref<2192xi32, #tpu.memory_space<vmem>>, vector<16xi32>,
      tpu.vector_store %arg17[%swap3A_381], %broadcast_in_dim3A_378 {strides = array<i32>} : memref<2192xi32, #tpu.memory_space<vmem>>, vector<16xi32>,
      %add3A_383 = arith.constant 49152 : i32
      %add3A_384 = vector.broadcast %add3A_383 : i32 to vector<16xi32>
      %add3A_385 = arith.addi %add3A_384, %iota3A : vector<16xi32>
      %add3A_386 = arith.constant 32 : i32
      %add3A_387 = arith.addi %scan3A_322, %add3A_386 : i32
      %swap3A_388 = arith.index_cast %add3A_387 : i32 to index
      %swap3A_389 = tpu.vector_load %arg14[%swap3A_388] {strides = array<i32>} : memref<2192xi32, #tpu.memory_space<vmem>>, vector<16xi32>,
      tpu.vector_store %arg14[%swap3A_388], %add3A_385 {strides = array<i32>} : memref<2192xi32, #tpu.memory_space<vmem>>, vector<16xi32>,
      %add3A_390 = arith.constant 32 : i32
      %add3A_391 = vector.broadcast %add3A_390 : i32 to vector<16xi32>
      %add3A_392 = arith.addi %add3A_391, %iota3A : vector<16xi32>
      %add3A_393 = arith.constant 32 : i32
      %add3A_394 = arith.addi %scan3A_322, %add3A_393 : i32
      %swap3A_395 = arith.index_cast %add3A_394 : i32 to index
      %swap3A_396 = tpu.vector_load %arg15[%swap3A_395] {strides = array<i32>} : memref<2192xi32, #tpu.memory_space<vmem>>, vector<16xi32>,
      tpu.vector_store %arg15[%swap3A_395], %add3A_392 {strides = array<i32>} : memref<2192xi32, #tpu.memory_space<vmem>>, vector<16xi32>,
      %broadcast_in_dim3A_397 = arith.constant 0.000000e+00 : f32
      %broadcast_in_dim3A_398 = vector.broadcast %broadcast_in_dim3A_397 : f32 to vector<16xf32>
      %add3A_399 = arith.constant 32 : i32
      %add3A_400 = arith.addi %scan3A_322, %add3A_399 : i32
      %swap3A_401 = arith.index_cast %add3A_400 : i32 to index
      %swap3A_402 = tpu.vector_load %arg16[%swap3A_401] {strides = array<i32>} : memref<2192xf32, #tpu.memory_space<vmem>>, vector<16xf32>,
      tpu.vector_store %arg16[%swap3A_401], %broadcast_in_dim3A_398 {strides = array<i32>} : memref<2192xf32, #tpu.memory_space<vmem>>, vector<16xf32>,
      %broadcast_in_dim3A_403 = arith.constant 0 : i32
      %broadcast_in_dim3A_404 = vector.broadcast %broadcast_in_dim3A_403 : i32 to vector<16xi32>
      %add3A_405 = arith.constant 32 : i32
      %add3A_406 = arith.addi %scan3A_322, %add3A_405 : i32
      %swap3A_407 = arith.index_cast %add3A_406 : i32 to index
      %swap3A_408 = tpu.vector_load %arg17[%swap3A_407] {strides = array<i32>} : memref<2192xi32, #tpu.memory_space<vmem>>, vector<16xi32>,
      tpu.vector_store %arg17[%swap3A_407], %broadcast_in_dim3A_404 {strides = array<i32>} : memref<2192xi32, #tpu.memory_space<vmem>>, vector<16xi32>,
      %add3A_409 = arith.constant 49152 : i32
      %add3A_410 = vector.broadcast %add3A_409 : i32 to vector<16xi32>
      %add3A_411 = arith.addi %add3A_410, %iota3A : vector<16xi32>
      %add3A_412 = arith.constant 48 : i32
      %add3A_413 = arith.addi %scan3A_322, %add3A_412 : i32
      %swap3A_414 = arith.index_cast %add3A_413 : i32 to index
      %swap3A_415 = tpu.vector_load %arg14[%swap3A_414] {strides = array<i32>} : memref<2192xi32, #tpu.memory_space<vmem>>, vector<16xi32>,
      tpu.vector_store %arg14[%swap3A_414], %add3A_411 {strides = array<i32>} : memref<2192xi32, #tpu.memory_space<vmem>>, vector<16xi32>,
      %add3A_416 = arith.constant 48 : i32
      %add3A_417 = vector.broadcast %add3A_416 : i32 to vector<16xi32>
      %add3A_418 = arith.addi %add3A_417, %iota3A : vector<16xi32>
      %add3A_419 = arith.constant 48 : i32
      %add3A_420 = arith.addi %scan3A_322, %add3A_419 : i32
      %swap3A_421 = arith.index_cast %add3A_420 : i32 to index
      %swap3A_422 = tpu.vector_load %arg15[%swap3A_421] {strides = array<i32>} : memref<2192xi32, #tpu.memory_space<vmem>>, vector<16xi32>,
      tpu.vector_store %arg15[%swap3A_421], %add3A_418 {strides = array<i32>} : memref<2192xi32, #tpu.memory_space<vmem>>, vector<16xi32>,
      %broadcast_in_dim3A_423 = arith.constant 0.000000e+00 : f32
      %broadcast_in_dim3A_424 = vector.broadcast %broadcast_in_dim3A_423 : f32 to vector<16xf32>
      %add3A_425 = arith.constant 48 : i32
      %add3A_426 = arith.addi %scan3A_322, %add3A_425 : i32
      %swap3A_427 = arith.index_cast %add3A_426 : i32 to index
      %swap3A_428 = tpu.vector_load %arg16[%swap3A_427] {strides = array<i32>} : memref<2192xf32, #tpu.memory_space<vmem>>, vector<16xf32>,
      tpu.vector_store %arg16[%swap3A_427], %broadcast_in_dim3A_424 {strides = array<i32>} : memref<2192xf32, #tpu.memory_space<vmem>>, vector<16xf32>,
      %broadcast_in_dim3A_429 = arith.constant 0 : i32
      %broadcast_in_dim3A_430 = vector.broadcast %broadcast_in_dim3A_429 : i32 to vector<16xi32>
      %add3A_431 = arith.constant 48 : i32
      %add3A_432 = arith.addi %scan3A_322, %add3A_431 : i32
      %swap3A_433 = arith.index_cast %add3A_432 : i32 to index
      %swap3A_434 = tpu.vector_load %arg17[%swap3A_433] {strides = array<i32>} : memref<2192xi32, #tpu.memory_space<vmem>>, vector<16xi32>,
      tpu.vector_store %arg17[%swap3A_433], %broadcast_in_dim3A_430 {strides = array<i32>} : memref<2192xi32, #tpu.memory_space<vmem>>, vector<16xi32>,
      %add3A_435 = arith.constant 49152 : i32
      %add3A_436 = vector.broadcast %add3A_435 : i32 to vector<16xi32>
      %add3A_437 = arith.addi %add3A_436, %iota3A : vector<16xi32>
      %add3A_438 = arith.constant 64 : i32
      %add3A_439 = arith.addi %scan3A_322, %add3A_438 : i32
      %swap3A_440 = arith.index_cast %add3A_439 : i32 to index
      %swap3A_441 = tpu.vector_load %arg14[%swap3A_440] {strides = array<i32>} : memref<2192xi32, #tpu.memory_space<vmem>>, vector<16xi32>,
      tpu.vector_store %arg14[%swap3A_440], %add3A_437 {strides = array<i32>} : memref<2192xi32, #tpu.memory_space<vmem>>, vector<16xi32>,
      %add3A_442 = arith.constant 64 : i32
      %add3A_443 = vector.broadcast %add3A_442 : i32 to vector<16xi32>
      %add3A_444 = arith.addi %add3A_443, %iota3A : vector<16xi32>
      %add3A_445 = arith.constant 64 : i32
      %add3A_446 = arith.addi %scan3A_322, %add3A_445 : i32
      %swap3A_447 = arith.index_cast %add3A_446 : i32 to index
      %swap3A_448 = tpu.vector_load %arg15[%swap3A_447] {strides = array<i32>} : memref<2192xi32, #tpu.memory_space<vmem>>, vector<16xi32>,
      tpu.vector_store %arg15[%swap3A_447], %add3A_444 {strides = array<i32>} : memref<2192xi32, #tpu.memory_space<vmem>>, vector<16xi32>,
      %broadcast_in_dim3A_449 = arith.constant 0.000000e+00 : f32
      %broadcast_in_dim3A_450 = vector.broadcast %broadcast_in_dim3A_449 : f32 to vector<16xf32>
      %add3A_451 = arith.constant 64 : i32
      %add3A_452 = arith.addi %scan3A_322, %add3A_451 : i32
      %swap3A_453 = arith.index_cast %add3A_452 : i32 to index
      %swap3A_454 = tpu.vector_load %arg16[%swap3A_453] {strides = array<i32>} : memref<2192xf32, #tpu.memory_space<vmem>>, vector<16xf32>,
      tpu.vector_store %arg16[%swap3A_453], %broadcast_in_dim3A_450 {strides = array<i32>} : memref<2192xf32, #tpu.memory_space<vmem>>, vector<16xf32>,
      %broadcast_in_dim3A_455 = arith.constant 0 : i32
      %broadcast_in_dim3A_456 = vector.broadcast %broadcast_in_dim3A_455 : i32 to vector<16xi32>
      %add3A_457 = arith.constant 64 : i32
      %add3A_458 = arith.addi %scan3A_322, %add3A_457 : i32
      %swap3A_459 = arith.index_cast %add3A_458 : i32 to index
      %swap3A_460 = tpu.vector_load %arg17[%swap3A_459] {strides = array<i32>} : memref<2192xi32, #tpu.memory_space<vmem>>, vector<16xi32>,
      tpu.vector_store %arg17[%swap3A_459], %broadcast_in_dim3A_456 {strides = array<i32>} : memref<2192xi32, #tpu.memory_space<vmem>>, vector<16xi32>,
      %add3A_461 = arith.constant 49152 : i32
      %add3A_462 = vector.broadcast %add3A_461 : i32 to vector<16xi32>
      %add3A_463 = arith.addi %add3A_462, %iota3A : vector<16xi32>
      %add3A_464 = arith.constant 80 : i32
      %add3A_465 = arith.addi %scan3A_322, %add3A_464 : i32
      %swap3A_466 = arith.index_cast %add3A_465 : i32 to index
      %swap3A_467 = tpu.vector_load %arg14[%swap3A_466] {strides = array<i32>} : memref<2192xi32, #tpu.memory_space<vmem>>, vector<16xi32>,
      tpu.vector_store %arg14[%swap3A_466], %add3A_463 {strides = array<i32>} : memref<2192xi32, #tpu.memory_space<vmem>>, vector<16xi32>,
      %add3A_468 = arith.constant 80 : i32
      %add3A_469 = vector.broadcast %add3A_468 : i32 to vector<16xi32>
      %add3A_470 = arith.addi %add3A_469, %iota3A : vector<16xi32>
      %add3A_471 = arith.constant 80 : i32
      %add3A_472 = arith.addi %scan3A_322, %add3A_471 : i32
      %swap3A_473 = arith.index_cast %add3A_472 : i32 to index
      %swap3A_474 = tpu.vector_load %arg15[%swap3A_473] {strides = array<i32>} : memref<2192xi32, #tpu.memory_space<vmem>>, vector<16xi32>,
      tpu.vector_store %arg15[%swap3A_473], %add3A_470 {strides = array<i32>} : memref<2192xi32, #tpu.memory_space<vmem>>, vector<16xi32>,
      %broadcast_in_dim3A_475 = arith.constant 0.000000e+00 : f32
      %broadcast_in_dim3A_476 = vector.broadcast %broadcast_in_dim3A_475 : f32 to vector<16xf32>
      %add3A_477 = arith.constant 80 : i32
      %add3A_478 = arith.addi %scan3A_322, %add3A_477 : i32
      %swap3A_479 = arith.index_cast %add3A_478 : i32 to index
      %swap3A_480 = tpu.vector_load %arg16[%swap3A_479] {strides = array<i32>} : memref<2192xf32, #tpu.memory_space<vmem>>, vector<16xf32>,
      tpu.vector_store %arg16[%swap3A_479], %broadcast_in_dim3A_476 {strides = array<i32>} : memref<2192xf32, #tpu.memory_space<vmem>>, vector<16xf32>,
      %broadcast_in_dim3A_481 = arith.constant 0 : i32
      %broadcast_in_dim3A_482 = vector.broadcast %broadcast_in_dim3A_481 : i32 to vector<16xi32>
      %add3A_483 = arith.constant 80 : i32
      %add3A_484 = arith.addi %scan3A_322, %add3A_483 : i32
      %swap3A_485 = arith.index_cast %add3A_484 : i32 to index
      %swap3A_486 = tpu.vector_load %arg17[%swap3A_485] {strides = array<i32>} : memref<2192xi32, #tpu.memory_space<vmem>>, vector<16xi32>,
      tpu.vector_store %arg17[%swap3A_485], %broadcast_in_dim3A_482 {strides = array<i32>} : memref<2192xi32, #tpu.memory_space<vmem>>, vector<16xi32>,
      %add3A_487 = arith.constant 49152 : i32
      %add3A_488 = vector.broadcast %add3A_487 : i32 to vector<16xi32>
      %add3A_489 = arith.addi %add3A_488, %iota3A : vector<16xi32>
      %add3A_490 = arith.constant 96 : i32
      %add3A_491 = arith.addi %scan3A_322, %add3A_490 : i32
      %swap3A_492 = arith.index_cast %add3A_491 : i32 to index
      %swap3A_493 = tpu.vector_load %arg14[%swap3A_492] {strides = array<i32>} : memref<2192xi32, #tpu.memory_space<vmem>>, vector<16xi32>,
      tpu.vector_store %arg14[%swap3A_492], %add3A_489 {strides = array<i32>} : memref<2192xi32, #tpu.memory_space<vmem>>, vector<16xi32>,
      %add3A_494 = arith.constant 96 : i32
      %add3A_495 = vector.broadcast %add3A_494 : i32 to vector<16xi32>
      %add3A_496 = arith.addi %add3A_495, %iota3A : vector<16xi32>
      %add3A_497 = arith.constant 96 : i32
      %add3A_498 = arith.addi %scan3A_322, %add3A_497 : i32
      %swap3A_499 = arith.index_cast %add3A_498 : i32 to index
      %swap3A_500 = tpu.vector_load %arg15[%swap3A_499] {strides = array<i32>} : memref<2192xi32, #tpu.memory_space<vmem>>, vector<16xi32>,
      tpu.vector_store %arg15[%swap3A_499], %add3A_496 {strides = array<i32>} : memref<2192xi32, #tpu.memory_space<vmem>>, vector<16xi32>,
      %broadcast_in_dim3A_501 = arith.constant 0.000000e+00 : f32
      %broadcast_in_dim3A_502 = vector.broadcast %broadcast_in_dim3A_501 : f32 to vector<16xf32>
      %add3A_503 = arith.constant 96 : i32
      %add3A_504 = arith.addi %scan3A_322, %add3A_503 : i32
      %swap3A_505 = arith.index_cast %add3A_504 : i32 to index
      %swap3A_506 = tpu.vector_load %arg16[%swap3A_505] {strides = array<i32>} : memref<2192xf32, #tpu.memory_space<vmem>>, vector<16xf32>,
      tpu.vector_store %arg16[%swap3A_505], %broadcast_in_dim3A_502 {strides = array<i32>} : memref<2192xf32, #tpu.memory_space<vmem>>, vector<16xf32>,
      %broadcast_in_dim3A_507 = arith.constant 0 : i32
      %broadcast_in_dim3A_508 = vector.broadcast %broadcast_in_dim3A_507 : i32 to vector<16xi32>
      %add3A_509 = arith.constant 96 : i32
      %add3A_510 = arith.addi %scan3A_322, %add3A_509 : i32
      %swap3A_511 = arith.index_cast %add3A_510 : i32 to index
      %swap3A_512 = tpu.vector_load %arg17[%swap3A_511] {strides = array<i32>} : memref<2192xi32, #tpu.memory_space<vmem>>, vector<16xi32>,
      tpu.vector_store %arg17[%swap3A_511], %broadcast_in_dim3A_508 {strides = array<i32>} : memref<2192xi32, #tpu.memory_space<vmem>>, vector<16xi32>,
      %add3A_513 = arith.constant 49152 : i32
      %add3A_514 = vector.broadcast %add3A_513 : i32 to vector<16xi32>
      %add3A_515 = arith.addi %add3A_514, %iota3A : vector<16xi32>
      %add3A_516 = arith.constant 112 : i32
      %add3A_517 = arith.addi %scan3A_322, %add3A_516 : i32
      %swap3A_518 = arith.index_cast %add3A_517 : i32 to index
      %swap3A_519 = tpu.vector_load %arg14[%swap3A_518] {strides = array<i32>} : memref<2192xi32, #tpu.memory_space<vmem>>, vector<16xi32>,
      tpu.vector_store %arg14[%swap3A_518], %add3A_515 {strides = array<i32>} : memref<2192xi32, #tpu.memory_space<vmem>>, vector<16xi32>,
      %add3A_520 = arith.constant 112 : i32
      %add3A_521 = vector.broadcast %add3A_520 : i32 to vector<16xi32>
      %add3A_522 = arith.addi %add3A_521, %iota3A : vector<16xi32>
      %add3A_523 = arith.constant 112 : i32
      %add3A_524 = arith.addi %scan3A_322, %add3A_523 : i32
      %swap3A_525 = arith.index_cast %add3A_524 : i32 to index
      %swap3A_526 = tpu.vector_load %arg15[%swap3A_525] {strides = array<i32>} : memref<2192xi32, #tpu.memory_space<vmem>>, vector<16xi32>,
      tpu.vector_store %arg15[%swap3A_525], %add3A_522 {strides = array<i32>} : memref<2192xi32, #tpu.memory_space<vmem>>, vector<16xi32>,
      %broadcast_in_dim3A_527 = arith.constant 0.000000e+00 : f32
      %broadcast_in_dim3A_528 = vector.broadcast %broadcast_in_dim3A_527 : f32 to vector<16xf32>
      %add3A_529 = arith.constant 112 : i32
      %add3A_530 = arith.addi %scan3A_322, %add3A_529 : i32
      %swap3A_531 = arith.index_cast %add3A_530 : i32 to index
      %swap3A_532 = tpu.vector_load %arg16[%swap3A_531] {strides = array<i32>} : memref<2192xf32, #tpu.memory_space<vmem>>, vector<16xf32>,
      tpu.vector_store %arg16[%swap3A_531], %broadcast_in_dim3A_528 {strides = array<i32>} : memref<2192xf32, #tpu.memory_space<vmem>>, vector<16xf32>,
      %broadcast_in_dim3A_533 = arith.constant 0 : i32
      %broadcast_in_dim3A_534 = vector.broadcast %broadcast_in_dim3A_533 : i32 to vector<16xi32>
      %add3A_535 = arith.constant 112 : i32
      %add3A_536 = arith.addi %scan3A_322, %add3A_535 : i32
      %swap3A_537 = arith.index_cast %add3A_536 : i32 to index
      %swap3A_538 = tpu.vector_load %arg17[%swap3A_537] {strides = array<i32>} : memref<2192xi32, #tpu.memory_space<vmem>>, vector<16xi32>,
      tpu.vector_store %arg17[%swap3A_537], %broadcast_in_dim3A_534 {strides = array<i32>} : memref<2192xi32, #tpu.memory_space<vmem>>, vector<16xi32>,
      %add3A_539 = arith.constant 128 : i32
      %add3A_540 = arith.addi %scan3A_322, %add3A_539 : i32
      %sub3A_541 = arith.constant 1 : i32
      %sub3A_542 = arith.subi %add3A_540, %sub3A_541 : i32
      %jit3A_543 = arith.constant 128 : i32
      %div3A_544 = arith.divsi %sub3A_542, %jit3A_543 : i32
      %sign3A_545 = arith.constant 0 : i32
      %sign3A_546 = arith.cmpi sgt, %sub3A_542, %sign3A_545 : i32
      %sign3A_547 = arith.extui %sign3A_546 : i1 to i32
      %sign3A_548 = arith.constant 0 : i32
      %sign3A_549 = arith.cmpi slt, %sub3A_542, %sign3A_548 : i32
      %sign3A_550 = arith.extui %sign3A_549 : i1 to i32
      %sign3A_551 = arith.subi %sign3A_547, %sign3A_550 : i32
      %sign3A_552 = arith.constant 0 : i32
      %sign3A_553 = arith.cmpi sgt, %jit3A_543, %sign3A_552 : i32
      %sign3A_554 = arith.extui %sign3A_553 : i1 to i32
      %sign3A_555 = arith.constant 0 : i32
      %sign3A_556 = arith.cmpi slt, %jit3A_543, %sign3A_555 : i32
      %sign3A_557 = arith.extui %sign3A_556 : i1 to i32
      %sign3A_558 = arith.subi %sign3A_554, %sign3A_557 : i32
      %ne3A_559 = arith.cmpi ne, %sign3A_551, %sign3A_558 : i32
      %rem3A_560 = arith.remsi %sub3A_542, %jit3A_543 : i32
      %ne3A_561 = arith.constant 0 : i32
      %ne3A_562 = arith.cmpi ne, %rem3A_560, %ne3A_561 : i32
      %and3A_563 = arith.andi %ne3A_559, %ne3A_562 : i1
      %sub3A_564 = arith.constant 1 : i32
      %sub3A_565 = arith.subi %div3A_544, %sub3A_564 : i32
      %select_n3A_566 = arith.select %and3A_563, %sub3A_565, %div3A_544 : i32
      %while3A_567 = arith.constant 0 : i32
      %while3A_568 = arith.constant 0 : i32
      %while3A_569 = arith.subi %select_n3A_566, %while3A_567 : i32
      %while3A_570 = arith.addi %while3A_567, %while3A_569 : i32
      %while3A_571 = arith.constant 1 : i32
      %while3A_572 = arith.divsi %while3A_569, %while3A_571 : i32
      %while3A_573 = arith.muli %while3A_572, %while3A_571 : i32
      %while3A_574 = arith.addi %while3A_567, %while3A_573 : i32
      %while3A_575 = arith.constant 1 : i32
      %while3A_576 = scf.for %while3A_595 = %while3A_567 to %while3A_574 step %while3A_575 iter_args(%while3A_596 = %while3A_568) -> (i32)  : i32 {
        %mul3A_597 = arith.constant 128 : i32
        %mul3A_598 = arith.muli %while3A_595, %mul3A_597 : i32
        %add3A_599 = arith.constant 0 : i32
        %add3A_600 = arith.addi %mul3A_598, %add3A_599 : i32
        %get3A = arith.index_cast %add3A_600 : i32 to index
        %get3A_601 = tpu.vector_load %arg15[%get3A] {strides = array<i32>} : memref<2192xi32, #tpu.memory_space<vmem>>, vector<16xi32>,
        %dma_start3A = arith.constant 0 : i32
        %dma_start3A_602 = arith.constant 0 : i32
        %dma_start3A_603 = tpu.memref_slice %arg18[%dma_start3A, %dma_start3A_602] : memref<128x32xf32, #tpu.memory_space<vmem>> -> memref<16x32xf32, #tpu.memory_space<vmem>>
        %dma_start3A_604 = arith.constant 0 : i32
        %dma_start3A_605 = arith.constant 0 : i32
        %dma_start3A_606 = tpu.memref_slice %arg2[%dma_start3A_604, %dma_start3A_605] : memref<1048576x32xf32, #tpu.memory_space<hbm>> -> memref<1048576x32xf32, #tpu.memory_space<hbm>>
        tpu.enqueue_indirect_dma source(%dma_start3A_606 : memref<1048576x32xf32, #tpu.memory_space<hbm>>) target(%dma_start3A_603 : memref<16x32xf32, #tpu.memory_space<vmem>>) offsets(%get3A_601 : vector<16xi32>) semaphore(%arg19 : memref<!tpu.dma_semaphore, #tpu.memory_space<semaphore_mem>>)
        %add3A_607 = arith.constant 16 : i32
        %add3A_608 = arith.addi %mul3A_598, %add3A_607 : i32
        %get3A_609 = arith.index_cast %add3A_608 : i32 to index
        %get3A_610 = tpu.vector_load %arg15[%get3A_609] {strides = array<i32>} : memref<2192xi32, #tpu.memory_space<vmem>>, vector<16xi32>,
        %dma_start3A_611 = arith.constant 16 : i32
        %dma_start3A_612 = arith.constant 0 : i32
        %dma_start3A_613 = tpu.memref_slice %arg18[%dma_start3A_611, %dma_start3A_612] : memref<128x32xf32, #tpu.memory_space<vmem>> -> memref<16x32xf32, #tpu.memory_space<vmem>>
        %dma_start3A_614 = arith.constant 0 : i32
        %dma_start3A_615 = arith.constant 0 : i32
        %dma_start3A_616 = tpu.memref_slice %arg2[%dma_start3A_614, %dma_start3A_615] : memref<1048576x32xf32, #tpu.memory_space<hbm>> -> memref<1048576x32xf32, #tpu.memory_space<hbm>>
        tpu.enqueue_indirect_dma source(%dma_start3A_616 : memref<1048576x32xf32, #tpu.memory_space<hbm>>) target(%dma_start3A_613 : memref<16x32xf32, #tpu.memory_space<vmem>>) offsets(%get3A_610 : vector<16xi32>) semaphore(%arg19 : memref<!tpu.dma_semaphore, #tpu.memory_space<semaphore_mem>>)
        %add3A_617 = arith.constant 32 : i32
        %add3A_618 = arith.addi %mul3A_598, %add3A_617 : i32
        %get3A_619 = arith.index_cast %add3A_618 : i32 to index
        %get3A_620 = tpu.vector_load %arg15[%get3A_619] {strides = array<i32>} : memref<2192xi32, #tpu.memory_space<vmem>>, vector<16xi32>,
        %dma_start3A_621 = arith.constant 32 : i32
        %dma_start3A_622 = arith.constant 0 : i32
        %dma_start3A_623 = tpu.memref_slice %arg18[%dma_start3A_621, %dma_start3A_622] : memref<128x32xf32, #tpu.memory_space<vmem>> -> memref<16x32xf32, #tpu.memory_space<vmem>>
        %dma_start3A_624 = arith.constant 0 : i32
        %dma_start3A_625 = arith.constant 0 : i32
        %dma_start3A_626 = tpu.memref_slice %arg2[%dma_start3A_624, %dma_start3A_625] : memref<1048576x32xf32, #tpu.memory_space<hbm>> -> memref<1048576x32xf32, #tpu.memory_space<hbm>>
        tpu.enqueue_indirect_dma source(%dma_start3A_626 : memref<1048576x32xf32, #tpu.memory_space<hbm>>) target(%dma_start3A_623 : memref<16x32xf32, #tpu.memory_space<vmem>>) offsets(%get3A_620 : vector<16xi32>) semaphore(%arg19 : memref<!tpu.dma_semaphore, #tpu.memory_space<semaphore_mem>>)
        %add3A_627 = arith.constant 48 : i32
        %add3A_628 = arith.addi %mul3A_598, %add3A_627 : i32
        %get3A_629 = arith.index_cast %add3A_628 : i32 to index
        %get3A_630 = tpu.vector_load %arg15[%get3A_629] {strides = array<i32>} : memref<2192xi32, #tpu.memory_space<vmem>>, vector<16xi32>,
        %dma_start3A_631 = arith.constant 48 : i32
        %dma_start3A_632 = arith.constant 0 : i32
        %dma_start3A_633 = tpu.memref_slice %arg18[%dma_start3A_631, %dma_start3A_632] : memref<128x32xf32, #tpu.memory_space<vmem>> -> memref<16x32xf32, #tpu.memory_space<vmem>>
        %dma_start3A_634 = arith.constant 0 : i32
        %dma_start3A_635 = arith.constant 0 : i32
        %dma_start3A_636 = tpu.memref_slice %arg2[%dma_start3A_634, %dma_start3A_635] : memref<1048576x32xf32, #tpu.memory_space<hbm>> -> memref<1048576x32xf32, #tpu.memory_space<hbm>>
        tpu.enqueue_indirect_dma source(%dma_start3A_636 : memref<1048576x32xf32, #tpu.memory_space<hbm>>) target(%dma_start3A_633 : memref<16x32xf32, #tpu.memory_space<vmem>>) offsets(%get3A_630 : vector<16xi32>) semaphore(%arg19 : memref<!tpu.dma_semaphore, #tpu.memory_space<semaphore_mem>>)
        %add3A_637 = arith.constant 64 : i32
        %add3A_638 = arith.addi %mul3A_598, %add3A_637 : i32
        %get3A_639 = arith.index_cast %add3A_638 : i32 to index
        %get3A_640 = tpu.vector_load %arg15[%get3A_639] {strides = array<i32>} : memref<2192xi32, #tpu.memory_space<vmem>>, vector<16xi32>,
        %dma_start3A_641 = arith.constant 64 : i32
        %dma_start3A_642 = arith.constant 0 : i32
        %dma_start3A_643 = tpu.memref_slice %arg18[%dma_start3A_641, %dma_start3A_642] : memref<128x32xf32, #tpu.memory_space<vmem>> -> memref<16x32xf32, #tpu.memory_space<vmem>>
        %dma_start3A_644 = arith.constant 0 : i32
        %dma_start3A_645 = arith.constant 0 : i32
        %dma_start3A_646 = tpu.memref_slice %arg2[%dma_start3A_644, %dma_start3A_645] : memref<1048576x32xf32, #tpu.memory_space<hbm>> -> memref<1048576x32xf32, #tpu.memory_space<hbm>>
        tpu.enqueue_indirect_dma source(%dma_start3A_646 : memref<1048576x32xf32, #tpu.memory_space<hbm>>) target(%dma_start3A_643 : memref<16x32xf32, #tpu.memory_space<vmem>>) offsets(%get3A_640 : vector<16xi32>) semaphore(%arg19 : memref<!tpu.dma_semaphore, #tpu.memory_space<semaphore_mem>>)
        %add3A_647 = arith.constant 80 : i32
        %add3A_648 = arith.addi %mul3A_598, %add3A_647 : i32
        %get3A_649 = arith.index_cast %add3A_648 : i32 to index
        %get3A_650 = tpu.vector_load %arg15[%get3A_649] {strides = array<i32>} : memref<2192xi32, #tpu.memory_space<vmem>>, vector<16xi32>,
        %dma_start3A_651 = arith.constant 80 : i32
        %dma_start3A_652 = arith.constant 0 : i32
        %dma_start3A_653 = tpu.memref_slice %arg18[%dma_start3A_651, %dma_start3A_652] : memref<128x32xf32, #tpu.memory_space<vmem>> -> memref<16x32xf32, #tpu.memory_space<vmem>>
        %dma_start3A_654 = arith.constant 0 : i32
        %dma_start3A_655 = arith.constant 0 : i32
        %dma_start3A_656 = tpu.memref_slice %arg2[%dma_start3A_654, %dma_start3A_655] : memref<1048576x32xf32, #tpu.memory_space<hbm>> -> memref<1048576x32xf32, #tpu.memory_space<hbm>>
        tpu.enqueue_indirect_dma source(%dma_start3A_656 : memref<1048576x32xf32, #tpu.memory_space<hbm>>) target(%dma_start3A_653 : memref<16x32xf32, #tpu.memory_space<vmem>>) offsets(%get3A_650 : vector<16xi32>) semaphore(%arg19 : memref<!tpu.dma_semaphore, #tpu.memory_space<semaphore_mem>>)
        %add3A_657 = arith.constant 96 : i32
        %add3A_658 = arith.addi %mul3A_598, %add3A_657 : i32
        %get3A_659 = arith.index_cast %add3A_658 : i32 to index
        %get3A_660 = tpu.vector_load %arg15[%get3A_659] {strides = array<i32>} : memref<2192xi32, #tpu.memory_space<vmem>>, vector<16xi32>,
        %dma_start3A_661 = arith.constant 96 : i32
        %dma_start3A_662 = arith.constant 0 : i32
        %dma_start3A_663 = tpu.memref_slice %arg18[%dma_start3A_661, %dma_start3A_662] : memref<128x32xf32, #tpu.memory_space<vmem>> -> memref<16x32xf32, #tpu.memory_space<vmem>>
        %dma_start3A_664 = arith.constant 0 : i32
        %dma_start3A_665 = arith.constant 0 : i32
        %dma_start3A_666 = tpu.memref_slice %arg2[%dma_start3A_664, %dma_start3A_665] : memref<1048576x32xf32, #tpu.memory_space<hbm>> -> memref<1048576x32xf32, #tpu.memory_space<hbm>>
        tpu.enqueue_indirect_dma source(%dma_start3A_666 : memref<1048576x32xf32, #tpu.memory_space<hbm>>) target(%dma_start3A_663 : memref<16x32xf32, #tpu.memory_space<vmem>>) offsets(%get3A_660 : vector<16xi32>) semaphore(%arg19 : memref<!tpu.dma_semaphore, #tpu.memory_space<semaphore_mem>>)
        %add3A_667 = arith.constant 112 : i32
        %add3A_668 = arith.addi %mul3A_598, %add3A_667 : i32
        %get3A_669 = arith.index_cast %add3A_668 : i32 to index
        %get3A_670 = tpu.vector_load %arg15[%get3A_669] {strides = array<i32>} : memref<2192xi32, #tpu.memory_space<vmem>>, vector<16xi32>,
        %dma_start3A_671 = arith.constant 112 : i32
        %dma_start3A_672 = arith.constant 0 : i32
        %dma_start3A_673 = tpu.memref_slice %arg18[%dma_start3A_671, %dma_start3A_672] : memref<128x32xf32, #tpu.memory_space<vmem>> -> memref<16x32xf32, #tpu.memory_space<vmem>>
        %dma_start3A_674 = arith.constant 0 : i32
        %dma_start3A_675 = arith.constant 0 : i32
        %dma_start3A_676 = tpu.memref_slice %arg2[%dma_start3A_674, %dma_start3A_675] : memref<1048576x32xf32, #tpu.memory_space<hbm>> -> memref<1048576x32xf32, #tpu.memory_space<hbm>>
        tpu.enqueue_indirect_dma source(%dma_start3A_676 : memref<1048576x32xf32, #tpu.memory_space<hbm>>) target(%dma_start3A_673 : memref<16x32xf32, #tpu.memory_space<vmem>>) offsets(%get3A_670 : vector<16xi32>) semaphore(%arg19 : memref<!tpu.dma_semaphore, #tpu.memory_space<semaphore_mem>>)
        %dma_wait3A = arith.constant 0 : i32
        %dma_wait3A_677 = arith.constant 0 : i32
        %dma_wait3A_678 = tpu.memref_slice %arg18[%dma_wait3A, %dma_wait3A_677] : memref<128x32xf32, #tpu.memory_space<vmem>> -> memref<16x32xf32, #tpu.memory_space<vmem>>
        %dma_wait3A_679 = arith.constant 0 : i32
        %dma_wait3A_680 = arith.constant 0 : i32
        %dma_wait3A_681 = tpu.memref_slice %arg2[%dma_wait3A_679, %dma_wait3A_680] : memref<1048576x32xf32, #tpu.memory_space<hbm>> -> memref<1048576x32xf32, #tpu.memory_space<hbm>>
        tpu.wait_indirect_dma semaphore(%arg19 : memref<!tpu.dma_semaphore, #tpu.memory_space<semaphore_mem>>) src(%dma_wait3A_681 : memref<1048576x32xf32, #tpu.memory_space<hbm>>) dst(%dma_wait3A_678 : memref<16x32xf32, #tpu.memory_space<vmem>>)
        %dma_wait3A_682 = arith.constant 16 : i32
        %dma_wait3A_683 = arith.constant 0 : i32
        %dma_wait3A_684 = tpu.memref_slice %arg18[%dma_wait3A_682, %dma_wait3A_683] : memref<128x32xf32, #tpu.memory_space<vmem>> -> memref<16x32xf32, #tpu.memory_space<vmem>>
        %dma_wait3A_685 = arith.constant 0 : i32
        %dma_wait3A_686 = arith.constant 0 : i32
        %dma_wait3A_687 = tpu.memref_slice %arg2[%dma_wait3A_685, %dma_wait3A_686] : memref<1048576x32xf32, #tpu.memory_space<hbm>> -> memref<1048576x32xf32, #tpu.memory_space<hbm>>
        tpu.wait_indirect_dma semaphore(%arg19 : memref<!tpu.dma_semaphore, #tpu.memory_space<semaphore_mem>>) src(%dma_wait3A_687 : memref<1048576x32xf32, #tpu.memory_space<hbm>>) dst(%dma_wait3A_684 : memref<16x32xf32, #tpu.memory_space<vmem>>)
        %dma_wait3A_688 = arith.constant 32 : i32
        %dma_wait3A_689 = arith.constant 0 : i32
        %dma_wait3A_690 = tpu.memref_slice %arg18[%dma_wait3A_688, %dma_wait3A_689] : memref<128x32xf32, #tpu.memory_space<vmem>> -> memref<16x32xf32, #tpu.memory_space<vmem>>
        %dma_wait3A_691 = arith.constant 0 : i32
        %dma_wait3A_692 = arith.constant 0 : i32
        %dma_wait3A_693 = tpu.memref_slice %arg2[%dma_wait3A_691, %dma_wait3A_692] : memref<1048576x32xf32, #tpu.memory_space<hbm>> -> memref<1048576x32xf32, #tpu.memory_space<hbm>>
        tpu.wait_indirect_dma semaphore(%arg19 : memref<!tpu.dma_semaphore, #tpu.memory_space<semaphore_mem>>) src(%dma_wait3A_693 : memref<1048576x32xf32, #tpu.memory_space<hbm>>) dst(%dma_wait3A_690 : memref<16x32xf32, #tpu.memory_space<vmem>>)
        %dma_wait3A_694 = arith.constant 48 : i32
        %dma_wait3A_695 = arith.constant 0 : i32
        %dma_wait3A_696 = tpu.memref_slice %arg18[%dma_wait3A_694, %dma_wait3A_695] : memref<128x32xf32, #tpu.memory_space<vmem>> -> memref<16x32xf32, #tpu.memory_space<vmem>>
        %dma_wait3A_697 = arith.constant 0 : i32
        %dma_wait3A_698 = arith.constant 0 : i32
        %dma_wait3A_699 = tpu.memref_slice %arg2[%dma_wait3A_697, %dma_wait3A_698] : memref<1048576x32xf32, #tpu.memory_space<hbm>> -> memref<1048576x32xf32, #tpu.memory_space<hbm>>
        tpu.wait_indirect_dma semaphore(%arg19 : memref<!tpu.dma_semaphore, #tpu.memory_space<semaphore_mem>>) src(%dma_wait3A_699 : memref<1048576x32xf32, #tpu.memory_space<hbm>>) dst(%dma_wait3A_696 : memref<16x32xf32, #tpu.memory_space<vmem>>)
        %dma_wait3A_700 = arith.constant 64 : i32
        %dma_wait3A_701 = arith.constant 0 : i32
        %dma_wait3A_702 = tpu.memref_slice %arg18[%dma_wait3A_700, %dma_wait3A_701] : memref<128x32xf32, #tpu.memory_space<vmem>> -> memref<16x32xf32, #tpu.memory_space<vmem>>
        %dma_wait3A_703 = arith.constant 0 : i32
        %dma_wait3A_704 = arith.constant 0 : i32
        %dma_wait3A_705 = tpu.memref_slice %arg2[%dma_wait3A_703, %dma_wait3A_704] : memref<1048576x32xf32, #tpu.memory_space<hbm>> -> memref<1048576x32xf32, #tpu.memory_space<hbm>>
        tpu.wait_indirect_dma semaphore(%arg19 : memref<!tpu.dma_semaphore, #tpu.memory_space<semaphore_mem>>) src(%dma_wait3A_705 : memref<1048576x32xf32, #tpu.memory_space<hbm>>) dst(%dma_wait3A_702 : memref<16x32xf32, #tpu.memory_space<vmem>>)
        %dma_wait3A_706 = arith.constant 80 : i32
        %dma_wait3A_707 = arith.constant 0 : i32
        %dma_wait3A_708 = tpu.memref_slice %arg18[%dma_wait3A_706, %dma_wait3A_707] : memref<128x32xf32, #tpu.memory_space<vmem>> -> memref<16x32xf32, #tpu.memory_space<vmem>>
        %dma_wait3A_709 = arith.constant 0 : i32
        %dma_wait3A_710 = arith.constant 0 : i32
        %dma_wait3A_711 = tpu.memref_slice %arg2[%dma_wait3A_709, %dma_wait3A_710] : memref<1048576x32xf32, #tpu.memory_space<hbm>> -> memref<1048576x32xf32, #tpu.memory_space<hbm>>
        tpu.wait_indirect_dma semaphore(%arg19 : memref<!tpu.dma_semaphore, #tpu.memory_space<semaphore_mem>>) src(%dma_wait3A_711 : memref<1048576x32xf32, #tpu.memory_space<hbm>>) dst(%dma_wait3A_708 : memref<16x32xf32, #tpu.memory_space<vmem>>)
        %dma_wait3A_712 = arith.constant 96 : i32
        %dma_wait3A_713 = arith.constant 0 : i32
        %dma_wait3A_714 = tpu.memref_slice %arg18[%dma_wait3A_712, %dma_wait3A_713] : memref<128x32xf32, #tpu.memory_space<vmem>> -> memref<16x32xf32, #tpu.memory_space<vmem>>
        %dma_wait3A_715 = arith.constant 0 : i32
        %dma_wait3A_716 = arith.constant 0 : i32
        %dma_wait3A_717 = tpu.memref_slice %arg2[%dma_wait3A_715, %dma_wait3A_716] : memref<1048576x32xf32, #tpu.memory_space<hbm>> -> memref<1048576x32xf32, #tpu.memory_space<hbm>>
        tpu.wait_indirect_dma semaphore(%arg19 : memref<!tpu.dma_semaphore, #tpu.memory_space<semaphore_mem>>) src(%dma_wait3A_717 : memref<1048576x32xf32, #tpu.memory_space<hbm>>) dst(%dma_wait3A_714 : memref<16x32xf32, #tpu.memory_space<vmem>>)
        %dma_wait3A_718 = arith.constant 112 : i32
        %dma_wait3A_719 = arith.constant 0 : i32
        %dma_wait3A_720 = tpu.memref_slice %arg18[%dma_wait3A_718, %dma_wait3A_719] : memref<128x32xf32, #tpu.memory_space<vmem>> -> memref<16x32xf32, #tpu.memory_space<vmem>>
        %dma_wait3A_721 = arith.constant 0 : i32
        %dma_wait3A_722 = arith.constant 0 : i32
        %dma_wait3A_723 = tpu.memref_slice %arg2[%dma_wait3A_721, %dma_wait3A_722] : memref<1048576x32xf32, #tpu.memory_space<hbm>> -> memref<1048576x32xf32, #tpu.memory_space<hbm>>
        tpu.wait_indirect_dma semaphore(%arg19 : memref<!tpu.dma_semaphore, #tpu.memory_space<semaphore_mem>>) src(%dma_wait3A_723 : memref<1048576x32xf32, #tpu.memory_space<hbm>>) dst(%dma_wait3A_720 : memref<16x32xf32, #tpu.memory_space<vmem>>)
        %add3A_724 = arith.constant 0 : i32
        %add3A_725 = arith.addi %mul3A_598, %add3A_724 : i32
        %get3A_726 = arith.index_cast %add3A_725 : i32 to index
        %get3A_727 = tpu.vector_load %arg14[%get3A_726] {strides = array<i32>} : memref<2192xi32, #tpu.memory_space<vmem>>, vector<16xi32>,
        %dma_start3A_728 = arith.constant 0 : i32
        %dma_start3A_729 = arith.constant 0 : i32
        %dma_start3A_730 = tpu.memref_slice %arg18[%dma_start3A_728, %dma_start3A_729] : memref<128x32xf32, #tpu.memory_space<vmem>> -> memref<16x32xf32, #tpu.memory_space<vmem>>
        %dma_start3A_731 = arith.constant 0 : i32
        %dma_start3A_732 = arith.constant 0 : i32
        %dma_start3A_733 = tpu.memref_slice %arg8[%dma_start3A_731, %dma_start3A_732] : memref<49168x32xf32, #tpu.memory_space<vmem_shared>> -> memref<49168x32xf32, #tpu.memory_space<vmem_shared>>
        tpu.enqueue_indirect_dma source(%dma_start3A_730 : memref<16x32xf32, #tpu.memory_space<vmem>>) target(%dma_start3A_733 : memref<49168x32xf32, #tpu.memory_space<vmem_shared>>) offsets(%get3A_727 : vector<16xi32>) semaphore(%arg20 : memref<!tpu.dma_semaphore, #tpu.memory_space<semaphore_mem>>) {add = true}
        %add3A_734 = arith.constant 0 : i32
        %add3A_735 = arith.addi %mul3A_598, %add3A_734 : i32
        %dma_start3A_736 = tpu.memref_slice %arg16[%add3A_735] : memref<2192xf32, #tpu.memory_space<vmem>> -> memref<16xf32, #tpu.memory_space<vmem>>
        %dma_start3A_737 = arith.constant 0 : i32
        %dma_start3A_738 = tpu.memref_slice %arg9[%dma_start3A_737] : memref<49168xf32, #tpu.memory_space<vmem_shared>> -> memref<49168xf32, #tpu.memory_space<vmem_shared>>
        tpu.enqueue_indirect_dma source(%dma_start3A_736 : memref<16xf32, #tpu.memory_space<vmem>>) target(%dma_start3A_738 : memref<49168xf32, #tpu.memory_space<vmem_shared>>) offsets(%get3A_727 : vector<16xi32>) semaphore(%arg20 : memref<!tpu.dma_semaphore, #tpu.memory_space<semaphore_mem>>) {add = true}
        %add3A_739 = arith.constant 0 : i32
        %add3A_740 = arith.addi %mul3A_598, %add3A_739 : i32
        %dma_start3A_741 = tpu.memref_slice %arg17[%add3A_740] : memref<2192xi32, #tpu.memory_space<vmem>> -> memref<16xi32, #tpu.memory_space<vmem>>
        %dma_start3A_742 = arith.constant 0 : i32
        %dma_start3A_743 = tpu.memref_slice %arg10[%dma_start3A_742] : memref<49168xi32, #tpu.memory_space<vmem_shared>> -> memref<49168xi32, #tpu.memory_space<vmem_shared>>
        tpu.enqueue_indirect_dma source(%dma_start3A_741 : memref<16xi32, #tpu.memory_space<vmem>>) target(%dma_start3A_743 : memref<49168xi32, #tpu.memory_space<vmem_shared>>) offsets(%get3A_727 : vector<16xi32>) semaphore(%arg20 : memref<!tpu.dma_semaphore, #tpu.memory_space<semaphore_mem>>) {add = true}
        %add3A_744 = arith.constant 16 : i32
        %add3A_745 = arith.addi %mul3A_598, %add3A_744 : i32
        %get3A_746 = arith.index_cast %add3A_745 : i32 to index
        %get3A_747 = tpu.vector_load %arg14[%get3A_746] {strides = array<i32>} : memref<2192xi32, #tpu.memory_space<vmem>>, vector<16xi32>,
        %dma_start3A_748 = arith.constant 16 : i32
        %dma_start3A_749 = arith.constant 0 : i32
        %dma_start3A_750 = tpu.memref_slice %arg18[%dma_start3A_748, %dma_start3A_749] : memref<128x32xf32, #tpu.memory_space<vmem>> -> memref<16x32xf32, #tpu.memory_space<vmem>>
        %dma_start3A_751 = arith.constant 0 : i32
        %dma_start3A_752 = arith.constant 0 : i32
        %dma_start3A_753 = tpu.memref_slice %arg8[%dma_start3A_751, %dma_start3A_752] : memref<49168x32xf32, #tpu.memory_space<vmem_shared>> -> memref<49168x32xf32, #tpu.memory_space<vmem_shared>>
        tpu.enqueue_indirect_dma source(%dma_start3A_750 : memref<16x32xf32, #tpu.memory_space<vmem>>) target(%dma_start3A_753 : memref<49168x32xf32, #tpu.memory_space<vmem_shared>>) offsets(%get3A_747 : vector<16xi32>) semaphore(%arg20 : memref<!tpu.dma_semaphore, #tpu.memory_space<semaphore_mem>>) {add = true}
        %add3A_754 = arith.constant 16 : i32
        %add3A_755 = arith.addi %mul3A_598, %add3A_754 : i32
        %dma_start3A_756 = tpu.memref_slice %arg16[%add3A_755] : memref<2192xf32, #tpu.memory_space<vmem>> -> memref<16xf32, #tpu.memory_space<vmem>>
        %dma_start3A_757 = arith.constant 0 : i32
        %dma_start3A_758 = tpu.memref_slice %arg9[%dma_start3A_757] : memref<49168xf32, #tpu.memory_space<vmem_shared>> -> memref<49168xf32, #tpu.memory_space<vmem_shared>>
        tpu.enqueue_indirect_dma source(%dma_start3A_756 : memref<16xf32, #tpu.memory_space<vmem>>) target(%dma_start3A_758 : memref<49168xf32, #tpu.memory_space<vmem_shared>>) offsets(%get3A_747 : vector<16xi32>) semaphore(%arg20 : memref<!tpu.dma_semaphore, #tpu.memory_space<semaphore_mem>>) {add = true}
        %add3A_759 = arith.constant 16 : i32
        %add3A_760 = arith.addi %mul3A_598, %add3A_759 : i32
        %dma_start3A_761 = tpu.memref_slice %arg17[%add3A_760] : memref<2192xi32, #tpu.memory_space<vmem>> -> memref<16xi32, #tpu.memory_space<vmem>>
        %dma_start3A_762 = arith.constant 0 : i32
        %dma_start3A_763 = tpu.memref_slice %arg10[%dma_start3A_762] : memref<49168xi32, #tpu.memory_space<vmem_shared>> -> memref<49168xi32, #tpu.memory_space<vmem_shared>>
        tpu.enqueue_indirect_dma source(%dma_start3A_761 : memref<16xi32, #tpu.memory_space<vmem>>) target(%dma_start3A_763 : memref<49168xi32, #tpu.memory_space<vmem_shared>>) offsets(%get3A_747 : vector<16xi32>) semaphore(%arg20 : memref<!tpu.dma_semaphore, #tpu.memory_space<semaphore_mem>>) {add = true}
        %add3A_764 = arith.constant 32 : i32
        %add3A_765 = arith.addi %mul3A_598, %add3A_764 : i32
        %get3A_766 = arith.index_cast %add3A_765 : i32 to index
        %get3A_767 = tpu.vector_load %arg14[%get3A_766] {strides = array<i32>} : memref<2192xi32, #tpu.memory_space<vmem>>, vector<16xi32>,
        %dma_start3A_768 = arith.constant 32 : i32
        %dma_start3A_769 = arith.constant 0 : i32
        %dma_start3A_770 = tpu.memref_slice %arg18[%dma_start3A_768, %dma_start3A_769] : memref<128x32xf32, #tpu.memory_space<vmem>> -> memref<16x32xf32, #tpu.memory_space<vmem>>
        %dma_start3A_771 = arith.constant 0 : i32
        %dma_start3A_772 = arith.constant 0 : i32
        %dma_start3A_773 = tpu.memref_slice %arg8[%dma_start3A_771, %dma_start3A_772] : memref<49168x32xf32, #tpu.memory_space<vmem_shared>> -> memref<49168x32xf32, #tpu.memory_space<vmem_shared>>
        tpu.enqueue_indirect_dma source(%dma_start3A_770 : memref<16x32xf32, #tpu.memory_space<vmem>>) target(%dma_start3A_773 : memref<49168x32xf32, #tpu.memory_space<vmem_shared>>) offsets(%get3A_767 : vector<16xi32>) semaphore(%arg20 : memref<!tpu.dma_semaphore, #tpu.memory_space<semaphore_mem>>) {add = true}
        %add3A_774 = arith.constant 32 : i32
        %add3A_775 = arith.addi %mul3A_598, %add3A_774 : i32
        %dma_start3A_776 = tpu.memref_slice %arg16[%add3A_775] : memref<2192xf32, #tpu.memory_space<vmem>> -> memref<16xf32, #tpu.memory_space<vmem>>
        %dma_start3A_777 = arith.constant 0 : i32
        %dma_start3A_778 = tpu.memref_slice %arg9[%dma_start3A_777] : memref<49168xf32, #tpu.memory_space<vmem_shared>> -> memref<49168xf32, #tpu.memory_space<vmem_shared>>
        tpu.enqueue_indirect_dma source(%dma_start3A_776 : memref<16xf32, #tpu.memory_space<vmem>>) target(%dma_start3A_778 : memref<49168xf32, #tpu.memory_space<vmem_shared>>) offsets(%get3A_767 : vector<16xi32>) semaphore(%arg20 : memref<!tpu.dma_semaphore, #tpu.memory_space<semaphore_mem>>) {add = true}
        %add3A_779 = arith.constant 32 : i32
        %add3A_780 = arith.addi %mul3A_598, %add3A_779 : i32
        %dma_start3A_781 = tpu.memref_slice %arg17[%add3A_780] : memref<2192xi32, #tpu.memory_space<vmem>> -> memref<16xi32, #tpu.memory_space<vmem>>
        %dma_start3A_782 = arith.constant 0 : i32
        %dma_start3A_783 = tpu.memref_slice %arg10[%dma_start3A_782] : memref<49168xi32, #tpu.memory_space<vmem_shared>> -> memref<49168xi32, #tpu.memory_space<vmem_shared>>
        tpu.enqueue_indirect_dma source(%dma_start3A_781 : memref<16xi32, #tpu.memory_space<vmem>>) target(%dma_start3A_783 : memref<49168xi32, #tpu.memory_space<vmem_shared>>) offsets(%get3A_767 : vector<16xi32>) semaphore(%arg20 : memref<!tpu.dma_semaphore, #tpu.memory_space<semaphore_mem>>) {add = true}
        %add3A_784 = arith.constant 48 : i32
        %add3A_785 = arith.addi %mul3A_598, %add3A_784 : i32
        %get3A_786 = arith.index_cast %add3A_785 : i32 to index
        %get3A_787 = tpu.vector_load %arg14[%get3A_786] {strides = array<i32>} : memref<2192xi32, #tpu.memory_space<vmem>>, vector<16xi32>,
        %dma_start3A_788 = arith.constant 48 : i32
        %dma_start3A_789 = arith.constant 0 : i32
        %dma_start3A_790 = tpu.memref_slice %arg18[%dma_start3A_788, %dma_start3A_789] : memref<128x32xf32, #tpu.memory_space<vmem>> -> memref<16x32xf32, #tpu.memory_space<vmem>>
        %dma_start3A_791 = arith.constant 0 : i32
        %dma_start3A_792 = arith.constant 0 : i32
        %dma_start3A_793 = tpu.memref_slice %arg8[%dma_start3A_791, %dma_start3A_792] : memref<49168x32xf32, #tpu.memory_space<vmem_shared>> -> memref<49168x32xf32, #tpu.memory_space<vmem_shared>>
        tpu.enqueue_indirect_dma source(%dma_start3A_790 : memref<16x32xf32, #tpu.memory_space<vmem>>) target(%dma_start3A_793 : memref<49168x32xf32, #tpu.memory_space<vmem_shared>>) offsets(%get3A_787 : vector<16xi32>) semaphore(%arg20 : memref<!tpu.dma_semaphore, #tpu.memory_space<semaphore_mem>>) {add = true}
        %add3A_794 = arith.constant 48 : i32
        %add3A_795 = arith.addi %mul3A_598, %add3A_794 : i32
        %dma_start3A_796 = tpu.memref_slice %arg16[%add3A_795] : memref<2192xf32, #tpu.memory_space<vmem>> -> memref<16xf32, #tpu.memory_space<vmem>>
        %dma_start3A_797 = arith.constant 0 : i32
        %dma_start3A_798 = tpu.memref_slice %arg9[%dma_start3A_797] : memref<49168xf32, #tpu.memory_space<vmem_shared>> -> memref<49168xf32, #tpu.memory_space<vmem_shared>>
        tpu.enqueue_indirect_dma source(%dma_start3A_796 : memref<16xf32, #tpu.memory_space<vmem>>) target(%dma_start3A_798 : memref<49168xf32, #tpu.memory_space<vmem_shared>>) offsets(%get3A_787 : vector<16xi32>) semaphore(%arg20 : memref<!tpu.dma_semaphore, #tpu.memory_space<semaphore_mem>>) {add = true}
        %add3A_799 = arith.constant 48 : i32
        %add3A_800 = arith.addi %mul3A_598, %add3A_799 : i32
        %dma_start3A_801 = tpu.memref_slice %arg17[%add3A_800] : memref<2192xi32, #tpu.memory_space<vmem>> -> memref<16xi32, #tpu.memory_space<vmem>>
        %dma_start3A_802 = arith.constant 0 : i32
        %dma_start3A_803 = tpu.memref_slice %arg10[%dma_start3A_802] : memref<49168xi32, #tpu.memory_space<vmem_shared>> -> memref<49168xi32, #tpu.memory_space<vmem_shared>>
        tpu.enqueue_indirect_dma source(%dma_start3A_801 : memref<16xi32, #tpu.memory_space<vmem>>) target(%dma_start3A_803 : memref<49168xi32, #tpu.memory_space<vmem_shared>>) offsets(%get3A_787 : vector<16xi32>) semaphore(%arg20 : memref<!tpu.dma_semaphore, #tpu.memory_space<semaphore_mem>>) {add = true}
        %add3A_804 = arith.constant 64 : i32
        %add3A_805 = arith.addi %mul3A_598, %add3A_804 : i32
        %get3A_806 = arith.index_cast %add3A_805 : i32 to index
        %get3A_807 = tpu.vector_load %arg14[%get3A_806] {strides = array<i32>} : memref<2192xi32, #tpu.memory_space<vmem>>, vector<16xi32>,
        %dma_start3A_808 = arith.constant 64 : i32
        %dma_start3A_809 = arith.constant 0 : i32
        %dma_start3A_810 = tpu.memref_slice %arg18[%dma_start3A_808, %dma_start3A_809] : memref<128x32xf32, #tpu.memory_space<vmem>> -> memref<16x32xf32, #tpu.memory_space<vmem>>
        %dma_start3A_811 = arith.constant 0 : i32
        %dma_start3A_812 = arith.constant 0 : i32
        %dma_start3A_813 = tpu.memref_slice %arg8[%dma_start3A_811, %dma_start3A_812] : memref<49168x32xf32, #tpu.memory_space<vmem_shared>> -> memref<49168x32xf32, #tpu.memory_space<vmem_shared>>
        tpu.enqueue_indirect_dma source(%dma_start3A_810 : memref<16x32xf32, #tpu.memory_space<vmem>>) target(%dma_start3A_813 : memref<49168x32xf32, #tpu.memory_space<vmem_shared>>) offsets(%get3A_807 : vector<16xi32>) semaphore(%arg20 : memref<!tpu.dma_semaphore, #tpu.memory_space<semaphore_mem>>) {add = true}
        %add3A_814 = arith.constant 64 : i32
        %add3A_815 = arith.addi %mul3A_598, %add3A_814 : i32
        %dma_start3A_816 = tpu.memref_slice %arg16[%add3A_815] : memref<2192xf32, #tpu.memory_space<vmem>> -> memref<16xf32, #tpu.memory_space<vmem>>
        %dma_start3A_817 = arith.constant 0 : i32
        %dma_start3A_818 = tpu.memref_slice %arg9[%dma_start3A_817] : memref<49168xf32, #tpu.memory_space<vmem_shared>> -> memref<49168xf32, #tpu.memory_space<vmem_shared>>
        tpu.enqueue_indirect_dma source(%dma_start3A_816 : memref<16xf32, #tpu.memory_space<vmem>>) target(%dma_start3A_818 : memref<49168xf32, #tpu.memory_space<vmem_shared>>) offsets(%get3A_807 : vector<16xi32>) semaphore(%arg20 : memref<!tpu.dma_semaphore, #tpu.memory_space<semaphore_mem>>) {add = true}
        %add3A_819 = arith.constant 64 : i32
        %add3A_820 = arith.addi %mul3A_598, %add3A_819 : i32
        %dma_start3A_821 = tpu.memref_slice %arg17[%add3A_820] : memref<2192xi32, #tpu.memory_space<vmem>> -> memref<16xi32, #tpu.memory_space<vmem>>
        %dma_start3A_822 = arith.constant 0 : i32
        %dma_start3A_823 = tpu.memref_slice %arg10[%dma_start3A_822] : memref<49168xi32, #tpu.memory_space<vmem_shared>> -> memref<49168xi32, #tpu.memory_space<vmem_shared>>
        tpu.enqueue_indirect_dma source(%dma_start3A_821 : memref<16xi32, #tpu.memory_space<vmem>>) target(%dma_start3A_823 : memref<49168xi32, #tpu.memory_space<vmem_shared>>) offsets(%get3A_807 : vector<16xi32>) semaphore(%arg20 : memref<!tpu.dma_semaphore, #tpu.memory_space<semaphore_mem>>) {add = true}
        %add3A_824 = arith.constant 80 : i32
        %add3A_825 = arith.addi %mul3A_598, %add3A_824 : i32
        %get3A_826 = arith.index_cast %add3A_825 : i32 to index
        %get3A_827 = tpu.vector_load %arg14[%get3A_826] {strides = array<i32>} : memref<2192xi32, #tpu.memory_space<vmem>>, vector<16xi32>,
        %dma_start3A_828 = arith.constant 80 : i32
        %dma_start3A_829 = arith.constant 0 : i32
        %dma_start3A_830 = tpu.memref_slice %arg18[%dma_start3A_828, %dma_start3A_829] : memref<128x32xf32, #tpu.memory_space<vmem>> -> memref<16x32xf32, #tpu.memory_space<vmem>>
        %dma_start3A_831 = arith.constant 0 : i32
        %dma_start3A_832 = arith.constant 0 : i32
        %dma_start3A_833 = tpu.memref_slice %arg8[%dma_start3A_831, %dma_start3A_832] : memref<49168x32xf32, #tpu.memory_space<vmem_shared>> -> memref<49168x32xf32, #tpu.memory_space<vmem_shared>>
        tpu.enqueue_indirect_dma source(%dma_start3A_830 : memref<16x32xf32, #tpu.memory_space<vmem>>) target(%dma_start3A_833 : memref<49168x32xf32, #tpu.memory_space<vmem_shared>>) offsets(%get3A_827 : vector<16xi32>) semaphore(%arg20 : memref<!tpu.dma_semaphore, #tpu.memory_space<semaphore_mem>>) {add = true}
        %add3A_834 = arith.constant 80 : i32
        %add3A_835 = arith.addi %mul3A_598, %add3A_834 : i32
        %dma_start3A_836 = tpu.memref_slice %arg16[%add3A_835] : memref<2192xf32, #tpu.memory_space<vmem>> -> memref<16xf32, #tpu.memory_space<vmem>>
        %dma_start3A_837 = arith.constant 0 : i32
        %dma_start3A_838 = tpu.memref_slice %arg9[%dma_start3A_837] : memref<49168xf32, #tpu.memory_space<vmem_shared>> -> memref<49168xf32, #tpu.memory_space<vmem_shared>>
        tpu.enqueue_indirect_dma source(%dma_start3A_836 : memref<16xf32, #tpu.memory_space<vmem>>) target(%dma_start3A_838 : memref<49168xf32, #tpu.memory_space<vmem_shared>>) offsets(%get3A_827 : vector<16xi32>) semaphore(%arg20 : memref<!tpu.dma_semaphore, #tpu.memory_space<semaphore_mem>>) {add = true}
        %add3A_839 = arith.constant 80 : i32
        %add3A_840 = arith.addi %mul3A_598, %add3A_839 : i32
        %dma_start3A_841 = tpu.memref_slice %arg17[%add3A_840] : memref<2192xi32, #tpu.memory_space<vmem>> -> memref<16xi32, #tpu.memory_space<vmem>>
        %dma_start3A_842 = arith.constant 0 : i32
        %dma_start3A_843 = tpu.memref_slice %arg10[%dma_start3A_842] : memref<49168xi32, #tpu.memory_space<vmem_shared>> -> memref<49168xi32, #tpu.memory_space<vmem_shared>>
        tpu.enqueue_indirect_dma source(%dma_start3A_841 : memref<16xi32, #tpu.memory_space<vmem>>) target(%dma_start3A_843 : memref<49168xi32, #tpu.memory_space<vmem_shared>>) offsets(%get3A_827 : vector<16xi32>) semaphore(%arg20 : memref<!tpu.dma_semaphore, #tpu.memory_space<semaphore_mem>>) {add = true}
        %add3A_844 = arith.constant 96 : i32
        %add3A_845 = arith.addi %mul3A_598, %add3A_844 : i32
        %get3A_846 = arith.index_cast %add3A_845 : i32 to index
        %get3A_847 = tpu.vector_load %arg14[%get3A_846] {strides = array<i32>} : memref<2192xi32, #tpu.memory_space<vmem>>, vector<16xi32>,
        %dma_start3A_848 = arith.constant 96 : i32
        %dma_start3A_849 = arith.constant 0 : i32
        %dma_start3A_850 = tpu.memref_slice %arg18[%dma_start3A_848, %dma_start3A_849] : memref<128x32xf32, #tpu.memory_space<vmem>> -> memref<16x32xf32, #tpu.memory_space<vmem>>
        %dma_start3A_851 = arith.constant 0 : i32
        %dma_start3A_852 = arith.constant 0 : i32
        %dma_start3A_853 = tpu.memref_slice %arg8[%dma_start3A_851, %dma_start3A_852] : memref<49168x32xf32, #tpu.memory_space<vmem_shared>> -> memref<49168x32xf32, #tpu.memory_space<vmem_shared>>
        tpu.enqueue_indirect_dma source(%dma_start3A_850 : memref<16x32xf32, #tpu.memory_space<vmem>>) target(%dma_start3A_853 : memref<49168x32xf32, #tpu.memory_space<vmem_shared>>) offsets(%get3A_847 : vector<16xi32>) semaphore(%arg20 : memref<!tpu.dma_semaphore, #tpu.memory_space<semaphore_mem>>) {add = true}
        %add3A_854 = arith.constant 96 : i32
        %add3A_855 = arith.addi %mul3A_598, %add3A_854 : i32
        %dma_start3A_856 = tpu.memref_slice %arg16[%add3A_855] : memref<2192xf32, #tpu.memory_space<vmem>> -> memref<16xf32, #tpu.memory_space<vmem>>
        %dma_start3A_857 = arith.constant 0 : i32
        %dma_start3A_858 = tpu.memref_slice %arg9[%dma_start3A_857] : memref<49168xf32, #tpu.memory_space<vmem_shared>> -> memref<49168xf32, #tpu.memory_space<vmem_shared>>
        tpu.enqueue_indirect_dma source(%dma_start3A_856 : memref<16xf32, #tpu.memory_space<vmem>>) target(%dma_start3A_858 : memref<49168xf32, #tpu.memory_space<vmem_shared>>) offsets(%get3A_847 : vector<16xi32>) semaphore(%arg20 : memref<!tpu.dma_semaphore, #tpu.memory_space<semaphore_mem>>) {add = true}
        %add3A_859 = arith.constant 96 : i32
        %add3A_860 = arith.addi %mul3A_598, %add3A_859 : i32
        %dma_start3A_861 = tpu.memref_slice %arg17[%add3A_860] : memref<2192xi32, #tpu.memory_space<vmem>> -> memref<16xi32, #tpu.memory_space<vmem>>
        %dma_start3A_862 = arith.constant 0 : i32
        %dma_start3A_863 = tpu.memref_slice %arg10[%dma_start3A_862] : memref<49168xi32, #tpu.memory_space<vmem_shared>> -> memref<49168xi32, #tpu.memory_space<vmem_shared>>
        tpu.enqueue_indirect_dma source(%dma_start3A_861 : memref<16xi32, #tpu.memory_space<vmem>>) target(%dma_start3A_863 : memref<49168xi32, #tpu.memory_space<vmem_shared>>) offsets(%get3A_847 : vector<16xi32>) semaphore(%arg20 : memref<!tpu.dma_semaphore, #tpu.memory_space<semaphore_mem>>) {add = true}
        %add3A_864 = arith.constant 112 : i32
        %add3A_865 = arith.addi %mul3A_598, %add3A_864 : i32
        %get3A_866 = arith.index_cast %add3A_865 : i32 to index
        %get3A_867 = tpu.vector_load %arg14[%get3A_866] {strides = array<i32>} : memref<2192xi32, #tpu.memory_space<vmem>>, vector<16xi32>,
        %dma_start3A_868 = arith.constant 112 : i32
        %dma_start3A_869 = arith.constant 0 : i32
        %dma_start3A_870 = tpu.memref_slice %arg18[%dma_start3A_868, %dma_start3A_869] : memref<128x32xf32, #tpu.memory_space<vmem>> -> memref<16x32xf32, #tpu.memory_space<vmem>>
        %dma_start3A_871 = arith.constant 0 : i32
        %dma_start3A_872 = arith.constant 0 : i32
        %dma_start3A_873 = tpu.memref_slice %arg8[%dma_start3A_871, %dma_start3A_872] : memref<49168x32xf32, #tpu.memory_space<vmem_shared>> -> memref<49168x32xf32, #tpu.memory_space<vmem_shared>>
        tpu.enqueue_indirect_dma source(%dma_start3A_870 : memref<16x32xf32, #tpu.memory_space<vmem>>) target(%dma_start3A_873 : memref<49168x32xf32, #tpu.memory_space<vmem_shared>>) offsets(%get3A_867 : vector<16xi32>) semaphore(%arg20 : memref<!tpu.dma_semaphore, #tpu.memory_space<semaphore_mem>>) {add = true}
        %add3A_874 = arith.constant 112 : i32
        %add3A_875 = arith.addi %mul3A_598, %add3A_874 : i32
        %dma_start3A_876 = tpu.memref_slice %arg16[%add3A_875] : memref<2192xf32, #tpu.memory_space<vmem>> -> memref<16xf32, #tpu.memory_space<vmem>>
        %dma_start3A_877 = arith.constant 0 : i32
        %dma_start3A_878 = tpu.memref_slice %arg9[%dma_start3A_877] : memref<49168xf32, #tpu.memory_space<vmem_shared>> -> memref<49168xf32, #tpu.memory_space<vmem_shared>>
        tpu.enqueue_indirect_dma source(%dma_start3A_876 : memref<16xf32, #tpu.memory_space<vmem>>) target(%dma_start3A_878 : memref<49168xf32, #tpu.memory_space<vmem_shared>>) offsets(%get3A_867 : vector<16xi32>) semaphore(%arg20 : memref<!tpu.dma_semaphore, #tpu.memory_space<semaphore_mem>>) {add = true}
        %add3A_879 = arith.constant 112 : i32
        %add3A_880 = arith.addi %mul3A_598, %add3A_879 : i32
        %dma_start3A_881 = tpu.memref_slice %arg17[%add3A_880] : memref<2192xi32, #tpu.memory_space<vmem>> -> memref<16xi32, #tpu.memory_space<vmem>>
        %dma_start3A_882 = arith.constant 0 : i32
        %dma_start3A_883 = tpu.memref_slice %arg10[%dma_start3A_882] : memref<49168xi32, #tpu.memory_space<vmem_shared>> -> memref<49168xi32, #tpu.memory_space<vmem_shared>>
        tpu.enqueue_indirect_dma source(%dma_start3A_881 : memref<16xi32, #tpu.memory_space<vmem>>) target(%dma_start3A_883 : memref<49168xi32, #tpu.memory_space<vmem_shared>>) offsets(%get3A_867 : vector<16xi32>) semaphore(%arg20 : memref<!tpu.dma_semaphore, #tpu.memory_space<semaphore_mem>>) {add = true}
        %dma_wait3A_884 = arith.constant 0 : i32
        %dma_wait3A_885 = arith.constant 0 : i32
        %dma_wait3A_886 = tpu.memref_slice %arg18[%dma_wait3A_884, %dma_wait3A_885] : memref<128x32xf32, #tpu.memory_space<vmem>> -> memref<16x32xf32, #tpu.memory_space<vmem>>
        %dma_wait3A_887 = arith.constant 0 : i32
        %dma_wait3A_888 = arith.constant 0 : i32
        %dma_wait3A_889 = tpu.memref_slice %arg8[%dma_wait3A_887, %dma_wait3A_888] : memref<49168x32xf32, #tpu.memory_space<vmem_shared>> -> memref<49168x32xf32, #tpu.memory_space<vmem_shared>>
        tpu.wait_indirect_dma semaphore(%arg20 : memref<!tpu.dma_semaphore, #tpu.memory_space<semaphore_mem>>) src(%dma_wait3A_886 : memref<16x32xf32, #tpu.memory_space<vmem>>) dst(%dma_wait3A_889 : memref<49168x32xf32, #tpu.memory_space<vmem_shared>>)
        %dma_wait3A_890 = tpu.memref_slice %arg16[%add3A_735] : memref<2192xf32, #tpu.memory_space<vmem>> -> memref<16xf32, #tpu.memory_space<vmem>>
        %dma_wait3A_891 = arith.constant 0 : i32
        %dma_wait3A_892 = tpu.memref_slice %arg9[%dma_wait3A_891] : memref<49168xf32, #tpu.memory_space<vmem_shared>> -> memref<49168xf32, #tpu.memory_space<vmem_shared>>
        tpu.wait_indirect_dma semaphore(%arg20 : memref<!tpu.dma_semaphore, #tpu.memory_space<semaphore_mem>>) src(%dma_wait3A_890 : memref<16xf32, #tpu.memory_space<vmem>>) dst(%dma_wait3A_892 : memref<49168xf32, #tpu.memory_space<vmem_shared>>)
        %dma_wait3A_893 = tpu.memref_slice %arg17[%add3A_740] : memref<2192xi32, #tpu.memory_space<vmem>> -> memref<16xi32, #tpu.memory_space<vmem>>
        %dma_wait3A_894 = arith.constant 0 : i32
        %dma_wait3A_895 = tpu.memref_slice %arg10[%dma_wait3A_894] : memref<49168xi32, #tpu.memory_space<vmem_shared>> -> memref<49168xi32, #tpu.memory_space<vmem_shared>>
        tpu.wait_indirect_dma semaphore(%arg20 : memref<!tpu.dma_semaphore, #tpu.memory_space<semaphore_mem>>) src(%dma_wait3A_893 : memref<16xi32, #tpu.memory_space<vmem>>) dst(%dma_wait3A_895 : memref<49168xi32, #tpu.memory_space<vmem_shared>>)
        %dma_wait3A_896 = arith.constant 16 : i32
        %dma_wait3A_897 = arith.constant 0 : i32
        %dma_wait3A_898 = tpu.memref_slice %arg18[%dma_wait3A_896, %dma_wait3A_897] : memref<128x32xf32, #tpu.memory_space<vmem>> -> memref<16x32xf32, #tpu.memory_space<vmem>>
        %dma_wait3A_899 = arith.constant 0 : i32
        %dma_wait3A_900 = arith.constant 0 : i32
        %dma_wait3A_901 = tpu.memref_slice %arg8[%dma_wait3A_899, %dma_wait3A_900] : memref<49168x32xf32, #tpu.memory_space<vmem_shared>> -> memref<49168x32xf32, #tpu.memory_space<vmem_shared>>
        tpu.wait_indirect_dma semaphore(%arg20 : memref<!tpu.dma_semaphore, #tpu.memory_space<semaphore_mem>>) src(%dma_wait3A_898 : memref<16x32xf32, #tpu.memory_space<vmem>>) dst(%dma_wait3A_901 : memref<49168x32xf32, #tpu.memory_space<vmem_shared>>)
        %dma_wait3A_902 = tpu.memref_slice %arg16[%add3A_755] : memref<2192xf32, #tpu.memory_space<vmem>> -> memref<16xf32, #tpu.memory_space<vmem>>
        %dma_wait3A_903 = arith.constant 0 : i32
        %dma_wait3A_904 = tpu.memref_slice %arg9[%dma_wait3A_903] : memref<49168xf32, #tpu.memory_space<vmem_shared>> -> memref<49168xf32, #tpu.memory_space<vmem_shared>>
        tpu.wait_indirect_dma semaphore(%arg20 : memref<!tpu.dma_semaphore, #tpu.memory_space<semaphore_mem>>) src(%dma_wait3A_902 : memref<16xf32, #tpu.memory_space<vmem>>) dst(%dma_wait3A_904 : memref<49168xf32, #tpu.memory_space<vmem_shared>>)
        %dma_wait3A_905 = tpu.memref_slice %arg17[%add3A_760] : memref<2192xi32, #tpu.memory_space<vmem>> -> memref<16xi32, #tpu.memory_space<vmem>>
        %dma_wait3A_906 = arith.constant 0 : i32
        %dma_wait3A_907 = tpu.memref_slice %arg10[%dma_wait3A_906] : memref<49168xi32, #tpu.memory_space<vmem_shared>> -> memref<49168xi32, #tpu.memory_space<vmem_shared>>
        tpu.wait_indirect_dma semaphore(%arg20 : memref<!tpu.dma_semaphore, #tpu.memory_space<semaphore_mem>>) src(%dma_wait3A_905 : memref<16xi32, #tpu.memory_space<vmem>>) dst(%dma_wait3A_907 : memref<49168xi32, #tpu.memory_space<vmem_shared>>)
        %dma_wait3A_908 = arith.constant 32 : i32
        %dma_wait3A_909 = arith.constant 0 : i32
        %dma_wait3A_910 = tpu.memref_slice %arg18[%dma_wait3A_908, %dma_wait3A_909] : memref<128x32xf32, #tpu.memory_space<vmem>> -> memref<16x32xf32, #tpu.memory_space<vmem>>
        %dma_wait3A_911 = arith.constant 0 : i32
        %dma_wait3A_912 = arith.constant 0 : i32
        %dma_wait3A_913 = tpu.memref_slice %arg8[%dma_wait3A_911, %dma_wait3A_912] : memref<49168x32xf32, #tpu.memory_space<vmem_shared>> -> memref<49168x32xf32, #tpu.memory_space<vmem_shared>>
        tpu.wait_indirect_dma semaphore(%arg20 : memref<!tpu.dma_semaphore, #tpu.memory_space<semaphore_mem>>) src(%dma_wait3A_910 : memref<16x32xf32, #tpu.memory_space<vmem>>) dst(%dma_wait3A_913 : memref<49168x32xf32, #tpu.memory_space<vmem_shared>>)
        %dma_wait3A_914 = tpu.memref_slice %arg16[%add3A_775] : memref<2192xf32, #tpu.memory_space<vmem>> -> memref<16xf32, #tpu.memory_space<vmem>>
        %dma_wait3A_915 = arith.constant 0 : i32
        %dma_wait3A_916 = tpu.memref_slice %arg9[%dma_wait3A_915] : memref<49168xf32, #tpu.memory_space<vmem_shared>> -> memref<49168xf32, #tpu.memory_space<vmem_shared>>
        tpu.wait_indirect_dma semaphore(%arg20 : memref<!tpu.dma_semaphore, #tpu.memory_space<semaphore_mem>>) src(%dma_wait3A_914 : memref<16xf32, #tpu.memory_space<vmem>>) dst(%dma_wait3A_916 : memref<49168xf32, #tpu.memory_space<vmem_shared>>)
        %dma_wait3A_917 = tpu.memref_slice %arg17[%add3A_780] : memref<2192xi32, #tpu.memory_space<vmem>> -> memref<16xi32, #tpu.memory_space<vmem>>
        %dma_wait3A_918 = arith.constant 0 : i32
        %dma_wait3A_919 = tpu.memref_slice %arg10[%dma_wait3A_918] : memref<49168xi32, #tpu.memory_space<vmem_shared>> -> memref<49168xi32, #tpu.memory_space<vmem_shared>>
        tpu.wait_indirect_dma semaphore(%arg20 : memref<!tpu.dma_semaphore, #tpu.memory_space<semaphore_mem>>) src(%dma_wait3A_917 : memref<16xi32, #tpu.memory_space<vmem>>) dst(%dma_wait3A_919 : memref<49168xi32, #tpu.memory_space<vmem_shared>>)
        %dma_wait3A_920 = arith.constant 48 : i32
        %dma_wait3A_921 = arith.constant 0 : i32
        %dma_wait3A_922 = tpu.memref_slice %arg18[%dma_wait3A_920, %dma_wait3A_921] : memref<128x32xf32, #tpu.memory_space<vmem>> -> memref<16x32xf32, #tpu.memory_space<vmem>>
        %dma_wait3A_923 = arith.constant 0 : i32
        %dma_wait3A_924 = arith.constant 0 : i32
        %dma_wait3A_925 = tpu.memref_slice %arg8[%dma_wait3A_923, %dma_wait3A_924] : memref<49168x32xf32, #tpu.memory_space<vmem_shared>> -> memref<49168x32xf32, #tpu.memory_space<vmem_shared>>
        tpu.wait_indirect_dma semaphore(%arg20 : memref<!tpu.dma_semaphore, #tpu.memory_space<semaphore_mem>>) src(%dma_wait3A_922 : memref<16x32xf32, #tpu.memory_space<vmem>>) dst(%dma_wait3A_925 : memref<49168x32xf32, #tpu.memory_space<vmem_shared>>)
        %dma_wait3A_926 = tpu.memref_slice %arg16[%add3A_795] : memref<2192xf32, #tpu.memory_space<vmem>> -> memref<16xf32, #tpu.memory_space<vmem>>
        %dma_wait3A_927 = arith.constant 0 : i32
        %dma_wait3A_928 = tpu.memref_slice %arg9[%dma_wait3A_927] : memref<49168xf32, #tpu.memory_space<vmem_shared>> -> memref<49168xf32, #tpu.memory_space<vmem_shared>>
        tpu.wait_indirect_dma semaphore(%arg20 : memref<!tpu.dma_semaphore, #tpu.memory_space<semaphore_mem>>) src(%dma_wait3A_926 : memref<16xf32, #tpu.memory_space<vmem>>) dst(%dma_wait3A_928 : memref<49168xf32, #tpu.memory_space<vmem_shared>>)
        %dma_wait3A_929 = tpu.memref_slice %arg17[%add3A_800] : memref<2192xi32, #tpu.memory_space<vmem>> -> memref<16xi32, #tpu.memory_space<vmem>>
        %dma_wait3A_930 = arith.constant 0 : i32
        %dma_wait3A_931 = tpu.memref_slice %arg10[%dma_wait3A_930] : memref<49168xi32, #tpu.memory_space<vmem_shared>> -> memref<49168xi32, #tpu.memory_space<vmem_shared>>
        tpu.wait_indirect_dma semaphore(%arg20 : memref<!tpu.dma_semaphore, #tpu.memory_space<semaphore_mem>>) src(%dma_wait3A_929 : memref<16xi32, #tpu.memory_space<vmem>>) dst(%dma_wait3A_931 : memref<49168xi32, #tpu.memory_space<vmem_shared>>)
        %dma_wait3A_932 = arith.constant 64 : i32
        %dma_wait3A_933 = arith.constant 0 : i32
        %dma_wait3A_934 = tpu.memref_slice %arg18[%dma_wait3A_932, %dma_wait3A_933] : memref<128x32xf32, #tpu.memory_space<vmem>> -> memref<16x32xf32, #tpu.memory_space<vmem>>
        %dma_wait3A_935 = arith.constant 0 : i32
        %dma_wait3A_936 = arith.constant 0 : i32
        %dma_wait3A_937 = tpu.memref_slice %arg8[%dma_wait3A_935, %dma_wait3A_936] : memref<49168x32xf32, #tpu.memory_space<vmem_shared>> -> memref<49168x32xf32, #tpu.memory_space<vmem_shared>>
        tpu.wait_indirect_dma semaphore(%arg20 : memref<!tpu.dma_semaphore, #tpu.memory_space<semaphore_mem>>) src(%dma_wait3A_934 : memref<16x32xf32, #tpu.memory_space<vmem>>) dst(%dma_wait3A_937 : memref<49168x32xf32, #tpu.memory_space<vmem_shared>>)
        %dma_wait3A_938 = tpu.memref_slice %arg16[%add3A_815] : memref<2192xf32, #tpu.memory_space<vmem>> -> memref<16xf32, #tpu.memory_space<vmem>>
        %dma_wait3A_939 = arith.constant 0 : i32
        %dma_wait3A_940 = tpu.memref_slice %arg9[%dma_wait3A_939] : memref<49168xf32, #tpu.memory_space<vmem_shared>> -> memref<49168xf32, #tpu.memory_space<vmem_shared>>
        tpu.wait_indirect_dma semaphore(%arg20 : memref<!tpu.dma_semaphore, #tpu.memory_space<semaphore_mem>>) src(%dma_wait3A_938 : memref<16xf32, #tpu.memory_space<vmem>>) dst(%dma_wait3A_940 : memref<49168xf32, #tpu.memory_space<vmem_shared>>)
        %dma_wait3A_941 = tpu.memref_slice %arg17[%add3A_820] : memref<2192xi32, #tpu.memory_space<vmem>> -> memref<16xi32, #tpu.memory_space<vmem>>
        %dma_wait3A_942 = arith.constant 0 : i32
        %dma_wait3A_943 = tpu.memref_slice %arg10[%dma_wait3A_942] : memref<49168xi32, #tpu.memory_space<vmem_shared>> -> memref<49168xi32, #tpu.memory_space<vmem_shared>>
        tpu.wait_indirect_dma semaphore(%arg20 : memref<!tpu.dma_semaphore, #tpu.memory_space<semaphore_mem>>) src(%dma_wait3A_941 : memref<16xi32, #tpu.memory_space<vmem>>) dst(%dma_wait3A_943 : memref<49168xi32, #tpu.memory_space<vmem_shared>>)
        %dma_wait3A_944 = arith.constant 80 : i32
        %dma_wait3A_945 = arith.constant 0 : i32
        %dma_wait3A_946 = tpu.memref_slice %arg18[%dma_wait3A_944, %dma_wait3A_945] : memref<128x32xf32, #tpu.memory_space<vmem>> -> memref<16x32xf32, #tpu.memory_space<vmem>>
        %dma_wait3A_947 = arith.constant 0 : i32
        %dma_wait3A_948 = arith.constant 0 : i32
        %dma_wait3A_949 = tpu.memref_slice %arg8[%dma_wait3A_947, %dma_wait3A_948] : memref<49168x32xf32, #tpu.memory_space<vmem_shared>> -> memref<49168x32xf32, #tpu.memory_space<vmem_shared>>
        tpu.wait_indirect_dma semaphore(%arg20 : memref<!tpu.dma_semaphore, #tpu.memory_space<semaphore_mem>>) src(%dma_wait3A_946 : memref<16x32xf32, #tpu.memory_space<vmem>>) dst(%dma_wait3A_949 : memref<49168x32xf32, #tpu.memory_space<vmem_shared>>)
        %dma_wait3A_950 = tpu.memref_slice %arg16[%add3A_835] : memref<2192xf32, #tpu.memory_space<vmem>> -> memref<16xf32, #tpu.memory_space<vmem>>
        %dma_wait3A_951 = arith.constant 0 : i32
        %dma_wait3A_952 = tpu.memref_slice %arg9[%dma_wait3A_951] : memref<49168xf32, #tpu.memory_space<vmem_shared>> -> memref<49168xf32, #tpu.memory_space<vmem_shared>>
        tpu.wait_indirect_dma semaphore(%arg20 : memref<!tpu.dma_semaphore, #tpu.memory_space<semaphore_mem>>) src(%dma_wait3A_950 : memref<16xf32, #tpu.memory_space<vmem>>) dst(%dma_wait3A_952 : memref<49168xf32, #tpu.memory_space<vmem_shared>>)
        %dma_wait3A_953 = tpu.memref_slice %arg17[%add3A_840] : memref<2192xi32, #tpu.memory_space<vmem>> -> memref<16xi32, #tpu.memory_space<vmem>>
        %dma_wait3A_954 = arith.constant 0 : i32
        %dma_wait3A_955 = tpu.memref_slice %arg10[%dma_wait3A_954] : memref<49168xi32, #tpu.memory_space<vmem_shared>> -> memref<49168xi32, #tpu.memory_space<vmem_shared>>
        tpu.wait_indirect_dma semaphore(%arg20 : memref<!tpu.dma_semaphore, #tpu.memory_space<semaphore_mem>>) src(%dma_wait3A_953 : memref<16xi32, #tpu.memory_space<vmem>>) dst(%dma_wait3A_955 : memref<49168xi32, #tpu.memory_space<vmem_shared>>)
        %dma_wait3A_956 = arith.constant 96 : i32
        %dma_wait3A_957 = arith.constant 0 : i32
        %dma_wait3A_958 = tpu.memref_slice %arg18[%dma_wait3A_956, %dma_wait3A_957] : memref<128x32xf32, #tpu.memory_space<vmem>> -> memref<16x32xf32, #tpu.memory_space<vmem>>
        %dma_wait3A_959 = arith.constant 0 : i32
        %dma_wait3A_960 = arith.constant 0 : i32
        %dma_wait3A_961 = tpu.memref_slice %arg8[%dma_wait3A_959, %dma_wait3A_960] : memref<49168x32xf32, #tpu.memory_space<vmem_shared>> -> memref<49168x32xf32, #tpu.memory_space<vmem_shared>>
        tpu.wait_indirect_dma semaphore(%arg20 : memref<!tpu.dma_semaphore, #tpu.memory_space<semaphore_mem>>) src(%dma_wait3A_958 : memref<16x32xf32, #tpu.memory_space<vmem>>) dst(%dma_wait3A_961 : memref<49168x32xf32, #tpu.memory_space<vmem_shared>>)
        %dma_wait3A_962 = tpu.memref_slice %arg16[%add3A_855] : memref<2192xf32, #tpu.memory_space<vmem>> -> memref<16xf32, #tpu.memory_space<vmem>>
        %dma_wait3A_963 = arith.constant 0 : i32
        %dma_wait3A_964 = tpu.memref_slice %arg9[%dma_wait3A_963] : memref<49168xf32, #tpu.memory_space<vmem_shared>> -> memref<49168xf32, #tpu.memory_space<vmem_shared>>
        tpu.wait_indirect_dma semaphore(%arg20 : memref<!tpu.dma_semaphore, #tpu.memory_space<semaphore_mem>>) src(%dma_wait3A_962 : memref<16xf32, #tpu.memory_space<vmem>>) dst(%dma_wait3A_964 : memref<49168xf32, #tpu.memory_space<vmem_shared>>)
        %dma_wait3A_965 = tpu.memref_slice %arg17[%add3A_860] : memref<2192xi32, #tpu.memory_space<vmem>> -> memref<16xi32, #tpu.memory_space<vmem>>
        %dma_wait3A_966 = arith.constant 0 : i32
        %dma_wait3A_967 = tpu.memref_slice %arg10[%dma_wait3A_966] : memref<49168xi32, #tpu.memory_space<vmem_shared>> -> memref<49168xi32, #tpu.memory_space<vmem_shared>>
        tpu.wait_indirect_dma semaphore(%arg20 : memref<!tpu.dma_semaphore, #tpu.memory_space<semaphore_mem>>) src(%dma_wait3A_965 : memref<16xi32, #tpu.memory_space<vmem>>) dst(%dma_wait3A_967 : memref<49168xi32, #tpu.memory_space<vmem_shared>>)
        %dma_wait3A_968 = arith.constant 112 : i32
        %dma_wait3A_969 = arith.constant 0 : i32
        %dma_wait3A_970 = tpu.memref_slice %arg18[%dma_wait3A_968, %dma_wait3A_969] : memref<128x32xf32, #tpu.memory_space<vmem>> -> memref<16x32xf32, #tpu.memory_space<vmem>>
        %dma_wait3A_971 = arith.constant 0 : i32
        %dma_wait3A_972 = arith.constant 0 : i32
        %dma_wait3A_973 = tpu.memref_slice %arg8[%dma_wait3A_971, %dma_wait3A_972] : memref<49168x32xf32, #tpu.memory_space<vmem_shared>> -> memref<49168x32xf32, #tpu.memory_space<vmem_shared>>
        tpu.wait_indirect_dma semaphore(%arg20 : memref<!tpu.dma_semaphore, #tpu.memory_space<semaphore_mem>>) src(%dma_wait3A_970 : memref<16x32xf32, #tpu.memory_space<vmem>>) dst(%dma_wait3A_973 : memref<49168x32xf32, #tpu.memory_space<vmem_shared>>)
        %dma_wait3A_974 = tpu.memref_slice %arg16[%add3A_875] : memref<2192xf32, #tpu.memory_space<vmem>> -> memref<16xf32, #tpu.memory_space<vmem>>
        %dma_wait3A_975 = arith.constant 0 : i32
        %dma_wait3A_976 = tpu.memref_slice %arg9[%dma_wait3A_975] : memref<49168xf32, #tpu.memory_space<vmem_shared>> -> memref<49168xf32, #tpu.memory_space<vmem_shared>>
        tpu.wait_indirect_dma semaphore(%arg20 : memref<!tpu.dma_semaphore, #tpu.memory_space<semaphore_mem>>) src(%dma_wait3A_974 : memref<16xf32, #tpu.memory_space<vmem>>) dst(%dma_wait3A_976 : memref<49168xf32, #tpu.memory_space<vmem_shared>>)
        %dma_wait3A_977 = tpu.memref_slice %arg17[%add3A_880] : memref<2192xi32, #tpu.memory_space<vmem>> -> memref<16xi32, #tpu.memory_space<vmem>>
        %dma_wait3A_978 = arith.constant 0 : i32
        %dma_wait3A_979 = tpu.memref_slice %arg10[%dma_wait3A_978] : memref<49168xi32, #tpu.memory_space<vmem_shared>> -> memref<49168xi32, #tpu.memory_space<vmem_shared>>
        tpu.wait_indirect_dma semaphore(%arg20 : memref<!tpu.dma_semaphore, #tpu.memory_space<semaphore_mem>>) src(%dma_wait3A_977 : memref<16xi32, #tpu.memory_space<vmem>>) dst(%dma_wait3A_979 : memref<49168xi32, #tpu.memory_space<vmem_shared>>)
        %while3A_980 = arith.constant 0 : i32
        scf.yield %while3A_980 : i32
      }
      %while3A_577 = arith.constant 1 : i32
      %while3A_578 = scf.for %while3A_595 = %while3A_574 to %while3A_570 step %while3A_577 iter_args(%while3A_596 = %while3A_576) -> (i32)  : i32 {
        %mul3A_597 = arith.constant 128 : i32
        %mul3A_598 = arith.muli %while3A_595, %mul3A_597 : i32
        %add3A_599 = arith.constant 0 : i32
        %add3A_600 = arith.addi %mul3A_598, %add3A_599 : i32
        %get3A = arith.index_cast %add3A_600 : i32 to index
        %get3A_601 = tpu.vector_load %arg15[%get3A] {strides = array<i32>} : memref<2192xi32, #tpu.memory_space<vmem>>, vector<16xi32>,
        %dma_start3A = arith.constant 0 : i32
        %dma_start3A_602 = arith.constant 0 : i32
        %dma_start3A_603 = tpu.memref_slice %arg18[%dma_start3A, %dma_start3A_602] : memref<128x32xf32, #tpu.memory_space<vmem>> -> memref<16x32xf32, #tpu.memory_space<vmem>>
        %dma_start3A_604 = arith.constant 0 : i32
        %dma_start3A_605 = arith.constant 0 : i32
        %dma_start3A_606 = tpu.memref_slice %arg2[%dma_start3A_604, %dma_start3A_605] : memref<1048576x32xf32, #tpu.memory_space<hbm>> -> memref<1048576x32xf32, #tpu.memory_space<hbm>>
        tpu.enqueue_indirect_dma source(%dma_start3A_606 : memref<1048576x32xf32, #tpu.memory_space<hbm>>) target(%dma_start3A_603 : memref<16x32xf32, #tpu.memory_space<vmem>>) offsets(%get3A_601 : vector<16xi32>) semaphore(%arg19 : memref<!tpu.dma_semaphore, #tpu.memory_space<semaphore_mem>>)
        %add3A_607 = arith.constant 16 : i32
        %add3A_608 = arith.addi %mul3A_598, %add3A_607 : i32
        %get3A_609 = arith.index_cast %add3A_608 : i32 to index
        %get3A_610 = tpu.vector_load %arg15[%get3A_609] {strides = array<i32>} : memref<2192xi32, #tpu.memory_space<vmem>>, vector<16xi32>,
        %dma_start3A_611 = arith.constant 16 : i32
        %dma_start3A_612 = arith.constant 0 : i32
        %dma_start3A_613 = tpu.memref_slice %arg18[%dma_start3A_611, %dma_start3A_612] : memref<128x32xf32, #tpu.memory_space<vmem>> -> memref<16x32xf32, #tpu.memory_space<vmem>>
        %dma_start3A_614 = arith.constant 0 : i32
        %dma_start3A_615 = arith.constant 0 : i32
        %dma_start3A_616 = tpu.memref_slice %arg2[%dma_start3A_614, %dma_start3A_615] : memref<1048576x32xf32, #tpu.memory_space<hbm>> -> memref<1048576x32xf32, #tpu.memory_space<hbm>>
        tpu.enqueue_indirect_dma source(%dma_start3A_616 : memref<1048576x32xf32, #tpu.memory_space<hbm>>) target(%dma_start3A_613 : memref<16x32xf32, #tpu.memory_space<vmem>>) offsets(%get3A_610 : vector<16xi32>) semaphore(%arg19 : memref<!tpu.dma_semaphore, #tpu.memory_space<semaphore_mem>>)
        %add3A_617 = arith.constant 32 : i32
        %add3A_618 = arith.addi %mul3A_598, %add3A_617 : i32
        %get3A_619 = arith.index_cast %add3A_618 : i32 to index
        %get3A_620 = tpu.vector_load %arg15[%get3A_619] {strides = array<i32>} : memref<2192xi32, #tpu.memory_space<vmem>>, vector<16xi32>,
        %dma_start3A_621 = arith.constant 32 : i32
        %dma_start3A_622 = arith.constant 0 : i32
        %dma_start3A_623 = tpu.memref_slice %arg18[%dma_start3A_621, %dma_start3A_622] : memref<128x32xf32, #tpu.memory_space<vmem>> -> memref<16x32xf32, #tpu.memory_space<vmem>>
        %dma_start3A_624 = arith.constant 0 : i32
        %dma_start3A_625 = arith.constant 0 : i32
        %dma_start3A_626 = tpu.memref_slice %arg2[%dma_start3A_624, %dma_start3A_625] : memref<1048576x32xf32, #tpu.memory_space<hbm>> -> memref<1048576x32xf32, #tpu.memory_space<hbm>>
        tpu.enqueue_indirect_dma source(%dma_start3A_626 : memref<1048576x32xf32, #tpu.memory_space<hbm>>) target(%dma_start3A_623 : memref<16x32xf32, #tpu.memory_space<vmem>>) offsets(%get3A_620 : vector<16xi32>) semaphore(%arg19 : memref<!tpu.dma_semaphore, #tpu.memory_space<semaphore_mem>>)
        %add3A_627 = arith.constant 48 : i32
        %add3A_628 = arith.addi %mul3A_598, %add3A_627 : i32
        %get3A_629 = arith.index_cast %add3A_628 : i32 to index
        %get3A_630 = tpu.vector_load %arg15[%get3A_629] {strides = array<i32>} : memref<2192xi32, #tpu.memory_space<vmem>>, vector<16xi32>,
        %dma_start3A_631 = arith.constant 48 : i32
        %dma_start3A_632 = arith.constant 0 : i32
        %dma_start3A_633 = tpu.memref_slice %arg18[%dma_start3A_631, %dma_start3A_632] : memref<128x32xf32, #tpu.memory_space<vmem>> -> memref<16x32xf32, #tpu.memory_space<vmem>>
        %dma_start3A_634 = arith.constant 0 : i32
        %dma_start3A_635 = arith.constant 0 : i32
        %dma_start3A_636 = tpu.memref_slice %arg2[%dma_start3A_634, %dma_start3A_635] : memref<1048576x32xf32, #tpu.memory_space<hbm>> -> memref<1048576x32xf32, #tpu.memory_space<hbm>>
        tpu.enqueue_indirect_dma source(%dma_start3A_636 : memref<1048576x32xf32, #tpu.memory_space<hbm>>) target(%dma_start3A_633 : memref<16x32xf32, #tpu.memory_space<vmem>>) offsets(%get3A_630 : vector<16xi32>) semaphore(%arg19 : memref<!tpu.dma_semaphore, #tpu.memory_space<semaphore_mem>>)
        %add3A_637 = arith.constant 64 : i32
        %add3A_638 = arith.addi %mul3A_598, %add3A_637 : i32
        %get3A_639 = arith.index_cast %add3A_638 : i32 to index
        %get3A_640 = tpu.vector_load %arg15[%get3A_639] {strides = array<i32>} : memref<2192xi32, #tpu.memory_space<vmem>>, vector<16xi32>,
        %dma_start3A_641 = arith.constant 64 : i32
        %dma_start3A_642 = arith.constant 0 : i32
        %dma_start3A_643 = tpu.memref_slice %arg18[%dma_start3A_641, %dma_start3A_642] : memref<128x32xf32, #tpu.memory_space<vmem>> -> memref<16x32xf32, #tpu.memory_space<vmem>>
        %dma_start3A_644 = arith.constant 0 : i32
        %dma_start3A_645 = arith.constant 0 : i32
        %dma_start3A_646 = tpu.memref_slice %arg2[%dma_start3A_644, %dma_start3A_645] : memref<1048576x32xf32, #tpu.memory_space<hbm>> -> memref<1048576x32xf32, #tpu.memory_space<hbm>>
        tpu.enqueue_indirect_dma source(%dma_start3A_646 : memref<1048576x32xf32, #tpu.memory_space<hbm>>) target(%dma_start3A_643 : memref<16x32xf32, #tpu.memory_space<vmem>>) offsets(%get3A_640 : vector<16xi32>) semaphore(%arg19 : memref<!tpu.dma_semaphore, #tpu.memory_space<semaphore_mem>>)
        %add3A_647 = arith.constant 80 : i32
        %add3A_648 = arith.addi %mul3A_598, %add3A_647 : i32
        %get3A_649 = arith.index_cast %add3A_648 : i32 to index
        %get3A_650 = tpu.vector_load %arg15[%get3A_649] {strides = array<i32>} : memref<2192xi32, #tpu.memory_space<vmem>>, vector<16xi32>,
        %dma_start3A_651 = arith.constant 80 : i32
        %dma_start3A_652 = arith.constant 0 : i32
        %dma_start3A_653 = tpu.memref_slice %arg18[%dma_start3A_651, %dma_start3A_652] : memref<128x32xf32, #tpu.memory_space<vmem>> -> memref<16x32xf32, #tpu.memory_space<vmem>>
        %dma_start3A_654 = arith.constant 0 : i32
        %dma_start3A_655 = arith.constant 0 : i32
        %dma_start3A_656 = tpu.memref_slice %arg2[%dma_start3A_654, %dma_start3A_655] : memref<1048576x32xf32, #tpu.memory_space<hbm>> -> memref<1048576x32xf32, #tpu.memory_space<hbm>>
        tpu.enqueue_indirect_dma source(%dma_start3A_656 : memref<1048576x32xf32, #tpu.memory_space<hbm>>) target(%dma_start3A_653 : memref<16x32xf32, #tpu.memory_space<vmem>>) offsets(%get3A_650 : vector<16xi32>) semaphore(%arg19 : memref<!tpu.dma_semaphore, #tpu.memory_space<semaphore_mem>>)
        %add3A_657 = arith.constant 96 : i32
        %add3A_658 = arith.addi %mul3A_598, %add3A_657 : i32
        %get3A_659 = arith.index_cast %add3A_658 : i32 to index
        %get3A_660 = tpu.vector_load %arg15[%get3A_659] {strides = array<i32>} : memref<2192xi32, #tpu.memory_space<vmem>>, vector<16xi32>,
        %dma_start3A_661 = arith.constant 96 : i32
        %dma_start3A_662 = arith.constant 0 : i32
        %dma_start3A_663 = tpu.memref_slice %arg18[%dma_start3A_661, %dma_start3A_662] : memref<128x32xf32, #tpu.memory_space<vmem>> -> memref<16x32xf32, #tpu.memory_space<vmem>>
        %dma_start3A_664 = arith.constant 0 : i32
        %dma_start3A_665 = arith.constant 0 : i32
        %dma_start3A_666 = tpu.memref_slice %arg2[%dma_start3A_664, %dma_start3A_665] : memref<1048576x32xf32, #tpu.memory_space<hbm>> -> memref<1048576x32xf32, #tpu.memory_space<hbm>>
        tpu.enqueue_indirect_dma source(%dma_start3A_666 : memref<1048576x32xf32, #tpu.memory_space<hbm>>) target(%dma_start3A_663 : memref<16x32xf32, #tpu.memory_space<vmem>>) offsets(%get3A_660 : vector<16xi32>) semaphore(%arg19 : memref<!tpu.dma_semaphore, #tpu.memory_space<semaphore_mem>>)
        %add3A_667 = arith.constant 112 : i32
        %add3A_668 = arith.addi %mul3A_598, %add3A_667 : i32
        %get3A_669 = arith.index_cast %add3A_668 : i32 to index
        %get3A_670 = tpu.vector_load %arg15[%get3A_669] {strides = array<i32>} : memref<2192xi32, #tpu.memory_space<vmem>>, vector<16xi32>,
        %dma_start3A_671 = arith.constant 112 : i32
        %dma_start3A_672 = arith.constant 0 : i32
        %dma_start3A_673 = tpu.memref_slice %arg18[%dma_start3A_671, %dma_start3A_672] : memref<128x32xf32, #tpu.memory_space<vmem>> -> memref<16x32xf32, #tpu.memory_space<vmem>>
        %dma_start3A_674 = arith.constant 0 : i32
        %dma_start3A_675 = arith.constant 0 : i32
        %dma_start3A_676 = tpu.memref_slice %arg2[%dma_start3A_674, %dma_start3A_675] : memref<1048576x32xf32, #tpu.memory_space<hbm>> -> memref<1048576x32xf32, #tpu.memory_space<hbm>>
        tpu.enqueue_indirect_dma source(%dma_start3A_676 : memref<1048576x32xf32, #tpu.memory_space<hbm>>) target(%dma_start3A_673 : memref<16x32xf32, #tpu.memory_space<vmem>>) offsets(%get3A_670 : vector<16xi32>) semaphore(%arg19 : memref<!tpu.dma_semaphore, #tpu.memory_space<semaphore_mem>>)
        %dma_wait3A = arith.constant 0 : i32
        %dma_wait3A_677 = arith.constant 0 : i32
        %dma_wait3A_678 = tpu.memref_slice %arg18[%dma_wait3A, %dma_wait3A_677] : memref<128x32xf32, #tpu.memory_space<vmem>> -> memref<16x32xf32, #tpu.memory_space<vmem>>
        %dma_wait3A_679 = arith.constant 0 : i32
        %dma_wait3A_680 = arith.constant 0 : i32
        %dma_wait3A_681 = tpu.memref_slice %arg2[%dma_wait3A_679, %dma_wait3A_680] : memref<1048576x32xf32, #tpu.memory_space<hbm>> -> memref<1048576x32xf32, #tpu.memory_space<hbm>>
        tpu.wait_indirect_dma semaphore(%arg19 : memref<!tpu.dma_semaphore, #tpu.memory_space<semaphore_mem>>) src(%dma_wait3A_681 : memref<1048576x32xf32, #tpu.memory_space<hbm>>) dst(%dma_wait3A_678 : memref<16x32xf32, #tpu.memory_space<vmem>>)
        %dma_wait3A_682 = arith.constant 16 : i32
        %dma_wait3A_683 = arith.constant 0 : i32
        %dma_wait3A_684 = tpu.memref_slice %arg18[%dma_wait3A_682, %dma_wait3A_683] : memref<128x32xf32, #tpu.memory_space<vmem>> -> memref<16x32xf32, #tpu.memory_space<vmem>>
        %dma_wait3A_685 = arith.constant 0 : i32
        %dma_wait3A_686 = arith.constant 0 : i32
        %dma_wait3A_687 = tpu.memref_slice %arg2[%dma_wait3A_685, %dma_wait3A_686] : memref<1048576x32xf32, #tpu.memory_space<hbm>> -> memref<1048576x32xf32, #tpu.memory_space<hbm>>
        tpu.wait_indirect_dma semaphore(%arg19 : memref<!tpu.dma_semaphore, #tpu.memory_space<semaphore_mem>>) src(%dma_wait3A_687 : memref<1048576x32xf32, #tpu.memory_space<hbm>>) dst(%dma_wait3A_684 : memref<16x32xf32, #tpu.memory_space<vmem>>)
        %dma_wait3A_688 = arith.constant 32 : i32
        %dma_wait3A_689 = arith.constant 0 : i32
        %dma_wait3A_690 = tpu.memref_slice %arg18[%dma_wait3A_688, %dma_wait3A_689] : memref<128x32xf32, #tpu.memory_space<vmem>> -> memref<16x32xf32, #tpu.memory_space<vmem>>
        %dma_wait3A_691 = arith.constant 0 : i32
        %dma_wait3A_692 = arith.constant 0 : i32
        %dma_wait3A_693 = tpu.memref_slice %arg2[%dma_wait3A_691, %dma_wait3A_692] : memref<1048576x32xf32, #tpu.memory_space<hbm>> -> memref<1048576x32xf32, #tpu.memory_space<hbm>>
        tpu.wait_indirect_dma semaphore(%arg19 : memref<!tpu.dma_semaphore, #tpu.memory_space<semaphore_mem>>) src(%dma_wait3A_693 : memref<1048576x32xf32, #tpu.memory_space<hbm>>) dst(%dma_wait3A_690 : memref<16x32xf32, #tpu.memory_space<vmem>>)
        %dma_wait3A_694 = arith.constant 48 : i32
        %dma_wait3A_695 = arith.constant 0 : i32
        %dma_wait3A_696 = tpu.memref_slice %arg18[%dma_wait3A_694, %dma_wait3A_695] : memref<128x32xf32, #tpu.memory_space<vmem>> -> memref<16x32xf32, #tpu.memory_space<vmem>>
        %dma_wait3A_697 = arith.constant 0 : i32
        %dma_wait3A_698 = arith.constant 0 : i32
        %dma_wait3A_699 = tpu.memref_slice %arg2[%dma_wait3A_697, %dma_wait3A_698] : memref<1048576x32xf32, #tpu.memory_space<hbm>> -> memref<1048576x32xf32, #tpu.memory_space<hbm>>
        tpu.wait_indirect_dma semaphore(%arg19 : memref<!tpu.dma_semaphore, #tpu.memory_space<semaphore_mem>>) src(%dma_wait3A_699 : memref<1048576x32xf32, #tpu.memory_space<hbm>>) dst(%dma_wait3A_696 : memref<16x32xf32, #tpu.memory_space<vmem>>)
        %dma_wait3A_700 = arith.constant 64 : i32
        %dma_wait3A_701 = arith.constant 0 : i32
        %dma_wait3A_702 = tpu.memref_slice %arg18[%dma_wait3A_700, %dma_wait3A_701] : memref<128x32xf32, #tpu.memory_space<vmem>> -> memref<16x32xf32, #tpu.memory_space<vmem>>
        %dma_wait3A_703 = arith.constant 0 : i32
        %dma_wait3A_704 = arith.constant 0 : i32
        %dma_wait3A_705 = tpu.memref_slice %arg2[%dma_wait3A_703, %dma_wait3A_704] : memref<1048576x32xf32, #tpu.memory_space<hbm>> -> memref<1048576x32xf32, #tpu.memory_space<hbm>>
        tpu.wait_indirect_dma semaphore(%arg19 : memref<!tpu.dma_semaphore, #tpu.memory_space<semaphore_mem>>) src(%dma_wait3A_705 : memref<1048576x32xf32, #tpu.memory_space<hbm>>) dst(%dma_wait3A_702 : memref<16x32xf32, #tpu.memory_space<vmem>>)
        %dma_wait3A_706 = arith.constant 80 : i32
        %dma_wait3A_707 = arith.constant 0 : i32
        %dma_wait3A_708 = tpu.memref_slice %arg18[%dma_wait3A_706, %dma_wait3A_707] : memref<128x32xf32, #tpu.memory_space<vmem>> -> memref<16x32xf32, #tpu.memory_space<vmem>>
        %dma_wait3A_709 = arith.constant 0 : i32
        %dma_wait3A_710 = arith.constant 0 : i32
        %dma_wait3A_711 = tpu.memref_slice %arg2[%dma_wait3A_709, %dma_wait3A_710] : memref<1048576x32xf32, #tpu.memory_space<hbm>> -> memref<1048576x32xf32, #tpu.memory_space<hbm>>
        tpu.wait_indirect_dma semaphore(%arg19 : memref<!tpu.dma_semaphore, #tpu.memory_space<semaphore_mem>>) src(%dma_wait3A_711 : memref<1048576x32xf32, #tpu.memory_space<hbm>>) dst(%dma_wait3A_708 : memref<16x32xf32, #tpu.memory_space<vmem>>)
        %dma_wait3A_712 = arith.constant 96 : i32
        %dma_wait3A_713 = arith.constant 0 : i32
        %dma_wait3A_714 = tpu.memref_slice %arg18[%dma_wait3A_712, %dma_wait3A_713] : memref<128x32xf32, #tpu.memory_space<vmem>> -> memref<16x32xf32, #tpu.memory_space<vmem>>
        %dma_wait3A_715 = arith.constant 0 : i32
        %dma_wait3A_716 = arith.constant 0 : i32
        %dma_wait3A_717 = tpu.memref_slice %arg2[%dma_wait3A_715, %dma_wait3A_716] : memref<1048576x32xf32, #tpu.memory_space<hbm>> -> memref<1048576x32xf32, #tpu.memory_space<hbm>>
        tpu.wait_indirect_dma semaphore(%arg19 : memref<!tpu.dma_semaphore, #tpu.memory_space<semaphore_mem>>) src(%dma_wait3A_717 : memref<1048576x32xf32, #tpu.memory_space<hbm>>) dst(%dma_wait3A_714 : memref<16x32xf32, #tpu.memory_space<vmem>>)
        %dma_wait3A_718 = arith.constant 112 : i32
        %dma_wait3A_719 = arith.constant 0 : i32
        %dma_wait3A_720 = tpu.memref_slice %arg18[%dma_wait3A_718, %dma_wait3A_719] : memref<128x32xf32, #tpu.memory_space<vmem>> -> memref<16x32xf32, #tpu.memory_space<vmem>>
        %dma_wait3A_721 = arith.constant 0 : i32
        %dma_wait3A_722 = arith.constant 0 : i32
        %dma_wait3A_723 = tpu.memref_slice %arg2[%dma_wait3A_721, %dma_wait3A_722] : memref<1048576x32xf32, #tpu.memory_space<hbm>> -> memref<1048576x32xf32, #tpu.memory_space<hbm>>
        tpu.wait_indirect_dma semaphore(%arg19 : memref<!tpu.dma_semaphore, #tpu.memory_space<semaphore_mem>>) src(%dma_wait3A_723 : memref<1048576x32xf32, #tpu.memory_space<hbm>>) dst(%dma_wait3A_720 : memref<16x32xf32, #tpu.memory_space<vmem>>)
        %add3A_724 = arith.constant 0 : i32
        %add3A_725 = arith.addi %mul3A_598, %add3A_724 : i32
        %get3A_726 = arith.index_cast %add3A_725 : i32 to index
        %get3A_727 = tpu.vector_load %arg14[%get3A_726] {strides = array<i32>} : memref<2192xi32, #tpu.memory_space<vmem>>, vector<16xi32>,
        %dma_start3A_728 = arith.constant 0 : i32
        %dma_start3A_729 = arith.constant 0 : i32
        %dma_start3A_730 = tpu.memref_slice %arg18[%dma_start3A_728, %dma_start3A_729] : memref<128x32xf32, #tpu.memory_space<vmem>> -> memref<16x32xf32, #tpu.memory_space<vmem>>
        %dma_start3A_731 = arith.constant 0 : i32
        %dma_start3A_732 = arith.constant 0 : i32
        %dma_start3A_733 = tpu.memref_slice %arg8[%dma_start3A_731, %dma_start3A_732] : memref<49168x32xf32, #tpu.memory_space<vmem_shared>> -> memref<49168x32xf32, #tpu.memory_space<vmem_shared>>
        tpu.enqueue_indirect_dma source(%dma_start3A_730 : memref<16x32xf32, #tpu.memory_space<vmem>>) target(%dma_start3A_733 : memref<49168x32xf32, #tpu.memory_space<vmem_shared>>) offsets(%get3A_727 : vector<16xi32>) semaphore(%arg20 : memref<!tpu.dma_semaphore, #tpu.memory_space<semaphore_mem>>) {add = true}
        %add3A_734 = arith.constant 0 : i32
        %add3A_735 = arith.addi %mul3A_598, %add3A_734 : i32
        %dma_start3A_736 = tpu.memref_slice %arg16[%add3A_735] : memref<2192xf32, #tpu.memory_space<vmem>> -> memref<16xf32, #tpu.memory_space<vmem>>
        %dma_start3A_737 = arith.constant 0 : i32
        %dma_start3A_738 = tpu.memref_slice %arg9[%dma_start3A_737] : memref<49168xf32, #tpu.memory_space<vmem_shared>> -> memref<49168xf32, #tpu.memory_space<vmem_shared>>
        tpu.enqueue_indirect_dma source(%dma_start3A_736 : memref<16xf32, #tpu.memory_space<vmem>>) target(%dma_start3A_738 : memref<49168xf32, #tpu.memory_space<vmem_shared>>) offsets(%get3A_727 : vector<16xi32>) semaphore(%arg20 : memref<!tpu.dma_semaphore, #tpu.memory_space<semaphore_mem>>) {add = true}
        %add3A_739 = arith.constant 0 : i32
        %add3A_740 = arith.addi %mul3A_598, %add3A_739 : i32
        %dma_start3A_741 = tpu.memref_slice %arg17[%add3A_740] : memref<2192xi32, #tpu.memory_space<vmem>> -> memref<16xi32, #tpu.memory_space<vmem>>
        %dma_start3A_742 = arith.constant 0 : i32
        %dma_start3A_743 = tpu.memref_slice %arg10[%dma_start3A_742] : memref<49168xi32, #tpu.memory_space<vmem_shared>> -> memref<49168xi32, #tpu.memory_space<vmem_shared>>
        tpu.enqueue_indirect_dma source(%dma_start3A_741 : memref<16xi32, #tpu.memory_space<vmem>>) target(%dma_start3A_743 : memref<49168xi32, #tpu.memory_space<vmem_shared>>) offsets(%get3A_727 : vector<16xi32>) semaphore(%arg20 : memref<!tpu.dma_semaphore, #tpu.memory_space<semaphore_mem>>) {add = true}
        %add3A_744 = arith.constant 16 : i32
        %add3A_745 = arith.addi %mul3A_598, %add3A_744 : i32
        %get3A_746 = arith.index_cast %add3A_745 : i32 to index
        %get3A_747 = tpu.vector_load %arg14[%get3A_746] {strides = array<i32>} : memref<2192xi32, #tpu.memory_space<vmem>>, vector<16xi32>,
        %dma_start3A_748 = arith.constant 16 : i32
        %dma_start3A_749 = arith.constant 0 : i32
        %dma_start3A_750 = tpu.memref_slice %arg18[%dma_start3A_748, %dma_start3A_749] : memref<128x32xf32, #tpu.memory_space<vmem>> -> memref<16x32xf32, #tpu.memory_space<vmem>>
        %dma_start3A_751 = arith.constant 0 : i32
        %dma_start3A_752 = arith.constant 0 : i32
        %dma_start3A_753 = tpu.memref_slice %arg8[%dma_start3A_751, %dma_start3A_752] : memref<49168x32xf32, #tpu.memory_space<vmem_shared>> -> memref<49168x32xf32, #tpu.memory_space<vmem_shared>>
        tpu.enqueue_indirect_dma source(%dma_start3A_750 : memref<16x32xf32, #tpu.memory_space<vmem>>) target(%dma_start3A_753 : memref<49168x32xf32, #tpu.memory_space<vmem_shared>>) offsets(%get3A_747 : vector<16xi32>) semaphore(%arg20 : memref<!tpu.dma_semaphore, #tpu.memory_space<semaphore_mem>>) {add = true}
        %add3A_754 = arith.constant 16 : i32
        %add3A_755 = arith.addi %mul3A_598, %add3A_754 : i32
        %dma_start3A_756 = tpu.memref_slice %arg16[%add3A_755] : memref<2192xf32, #tpu.memory_space<vmem>> -> memref<16xf32, #tpu.memory_space<vmem>>
        %dma_start3A_757 = arith.constant 0 : i32
        %dma_start3A_758 = tpu.memref_slice %arg9[%dma_start3A_757] : memref<49168xf32, #tpu.memory_space<vmem_shared>> -> memref<49168xf32, #tpu.memory_space<vmem_shared>>
        tpu.enqueue_indirect_dma source(%dma_start3A_756 : memref<16xf32, #tpu.memory_space<vmem>>) target(%dma_start3A_758 : memref<49168xf32, #tpu.memory_space<vmem_shared>>) offsets(%get3A_747 : vector<16xi32>) semaphore(%arg20 : memref<!tpu.dma_semaphore, #tpu.memory_space<semaphore_mem>>) {add = true}
        %add3A_759 = arith.constant 16 : i32
        %add3A_760 = arith.addi %mul3A_598, %add3A_759 : i32
        %dma_start3A_761 = tpu.memref_slice %arg17[%add3A_760] : memref<2192xi32, #tpu.memory_space<vmem>> -> memref<16xi32, #tpu.memory_space<vmem>>
        %dma_start3A_762 = arith.constant 0 : i32
        %dma_start3A_763 = tpu.memref_slice %arg10[%dma_start3A_762] : memref<49168xi32, #tpu.memory_space<vmem_shared>> -> memref<49168xi32, #tpu.memory_space<vmem_shared>>
        tpu.enqueue_indirect_dma source(%dma_start3A_761 : memref<16xi32, #tpu.memory_space<vmem>>) target(%dma_start3A_763 : memref<49168xi32, #tpu.memory_space<vmem_shared>>) offsets(%get3A_747 : vector<16xi32>) semaphore(%arg20 : memref<!tpu.dma_semaphore, #tpu.memory_space<semaphore_mem>>) {add = true}
        %add3A_764 = arith.constant 32 : i32
        %add3A_765 = arith.addi %mul3A_598, %add3A_764 : i32
        %get3A_766 = arith.index_cast %add3A_765 : i32 to index
        %get3A_767 = tpu.vector_load %arg14[%get3A_766] {strides = array<i32>} : memref<2192xi32, #tpu.memory_space<vmem>>, vector<16xi32>,
        %dma_start3A_768 = arith.constant 32 : i32
        %dma_start3A_769 = arith.constant 0 : i32
        %dma_start3A_770 = tpu.memref_slice %arg18[%dma_start3A_768, %dma_start3A_769] : memref<128x32xf32, #tpu.memory_space<vmem>> -> memref<16x32xf32, #tpu.memory_space<vmem>>
        %dma_start3A_771 = arith.constant 0 : i32
        %dma_start3A_772 = arith.constant 0 : i32
        %dma_start3A_773 = tpu.memref_slice %arg8[%dma_start3A_771, %dma_start3A_772] : memref<49168x32xf32, #tpu.memory_space<vmem_shared>> -> memref<49168x32xf32, #tpu.memory_space<vmem_shared>>
        tpu.enqueue_indirect_dma source(%dma_start3A_770 : memref<16x32xf32, #tpu.memory_space<vmem>>) target(%dma_start3A_773 : memref<49168x32xf32, #tpu.memory_space<vmem_shared>>) offsets(%get3A_767 : vector<16xi32>) semaphore(%arg20 : memref<!tpu.dma_semaphore, #tpu.memory_space<semaphore_mem>>) {add = true}
        %add3A_774 = arith.constant 32 : i32
        %add3A_775 = arith.addi %mul3A_598, %add3A_774 : i32
        %dma_start3A_776 = tpu.memref_slice %arg16[%add3A_775] : memref<2192xf32, #tpu.memory_space<vmem>> -> memref<16xf32, #tpu.memory_space<vmem>>
        %dma_start3A_777 = arith.constant 0 : i32
        %dma_start3A_778 = tpu.memref_slice %arg9[%dma_start3A_777] : memref<49168xf32, #tpu.memory_space<vmem_shared>> -> memref<49168xf32, #tpu.memory_space<vmem_shared>>
        tpu.enqueue_indirect_dma source(%dma_start3A_776 : memref<16xf32, #tpu.memory_space<vmem>>) target(%dma_start3A_778 : memref<49168xf32, #tpu.memory_space<vmem_shared>>) offsets(%get3A_767 : vector<16xi32>) semaphore(%arg20 : memref<!tpu.dma_semaphore, #tpu.memory_space<semaphore_mem>>) {add = true}
        %add3A_779 = arith.constant 32 : i32
        %add3A_780 = arith.addi %mul3A_598, %add3A_779 : i32
        %dma_start3A_781 = tpu.memref_slice %arg17[%add3A_780] : memref<2192xi32, #tpu.memory_space<vmem>> -> memref<16xi32, #tpu.memory_space<vmem>>
        %dma_start3A_782 = arith.constant 0 : i32
        %dma_start3A_783 = tpu.memref_slice %arg10[%dma_start3A_782] : memref<49168xi32, #tpu.memory_space<vmem_shared>> -> memref<49168xi32, #tpu.memory_space<vmem_shared>>
        tpu.enqueue_indirect_dma source(%dma_start3A_781 : memref<16xi32, #tpu.memory_space<vmem>>) target(%dma_start3A_783 : memref<49168xi32, #tpu.memory_space<vmem_shared>>) offsets(%get3A_767 : vector<16xi32>) semaphore(%arg20 : memref<!tpu.dma_semaphore, #tpu.memory_space<semaphore_mem>>) {add = true}
        %add3A_784 = arith.constant 48 : i32
        %add3A_785 = arith.addi %mul3A_598, %add3A_784 : i32
        %get3A_786 = arith.index_cast %add3A_785 : i32 to index
        %get3A_787 = tpu.vector_load %arg14[%get3A_786] {strides = array<i32>} : memref<2192xi32, #tpu.memory_space<vmem>>, vector<16xi32>,
        %dma_start3A_788 = arith.constant 48 : i32
        %dma_start3A_789 = arith.constant 0 : i32
        %dma_start3A_790 = tpu.memref_slice %arg18[%dma_start3A_788, %dma_start3A_789] : memref<128x32xf32, #tpu.memory_space<vmem>> -> memref<16x32xf32, #tpu.memory_space<vmem>>
        %dma_start3A_791 = arith.constant 0 : i32
        %dma_start3A_792 = arith.constant 0 : i32
        %dma_start3A_793 = tpu.memref_slice %arg8[%dma_start3A_791, %dma_start3A_792] : memref<49168x32xf32, #tpu.memory_space<vmem_shared>> -> memref<49168x32xf32, #tpu.memory_space<vmem_shared>>
        tpu.enqueue_indirect_dma source(%dma_start3A_790 : memref<16x32xf32, #tpu.memory_space<vmem>>) target(%dma_start3A_793 : memref<49168x32xf32, #tpu.memory_space<vmem_shared>>) offsets(%get3A_787 : vector<16xi32>) semaphore(%arg20 : memref<!tpu.dma_semaphore, #tpu.memory_space<semaphore_mem>>) {add = true}
        %add3A_794 = arith.constant 48 : i32
        %add3A_795 = arith.addi %mul3A_598, %add3A_794 : i32
        %dma_start3A_796 = tpu.memref_slice %arg16[%add3A_795] : memref<2192xf32, #tpu.memory_space<vmem>> -> memref<16xf32, #tpu.memory_space<vmem>>
        %dma_start3A_797 = arith.constant 0 : i32
        %dma_start3A_798 = tpu.memref_slice %arg9[%dma_start3A_797] : memref<49168xf32, #tpu.memory_space<vmem_shared>> -> memref<49168xf32, #tpu.memory_space<vmem_shared>>
        tpu.enqueue_indirect_dma source(%dma_start3A_796 : memref<16xf32, #tpu.memory_space<vmem>>) target(%dma_start3A_798 : memref<49168xf32, #tpu.memory_space<vmem_shared>>) offsets(%get3A_787 : vector<16xi32>) semaphore(%arg20 : memref<!tpu.dma_semaphore, #tpu.memory_space<semaphore_mem>>) {add = true}
        %add3A_799 = arith.constant 48 : i32
        %add3A_800 = arith.addi %mul3A_598, %add3A_799 : i32
        %dma_start3A_801 = tpu.memref_slice %arg17[%add3A_800] : memref<2192xi32, #tpu.memory_space<vmem>> -> memref<16xi32, #tpu.memory_space<vmem>>
        %dma_start3A_802 = arith.constant 0 : i32
        %dma_start3A_803 = tpu.memref_slice %arg10[%dma_start3A_802] : memref<49168xi32, #tpu.memory_space<vmem_shared>> -> memref<49168xi32, #tpu.memory_space<vmem_shared>>
        tpu.enqueue_indirect_dma source(%dma_start3A_801 : memref<16xi32, #tpu.memory_space<vmem>>) target(%dma_start3A_803 : memref<49168xi32, #tpu.memory_space<vmem_shared>>) offsets(%get3A_787 : vector<16xi32>) semaphore(%arg20 : memref<!tpu.dma_semaphore, #tpu.memory_space<semaphore_mem>>) {add = true}
        %add3A_804 = arith.constant 64 : i32
        %add3A_805 = arith.addi %mul3A_598, %add3A_804 : i32
        %get3A_806 = arith.index_cast %add3A_805 : i32 to index
        %get3A_807 = tpu.vector_load %arg14[%get3A_806] {strides = array<i32>} : memref<2192xi32, #tpu.memory_space<vmem>>, vector<16xi32>,
        %dma_start3A_808 = arith.constant 64 : i32
        %dma_start3A_809 = arith.constant 0 : i32
        %dma_start3A_810 = tpu.memref_slice %arg18[%dma_start3A_808, %dma_start3A_809] : memref<128x32xf32, #tpu.memory_space<vmem>> -> memref<16x32xf32, #tpu.memory_space<vmem>>
        %dma_start3A_811 = arith.constant 0 : i32
        %dma_start3A_812 = arith.constant 0 : i32
        %dma_start3A_813 = tpu.memref_slice %arg8[%dma_start3A_811, %dma_start3A_812] : memref<49168x32xf32, #tpu.memory_space<vmem_shared>> -> memref<49168x32xf32, #tpu.memory_space<vmem_shared>>
        tpu.enqueue_indirect_dma source(%dma_start3A_810 : memref<16x32xf32, #tpu.memory_space<vmem>>) target(%dma_start3A_813 : memref<49168x32xf32, #tpu.memory_space<vmem_shared>>) offsets(%get3A_807 : vector<16xi32>) semaphore(%arg20 : memref<!tpu.dma_semaphore, #tpu.memory_space<semaphore_mem>>) {add = true}
        %add3A_814 = arith.constant 64 : i32
        %add3A_815 = arith.addi %mul3A_598, %add3A_814 : i32
        %dma_start3A_816 = tpu.memref_slice %arg16[%add3A_815] : memref<2192xf32, #tpu.memory_space<vmem>> -> memref<16xf32, #tpu.memory_space<vmem>>
        %dma_start3A_817 = arith.constant 0 : i32
        %dma_start3A_818 = tpu.memref_slice %arg9[%dma_start3A_817] : memref<49168xf32, #tpu.memory_space<vmem_shared>> -> memref<49168xf32, #tpu.memory_space<vmem_shared>>
        tpu.enqueue_indirect_dma source(%dma_start3A_816 : memref<16xf32, #tpu.memory_space<vmem>>) target(%dma_start3A_818 : memref<49168xf32, #tpu.memory_space<vmem_shared>>) offsets(%get3A_807 : vector<16xi32>) semaphore(%arg20 : memref<!tpu.dma_semaphore, #tpu.memory_space<semaphore_mem>>) {add = true}
        %add3A_819 = arith.constant 64 : i32
        %add3A_820 = arith.addi %mul3A_598, %add3A_819 : i32
        %dma_start3A_821 = tpu.memref_slice %arg17[%add3A_820] : memref<2192xi32, #tpu.memory_space<vmem>> -> memref<16xi32, #tpu.memory_space<vmem>>
        %dma_start3A_822 = arith.constant 0 : i32
        %dma_start3A_823 = tpu.memref_slice %arg10[%dma_start3A_822] : memref<49168xi32, #tpu.memory_space<vmem_shared>> -> memref<49168xi32, #tpu.memory_space<vmem_shared>>
        tpu.enqueue_indirect_dma source(%dma_start3A_821 : memref<16xi32, #tpu.memory_space<vmem>>) target(%dma_start3A_823 : memref<49168xi32, #tpu.memory_space<vmem_shared>>) offsets(%get3A_807 : vector<16xi32>) semaphore(%arg20 : memref<!tpu.dma_semaphore, #tpu.memory_space<semaphore_mem>>) {add = true}
        %add3A_824 = arith.constant 80 : i32
        %add3A_825 = arith.addi %mul3A_598, %add3A_824 : i32
        %get3A_826 = arith.index_cast %add3A_825 : i32 to index
        %get3A_827 = tpu.vector_load %arg14[%get3A_826] {strides = array<i32>} : memref<2192xi32, #tpu.memory_space<vmem>>, vector<16xi32>,
        %dma_start3A_828 = arith.constant 80 : i32
        %dma_start3A_829 = arith.constant 0 : i32
        %dma_start3A_830 = tpu.memref_slice %arg18[%dma_start3A_828, %dma_start3A_829] : memref<128x32xf32, #tpu.memory_space<vmem>> -> memref<16x32xf32, #tpu.memory_space<vmem>>
        %dma_start3A_831 = arith.constant 0 : i32
        %dma_start3A_832 = arith.constant 0 : i32
        %dma_start3A_833 = tpu.memref_slice %arg8[%dma_start3A_831, %dma_start3A_832] : memref<49168x32xf32, #tpu.memory_space<vmem_shared>> -> memref<49168x32xf32, #tpu.memory_space<vmem_shared>>
        tpu.enqueue_indirect_dma source(%dma_start3A_830 : memref<16x32xf32, #tpu.memory_space<vmem>>) target(%dma_start3A_833 : memref<49168x32xf32, #tpu.memory_space<vmem_shared>>) offsets(%get3A_827 : vector<16xi32>) semaphore(%arg20 : memref<!tpu.dma_semaphore, #tpu.memory_space<semaphore_mem>>) {add = true}
        %add3A_834 = arith.constant 80 : i32
        %add3A_835 = arith.addi %mul3A_598, %add3A_834 : i32
        %dma_start3A_836 = tpu.memref_slice %arg16[%add3A_835] : memref<2192xf32, #tpu.memory_space<vmem>> -> memref<16xf32, #tpu.memory_space<vmem>>
        %dma_start3A_837 = arith.constant 0 : i32
        %dma_start3A_838 = tpu.memref_slice %arg9[%dma_start3A_837] : memref<49168xf32, #tpu.memory_space<vmem_shared>> -> memref<49168xf32, #tpu.memory_space<vmem_shared>>
        tpu.enqueue_indirect_dma source(%dma_start3A_836 : memref<16xf32, #tpu.memory_space<vmem>>) target(%dma_start3A_838 : memref<49168xf32, #tpu.memory_space<vmem_shared>>) offsets(%get3A_827 : vector<16xi32>) semaphore(%arg20 : memref<!tpu.dma_semaphore, #tpu.memory_space<semaphore_mem>>) {add = true}
        %add3A_839 = arith.constant 80 : i32
        %add3A_840 = arith.addi %mul3A_598, %add3A_839 : i32
        %dma_start3A_841 = tpu.memref_slice %arg17[%add3A_840] : memref<2192xi32, #tpu.memory_space<vmem>> -> memref<16xi32, #tpu.memory_space<vmem>>
        %dma_start3A_842 = arith.constant 0 : i32
        %dma_start3A_843 = tpu.memref_slice %arg10[%dma_start3A_842] : memref<49168xi32, #tpu.memory_space<vmem_shared>> -> memref<49168xi32, #tpu.memory_space<vmem_shared>>
        tpu.enqueue_indirect_dma source(%dma_start3A_841 : memref<16xi32, #tpu.memory_space<vmem>>) target(%dma_start3A_843 : memref<49168xi32, #tpu.memory_space<vmem_shared>>) offsets(%get3A_827 : vector<16xi32>) semaphore(%arg20 : memref<!tpu.dma_semaphore, #tpu.memory_space<semaphore_mem>>) {add = true}
        %add3A_844 = arith.constant 96 : i32
        %add3A_845 = arith.addi %mul3A_598, %add3A_844 : i32
        %get3A_846 = arith.index_cast %add3A_845 : i32 to index
        %get3A_847 = tpu.vector_load %arg14[%get3A_846] {strides = array<i32>} : memref<2192xi32, #tpu.memory_space<vmem>>, vector<16xi32>,
        %dma_start3A_848 = arith.constant 96 : i32
        %dma_start3A_849 = arith.constant 0 : i32
        %dma_start3A_850 = tpu.memref_slice %arg18[%dma_start3A_848, %dma_start3A_849] : memref<128x32xf32, #tpu.memory_space<vmem>> -> memref<16x32xf32, #tpu.memory_space<vmem>>
        %dma_start3A_851 = arith.constant 0 : i32
        %dma_start3A_852 = arith.constant 0 : i32
        %dma_start3A_853 = tpu.memref_slice %arg8[%dma_start3A_851, %dma_start3A_852] : memref<49168x32xf32, #tpu.memory_space<vmem_shared>> -> memref<49168x32xf32, #tpu.memory_space<vmem_shared>>
        tpu.enqueue_indirect_dma source(%dma_start3A_850 : memref<16x32xf32, #tpu.memory_space<vmem>>) target(%dma_start3A_853 : memref<49168x32xf32, #tpu.memory_space<vmem_shared>>) offsets(%get3A_847 : vector<16xi32>) semaphore(%arg20 : memref<!tpu.dma_semaphore, #tpu.memory_space<semaphore_mem>>) {add = true}
        %add3A_854 = arith.constant 96 : i32
        %add3A_855 = arith.addi %mul3A_598, %add3A_854 : i32
        %dma_start3A_856 = tpu.memref_slice %arg16[%add3A_855] : memref<2192xf32, #tpu.memory_space<vmem>> -> memref<16xf32, #tpu.memory_space<vmem>>
        %dma_start3A_857 = arith.constant 0 : i32
        %dma_start3A_858 = tpu.memref_slice %arg9[%dma_start3A_857] : memref<49168xf32, #tpu.memory_space<vmem_shared>> -> memref<49168xf32, #tpu.memory_space<vmem_shared>>
        tpu.enqueue_indirect_dma source(%dma_start3A_856 : memref<16xf32, #tpu.memory_space<vmem>>) target(%dma_start3A_858 : memref<49168xf32, #tpu.memory_space<vmem_shared>>) offsets(%get3A_847 : vector<16xi32>) semaphore(%arg20 : memref<!tpu.dma_semaphore, #tpu.memory_space<semaphore_mem>>) {add = true}
        %add3A_859 = arith.constant 96 : i32
        %add3A_860 = arith.addi %mul3A_598, %add3A_859 : i32
        %dma_start3A_861 = tpu.memref_slice %arg17[%add3A_860] : memref<2192xi32, #tpu.memory_space<vmem>> -> memref<16xi32, #tpu.memory_space<vmem>>
        %dma_start3A_862 = arith.constant 0 : i32
        %dma_start3A_863 = tpu.memref_slice %arg10[%dma_start3A_862] : memref<49168xi32, #tpu.memory_space<vmem_shared>> -> memref<49168xi32, #tpu.memory_space<vmem_shared>>
        tpu.enqueue_indirect_dma source(%dma_start3A_861 : memref<16xi32, #tpu.memory_space<vmem>>) target(%dma_start3A_863 : memref<49168xi32, #tpu.memory_space<vmem_shared>>) offsets(%get3A_847 : vector<16xi32>) semaphore(%arg20 : memref<!tpu.dma_semaphore, #tpu.memory_space<semaphore_mem>>) {add = true}
        %add3A_864 = arith.constant 112 : i32
        %add3A_865 = arith.addi %mul3A_598, %add3A_864 : i32
        %get3A_866 = arith.index_cast %add3A_865 : i32 to index
        %get3A_867 = tpu.vector_load %arg14[%get3A_866] {strides = array<i32>} : memref<2192xi32, #tpu.memory_space<vmem>>, vector<16xi32>,
        %dma_start3A_868 = arith.constant 112 : i32
        %dma_start3A_869 = arith.constant 0 : i32
        %dma_start3A_870 = tpu.memref_slice %arg18[%dma_start3A_868, %dma_start3A_869] : memref<128x32xf32, #tpu.memory_space<vmem>> -> memref<16x32xf32, #tpu.memory_space<vmem>>
        %dma_start3A_871 = arith.constant 0 : i32
        %dma_start3A_872 = arith.constant 0 : i32
        %dma_start3A_873 = tpu.memref_slice %arg8[%dma_start3A_871, %dma_start3A_872] : memref<49168x32xf32, #tpu.memory_space<vmem_shared>> -> memref<49168x32xf32, #tpu.memory_space<vmem_shared>>
        tpu.enqueue_indirect_dma source(%dma_start3A_870 : memref<16x32xf32, #tpu.memory_space<vmem>>) target(%dma_start3A_873 : memref<49168x32xf32, #tpu.memory_space<vmem_shared>>) offsets(%get3A_867 : vector<16xi32>) semaphore(%arg20 : memref<!tpu.dma_semaphore, #tpu.memory_space<semaphore_mem>>) {add = true}
        %add3A_874 = arith.constant 112 : i32
        %add3A_875 = arith.addi %mul3A_598, %add3A_874 : i32
        %dma_start3A_876 = tpu.memref_slice %arg16[%add3A_875] : memref<2192xf32, #tpu.memory_space<vmem>> -> memref<16xf32, #tpu.memory_space<vmem>>
        %dma_start3A_877 = arith.constant 0 : i32
        %dma_start3A_878 = tpu.memref_slice %arg9[%dma_start3A_877] : memref<49168xf32, #tpu.memory_space<vmem_shared>> -> memref<49168xf32, #tpu.memory_space<vmem_shared>>
        tpu.enqueue_indirect_dma source(%dma_start3A_876 : memref<16xf32, #tpu.memory_space<vmem>>) target(%dma_start3A_878 : memref<49168xf32, #tpu.memory_space<vmem_shared>>) offsets(%get3A_867 : vector<16xi32>) semaphore(%arg20 : memref<!tpu.dma_semaphore, #tpu.memory_space<semaphore_mem>>) {add = true}
        %add3A_879 = arith.constant 112 : i32
        %add3A_880 = arith.addi %mul3A_598, %add3A_879 : i32
        %dma_start3A_881 = tpu.memref_slice %arg17[%add3A_880] : memref<2192xi32, #tpu.memory_space<vmem>> -> memref<16xi32, #tpu.memory_space<vmem>>
        %dma_start3A_882 = arith.constant 0 : i32
        %dma_start3A_883 = tpu.memref_slice %arg10[%dma_start3A_882] : memref<49168xi32, #tpu.memory_space<vmem_shared>> -> memref<49168xi32, #tpu.memory_space<vmem_shared>>
        tpu.enqueue_indirect_dma source(%dma_start3A_881 : memref<16xi32, #tpu.memory_space<vmem>>) target(%dma_start3A_883 : memref<49168xi32, #tpu.memory_space<vmem_shared>>) offsets(%get3A_867 : vector<16xi32>) semaphore(%arg20 : memref<!tpu.dma_semaphore, #tpu.memory_space<semaphore_mem>>) {add = true}
        %dma_wait3A_884 = arith.constant 0 : i32
        %dma_wait3A_885 = arith.constant 0 : i32
        %dma_wait3A_886 = tpu.memref_slice %arg18[%dma_wait3A_884, %dma_wait3A_885] : memref<128x32xf32, #tpu.memory_space<vmem>> -> memref<16x32xf32, #tpu.memory_space<vmem>>
        %dma_wait3A_887 = arith.constant 0 : i32
        %dma_wait3A_888 = arith.constant 0 : i32
        %dma_wait3A_889 = tpu.memref_slice %arg8[%dma_wait3A_887, %dma_wait3A_888] : memref<49168x32xf32, #tpu.memory_space<vmem_shared>> -> memref<49168x32xf32, #tpu.memory_space<vmem_shared>>
        tpu.wait_indirect_dma semaphore(%arg20 : memref<!tpu.dma_semaphore, #tpu.memory_space<semaphore_mem>>) src(%dma_wait3A_886 : memref<16x32xf32, #tpu.memory_space<vmem>>) dst(%dma_wait3A_889 : memref<49168x32xf32, #tpu.memory_space<vmem_shared>>)
        %dma_wait3A_890 = tpu.memref_slice %arg16[%add3A_735] : memref<2192xf32, #tpu.memory_space<vmem>> -> memref<16xf32, #tpu.memory_space<vmem>>
        %dma_wait3A_891 = arith.constant 0 : i32
        %dma_wait3A_892 = tpu.memref_slice %arg9[%dma_wait3A_891] : memref<49168xf32, #tpu.memory_space<vmem_shared>> -> memref<49168xf32, #tpu.memory_space<vmem_shared>>
        tpu.wait_indirect_dma semaphore(%arg20 : memref<!tpu.dma_semaphore, #tpu.memory_space<semaphore_mem>>) src(%dma_wait3A_890 : memref<16xf32, #tpu.memory_space<vmem>>) dst(%dma_wait3A_892 : memref<49168xf32, #tpu.memory_space<vmem_shared>>)
        %dma_wait3A_893 = tpu.memref_slice %arg17[%add3A_740] : memref<2192xi32, #tpu.memory_space<vmem>> -> memref<16xi32, #tpu.memory_space<vmem>>
        %dma_wait3A_894 = arith.constant 0 : i32
        %dma_wait3A_895 = tpu.memref_slice %arg10[%dma_wait3A_894] : memref<49168xi32, #tpu.memory_space<vmem_shared>> -> memref<49168xi32, #tpu.memory_space<vmem_shared>>
        tpu.wait_indirect_dma semaphore(%arg20 : memref<!tpu.dma_semaphore, #tpu.memory_space<semaphore_mem>>) src(%dma_wait3A_893 : memref<16xi32, #tpu.memory_space<vmem>>) dst(%dma_wait3A_895 : memref<49168xi32, #tpu.memory_space<vmem_shared>>)
        %dma_wait3A_896 = arith.constant 16 : i32
        %dma_wait3A_897 = arith.constant 0 : i32
        %dma_wait3A_898 = tpu.memref_slice %arg18[%dma_wait3A_896, %dma_wait3A_897] : memref<128x32xf32, #tpu.memory_space<vmem>> -> memref<16x32xf32, #tpu.memory_space<vmem>>
        %dma_wait3A_899 = arith.constant 0 : i32
        %dma_wait3A_900 = arith.constant 0 : i32
        %dma_wait3A_901 = tpu.memref_slice %arg8[%dma_wait3A_899, %dma_wait3A_900] : memref<49168x32xf32, #tpu.memory_space<vmem_shared>> -> memref<49168x32xf32, #tpu.memory_space<vmem_shared>>
        tpu.wait_indirect_dma semaphore(%arg20 : memref<!tpu.dma_semaphore, #tpu.memory_space<semaphore_mem>>) src(%dma_wait3A_898 : memref<16x32xf32, #tpu.memory_space<vmem>>) dst(%dma_wait3A_901 : memref<49168x32xf32, #tpu.memory_space<vmem_shared>>)
        %dma_wait3A_902 = tpu.memref_slice %arg16[%add3A_755] : memref<2192xf32, #tpu.memory_space<vmem>> -> memref<16xf32, #tpu.memory_space<vmem>>
        %dma_wait3A_903 = arith.constant 0 : i32
        %dma_wait3A_904 = tpu.memref_slice %arg9[%dma_wait3A_903] : memref<49168xf32, #tpu.memory_space<vmem_shared>> -> memref<49168xf32, #tpu.memory_space<vmem_shared>>
        tpu.wait_indirect_dma semaphore(%arg20 : memref<!tpu.dma_semaphore, #tpu.memory_space<semaphore_mem>>) src(%dma_wait3A_902 : memref<16xf32, #tpu.memory_space<vmem>>) dst(%dma_wait3A_904 : memref<49168xf32, #tpu.memory_space<vmem_shared>>)
        %dma_wait3A_905 = tpu.memref_slice %arg17[%add3A_760] : memref<2192xi32, #tpu.memory_space<vmem>> -> memref<16xi32, #tpu.memory_space<vmem>>
        %dma_wait3A_906 = arith.constant 0 : i32
        %dma_wait3A_907 = tpu.memref_slice %arg10[%dma_wait3A_906] : memref<49168xi32, #tpu.memory_space<vmem_shared>> -> memref<49168xi32, #tpu.memory_space<vmem_shared>>
        tpu.wait_indirect_dma semaphore(%arg20 : memref<!tpu.dma_semaphore, #tpu.memory_space<semaphore_mem>>) src(%dma_wait3A_905 : memref<16xi32, #tpu.memory_space<vmem>>) dst(%dma_wait3A_907 : memref<49168xi32, #tpu.memory_space<vmem_shared>>)
        %dma_wait3A_908 = arith.constant 32 : i32
        %dma_wait3A_909 = arith.constant 0 : i32
        %dma_wait3A_910 = tpu.memref_slice %arg18[%dma_wait3A_908, %dma_wait3A_909] : memref<128x32xf32, #tpu.memory_space<vmem>> -> memref<16x32xf32, #tpu.memory_space<vmem>>
        %dma_wait3A_911 = arith.constant 0 : i32
        %dma_wait3A_912 = arith.constant 0 : i32
        %dma_wait3A_913 = tpu.memref_slice %arg8[%dma_wait3A_911, %dma_wait3A_912] : memref<49168x32xf32, #tpu.memory_space<vmem_shared>> -> memref<49168x32xf32, #tpu.memory_space<vmem_shared>>
        tpu.wait_indirect_dma semaphore(%arg20 : memref<!tpu.dma_semaphore, #tpu.memory_space<semaphore_mem>>) src(%dma_wait3A_910 : memref<16x32xf32, #tpu.memory_space<vmem>>) dst(%dma_wait3A_913 : memref<49168x32xf32, #tpu.memory_space<vmem_shared>>)
        %dma_wait3A_914 = tpu.memref_slice %arg16[%add3A_775] : memref<2192xf32, #tpu.memory_space<vmem>> -> memref<16xf32, #tpu.memory_space<vmem>>
        %dma_wait3A_915 = arith.constant 0 : i32
        %dma_wait3A_916 = tpu.memref_slice %arg9[%dma_wait3A_915] : memref<49168xf32, #tpu.memory_space<vmem_shared>> -> memref<49168xf32, #tpu.memory_space<vmem_shared>>
        tpu.wait_indirect_dma semaphore(%arg20 : memref<!tpu.dma_semaphore, #tpu.memory_space<semaphore_mem>>) src(%dma_wait3A_914 : memref<16xf32, #tpu.memory_space<vmem>>) dst(%dma_wait3A_916 : memref<49168xf32, #tpu.memory_space<vmem_shared>>)
        %dma_wait3A_917 = tpu.memref_slice %arg17[%add3A_780] : memref<2192xi32, #tpu.memory_space<vmem>> -> memref<16xi32, #tpu.memory_space<vmem>>
        %dma_wait3A_918 = arith.constant 0 : i32
        %dma_wait3A_919 = tpu.memref_slice %arg10[%dma_wait3A_918] : memref<49168xi32, #tpu.memory_space<vmem_shared>> -> memref<49168xi32, #tpu.memory_space<vmem_shared>>
        tpu.wait_indirect_dma semaphore(%arg20 : memref<!tpu.dma_semaphore, #tpu.memory_space<semaphore_mem>>) src(%dma_wait3A_917 : memref<16xi32, #tpu.memory_space<vmem>>) dst(%dma_wait3A_919 : memref<49168xi32, #tpu.memory_space<vmem_shared>>)
        %dma_wait3A_920 = arith.constant 48 : i32
        %dma_wait3A_921 = arith.constant 0 : i32
        %dma_wait3A_922 = tpu.memref_slice %arg18[%dma_wait3A_920, %dma_wait3A_921] : memref<128x32xf32, #tpu.memory_space<vmem>> -> memref<16x32xf32, #tpu.memory_space<vmem>>
        %dma_wait3A_923 = arith.constant 0 : i32
        %dma_wait3A_924 = arith.constant 0 : i32
        %dma_wait3A_925 = tpu.memref_slice %arg8[%dma_wait3A_923, %dma_wait3A_924] : memref<49168x32xf32, #tpu.memory_space<vmem_shared>> -> memref<49168x32xf32, #tpu.memory_space<vmem_shared>>
        tpu.wait_indirect_dma semaphore(%arg20 : memref<!tpu.dma_semaphore, #tpu.memory_space<semaphore_mem>>) src(%dma_wait3A_922 : memref<16x32xf32, #tpu.memory_space<vmem>>) dst(%dma_wait3A_925 : memref<49168x32xf32, #tpu.memory_space<vmem_shared>>)
        %dma_wait3A_926 = tpu.memref_slice %arg16[%add3A_795] : memref<2192xf32, #tpu.memory_space<vmem>> -> memref<16xf32, #tpu.memory_space<vmem>>
        %dma_wait3A_927 = arith.constant 0 : i32
        %dma_wait3A_928 = tpu.memref_slice %arg9[%dma_wait3A_927] : memref<49168xf32, #tpu.memory_space<vmem_shared>> -> memref<49168xf32, #tpu.memory_space<vmem_shared>>
        tpu.wait_indirect_dma semaphore(%arg20 : memref<!tpu.dma_semaphore, #tpu.memory_space<semaphore_mem>>) src(%dma_wait3A_926 : memref<16xf32, #tpu.memory_space<vmem>>) dst(%dma_wait3A_928 : memref<49168xf32, #tpu.memory_space<vmem_shared>>)
        %dma_wait3A_929 = tpu.memref_slice %arg17[%add3A_800] : memref<2192xi32, #tpu.memory_space<vmem>> -> memref<16xi32, #tpu.memory_space<vmem>>
        %dma_wait3A_930 = arith.constant 0 : i32
        %dma_wait3A_931 = tpu.memref_slice %arg10[%dma_wait3A_930] : memref<49168xi32, #tpu.memory_space<vmem_shared>> -> memref<49168xi32, #tpu.memory_space<vmem_shared>>
        tpu.wait_indirect_dma semaphore(%arg20 : memref<!tpu.dma_semaphore, #tpu.memory_space<semaphore_mem>>) src(%dma_wait3A_929 : memref<16xi32, #tpu.memory_space<vmem>>) dst(%dma_wait3A_931 : memref<49168xi32, #tpu.memory_space<vmem_shared>>)
        %dma_wait3A_932 = arith.constant 64 : i32
        %dma_wait3A_933 = arith.constant 0 : i32
        %dma_wait3A_934 = tpu.memref_slice %arg18[%dma_wait3A_932, %dma_wait3A_933] : memref<128x32xf32, #tpu.memory_space<vmem>> -> memref<16x32xf32, #tpu.memory_space<vmem>>
        %dma_wait3A_935 = arith.constant 0 : i32
        %dma_wait3A_936 = arith.constant 0 : i32
        %dma_wait3A_937 = tpu.memref_slice %arg8[%dma_wait3A_935, %dma_wait3A_936] : memref<49168x32xf32, #tpu.memory_space<vmem_shared>> -> memref<49168x32xf32, #tpu.memory_space<vmem_shared>>
        tpu.wait_indirect_dma semaphore(%arg20 : memref<!tpu.dma_semaphore, #tpu.memory_space<semaphore_mem>>) src(%dma_wait3A_934 : memref<16x32xf32, #tpu.memory_space<vmem>>) dst(%dma_wait3A_937 : memref<49168x32xf32, #tpu.memory_space<vmem_shared>>)
        %dma_wait3A_938 = tpu.memref_slice %arg16[%add3A_815] : memref<2192xf32, #tpu.memory_space<vmem>> -> memref<16xf32, #tpu.memory_space<vmem>>
        %dma_wait3A_939 = arith.constant 0 : i32
        %dma_wait3A_940 = tpu.memref_slice %arg9[%dma_wait3A_939] : memref<49168xf32, #tpu.memory_space<vmem_shared>> -> memref<49168xf32, #tpu.memory_space<vmem_shared>>
        tpu.wait_indirect_dma semaphore(%arg20 : memref<!tpu.dma_semaphore, #tpu.memory_space<semaphore_mem>>) src(%dma_wait3A_938 : memref<16xf32, #tpu.memory_space<vmem>>) dst(%dma_wait3A_940 : memref<49168xf32, #tpu.memory_space<vmem_shared>>)
        %dma_wait3A_941 = tpu.memref_slice %arg17[%add3A_820] : memref<2192xi32, #tpu.memory_space<vmem>> -> memref<16xi32, #tpu.memory_space<vmem>>
        %dma_wait3A_942 = arith.constant 0 : i32
        %dma_wait3A_943 = tpu.memref_slice %arg10[%dma_wait3A_942] : memref<49168xi32, #tpu.memory_space<vmem_shared>> -> memref<49168xi32, #tpu.memory_space<vmem_shared>>
        tpu.wait_indirect_dma semaphore(%arg20 : memref<!tpu.dma_semaphore, #tpu.memory_space<semaphore_mem>>) src(%dma_wait3A_941 : memref<16xi32, #tpu.memory_space<vmem>>) dst(%dma_wait3A_943 : memref<49168xi32, #tpu.memory_space<vmem_shared>>)
        %dma_wait3A_944 = arith.constant 80 : i32
        %dma_wait3A_945 = arith.constant 0 : i32
        %dma_wait3A_946 = tpu.memref_slice %arg18[%dma_wait3A_944, %dma_wait3A_945] : memref<128x32xf32, #tpu.memory_space<vmem>> -> memref<16x32xf32, #tpu.memory_space<vmem>>
        %dma_wait3A_947 = arith.constant 0 : i32
        %dma_wait3A_948 = arith.constant 0 : i32
        %dma_wait3A_949 = tpu.memref_slice %arg8[%dma_wait3A_947, %dma_wait3A_948] : memref<49168x32xf32, #tpu.memory_space<vmem_shared>> -> memref<49168x32xf32, #tpu.memory_space<vmem_shared>>
        tpu.wait_indirect_dma semaphore(%arg20 : memref<!tpu.dma_semaphore, #tpu.memory_space<semaphore_mem>>) src(%dma_wait3A_946 : memref<16x32xf32, #tpu.memory_space<vmem>>) dst(%dma_wait3A_949 : memref<49168x32xf32, #tpu.memory_space<vmem_shared>>)
        %dma_wait3A_950 = tpu.memref_slice %arg16[%add3A_835] : memref<2192xf32, #tpu.memory_space<vmem>> -> memref<16xf32, #tpu.memory_space<vmem>>
        %dma_wait3A_951 = arith.constant 0 : i32
        %dma_wait3A_952 = tpu.memref_slice %arg9[%dma_wait3A_951] : memref<49168xf32, #tpu.memory_space<vmem_shared>> -> memref<49168xf32, #tpu.memory_space<vmem_shared>>
        tpu.wait_indirect_dma semaphore(%arg20 : memref<!tpu.dma_semaphore, #tpu.memory_space<semaphore_mem>>) src(%dma_wait3A_950 : memref<16xf32, #tpu.memory_space<vmem>>) dst(%dma_wait3A_952 : memref<49168xf32, #tpu.memory_space<vmem_shared>>)
        %dma_wait3A_953 = tpu.memref_slice %arg17[%add3A_840] : memref<2192xi32, #tpu.memory_space<vmem>> -> memref<16xi32, #tpu.memory_space<vmem>>
        %dma_wait3A_954 = arith.constant 0 : i32
        %dma_wait3A_955 = tpu.memref_slice %arg10[%dma_wait3A_954] : memref<49168xi32, #tpu.memory_space<vmem_shared>> -> memref<49168xi32, #tpu.memory_space<vmem_shared>>
        tpu.wait_indirect_dma semaphore(%arg20 : memref<!tpu.dma_semaphore, #tpu.memory_space<semaphore_mem>>) src(%dma_wait3A_953 : memref<16xi32, #tpu.memory_space<vmem>>) dst(%dma_wait3A_955 : memref<49168xi32, #tpu.memory_space<vmem_shared>>)
        %dma_wait3A_956 = arith.constant 96 : i32
        %dma_wait3A_957 = arith.constant 0 : i32
        %dma_wait3A_958 = tpu.memref_slice %arg18[%dma_wait3A_956, %dma_wait3A_957] : memref<128x32xf32, #tpu.memory_space<vmem>> -> memref<16x32xf32, #tpu.memory_space<vmem>>
        %dma_wait3A_959 = arith.constant 0 : i32
        %dma_wait3A_960 = arith.constant 0 : i32
        %dma_wait3A_961 = tpu.memref_slice %arg8[%dma_wait3A_959, %dma_wait3A_960] : memref<49168x32xf32, #tpu.memory_space<vmem_shared>> -> memref<49168x32xf32, #tpu.memory_space<vmem_shared>>
        tpu.wait_indirect_dma semaphore(%arg20 : memref<!tpu.dma_semaphore, #tpu.memory_space<semaphore_mem>>) src(%dma_wait3A_958 : memref<16x32xf32, #tpu.memory_space<vmem>>) dst(%dma_wait3A_961 : memref<49168x32xf32, #tpu.memory_space<vmem_shared>>)
        %dma_wait3A_962 = tpu.memref_slice %arg16[%add3A_855] : memref<2192xf32, #tpu.memory_space<vmem>> -> memref<16xf32, #tpu.memory_space<vmem>>
        %dma_wait3A_963 = arith.constant 0 : i32
        %dma_wait3A_964 = tpu.memref_slice %arg9[%dma_wait3A_963] : memref<49168xf32, #tpu.memory_space<vmem_shared>> -> memref<49168xf32, #tpu.memory_space<vmem_shared>>
        tpu.wait_indirect_dma semaphore(%arg20 : memref<!tpu.dma_semaphore, #tpu.memory_space<semaphore_mem>>) src(%dma_wait3A_962 : memref<16xf32, #tpu.memory_space<vmem>>) dst(%dma_wait3A_964 : memref<49168xf32, #tpu.memory_space<vmem_shared>>)
        %dma_wait3A_965 = tpu.memref_slice %arg17[%add3A_860] : memref<2192xi32, #tpu.memory_space<vmem>> -> memref<16xi32, #tpu.memory_space<vmem>>
        %dma_wait3A_966 = arith.constant 0 : i32
        %dma_wait3A_967 = tpu.memref_slice %arg10[%dma_wait3A_966] : memref<49168xi32, #tpu.memory_space<vmem_shared>> -> memref<49168xi32, #tpu.memory_space<vmem_shared>>
        tpu.wait_indirect_dma semaphore(%arg20 : memref<!tpu.dma_semaphore, #tpu.memory_space<semaphore_mem>>) src(%dma_wait3A_965 : memref<16xi32, #tpu.memory_space<vmem>>) dst(%dma_wait3A_967 : memref<49168xi32, #tpu.memory_space<vmem_shared>>)
        %dma_wait3A_968 = arith.constant 112 : i32
        %dma_wait3A_969 = arith.constant 0 : i32
        %dma_wait3A_970 = tpu.memref_slice %arg18[%dma_wait3A_968, %dma_wait3A_969] : memref<128x32xf32, #tpu.memory_space<vmem>> -> memref<16x32xf32, #tpu.memory_space<vmem>>
        %dma_wait3A_971 = arith.constant 0 : i32
        %dma_wait3A_972 = arith.constant 0 : i32
        %dma_wait3A_973 = tpu.memref_slice %arg8[%dma_wait3A_971, %dma_wait3A_972] : memref<49168x32xf32, #tpu.memory_space<vmem_shared>> -> memref<49168x32xf32, #tpu.memory_space<vmem_shared>>
        tpu.wait_indirect_dma semaphore(%arg20 : memref<!tpu.dma_semaphore, #tpu.memory_space<semaphore_mem>>) src(%dma_wait3A_970 : memref<16x32xf32, #tpu.memory_space<vmem>>) dst(%dma_wait3A_973 : memref<49168x32xf32, #tpu.memory_space<vmem_shared>>)
        %dma_wait3A_974 = tpu.memref_slice %arg16[%add3A_875] : memref<2192xf32, #tpu.memory_space<vmem>> -> memref<16xf32, #tpu.memory_space<vmem>>
        %dma_wait3A_975 = arith.constant 0 : i32
        %dma_wait3A_976 = tpu.memref_slice %arg9[%dma_wait3A_975] : memref<49168xf32, #tpu.memory_space<vmem_shared>> -> memref<49168xf32, #tpu.memory_space<vmem_shared>>
        tpu.wait_indirect_dma semaphore(%arg20 : memref<!tpu.dma_semaphore, #tpu.memory_space<semaphore_mem>>) src(%dma_wait3A_974 : memref<16xf32, #tpu.memory_space<vmem>>) dst(%dma_wait3A_976 : memref<49168xf32, #tpu.memory_space<vmem_shared>>)
        %dma_wait3A_977 = tpu.memref_slice %arg17[%add3A_880] : memref<2192xi32, #tpu.memory_space<vmem>> -> memref<16xi32, #tpu.memory_space<vmem>>
        %dma_wait3A_978 = arith.constant 0 : i32
        %dma_wait3A_979 = tpu.memref_slice %arg10[%dma_wait3A_978] : memref<49168xi32, #tpu.memory_space<vmem_shared>> -> memref<49168xi32, #tpu.memory_space<vmem_shared>>
        tpu.wait_indirect_dma semaphore(%arg20 : memref<!tpu.dma_semaphore, #tpu.memory_space<semaphore_mem>>) src(%dma_wait3A_977 : memref<16xi32, #tpu.memory_space<vmem>>) dst(%dma_wait3A_979 : memref<49168xi32, #tpu.memory_space<vmem_shared>>)
        %while3A_980 = arith.constant 0 : i32
        scf.yield %while3A_980 : i32
      }
      %barrier3A_579 = arith.constant 0 : index
      tpu.barrier barrier_id(%barrier3A_579)
      %mul3A_580 = arith.constant 3072 : i32
      %mul3A_581 = arith.muli %arg1, %mul3A_580 : i32
      %mul3A_582 = arith.constant 3072 : i32
      %mul3A_583 = arith.muli %arg1, %mul3A_582 : i32
      %add3A_584 = arith.addi %add3A_304, %mul3A_583 : i32
      "tpu.region"() ({
        %run_scoped3A = tpu.sem_alloc : memref<!tpu.dma_semaphore, #tpu.memory_space<semaphore_mem>>
        %dma_start3A = arith.constant 0 : i32
        %dma_start3A_595 = tpu.memref_slice %arg5[%add3A_584, %dma_start3A] : memref<2097152x32xf32, #tpu.memory_space<hbm>> -> memref<3072x32xf32, #tpu.memory_space<hbm>>
        %dma_start3A_596 = arith.constant 0 : i32
        %dma_start3A_597 = tpu.memref_slice %arg8[%mul3A_581, %dma_start3A_596] : memref<49168x32xf32, #tpu.memory_space<vmem_shared>> -> memref<3072x32xf32, #tpu.memory_space<vmem_shared>>
        tpu.enqueue_dma source(%dma_start3A_597 : memref<3072x32xf32, #tpu.memory_space<vmem_shared>>) target(%dma_start3A_595 : memref<3072x32xf32, #tpu.memory_space<hbm>>) target_semaphore(%run_scoped3A : memref<!tpu.dma_semaphore, #tpu.memory_space<semaphore_mem>>)
        %dma_wait3A = arith.constant 0 : i32
        %dma_wait3A_598 = tpu.memref_slice %arg5[%add3A_584, %dma_wait3A] : memref<2097152x32xf32, #tpu.memory_space<hbm>> -> memref<3072x32xf32, #tpu.memory_space<hbm>>
        %dma_wait3A_599 = arith.constant 0 : i32
        %dma_wait3A_600 = tpu.memref_slice %arg8[%mul3A_581, %dma_wait3A_599] : memref<49168x32xf32, #tpu.memory_space<vmem_shared>> -> memref<3072x32xf32, #tpu.memory_space<vmem_shared>>
        tpu.wait_dma2 semaphore(%run_scoped3A : memref<!tpu.dma_semaphore, #tpu.memory_space<semaphore_mem>>) src(%dma_wait3A_600 : memref<3072x32xf32, #tpu.memory_space<vmem_shared>>) dst(%dma_wait3A_598 : memref<3072x32xf32, #tpu.memory_space<hbm>>)
        tpu.yield
      }) : () -> ()
      %mul3A_585 = arith.constant 3072 : i32
      %mul3A_586 = arith.muli %arg1, %mul3A_585 : i32
      %mul3A_587 = arith.constant 3072 : i32
      %mul3A_588 = arith.muli %arg1, %mul3A_587 : i32
      %add3A_589 = arith.addi %add3A_304, %mul3A_588 : i32
      "tpu.region"() ({
        %run_scoped3A = tpu.sem_alloc : memref<!tpu.dma_semaphore, #tpu.memory_space<semaphore_mem>>
        %dma_start3A = tpu.memref_slice %arg6[%add3A_589] : memref<2097152xf32, #tpu.memory_space<hbm>> -> memref<3072xf32, #tpu.memory_space<hbm>>
        %dma_start3A_595 = tpu.memref_slice %arg9[%mul3A_586] : memref<49168xf32, #tpu.memory_space<vmem_shared>> -> memref<3072xf32, #tpu.memory_space<vmem_shared>>
        tpu.enqueue_dma source(%dma_start3A_595 : memref<3072xf32, #tpu.memory_space<vmem_shared>>) target(%dma_start3A : memref<3072xf32, #tpu.memory_space<hbm>>) target_semaphore(%run_scoped3A : memref<!tpu.dma_semaphore, #tpu.memory_space<semaphore_mem>>)
        %dma_wait3A = tpu.memref_slice %arg6[%add3A_589] : memref<2097152xf32, #tpu.memory_space<hbm>> -> memref<3072xf32, #tpu.memory_space<hbm>>
        %dma_wait3A_596 = tpu.memref_slice %arg9[%mul3A_586] : memref<49168xf32, #tpu.memory_space<vmem_shared>> -> memref<3072xf32, #tpu.memory_space<vmem_shared>>
        tpu.wait_dma2 semaphore(%run_scoped3A : memref<!tpu.dma_semaphore, #tpu.memory_space<semaphore_mem>>) src(%dma_wait3A_596 : memref<3072xf32, #tpu.memory_space<vmem_shared>>) dst(%dma_wait3A : memref<3072xf32, #tpu.memory_space<hbm>>)
        tpu.yield
      }) : () -> ()
      %mul3A_590 = arith.constant 3072 : i32
      %mul3A_591 = arith.muli %arg1, %mul3A_590 : i32
      %mul3A_592 = arith.constant 3072 : i32
      %mul3A_593 = arith.muli %arg1, %mul3A_592 : i32
      %add3A_594 = arith.addi %add3A_304, %mul3A_593 : i32
      "tpu.region"() ({
        %run_scoped3A = tpu.sem_alloc : memref<!tpu.dma_semaphore, #tpu.memory_space<semaphore_mem>>
        %dma_start3A = tpu.memref_slice %arg7[%add3A_594] : memref<2097152xi32, #tpu.memory_space<hbm>> -> memref<3072xi32, #tpu.memory_space<hbm>>
        %dma_start3A_595 = tpu.memref_slice %arg10[%mul3A_591] : memref<49168xi32, #tpu.memory_space<vmem_shared>> -> memref<3072xi32, #tpu.memory_space<vmem_shared>>
        tpu.enqueue_dma source(%dma_start3A_595 : memref<3072xi32, #tpu.memory_space<vmem_shared>>) target(%dma_start3A : memref<3072xi32, #tpu.memory_space<hbm>>) target_semaphore(%run_scoped3A : memref<!tpu.dma_semaphore, #tpu.memory_space<semaphore_mem>>)
        %dma_wait3A = tpu.memref_slice %arg7[%add3A_594] : memref<2097152xi32, #tpu.memory_space<hbm>> -> memref<3072xi32, #tpu.memory_space<hbm>>
        %dma_wait3A_596 = tpu.memref_slice %arg10[%mul3A_591] : memref<49168xi32, #tpu.memory_space<vmem_shared>> -> memref<3072xi32, #tpu.memory_space<vmem_shared>>
        tpu.wait_dma2 semaphore(%run_scoped3A : memref<!tpu.dma_semaphore, #tpu.memory_space<semaphore_mem>>) src(%dma_wait3A_596 : memref<3072xi32, #tpu.memory_space<vmem_shared>>) dst(%dma_wait3A : memref<3072xi32, #tpu.memory_space<hbm>>)
        tpu.yield
      }) : () -> ()
    }
    %scan3A_18 = arith.constant 21 : i32
    %mul3A = arith.constant 1048576 : i32
    %mul3A_19 = arith.muli %arg0, %mul3A : i32
    %add3A = arith.constant 1032192 : i32
    %add3A_20 = arith.addi %mul3A_19, %add3A : i32
    %scan3A_21 = arith.constant 0 : i32
    %scan3A_22 = arith.constant 0 : i32
    %scan3A_23 = arith.constant 8 : i32
    %scan3A_24 = arith.addi %scan3A_22, %scan3A_23 : i32
    %scan3A_25 = arith.constant 1 : i32
    %scan3A_26 = scf.for %scan3A_299 = %scan3A_22 to %scan3A_24 step %scan3A_25 iter_args(%scan3A_300 = %scan3A_21) -> (i32)  : i32 {
      %mul3A_301 = arith.constant 1024 : i32
      %mul3A_302 = arith.muli %arg1, %mul3A_301 : i32
      %mul3A_303 = arith.constant 128 : i32
      %mul3A_304 = arith.muli %scan3A_299, %mul3A_303 : i32
      %add3A_305 = arith.addi %mul3A_302, %mul3A_304 : i32
      "tpu.region"() ({
        %run_scoped3A = tpu.sem_alloc : memref<!tpu.dma_semaphore, #tpu.memory_space<semaphore_mem>>
        %dma_start3A = arith.constant 0 : i32
        %dma_start3A_307 = tpu.memref_slice %arg8[%add3A_305, %dma_start3A] : memref<49168x32xf32, #tpu.memory_space<vmem_shared>> -> memref<128x32xf32, #tpu.memory_space<vmem_shared>>
        %dma_start3A_308 = arith.constant 0 : i32
        %dma_start3A_309 = tpu.memref_slice %arg8[%add3A_305, %dma_start3A_308] : memref<49168x32xf32, #tpu.memory_space<vmem_shared>> -> memref<128x32xf32, #tpu.memory_space<vmem_shared>>
        tpu.enqueue_dma source(%arg13 : memref<128x32xf32, #tpu.memory_space<vmem>>) target(%dma_start3A_309 : memref<128x32xf32, #tpu.memory_space<vmem_shared>>) target_semaphore(%run_scoped3A : memref<!tpu.dma_semaphore, #tpu.memory_space<semaphore_mem>>)
        %dma_wait3A = arith.constant 0 : i32
        %dma_wait3A_310 = tpu.memref_slice %arg8[%add3A_305, %dma_wait3A] : memref<49168x32xf32, #tpu.memory_space<vmem_shared>> -> memref<128x32xf32, #tpu.memory_space<vmem_shared>>
        %dma_wait3A_311 = arith.constant 0 : i32
        %dma_wait3A_312 = tpu.memref_slice %arg8[%add3A_305, %dma_wait3A_311] : memref<49168x32xf32, #tpu.memory_space<vmem_shared>> -> memref<128x32xf32, #tpu.memory_space<vmem_shared>>
        tpu.wait_dma2 semaphore(%run_scoped3A : memref<!tpu.dma_semaphore, #tpu.memory_space<semaphore_mem>>) src(%arg13 : memref<128x32xf32, #tpu.memory_space<vmem>>) dst(%dma_wait3A_312 : memref<128x32xf32, #tpu.memory_space<vmem_shared>>)
        tpu.yield
      }) : () -> ()
      %scan3A_306 = arith.constant 0 : i32
      scf.yield %scan3A_306 : i32
    }
    %scan3A_27 = arith.constant 8 : i32
    %mul3A_28 = arith.constant 1024 : i32
    %mul3A_29 = arith.muli %arg1, %mul3A_28 : i32
    "tpu.region"() ({
      %run_scoped3A = tpu.sem_alloc : memref<!tpu.dma_semaphore, #tpu.memory_space<semaphore_mem>>
      %dma_start3A = arith.constant 0 : i32
      %dma_start3A_299 = tpu.memref_slice %arg12[%dma_start3A] : memref<4096xf32, #tpu.memory_space<vmem>> -> memref<1024xf32, #tpu.memory_space<vmem>>
      %dma_start3A_300 = tpu.memref_slice %arg9[%mul3A_29] : memref<49168xf32, #tpu.memory_space<vmem_shared>> -> memref<1024xf32, #tpu.memory_space<vmem_shared>>
      %dma_start3A_301 = tpu.memref_slice %arg9[%mul3A_29] : memref<49168xf32, #tpu.memory_space<vmem_shared>> -> memref<1024xf32, #tpu.memory_space<vmem_shared>>
      %dma_start3A_302 = arith.constant 0 : i32
      %dma_start3A_303 = tpu.memref_slice %arg12[%dma_start3A_302] : memref<4096xf32, #tpu.memory_space<vmem>> -> memref<1024xf32, #tpu.memory_space<vmem>>
      tpu.enqueue_dma source(%dma_start3A_303 : memref<1024xf32, #tpu.memory_space<vmem>>) target(%dma_start3A_301 : memref<1024xf32, #tpu.memory_space<vmem_shared>>) target_semaphore(%run_scoped3A : memref<!tpu.dma_semaphore, #tpu.memory_space<semaphore_mem>>)
      %dma_wait3A = arith.constant 0 : i32
      %dma_wait3A_304 = tpu.memref_slice %arg12[%dma_wait3A] : memref<4096xf32, #tpu.memory_space<vmem>> -> memref<1024xf32, #tpu.memory_space<vmem>>
      %dma_wait3A_305 = tpu.memref_slice %arg9[%mul3A_29] : memref<49168xf32, #tpu.memory_space<vmem_shared>> -> memref<1024xf32, #tpu.memory_space<vmem_shared>>
      %dma_wait3A_306 = tpu.memref_slice %arg9[%mul3A_29] : memref<49168xf32, #tpu.memory_space<vmem_shared>> -> memref<1024xf32, #tpu.memory_space<vmem_shared>>
      %dma_wait3A_307 = arith.constant 0 : i32
      %dma_wait3A_308 = tpu.memref_slice %arg12[%dma_wait3A_307] : memref<4096xf32, #tpu.memory_space<vmem>> -> memref<1024xf32, #tpu.memory_space<vmem>>
      tpu.wait_dma2 semaphore(%run_scoped3A : memref<!tpu.dma_semaphore, #tpu.memory_space<semaphore_mem>>) src(%dma_wait3A_308 : memref<1024xf32, #tpu.memory_space<vmem>>) dst(%dma_wait3A_306 : memref<1024xf32, #tpu.memory_space<vmem_shared>>)
      tpu.yield
    }) : () -> ()
    %mul3A_30 = arith.constant 1024 : i32
    %mul3A_31 = arith.muli %arg1, %mul3A_30 : i32
    "tpu.region"() ({
      %run_scoped3A = tpu.sem_alloc : memref<!tpu.dma_semaphore, #tpu.memory_space<semaphore_mem>>
      %dma_start3A = arith.constant 0 : i32
      %dma_start3A_299 = tpu.memref_slice %arg11[%dma_start3A] : memref<4096xi32, #tpu.memory_space<vmem>> -> memref<1024xi32, #tpu.memory_space<vmem>>
      %dma_start3A_300 = tpu.memref_slice %arg10[%mul3A_31] : memref<49168xi32, #tpu.memory_space<vmem_shared>> -> memref<1024xi32, #tpu.memory_space<vmem_shared>>
      %dma_start3A_301 = tpu.memref_slice %arg10[%mul3A_31] : memref<49168xi32, #tpu.memory_space<vmem_shared>> -> memref<1024xi32, #tpu.memory_space<vmem_shared>>
      %dma_start3A_302 = arith.constant 0 : i32
      %dma_start3A_303 = tpu.memref_slice %arg11[%dma_start3A_302] : memref<4096xi32, #tpu.memory_space<vmem>> -> memref<1024xi32, #tpu.memory_space<vmem>>
      tpu.enqueue_dma source(%dma_start3A_303 : memref<1024xi32, #tpu.memory_space<vmem>>) target(%dma_start3A_301 : memref<1024xi32, #tpu.memory_space<vmem_shared>>) target_semaphore(%run_scoped3A : memref<!tpu.dma_semaphore, #tpu.memory_space<semaphore_mem>>)
      %dma_wait3A = arith.constant 0 : i32
      %dma_wait3A_304 = tpu.memref_slice %arg11[%dma_wait3A] : memref<4096xi32, #tpu.memory_space<vmem>> -> memref<1024xi32, #tpu.memory_space<vmem>>
      %dma_wait3A_305 = tpu.memref_slice %arg10[%mul3A_31] : memref<49168xi32, #tpu.memory_space<vmem_shared>> -> memref<1024xi32, #tpu.memory_space<vmem_shared>>
      %dma_wait3A_306 = tpu.memref_slice %arg10[%mul3A_31] : memref<49168xi32, #tpu.memory_space<vmem_shared>> -> memref<1024xi32, #tpu.memory_space<vmem_shared>>
      %dma_wait3A_307 = arith.constant 0 : i32
      %dma_wait3A_308 = tpu.memref_slice %arg11[%dma_wait3A_307] : memref<4096xi32, #tpu.memory_space<vmem>> -> memref<1024xi32, #tpu.memory_space<vmem>>
      tpu.wait_dma2 semaphore(%run_scoped3A : memref<!tpu.dma_semaphore, #tpu.memory_space<semaphore_mem>>) src(%dma_wait3A_308 : memref<1024xi32, #tpu.memory_space<vmem>>) dst(%dma_wait3A_306 : memref<1024xi32, #tpu.memory_space<vmem_shared>>)
      tpu.yield
    }) : () -> ()
    %barrier3A = arith.constant 0 : index
    tpu.barrier barrier_id(%barrier3A)
    %scan3A_32 = arith.constant 0 : i32
    %scan3A_33 = arith.constant 0 : i32
    %scan3A_34 = arith.constant 16 : i32
    %scan3A_35 = arith.addi %scan3A_33, %scan3A_34 : i32
    %scan3A_36 = arith.constant 1 : i32
    %scan3A_37 = scf.for %scan3A_299 = %scan3A_33 to %scan3A_35 step %scan3A_36 iter_args(%scan3A_300 = %scan3A_32) -> (i32)  : i32 {
      %mul3A_301 = arith.constant 16 : i32
      %mul3A_302 = arith.muli %arg1, %mul3A_301 : i32
      %add3A_303 = arith.addi %mul3A_302, %scan3A_299 : i32
      "tpu.region"() ({
        %run_scoped3A = tpu.sem_alloc : memref<!tpu.dma_semaphore, #tpu.memory_space<semaphore_mem>>
        %dma_start3A = arith.constant 0 : i32
        %dma_start3A_310 = tpu.memref_slice %arg4[%add3A_303, %dma_start3A] : memref<256x4096xi32, #tpu.memory_space<hbm>> -> memref<1x4096xi32, #tpu.memory_space<hbm>>
        %dma_start3A_311 = tpu.memref_squeeze %dma_start3A_310 : memref<1x4096xi32, #tpu.memory_space<hbm>> -> memref<4096xi32, #tpu.memory_space<hbm>>
        %dma_start3A_312 = arith.constant 0 : i32
        %dma_start3A_313 = tpu.memref_slice %arg4[%add3A_303, %dma_start3A_312] : memref<256x4096xi32, #tpu.memory_space<hbm>> -> memref<1x4096xi32, #tpu.memory_space<hbm>>
        %dma_start3A_314 = tpu.memref_squeeze %dma_start3A_313 : memref<1x4096xi32, #tpu.memory_space<hbm>> -> memref<4096xi32, #tpu.memory_space<hbm>>
        tpu.enqueue_dma source(%dma_start3A_314 : memref<4096xi32, #tpu.memory_space<hbm>>) target(%arg11 : memref<4096xi32, #tpu.memory_space<vmem>>) target_semaphore(%run_scoped3A : memref<!tpu.dma_semaphore, #tpu.memory_space<semaphore_mem>>)
        %dma_wait3A = arith.constant 0 : i32
        %dma_wait3A_315 = tpu.memref_slice %arg4[%add3A_303, %dma_wait3A] : memref<256x4096xi32, #tpu.memory_space<hbm>> -> memref<1x4096xi32, #tpu.memory_space<hbm>>
        %dma_wait3A_316 = tpu.memref_squeeze %dma_wait3A_315 : memref<1x4096xi32, #tpu.memory_space<hbm>> -> memref<4096xi32, #tpu.memory_space<hbm>>
        %dma_wait3A_317 = arith.constant 0 : i32
        %dma_wait3A_318 = tpu.memref_slice %arg4[%add3A_303, %dma_wait3A_317] : memref<256x4096xi32, #tpu.memory_space<hbm>> -> memref<1x4096xi32, #tpu.memory_space<hbm>>
        %dma_wait3A_319 = tpu.memref_squeeze %dma_wait3A_318 : memref<1x4096xi32, #tpu.memory_space<hbm>> -> memref<4096xi32, #tpu.memory_space<hbm>>
        tpu.wait_dma2 semaphore(%run_scoped3A : memref<!tpu.dma_semaphore, #tpu.memory_space<semaphore_mem>>) src(%dma_wait3A_319 : memref<4096xi32, #tpu.memory_space<hbm>>) dst(%arg11 : memref<4096xi32, #tpu.memory_space<vmem>>)
        tpu.yield
      }) : () -> ()
      "tpu.region"() ({
        %run_scoped3A = tpu.sem_alloc : memref<!tpu.dma_semaphore, #tpu.memory_space<semaphore_mem>>
        %dma_start3A = arith.constant 0 : i32
        %dma_start3A_310 = tpu.memref_slice %arg3[%add3A_303, %dma_start3A] : memref<256x4096xf32, #tpu.memory_space<hbm>> -> memref<1x4096xf32, #tpu.memory_space<hbm>>
        %dma_start3A_311 = tpu.memref_squeeze %dma_start3A_310 : memref<1x4096xf32, #tpu.memory_space<hbm>> -> memref<4096xf32, #tpu.memory_space<hbm>>
        %dma_start3A_312 = arith.constant 0 : i32
        %dma_start3A_313 = tpu.memref_slice %arg3[%add3A_303, %dma_start3A_312] : memref<256x4096xf32, #tpu.memory_space<hbm>> -> memref<1x4096xf32, #tpu.memory_space<hbm>>
        %dma_start3A_314 = tpu.memref_squeeze %dma_start3A_313 : memref<1x4096xf32, #tpu.memory_space<hbm>> -> memref<4096xf32, #tpu.memory_space<hbm>>
        tpu.enqueue_dma source(%dma_start3A_314 : memref<4096xf32, #tpu.memory_space<hbm>>) target(%arg12 : memref<4096xf32, #tpu.memory_space<vmem>>) target_semaphore(%run_scoped3A : memref<!tpu.dma_semaphore, #tpu.memory_space<semaphore_mem>>)
        %dma_wait3A = arith.constant 0 : i32
        %dma_wait3A_315 = tpu.memref_slice %arg3[%add3A_303, %dma_wait3A] : memref<256x4096xf32, #tpu.memory_space<hbm>> -> memref<1x4096xf32, #tpu.memory_space<hbm>>
        %dma_wait3A_316 = tpu.memref_squeeze %dma_wait3A_315 : memref<1x4096xf32, #tpu.memory_space<hbm>> -> memref<4096xf32, #tpu.memory_space<hbm>>
        %dma_wait3A_317 = arith.constant 0 : i32
        %dma_wait3A_318 = tpu.memref_slice %arg3[%add3A_303, %dma_wait3A_317] : memref<256x4096xf32, #tpu.memory_space<hbm>> -> memref<1x4096xf32, #tpu.memory_space<hbm>>
        %dma_wait3A_319 = tpu.memref_squeeze %dma_wait3A_318 : memref<1x4096xf32, #tpu.memory_space<hbm>> -> memref<4096xf32, #tpu.memory_space<hbm>>
        tpu.wait_dma2 semaphore(%run_scoped3A : memref<!tpu.dma_semaphore, #tpu.memory_space<semaphore_mem>>) src(%dma_wait3A_319 : memref<4096xf32, #tpu.memory_space<hbm>>) dst(%arg12 : memref<4096xf32, #tpu.memory_space<vmem>>)
        tpu.yield
      }) : () -> ()
      %scan3A_304 = arith.constant 0 : i32
      %scan3A_305 = arith.constant 256 : i32
      %scan3A_306 = arith.addi %scan3A_304, %scan3A_305 : i32
      %scan3A_307 = arith.constant 1 : i32
      %scan3A_308 = scf.for %scan3A_310 = %scan3A_304 to %scan3A_306 step %scan3A_307 iter_args(%scan3A_311 = %scan3A_300) -> (i32)  : i32 {
        %mul3A_312 = arith.constant 16 : i32
        %mul3A_313 = arith.muli %scan3A_310, %mul3A_312 : i32
        %get3A = arith.index_cast %mul3A_313 : i32 to index
        %get3A_314 = tpu.vector_load %arg11[%get3A] {strides = array<i32>} : memref<4096xi32, #tpu.memory_space<vmem>>, vector<16xi32>,
        %sub3A_315 = vector.broadcast %add3A_20 : i32 to vector<16xi32>
        %sub3A_316 = arith.subi %get3A_314, %sub3A_315 : vector<16xi32>
        %shift_right_arithmetic3A = arith.constant 31 : i32
        %shift_right_arithmetic3A_317 = vector.broadcast %shift_right_arithmetic3A : i32 to vector<16xi32>
        %shift_right_arithmetic3A_318 = arith.shrsi %sub3A_316, %shift_right_arithmetic3A_317 : vector<16xi32>
        %add3A_319 = arith.constant 1 : i32
        %add3A_320 = vector.broadcast %add3A_319 : i32 to vector<16xi32>
        %add3A_321 = arith.addi %shift_right_arithmetic3A_318, %add3A_320 : vector<16xi32>
        %sub3A_322 = arith.constant 16383 : i32
        %sub3A_323 = vector.broadcast %sub3A_322 : i32 to vector<16xi32>
        %sub3A_324 = arith.subi %sub3A_323, %sub3A_316 : vector<16xi32>
        %shift_right_arithmetic3A_325 = arith.constant 31 : i32
        %shift_right_arithmetic3A_326 = vector.broadcast %shift_right_arithmetic3A_325 : i32 to vector<16xi32>
        %shift_right_arithmetic3A_327 = arith.shrsi %sub3A_324, %shift_right_arithmetic3A_326 : vector<16xi32>
        %add3A_328 = arith.constant 1 : i32
        %add3A_329 = vector.broadcast %add3A_328 : i32 to vector<16xi32>
        %add3A_330 = arith.addi %shift_right_arithmetic3A_327, %add3A_329 : vector<16xi32>
        %mul3A_331 = arith.muli %add3A_321, %add3A_330 : vector<16xi32>
        %mul3A_332 = arith.constant 16 : i32
        %mul3A_333 = arith.muli %scan3A_310, %mul3A_332 : i32
        %get3A_334 = arith.index_cast %mul3A_333 : i32 to index
        %get3A_335 = tpu.vector_load %arg12[%get3A_334] {strides = array<i32>} : memref<4096xf32, #tpu.memory_space<vmem>>, vector<16xf32>,
        %broadcast_in_dim3A_336 = arith.constant true
        %broadcast_in_dim3A_337 = vector.broadcast %broadcast_in_dim3A_336 : i1 to vector<16xi1>
        %masked_cumsum3A = tpu.scan <sum>, %mul3A_331 masked %broadcast_in_dim3A_337 : vector<16xi32>, vector<16xi1> -> vector<16xi32>
        %add3A_338 = vector.broadcast %scan3A_311 : i32 to vector<16xi32>
        %add3A_339 = arith.addi %add3A_338, %masked_cumsum3A : vector<16xi32>
        %sub3A_340 = arith.constant 1 : i32
        %sub3A_341 = vector.broadcast %sub3A_340 : i32 to vector<16xi32>
        %sub3A_342 = arith.subi %add3A_339, %sub3A_341 : vector<16xi32>
        %mul3A_343 = arith.muli %mul3A_331, %sub3A_342 : vector<16xi32>
        %sub3A_344 = arith.constant 1 : i32
        %sub3A_345 = vector.broadcast %sub3A_344 : i32 to vector<16xi32>
        %sub3A_346 = arith.subi %sub3A_345, %mul3A_331 : vector<16xi32>
        %add3A_347 = arith.constant 2176 : i32
        %add3A_348 = vector.broadcast %add3A_347 : i32 to vector<16xi32>
        %add3A_349 = arith.addi %add3A_348, %iota3A : vector<16xi32>
        %mul3A_350 = arith.muli %sub3A_346, %add3A_349 : vector<16xi32>
        %add3A_351 = arith.addi %mul3A_343, %mul3A_350 : vector<16xi32>
        %mul3A_352 = arith.constant 4096 : i32
        %mul3A_353 = arith.muli %add3A_303, %mul3A_352 : i32
        %mul3A_354 = arith.constant 16 : i32
        %mul3A_355 = arith.muli %scan3A_310, %mul3A_354 : i32
        %add3A_356 = arith.addi %mul3A_353, %mul3A_355 : i32
        %add3A_357 = vector.broadcast %add3A_356 : i32 to vector<16xi32>
        %add3A_358 = arith.addi %add3A_357, %iota3A : vector<16xi32>
        tpu.vector_store_idx %arg14[%add3A_351], %sub3A_316 : memref<2192xi32, #tpu.memory_space<vmem>>[vector<16xi32>], vector<16xi32>,
        tpu.vector_store_idx %arg15[%add3A_351], %add3A_358 : memref<2192xi32, #tpu.memory_space<vmem>>[vector<16xi32>], vector<16xi32>,
        tpu.vector_store_idx %arg16[%add3A_351], %get3A_335 : memref<2192xf32, #tpu.memory_space<vmem>>[vector<16xi32>], vector<16xf32>,
        tpu.vector_store_idx %arg17[%add3A_351], %mul3A_331 : memref<2192xi32, #tpu.memory_space<vmem>>[vector<16xi32>], vector<16xi32>,
        %slice3A = vector.extract_strided_slice %masked_cumsum3A {offsets = [15], sizes = [1], strides = [1]} : vector<16xi32> to vector<1xi32>
        %squeeze3A = vector.extract %slice3A[0] : i32 from vector<1xi32>
        %add3A_359 = arith.addi %scan3A_311, %squeeze3A : i32
        scf.yield %add3A_359 : i32
      }
      %scan3A_309 = arith.constant 256 : i32
      scf.yield %scan3A_308 : i32
    }
    %scan3A_38 = arith.constant 16 : i32
    %scan3A_39 = arith.constant 0 : i32
    %scan3A_40 = arith.constant 0 : i32
    %scan3A_41 = arith.constant 256 : i32
    %scan3A_42 = arith.addi %scan3A_40, %scan3A_41 : i32
    %scan3A_43 = arith.constant 1 : i32
    %scan3A_44 = scf.for %scan3A_299 = %scan3A_40 to %scan3A_42 step %scan3A_43 iter_args(%scan3A_300 = %scan3A_39) -> (i32)  : i32 {
      %broadcast_in_dim3A_301 = arith.constant 0 : i32
      %broadcast_in_dim3A_302 = vector.broadcast %broadcast_in_dim3A_301 : i32 to vector<16xi32>
      %mul3A_303 = arith.constant 16 : i32
      %mul3A_304 = arith.muli %scan3A_299, %mul3A_303 : i32
      %swap3A_305 = arith.index_cast %mul3A_304 : i32 to index
      %swap3A_306 = tpu.vector_load %arg11[%swap3A_305] {strides = array<i32>} : memref<4096xi32, #tpu.memory_space<vmem>>, vector<16xi32>,
      tpu.vector_store %arg11[%swap3A_305], %broadcast_in_dim3A_302 {strides = array<i32>} : memref<4096xi32, #tpu.memory_space<vmem>>, vector<16xi32>,
      %broadcast_in_dim3A_307 = arith.constant 0.000000e+00 : f32
      %broadcast_in_dim3A_308 = vector.broadcast %broadcast_in_dim3A_307 : f32 to vector<16xf32>
      %mul3A_309 = arith.constant 16 : i32
      %mul3A_310 = arith.muli %scan3A_299, %mul3A_309 : i32
      %swap3A_311 = arith.index_cast %mul3A_310 : i32 to index
      %swap3A_312 = tpu.vector_load %arg12[%swap3A_311] {strides = array<i32>} : memref<4096xf32, #tpu.memory_space<vmem>>, vector<16xf32>,
      tpu.vector_store %arg12[%swap3A_311], %broadcast_in_dim3A_308 {strides = array<i32>} : memref<4096xf32, #tpu.memory_space<vmem>>, vector<16xf32>,
      %scan3A_313 = arith.constant 0 : i32
      scf.yield %scan3A_313 : i32
    }
    %scan3A_45 = arith.constant 256 : i32
    %add3A_46 = arith.constant 16384 : i32
    %add3A_47 = vector.broadcast %add3A_46 : i32 to vector<16xi32>
    %add3A_48 = arith.addi %add3A_47, %iota3A : vector<16xi32>
    %add3A_49 = arith.constant 0 : i32
    %add3A_50 = arith.addi %scan3A_37, %add3A_49 : i32
    %swap3A = arith.index_cast %add3A_50 : i32 to index
    %swap3A_51 = tpu.vector_load %arg14[%swap3A] {strides = array<i32>} : memref<2192xi32, #tpu.memory_space<vmem>>, vector<16xi32>,
    tpu.vector_store %arg14[%swap3A], %add3A_48 {strides = array<i32>} : memref<2192xi32, #tpu.memory_space<vmem>>, vector<16xi32>,
    %add3A_52 = arith.constant 0 : i32
    %add3A_53 = vector.broadcast %add3A_52 : i32 to vector<16xi32>
    %add3A_54 = arith.addi %add3A_53, %iota3A : vector<16xi32>
    %add3A_55 = arith.constant 0 : i32
    %add3A_56 = arith.addi %scan3A_37, %add3A_55 : i32
    %swap3A_57 = arith.index_cast %add3A_56 : i32 to index
    %swap3A_58 = tpu.vector_load %arg15[%swap3A_57] {strides = array<i32>} : memref<2192xi32, #tpu.memory_space<vmem>>, vector<16xi32>,
    tpu.vector_store %arg15[%swap3A_57], %add3A_54 {strides = array<i32>} : memref<2192xi32, #tpu.memory_space<vmem>>, vector<16xi32>,
    %broadcast_in_dim3A = arith.constant 0.000000e+00 : f32
    %broadcast_in_dim3A_59 = vector.broadcast %broadcast_in_dim3A : f32 to vector<16xf32>
    %add3A_60 = arith.constant 0 : i32
    %add3A_61 = arith.addi %scan3A_37, %add3A_60 : i32
    %swap3A_62 = arith.index_cast %add3A_61 : i32 to index
    %swap3A_63 = tpu.vector_load %arg16[%swap3A_62] {strides = array<i32>} : memref<2192xf32, #tpu.memory_space<vmem>>, vector<16xf32>,
    tpu.vector_store %arg16[%swap3A_62], %broadcast_in_dim3A_59 {strides = array<i32>} : memref<2192xf32, #tpu.memory_space<vmem>>, vector<16xf32>,
    %broadcast_in_dim3A_64 = arith.constant 0 : i32
    %broadcast_in_dim3A_65 = vector.broadcast %broadcast_in_dim3A_64 : i32 to vector<16xi32>
    %add3A_66 = arith.constant 0 : i32
    %add3A_67 = arith.addi %scan3A_37, %add3A_66 : i32
    %swap3A_68 = arith.index_cast %add3A_67 : i32 to index
    %swap3A_69 = tpu.vector_load %arg17[%swap3A_68] {strides = array<i32>} : memref<2192xi32, #tpu.memory_space<vmem>>, vector<16xi32>,
    tpu.vector_store %arg17[%swap3A_68], %broadcast_in_dim3A_65 {strides = array<i32>} : memref<2192xi32, #tpu.memory_space<vmem>>, vector<16xi32>,
    %add3A_70 = arith.constant 16384 : i32
    %add3A_71 = vector.broadcast %add3A_70 : i32 to vector<16xi32>
    %add3A_72 = arith.addi %add3A_71, %iota3A : vector<16xi32>
    %add3A_73 = arith.constant 16 : i32
    %add3A_74 = arith.addi %scan3A_37, %add3A_73 : i32
    %swap3A_75 = arith.index_cast %add3A_74 : i32 to index
    %swap3A_76 = tpu.vector_load %arg14[%swap3A_75] {strides = array<i32>} : memref<2192xi32, #tpu.memory_space<vmem>>, vector<16xi32>,
    tpu.vector_store %arg14[%swap3A_75], %add3A_72 {strides = array<i32>} : memref<2192xi32, #tpu.memory_space<vmem>>, vector<16xi32>,
    %add3A_77 = arith.constant 16 : i32
    %add3A_78 = vector.broadcast %add3A_77 : i32 to vector<16xi32>
    %add3A_79 = arith.addi %add3A_78, %iota3A : vector<16xi32>
    %add3A_80 = arith.constant 16 : i32
    %add3A_81 = arith.addi %scan3A_37, %add3A_80 : i32
    %swap3A_82 = arith.index_cast %add3A_81 : i32 to index
    %swap3A_83 = tpu.vector_load %arg15[%swap3A_82] {strides = array<i32>} : memref<2192xi32, #tpu.memory_space<vmem>>, vector<16xi32>,
    tpu.vector_store %arg15[%swap3A_82], %add3A_79 {strides = array<i32>} : memref<2192xi32, #tpu.memory_space<vmem>>, vector<16xi32>,
    %broadcast_in_dim3A_84 = arith.constant 0.000000e+00 : f32
    %broadcast_in_dim3A_85 = vector.broadcast %broadcast_in_dim3A_84 : f32 to vector<16xf32>
    %add3A_86 = arith.constant 16 : i32
    %add3A_87 = arith.addi %scan3A_37, %add3A_86 : i32
    %swap3A_88 = arith.index_cast %add3A_87 : i32 to index
    %swap3A_89 = tpu.vector_load %arg16[%swap3A_88] {strides = array<i32>} : memref<2192xf32, #tpu.memory_space<vmem>>, vector<16xf32>,
    tpu.vector_store %arg16[%swap3A_88], %broadcast_in_dim3A_85 {strides = array<i32>} : memref<2192xf32, #tpu.memory_space<vmem>>, vector<16xf32>,
    %broadcast_in_dim3A_90 = arith.constant 0 : i32
    %broadcast_in_dim3A_91 = vector.broadcast %broadcast_in_dim3A_90 : i32 to vector<16xi32>
    %add3A_92 = arith.constant 16 : i32
    %add3A_93 = arith.addi %scan3A_37, %add3A_92 : i32
    %swap3A_94 = arith.index_cast %add3A_93 : i32 to index
    %swap3A_95 = tpu.vector_load %arg17[%swap3A_94] {strides = array<i32>} : memref<2192xi32, #tpu.memory_space<vmem>>, vector<16xi32>,
    tpu.vector_store %arg17[%swap3A_94], %broadcast_in_dim3A_91 {strides = array<i32>} : memref<2192xi32, #tpu.memory_space<vmem>>, vector<16xi32>,
    %add3A_96 = arith.constant 16384 : i32
    %add3A_97 = vector.broadcast %add3A_96 : i32 to vector<16xi32>
    %add3A_98 = arith.addi %add3A_97, %iota3A : vector<16xi32>
    %add3A_99 = arith.constant 32 : i32
    %add3A_100 = arith.addi %scan3A_37, %add3A_99 : i32
    %swap3A_101 = arith.index_cast %add3A_100 : i32 to index
    %swap3A_102 = tpu.vector_load %arg14[%swap3A_101] {strides = array<i32>} : memref<2192xi32, #tpu.memory_space<vmem>>, vector<16xi32>,
    tpu.vector_store %arg14[%swap3A_101], %add3A_98 {strides = array<i32>} : memref<2192xi32, #tpu.memory_space<vmem>>, vector<16xi32>,
    %add3A_103 = arith.constant 32 : i32
    %add3A_104 = vector.broadcast %add3A_103 : i32 to vector<16xi32>
    %add3A_105 = arith.addi %add3A_104, %iota3A : vector<16xi32>
    %add3A_106 = arith.constant 32 : i32
    %add3A_107 = arith.addi %scan3A_37, %add3A_106 : i32
    %swap3A_108 = arith.index_cast %add3A_107 : i32 to index
    %swap3A_109 = tpu.vector_load %arg15[%swap3A_108] {strides = array<i32>} : memref<2192xi32, #tpu.memory_space<vmem>>, vector<16xi32>,
    tpu.vector_store %arg15[%swap3A_108], %add3A_105 {strides = array<i32>} : memref<2192xi32, #tpu.memory_space<vmem>>, vector<16xi32>,
    %broadcast_in_dim3A_110 = arith.constant 0.000000e+00 : f32
    %broadcast_in_dim3A_111 = vector.broadcast %broadcast_in_dim3A_110 : f32 to vector<16xf32>
    %add3A_112 = arith.constant 32 : i32
    %add3A_113 = arith.addi %scan3A_37, %add3A_112 : i32
    %swap3A_114 = arith.index_cast %add3A_113 : i32 to index
    %swap3A_115 = tpu.vector_load %arg16[%swap3A_114] {strides = array<i32>} : memref<2192xf32, #tpu.memory_space<vmem>>, vector<16xf32>,
    tpu.vector_store %arg16[%swap3A_114], %broadcast_in_dim3A_111 {strides = array<i32>} : memref<2192xf32, #tpu.memory_space<vmem>>, vector<16xf32>,
    %broadcast_in_dim3A_116 = arith.constant 0 : i32
    %broadcast_in_dim3A_117 = vector.broadcast %broadcast_in_dim3A_116 : i32 to vector<16xi32>
    %add3A_118 = arith.constant 32 : i32
    %add3A_119 = arith.addi %scan3A_37, %add3A_118 : i32
    %swap3A_120 = arith.index_cast %add3A_119 : i32 to index
    %swap3A_121 = tpu.vector_load %arg17[%swap3A_120] {strides = array<i32>} : memref<2192xi32, #tpu.memory_space<vmem>>, vector<16xi32>,
    tpu.vector_store %arg17[%swap3A_120], %broadcast_in_dim3A_117 {strides = array<i32>} : memref<2192xi32, #tpu.memory_space<vmem>>, vector<16xi32>,
    %add3A_122 = arith.constant 16384 : i32
    %add3A_123 = vector.broadcast %add3A_122 : i32 to vector<16xi32>
    %add3A_124 = arith.addi %add3A_123, %iota3A : vector<16xi32>
    %add3A_125 = arith.constant 48 : i32
    %add3A_126 = arith.addi %scan3A_37, %add3A_125 : i32
    %swap3A_127 = arith.index_cast %add3A_126 : i32 to index
    %swap3A_128 = tpu.vector_load %arg14[%swap3A_127] {strides = array<i32>} : memref<2192xi32, #tpu.memory_space<vmem>>, vector<16xi32>,
    tpu.vector_store %arg14[%swap3A_127], %add3A_124 {strides = array<i32>} : memref<2192xi32, #tpu.memory_space<vmem>>, vector<16xi32>,
    %add3A_129 = arith.constant 48 : i32
    %add3A_130 = vector.broadcast %add3A_129 : i32 to vector<16xi32>
    %add3A_131 = arith.addi %add3A_130, %iota3A : vector<16xi32>
    %add3A_132 = arith.constant 48 : i32
    %add3A_133 = arith.addi %scan3A_37, %add3A_132 : i32
    %swap3A_134 = arith.index_cast %add3A_133 : i32 to index
    %swap3A_135 = tpu.vector_load %arg15[%swap3A_134] {strides = array<i32>} : memref<2192xi32, #tpu.memory_space<vmem>>, vector<16xi32>,
    tpu.vector_store %arg15[%swap3A_134], %add3A_131 {strides = array<i32>} : memref<2192xi32, #tpu.memory_space<vmem>>, vector<16xi32>,
    %broadcast_in_dim3A_136 = arith.constant 0.000000e+00 : f32
    %broadcast_in_dim3A_137 = vector.broadcast %broadcast_in_dim3A_136 : f32 to vector<16xf32>
    %add3A_138 = arith.constant 48 : i32
    %add3A_139 = arith.addi %scan3A_37, %add3A_138 : i32
    %swap3A_140 = arith.index_cast %add3A_139 : i32 to index
    %swap3A_141 = tpu.vector_load %arg16[%swap3A_140] {strides = array<i32>} : memref<2192xf32, #tpu.memory_space<vmem>>, vector<16xf32>,
    tpu.vector_store %arg16[%swap3A_140], %broadcast_in_dim3A_137 {strides = array<i32>} : memref<2192xf32, #tpu.memory_space<vmem>>, vector<16xf32>,
    %broadcast_in_dim3A_142 = arith.constant 0 : i32
    %broadcast_in_dim3A_143 = vector.broadcast %broadcast_in_dim3A_142 : i32 to vector<16xi32>
    %add3A_144 = arith.constant 48 : i32
    %add3A_145 = arith.addi %scan3A_37, %add3A_144 : i32
    %swap3A_146 = arith.index_cast %add3A_145 : i32 to index
    %swap3A_147 = tpu.vector_load %arg17[%swap3A_146] {strides = array<i32>} : memref<2192xi32, #tpu.memory_space<vmem>>, vector<16xi32>,
    tpu.vector_store %arg17[%swap3A_146], %broadcast_in_dim3A_143 {strides = array<i32>} : memref<2192xi32, #tpu.memory_space<vmem>>, vector<16xi32>,
    %add3A_148 = arith.constant 16384 : i32
    %add3A_149 = vector.broadcast %add3A_148 : i32 to vector<16xi32>
    %add3A_150 = arith.addi %add3A_149, %iota3A : vector<16xi32>
    %add3A_151 = arith.constant 64 : i32
    %add3A_152 = arith.addi %scan3A_37, %add3A_151 : i32
    %swap3A_153 = arith.index_cast %add3A_152 : i32 to index
    %swap3A_154 = tpu.vector_load %arg14[%swap3A_153] {strides = array<i32>} : memref<2192xi32, #tpu.memory_space<vmem>>, vector<16xi32>,
    tpu.vector_store %arg14[%swap3A_153], %add3A_150 {strides = array<i32>} : memref<2192xi32, #tpu.memory_space<vmem>>, vector<16xi32>,
    %add3A_155 = arith.constant 64 : i32
    %add3A_156 = vector.broadcast %add3A_155 : i32 to vector<16xi32>
    %add3A_157 = arith.addi %add3A_156, %iota3A : vector<16xi32>
    %add3A_158 = arith.constant 64 : i32
    %add3A_159 = arith.addi %scan3A_37, %add3A_158 : i32
    %swap3A_160 = arith.index_cast %add3A_159 : i32 to index
    %swap3A_161 = tpu.vector_load %arg15[%swap3A_160] {strides = array<i32>} : memref<2192xi32, #tpu.memory_space<vmem>>, vector<16xi32>,
    tpu.vector_store %arg15[%swap3A_160], %add3A_157 {strides = array<i32>} : memref<2192xi32, #tpu.memory_space<vmem>>, vector<16xi32>,
    %broadcast_in_dim3A_162 = arith.constant 0.000000e+00 : f32
    %broadcast_in_dim3A_163 = vector.broadcast %broadcast_in_dim3A_162 : f32 to vector<16xf32>
    %add3A_164 = arith.constant 64 : i32
    %add3A_165 = arith.addi %scan3A_37, %add3A_164 : i32
    %swap3A_166 = arith.index_cast %add3A_165 : i32 to index
    %swap3A_167 = tpu.vector_load %arg16[%swap3A_166] {strides = array<i32>} : memref<2192xf32, #tpu.memory_space<vmem>>, vector<16xf32>,
    tpu.vector_store %arg16[%swap3A_166], %broadcast_in_dim3A_163 {strides = array<i32>} : memref<2192xf32, #tpu.memory_space<vmem>>, vector<16xf32>,
    %broadcast_in_dim3A_168 = arith.constant 0 : i32
    %broadcast_in_dim3A_169 = vector.broadcast %broadcast_in_dim3A_168 : i32 to vector<16xi32>
    %add3A_170 = arith.constant 64 : i32
    %add3A_171 = arith.addi %scan3A_37, %add3A_170 : i32
    %swap3A_172 = arith.index_cast %add3A_171 : i32 to index
    %swap3A_173 = tpu.vector_load %arg17[%swap3A_172] {strides = array<i32>} : memref<2192xi32, #tpu.memory_space<vmem>>, vector<16xi32>,
    tpu.vector_store %arg17[%swap3A_172], %broadcast_in_dim3A_169 {strides = array<i32>} : memref<2192xi32, #tpu.memory_space<vmem>>, vector<16xi32>,
    %add3A_174 = arith.constant 16384 : i32
    %add3A_175 = vector.broadcast %add3A_174 : i32 to vector<16xi32>
    %add3A_176 = arith.addi %add3A_175, %iota3A : vector<16xi32>
    %add3A_177 = arith.constant 80 : i32
    %add3A_178 = arith.addi %scan3A_37, %add3A_177 : i32
    %swap3A_179 = arith.index_cast %add3A_178 : i32 to index
    %swap3A_180 = tpu.vector_load %arg14[%swap3A_179] {strides = array<i32>} : memref<2192xi32, #tpu.memory_space<vmem>>, vector<16xi32>,
    tpu.vector_store %arg14[%swap3A_179], %add3A_176 {strides = array<i32>} : memref<2192xi32, #tpu.memory_space<vmem>>, vector<16xi32>,
    %add3A_181 = arith.constant 80 : i32
    %add3A_182 = vector.broadcast %add3A_181 : i32 to vector<16xi32>
    %add3A_183 = arith.addi %add3A_182, %iota3A : vector<16xi32>
    %add3A_184 = arith.constant 80 : i32
    %add3A_185 = arith.addi %scan3A_37, %add3A_184 : i32
    %swap3A_186 = arith.index_cast %add3A_185 : i32 to index
    %swap3A_187 = tpu.vector_load %arg15[%swap3A_186] {strides = array<i32>} : memref<2192xi32, #tpu.memory_space<vmem>>, vector<16xi32>,
    tpu.vector_store %arg15[%swap3A_186], %add3A_183 {strides = array<i32>} : memref<2192xi32, #tpu.memory_space<vmem>>, vector<16xi32>,
    %broadcast_in_dim3A_188 = arith.constant 0.000000e+00 : f32
    %broadcast_in_dim3A_189 = vector.broadcast %broadcast_in_dim3A_188 : f32 to vector<16xf32>
    %add3A_190 = arith.constant 80 : i32
    %add3A_191 = arith.addi %scan3A_37, %add3A_190 : i32
    %swap3A_192 = arith.index_cast %add3A_191 : i32 to index
    %swap3A_193 = tpu.vector_load %arg16[%swap3A_192] {strides = array<i32>} : memref<2192xf32, #tpu.memory_space<vmem>>, vector<16xf32>,
    tpu.vector_store %arg16[%swap3A_192], %broadcast_in_dim3A_189 {strides = array<i32>} : memref<2192xf32, #tpu.memory_space<vmem>>, vector<16xf32>,
    %broadcast_in_dim3A_194 = arith.constant 0 : i32
    %broadcast_in_dim3A_195 = vector.broadcast %broadcast_in_dim3A_194 : i32 to vector<16xi32>
    %add3A_196 = arith.constant 80 : i32
    %add3A_197 = arith.addi %scan3A_37, %add3A_196 : i32
    %swap3A_198 = arith.index_cast %add3A_197 : i32 to index
    %swap3A_199 = tpu.vector_load %arg17[%swap3A_198] {strides = array<i32>} : memref<2192xi32, #tpu.memory_space<vmem>>, vector<16xi32>,
    tpu.vector_store %arg17[%swap3A_198], %broadcast_in_dim3A_195 {strides = array<i32>} : memref<2192xi32, #tpu.memory_space<vmem>>, vector<16xi32>,
    %add3A_200 = arith.constant 16384 : i32
    %add3A_201 = vector.broadcast %add3A_200 : i32 to vector<16xi32>
    %add3A_202 = arith.addi %add3A_201, %iota3A : vector<16xi32>
    %add3A_203 = arith.constant 96 : i32
    %add3A_204 = arith.addi %scan3A_37, %add3A_203 : i32
    %swap3A_205 = arith.index_cast %add3A_204 : i32 to index
    %swap3A_206 = tpu.vector_load %arg14[%swap3A_205] {strides = array<i32>} : memref<2192xi32, #tpu.memory_space<vmem>>, vector<16xi32>,
    tpu.vector_store %arg14[%swap3A_205], %add3A_202 {strides = array<i32>} : memref<2192xi32, #tpu.memory_space<vmem>>, vector<16xi32>,
    %add3A_207 = arith.constant 96 : i32
    %add3A_208 = vector.broadcast %add3A_207 : i32 to vector<16xi32>
    %add3A_209 = arith.addi %add3A_208, %iota3A : vector<16xi32>
    %add3A_210 = arith.constant 96 : i32
    %add3A_211 = arith.addi %scan3A_37, %add3A_210 : i32
    %swap3A_212 = arith.index_cast %add3A_211 : i32 to index
    %swap3A_213 = tpu.vector_load %arg15[%swap3A_212] {strides = array<i32>} : memref<2192xi32, #tpu.memory_space<vmem>>, vector<16xi32>,
    tpu.vector_store %arg15[%swap3A_212], %add3A_209 {strides = array<i32>} : memref<2192xi32, #tpu.memory_space<vmem>>, vector<16xi32>,
    %broadcast_in_dim3A_214 = arith.constant 0.000000e+00 : f32
    %broadcast_in_dim3A_215 = vector.broadcast %broadcast_in_dim3A_214 : f32 to vector<16xf32>
    %add3A_216 = arith.constant 96 : i32
    %add3A_217 = arith.addi %scan3A_37, %add3A_216 : i32
    %swap3A_218 = arith.index_cast %add3A_217 : i32 to index
    %swap3A_219 = tpu.vector_load %arg16[%swap3A_218] {strides = array<i32>} : memref<2192xf32, #tpu.memory_space<vmem>>, vector<16xf32>,
    tpu.vector_store %arg16[%swap3A_218], %broadcast_in_dim3A_215 {strides = array<i32>} : memref<2192xf32, #tpu.memory_space<vmem>>, vector<16xf32>,
    %broadcast_in_dim3A_220 = arith.constant 0 : i32
    %broadcast_in_dim3A_221 = vector.broadcast %broadcast_in_dim3A_220 : i32 to vector<16xi32>
    %add3A_222 = arith.constant 96 : i32
    %add3A_223 = arith.addi %scan3A_37, %add3A_222 : i32
    %swap3A_224 = arith.index_cast %add3A_223 : i32 to index
    %swap3A_225 = tpu.vector_load %arg17[%swap3A_224] {strides = array<i32>} : memref<2192xi32, #tpu.memory_space<vmem>>, vector<16xi32>,
    tpu.vector_store %arg17[%swap3A_224], %broadcast_in_dim3A_221 {strides = array<i32>} : memref<2192xi32, #tpu.memory_space<vmem>>, vector<16xi32>,
    %add3A_226 = arith.constant 16384 : i32
    %add3A_227 = vector.broadcast %add3A_226 : i32 to vector<16xi32>
    %add3A_228 = arith.addi %add3A_227, %iota3A : vector<16xi32>
    %add3A_229 = arith.constant 112 : i32
    %add3A_230 = arith.addi %scan3A_37, %add3A_229 : i32
    %swap3A_231 = arith.index_cast %add3A_230 : i32 to index
    %swap3A_232 = tpu.vector_load %arg14[%swap3A_231] {strides = array<i32>} : memref<2192xi32, #tpu.memory_space<vmem>>, vector<16xi32>,
    tpu.vector_store %arg14[%swap3A_231], %add3A_228 {strides = array<i32>} : memref<2192xi32, #tpu.memory_space<vmem>>, vector<16xi32>,
    %add3A_233 = arith.constant 112 : i32
    %add3A_234 = vector.broadcast %add3A_233 : i32 to vector<16xi32>
    %add3A_235 = arith.addi %add3A_234, %iota3A : vector<16xi32>
    %add3A_236 = arith.constant 112 : i32
    %add3A_237 = arith.addi %scan3A_37, %add3A_236 : i32
    %swap3A_238 = arith.index_cast %add3A_237 : i32 to index
    %swap3A_239 = tpu.vector_load %arg15[%swap3A_238] {strides = array<i32>} : memref<2192xi32, #tpu.memory_space<vmem>>, vector<16xi32>,
    tpu.vector_store %arg15[%swap3A_238], %add3A_235 {strides = array<i32>} : memref<2192xi32, #tpu.memory_space<vmem>>, vector<16xi32>,
    %broadcast_in_dim3A_240 = arith.constant 0.000000e+00 : f32
    %broadcast_in_dim3A_241 = vector.broadcast %broadcast_in_dim3A_240 : f32 to vector<16xf32>
    %add3A_242 = arith.constant 112 : i32
    %add3A_243 = arith.addi %scan3A_37, %add3A_242 : i32
    %swap3A_244 = arith.index_cast %add3A_243 : i32 to index
    %swap3A_245 = tpu.vector_load %arg16[%swap3A_244] {strides = array<i32>} : memref<2192xf32, #tpu.memory_space<vmem>>, vector<16xf32>,
    tpu.vector_store %arg16[%swap3A_244], %broadcast_in_dim3A_241 {strides = array<i32>} : memref<2192xf32, #tpu.memory_space<vmem>>, vector<16xf32>,
    %broadcast_in_dim3A_246 = arith.constant 0 : i32
    %broadcast_in_dim3A_247 = vector.broadcast %broadcast_in_dim3A_246 : i32 to vector<16xi32>
    %add3A_248 = arith.constant 112 : i32
    %add3A_249 = arith.addi %scan3A_37, %add3A_248 : i32
    %swap3A_250 = arith.index_cast %add3A_249 : i32 to index
    %swap3A_251 = tpu.vector_load %arg17[%swap3A_250] {strides = array<i32>} : memref<2192xi32, #tpu.memory_space<vmem>>, vector<16xi32>,
    tpu.vector_store %arg17[%swap3A_250], %broadcast_in_dim3A_247 {strides = array<i32>} : memref<2192xi32, #tpu.memory_space<vmem>>, vector<16xi32>,
    %add3A_252 = arith.constant 128 : i32
    %add3A_253 = arith.addi %scan3A_37, %add3A_252 : i32
    %sub3A = arith.constant 1 : i32
    %sub3A_254 = arith.subi %add3A_253, %sub3A : i32
    %jit3A = arith.constant 128 : i32
    %div3A = arith.divsi %sub3A_254, %jit3A : i32
    %sign3A = arith.constant 0 : i32
    %sign3A_255 = arith.cmpi sgt, %sub3A_254, %sign3A : i32
    %sign3A_256 = arith.extui %sign3A_255 : i1 to i32
    %sign3A_257 = arith.constant 0 : i32
    %sign3A_258 = arith.cmpi slt, %sub3A_254, %sign3A_257 : i32
    %sign3A_259 = arith.extui %sign3A_258 : i1 to i32
    %sign3A_260 = arith.subi %sign3A_256, %sign3A_259 : i32
    %sign3A_261 = arith.constant 0 : i32
    %sign3A_262 = arith.cmpi sgt, %jit3A, %sign3A_261 : i32
    %sign3A_263 = arith.extui %sign3A_262 : i1 to i32
    %sign3A_264 = arith.constant 0 : i32
    %sign3A_265 = arith.cmpi slt, %jit3A, %sign3A_264 : i32
    %sign3A_266 = arith.extui %sign3A_265 : i1 to i32
    %sign3A_267 = arith.subi %sign3A_263, %sign3A_266 : i32
    %ne3A = arith.cmpi ne, %sign3A_260, %sign3A_267 : i32
    %rem3A = arith.remsi %sub3A_254, %jit3A : i32
    %ne3A_268 = arith.constant 0 : i32
    %ne3A_269 = arith.cmpi ne, %rem3A, %ne3A_268 : i32
    %and3A = arith.andi %ne3A, %ne3A_269 : i1
    %sub3A_270 = arith.constant 1 : i32
    %sub3A_271 = arith.subi %div3A, %sub3A_270 : i32
    %select_n3A = arith.select %and3A, %sub3A_271, %div3A : i32
    %while3A = arith.constant 0 : i32
    %while3A_272 = arith.constant 0 : i32
    %while3A_273 = arith.subi %select_n3A, %while3A : i32
    %while3A_274 = arith.addi %while3A, %while3A_273 : i32
    %while3A_275 = arith.constant 1 : i32
    %while3A_276 = arith.divsi %while3A_273, %while3A_275 : i32
    %while3A_277 = arith.muli %while3A_276, %while3A_275 : i32
    %while3A_278 = arith.addi %while3A, %while3A_277 : i32
    %while3A_279 = arith.constant 1 : i32
    %while3A_280 = scf.for %while3A_299 = %while3A to %while3A_278 step %while3A_279 iter_args(%while3A_300 = %while3A_272) -> (i32)  : i32 {
      %mul3A_301 = arith.constant 128 : i32
      %mul3A_302 = arith.muli %while3A_299, %mul3A_301 : i32
      %add3A_303 = arith.constant 0 : i32
      %add3A_304 = arith.addi %mul3A_302, %add3A_303 : i32
      %get3A = arith.index_cast %add3A_304 : i32 to index
      %get3A_305 = tpu.vector_load %arg15[%get3A] {strides = array<i32>} : memref<2192xi32, #tpu.memory_space<vmem>>, vector<16xi32>,
      %dma_start3A = arith.constant 0 : i32
      %dma_start3A_306 = arith.constant 0 : i32
      %dma_start3A_307 = tpu.memref_slice %arg18[%dma_start3A, %dma_start3A_306] : memref<128x32xf32, #tpu.memory_space<vmem>> -> memref<16x32xf32, #tpu.memory_space<vmem>>
      %dma_start3A_308 = arith.constant 0 : i32
      %dma_start3A_309 = arith.constant 0 : i32
      %dma_start3A_310 = tpu.memref_slice %arg2[%dma_start3A_308, %dma_start3A_309] : memref<1048576x32xf32, #tpu.memory_space<hbm>> -> memref<1048576x32xf32, #tpu.memory_space<hbm>>
      tpu.enqueue_indirect_dma source(%dma_start3A_310 : memref<1048576x32xf32, #tpu.memory_space<hbm>>) target(%dma_start3A_307 : memref<16x32xf32, #tpu.memory_space<vmem>>) offsets(%get3A_305 : vector<16xi32>) semaphore(%arg19 : memref<!tpu.dma_semaphore, #tpu.memory_space<semaphore_mem>>)
      %add3A_311 = arith.constant 16 : i32
      %add3A_312 = arith.addi %mul3A_302, %add3A_311 : i32
      %get3A_313 = arith.index_cast %add3A_312 : i32 to index
      %get3A_314 = tpu.vector_load %arg15[%get3A_313] {strides = array<i32>} : memref<2192xi32, #tpu.memory_space<vmem>>, vector<16xi32>,
      %dma_start3A_315 = arith.constant 16 : i32
      %dma_start3A_316 = arith.constant 0 : i32
      %dma_start3A_317 = tpu.memref_slice %arg18[%dma_start3A_315, %dma_start3A_316] : memref<128x32xf32, #tpu.memory_space<vmem>> -> memref<16x32xf32, #tpu.memory_space<vmem>>
      %dma_start3A_318 = arith.constant 0 : i32
      %dma_start3A_319 = arith.constant 0 : i32
      %dma_start3A_320 = tpu.memref_slice %arg2[%dma_start3A_318, %dma_start3A_319] : memref<1048576x32xf32, #tpu.memory_space<hbm>> -> memref<1048576x32xf32, #tpu.memory_space<hbm>>
      tpu.enqueue_indirect_dma source(%dma_start3A_320 : memref<1048576x32xf32, #tpu.memory_space<hbm>>) target(%dma_start3A_317 : memref<16x32xf32, #tpu.memory_space<vmem>>) offsets(%get3A_314 : vector<16xi32>) semaphore(%arg19 : memref<!tpu.dma_semaphore, #tpu.memory_space<semaphore_mem>>)
      %add3A_321 = arith.constant 32 : i32
      %add3A_322 = arith.addi %mul3A_302, %add3A_321 : i32
      %get3A_323 = arith.index_cast %add3A_322 : i32 to index
      %get3A_324 = tpu.vector_load %arg15[%get3A_323] {strides = array<i32>} : memref<2192xi32, #tpu.memory_space<vmem>>, vector<16xi32>,
      %dma_start3A_325 = arith.constant 32 : i32
      %dma_start3A_326 = arith.constant 0 : i32
      %dma_start3A_327 = tpu.memref_slice %arg18[%dma_start3A_325, %dma_start3A_326] : memref<128x32xf32, #tpu.memory_space<vmem>> -> memref<16x32xf32, #tpu.memory_space<vmem>>
      %dma_start3A_328 = arith.constant 0 : i32
      %dma_start3A_329 = arith.constant 0 : i32
      %dma_start3A_330 = tpu.memref_slice %arg2[%dma_start3A_328, %dma_start3A_329] : memref<1048576x32xf32, #tpu.memory_space<hbm>> -> memref<1048576x32xf32, #tpu.memory_space<hbm>>
      tpu.enqueue_indirect_dma source(%dma_start3A_330 : memref<1048576x32xf32, #tpu.memory_space<hbm>>) target(%dma_start3A_327 : memref<16x32xf32, #tpu.memory_space<vmem>>) offsets(%get3A_324 : vector<16xi32>) semaphore(%arg19 : memref<!tpu.dma_semaphore, #tpu.memory_space<semaphore_mem>>)
      %add3A_331 = arith.constant 48 : i32
      %add3A_332 = arith.addi %mul3A_302, %add3A_331 : i32
      %get3A_333 = arith.index_cast %add3A_332 : i32 to index
      %get3A_334 = tpu.vector_load %arg15[%get3A_333] {strides = array<i32>} : memref<2192xi32, #tpu.memory_space<vmem>>, vector<16xi32>,
      %dma_start3A_335 = arith.constant 48 : i32
      %dma_start3A_336 = arith.constant 0 : i32
      %dma_start3A_337 = tpu.memref_slice %arg18[%dma_start3A_335, %dma_start3A_336] : memref<128x32xf32, #tpu.memory_space<vmem>> -> memref<16x32xf32, #tpu.memory_space<vmem>>
      %dma_start3A_338 = arith.constant 0 : i32
      %dma_start3A_339 = arith.constant 0 : i32
      %dma_start3A_340 = tpu.memref_slice %arg2[%dma_start3A_338, %dma_start3A_339] : memref<1048576x32xf32, #tpu.memory_space<hbm>> -> memref<1048576x32xf32, #tpu.memory_space<hbm>>
      tpu.enqueue_indirect_dma source(%dma_start3A_340 : memref<1048576x32xf32, #tpu.memory_space<hbm>>) target(%dma_start3A_337 : memref<16x32xf32, #tpu.memory_space<vmem>>) offsets(%get3A_334 : vector<16xi32>) semaphore(%arg19 : memref<!tpu.dma_semaphore, #tpu.memory_space<semaphore_mem>>)
      %add3A_341 = arith.constant 64 : i32
      %add3A_342 = arith.addi %mul3A_302, %add3A_341 : i32
      %get3A_343 = arith.index_cast %add3A_342 : i32 to index
      %get3A_344 = tpu.vector_load %arg15[%get3A_343] {strides = array<i32>} : memref<2192xi32, #tpu.memory_space<vmem>>, vector<16xi32>,
      %dma_start3A_345 = arith.constant 64 : i32
      %dma_start3A_346 = arith.constant 0 : i32
      %dma_start3A_347 = tpu.memref_slice %arg18[%dma_start3A_345, %dma_start3A_346] : memref<128x32xf32, #tpu.memory_space<vmem>> -> memref<16x32xf32, #tpu.memory_space<vmem>>
      %dma_start3A_348 = arith.constant 0 : i32
      %dma_start3A_349 = arith.constant 0 : i32
      %dma_start3A_350 = tpu.memref_slice %arg2[%dma_start3A_348, %dma_start3A_349] : memref<1048576x32xf32, #tpu.memory_space<hbm>> -> memref<1048576x32xf32, #tpu.memory_space<hbm>>
      tpu.enqueue_indirect_dma source(%dma_start3A_350 : memref<1048576x32xf32, #tpu.memory_space<hbm>>) target(%dma_start3A_347 : memref<16x32xf32, #tpu.memory_space<vmem>>) offsets(%get3A_344 : vector<16xi32>) semaphore(%arg19 : memref<!tpu.dma_semaphore, #tpu.memory_space<semaphore_mem>>)
      %add3A_351 = arith.constant 80 : i32
      %add3A_352 = arith.addi %mul3A_302, %add3A_351 : i32
      %get3A_353 = arith.index_cast %add3A_352 : i32 to index
      %get3A_354 = tpu.vector_load %arg15[%get3A_353] {strides = array<i32>} : memref<2192xi32, #tpu.memory_space<vmem>>, vector<16xi32>,
      %dma_start3A_355 = arith.constant 80 : i32
      %dma_start3A_356 = arith.constant 0 : i32
      %dma_start3A_357 = tpu.memref_slice %arg18[%dma_start3A_355, %dma_start3A_356] : memref<128x32xf32, #tpu.memory_space<vmem>> -> memref<16x32xf32, #tpu.memory_space<vmem>>
      %dma_start3A_358 = arith.constant 0 : i32
      %dma_start3A_359 = arith.constant 0 : i32
      %dma_start3A_360 = tpu.memref_slice %arg2[%dma_start3A_358, %dma_start3A_359] : memref<1048576x32xf32, #tpu.memory_space<hbm>> -> memref<1048576x32xf32, #tpu.memory_space<hbm>>
      tpu.enqueue_indirect_dma source(%dma_start3A_360 : memref<1048576x32xf32, #tpu.memory_space<hbm>>) target(%dma_start3A_357 : memref<16x32xf32, #tpu.memory_space<vmem>>) offsets(%get3A_354 : vector<16xi32>) semaphore(%arg19 : memref<!tpu.dma_semaphore, #tpu.memory_space<semaphore_mem>>)
      %add3A_361 = arith.constant 96 : i32
      %add3A_362 = arith.addi %mul3A_302, %add3A_361 : i32
      %get3A_363 = arith.index_cast %add3A_362 : i32 to index
      %get3A_364 = tpu.vector_load %arg15[%get3A_363] {strides = array<i32>} : memref<2192xi32, #tpu.memory_space<vmem>>, vector<16xi32>,
      %dma_start3A_365 = arith.constant 96 : i32
      %dma_start3A_366 = arith.constant 0 : i32
      %dma_start3A_367 = tpu.memref_slice %arg18[%dma_start3A_365, %dma_start3A_366] : memref<128x32xf32, #tpu.memory_space<vmem>> -> memref<16x32xf32, #tpu.memory_space<vmem>>
      %dma_start3A_368 = arith.constant 0 : i32
      %dma_start3A_369 = arith.constant 0 : i32
      %dma_start3A_370 = tpu.memref_slice %arg2[%dma_start3A_368, %dma_start3A_369] : memref<1048576x32xf32, #tpu.memory_space<hbm>> -> memref<1048576x32xf32, #tpu.memory_space<hbm>>
      tpu.enqueue_indirect_dma source(%dma_start3A_370 : memref<1048576x32xf32, #tpu.memory_space<hbm>>) target(%dma_start3A_367 : memref<16x32xf32, #tpu.memory_space<vmem>>) offsets(%get3A_364 : vector<16xi32>) semaphore(%arg19 : memref<!tpu.dma_semaphore, #tpu.memory_space<semaphore_mem>>)
      %add3A_371 = arith.constant 112 : i32
      %add3A_372 = arith.addi %mul3A_302, %add3A_371 : i32
      %get3A_373 = arith.index_cast %add3A_372 : i32 to index
      %get3A_374 = tpu.vector_load %arg15[%get3A_373] {strides = array<i32>} : memref<2192xi32, #tpu.memory_space<vmem>>, vector<16xi32>,
      %dma_start3A_375 = arith.constant 112 : i32
      %dma_start3A_376 = arith.constant 0 : i32
      %dma_start3A_377 = tpu.memref_slice %arg18[%dma_start3A_375, %dma_start3A_376] : memref<128x32xf32, #tpu.memory_space<vmem>> -> memref<16x32xf32, #tpu.memory_space<vmem>>
      %dma_start3A_378 = arith.constant 0 : i32
      %dma_start3A_379 = arith.constant 0 : i32
      %dma_start3A_380 = tpu.memref_slice %arg2[%dma_start3A_378, %dma_start3A_379] : memref<1048576x32xf32, #tpu.memory_space<hbm>> -> memref<1048576x32xf32, #tpu.memory_space<hbm>>
      tpu.enqueue_indirect_dma source(%dma_start3A_380 : memref<1048576x32xf32, #tpu.memory_space<hbm>>) target(%dma_start3A_377 : memref<16x32xf32, #tpu.memory_space<vmem>>) offsets(%get3A_374 : vector<16xi32>) semaphore(%arg19 : memref<!tpu.dma_semaphore, #tpu.memory_space<semaphore_mem>>)
      %dma_wait3A = arith.constant 0 : i32
      %dma_wait3A_381 = arith.constant 0 : i32
      %dma_wait3A_382 = tpu.memref_slice %arg18[%dma_wait3A, %dma_wait3A_381] : memref<128x32xf32, #tpu.memory_space<vmem>> -> memref<16x32xf32, #tpu.memory_space<vmem>>
      %dma_wait3A_383 = arith.constant 0 : i32
      %dma_wait3A_384 = arith.constant 0 : i32
      %dma_wait3A_385 = tpu.memref_slice %arg2[%dma_wait3A_383, %dma_wait3A_384] : memref<1048576x32xf32, #tpu.memory_space<hbm>> -> memref<1048576x32xf32, #tpu.memory_space<hbm>>
      tpu.wait_indirect_dma semaphore(%arg19 : memref<!tpu.dma_semaphore, #tpu.memory_space<semaphore_mem>>) src(%dma_wait3A_385 : memref<1048576x32xf32, #tpu.memory_space<hbm>>) dst(%dma_wait3A_382 : memref<16x32xf32, #tpu.memory_space<vmem>>)
      %dma_wait3A_386 = arith.constant 16 : i32
      %dma_wait3A_387 = arith.constant 0 : i32
      %dma_wait3A_388 = tpu.memref_slice %arg18[%dma_wait3A_386, %dma_wait3A_387] : memref<128x32xf32, #tpu.memory_space<vmem>> -> memref<16x32xf32, #tpu.memory_space<vmem>>
      %dma_wait3A_389 = arith.constant 0 : i32
      %dma_wait3A_390 = arith.constant 0 : i32
      %dma_wait3A_391 = tpu.memref_slice %arg2[%dma_wait3A_389, %dma_wait3A_390] : memref<1048576x32xf32, #tpu.memory_space<hbm>> -> memref<1048576x32xf32, #tpu.memory_space<hbm>>
      tpu.wait_indirect_dma semaphore(%arg19 : memref<!tpu.dma_semaphore, #tpu.memory_space<semaphore_mem>>) src(%dma_wait3A_391 : memref<1048576x32xf32, #tpu.memory_space<hbm>>) dst(%dma_wait3A_388 : memref<16x32xf32, #tpu.memory_space<vmem>>)
      %dma_wait3A_392 = arith.constant 32 : i32
      %dma_wait3A_393 = arith.constant 0 : i32
      %dma_wait3A_394 = tpu.memref_slice %arg18[%dma_wait3A_392, %dma_wait3A_393] : memref<128x32xf32, #tpu.memory_space<vmem>> -> memref<16x32xf32, #tpu.memory_space<vmem>>
      %dma_wait3A_395 = arith.constant 0 : i32
      %dma_wait3A_396 = arith.constant 0 : i32
      %dma_wait3A_397 = tpu.memref_slice %arg2[%dma_wait3A_395, %dma_wait3A_396] : memref<1048576x32xf32, #tpu.memory_space<hbm>> -> memref<1048576x32xf32, #tpu.memory_space<hbm>>
      tpu.wait_indirect_dma semaphore(%arg19 : memref<!tpu.dma_semaphore, #tpu.memory_space<semaphore_mem>>) src(%dma_wait3A_397 : memref<1048576x32xf32, #tpu.memory_space<hbm>>) dst(%dma_wait3A_394 : memref<16x32xf32, #tpu.memory_space<vmem>>)
      %dma_wait3A_398 = arith.constant 48 : i32
      %dma_wait3A_399 = arith.constant 0 : i32
      %dma_wait3A_400 = tpu.memref_slice %arg18[%dma_wait3A_398, %dma_wait3A_399] : memref<128x32xf32, #tpu.memory_space<vmem>> -> memref<16x32xf32, #tpu.memory_space<vmem>>
      %dma_wait3A_401 = arith.constant 0 : i32
      %dma_wait3A_402 = arith.constant 0 : i32
      %dma_wait3A_403 = tpu.memref_slice %arg2[%dma_wait3A_401, %dma_wait3A_402] : memref<1048576x32xf32, #tpu.memory_space<hbm>> -> memref<1048576x32xf32, #tpu.memory_space<hbm>>
      tpu.wait_indirect_dma semaphore(%arg19 : memref<!tpu.dma_semaphore, #tpu.memory_space<semaphore_mem>>) src(%dma_wait3A_403 : memref<1048576x32xf32, #tpu.memory_space<hbm>>) dst(%dma_wait3A_400 : memref<16x32xf32, #tpu.memory_space<vmem>>)
      %dma_wait3A_404 = arith.constant 64 : i32
      %dma_wait3A_405 = arith.constant 0 : i32
      %dma_wait3A_406 = tpu.memref_slice %arg18[%dma_wait3A_404, %dma_wait3A_405] : memref<128x32xf32, #tpu.memory_space<vmem>> -> memref<16x32xf32, #tpu.memory_space<vmem>>
      %dma_wait3A_407 = arith.constant 0 : i32
      %dma_wait3A_408 = arith.constant 0 : i32
      %dma_wait3A_409 = tpu.memref_slice %arg2[%dma_wait3A_407, %dma_wait3A_408] : memref<1048576x32xf32, #tpu.memory_space<hbm>> -> memref<1048576x32xf32, #tpu.memory_space<hbm>>
      tpu.wait_indirect_dma semaphore(%arg19 : memref<!tpu.dma_semaphore, #tpu.memory_space<semaphore_mem>>) src(%dma_wait3A_409 : memref<1048576x32xf32, #tpu.memory_space<hbm>>) dst(%dma_wait3A_406 : memref<16x32xf32, #tpu.memory_space<vmem>>)
      %dma_wait3A_410 = arith.constant 80 : i32
      %dma_wait3A_411 = arith.constant 0 : i32
      %dma_wait3A_412 = tpu.memref_slice %arg18[%dma_wait3A_410, %dma_wait3A_411] : memref<128x32xf32, #tpu.memory_space<vmem>> -> memref<16x32xf32, #tpu.memory_space<vmem>>
      %dma_wait3A_413 = arith.constant 0 : i32
      %dma_wait3A_414 = arith.constant 0 : i32
      %dma_wait3A_415 = tpu.memref_slice %arg2[%dma_wait3A_413, %dma_wait3A_414] : memref<1048576x32xf32, #tpu.memory_space<hbm>> -> memref<1048576x32xf32, #tpu.memory_space<hbm>>
      tpu.wait_indirect_dma semaphore(%arg19 : memref<!tpu.dma_semaphore, #tpu.memory_space<semaphore_mem>>) src(%dma_wait3A_415 : memref<1048576x32xf32, #tpu.memory_space<hbm>>) dst(%dma_wait3A_412 : memref<16x32xf32, #tpu.memory_space<vmem>>)
      %dma_wait3A_416 = arith.constant 96 : i32
      %dma_wait3A_417 = arith.constant 0 : i32
      %dma_wait3A_418 = tpu.memref_slice %arg18[%dma_wait3A_416, %dma_wait3A_417] : memref<128x32xf32, #tpu.memory_space<vmem>> -> memref<16x32xf32, #tpu.memory_space<vmem>>
      %dma_wait3A_419 = arith.constant 0 : i32
      %dma_wait3A_420 = arith.constant 0 : i32
      %dma_wait3A_421 = tpu.memref_slice %arg2[%dma_wait3A_419, %dma_wait3A_420] : memref<1048576x32xf32, #tpu.memory_space<hbm>> -> memref<1048576x32xf32, #tpu.memory_space<hbm>>
      tpu.wait_indirect_dma semaphore(%arg19 : memref<!tpu.dma_semaphore, #tpu.memory_space<semaphore_mem>>) src(%dma_wait3A_421 : memref<1048576x32xf32, #tpu.memory_space<hbm>>) dst(%dma_wait3A_418 : memref<16x32xf32, #tpu.memory_space<vmem>>)
      %dma_wait3A_422 = arith.constant 112 : i32
      %dma_wait3A_423 = arith.constant 0 : i32
      %dma_wait3A_424 = tpu.memref_slice %arg18[%dma_wait3A_422, %dma_wait3A_423] : memref<128x32xf32, #tpu.memory_space<vmem>> -> memref<16x32xf32, #tpu.memory_space<vmem>>
      %dma_wait3A_425 = arith.constant 0 : i32
      %dma_wait3A_426 = arith.constant 0 : i32
      %dma_wait3A_427 = tpu.memref_slice %arg2[%dma_wait3A_425, %dma_wait3A_426] : memref<1048576x32xf32, #tpu.memory_space<hbm>> -> memref<1048576x32xf32, #tpu.memory_space<hbm>>
      tpu.wait_indirect_dma semaphore(%arg19 : memref<!tpu.dma_semaphore, #tpu.memory_space<semaphore_mem>>) src(%dma_wait3A_427 : memref<1048576x32xf32, #tpu.memory_space<hbm>>) dst(%dma_wait3A_424 : memref<16x32xf32, #tpu.memory_space<vmem>>)
      %add3A_428 = arith.constant 0 : i32
      %add3A_429 = arith.addi %mul3A_302, %add3A_428 : i32
      %get3A_430 = arith.index_cast %add3A_429 : i32 to index
      %get3A_431 = tpu.vector_load %arg14[%get3A_430] {strides = array<i32>} : memref<2192xi32, #tpu.memory_space<vmem>>, vector<16xi32>,
      %dma_start3A_432 = arith.constant 0 : i32
      %dma_start3A_433 = arith.constant 0 : i32
      %dma_start3A_434 = tpu.memref_slice %arg18[%dma_start3A_432, %dma_start3A_433] : memref<128x32xf32, #tpu.memory_space<vmem>> -> memref<16x32xf32, #tpu.memory_space<vmem>>
      %dma_start3A_435 = arith.constant 0 : i32
      %dma_start3A_436 = arith.constant 0 : i32
      %dma_start3A_437 = tpu.memref_slice %arg8[%dma_start3A_435, %dma_start3A_436] : memref<49168x32xf32, #tpu.memory_space<vmem_shared>> -> memref<49168x32xf32, #tpu.memory_space<vmem_shared>>
      tpu.enqueue_indirect_dma source(%dma_start3A_434 : memref<16x32xf32, #tpu.memory_space<vmem>>) target(%dma_start3A_437 : memref<49168x32xf32, #tpu.memory_space<vmem_shared>>) offsets(%get3A_431 : vector<16xi32>) semaphore(%arg20 : memref<!tpu.dma_semaphore, #tpu.memory_space<semaphore_mem>>) {add = true}
      %add3A_438 = arith.constant 0 : i32
      %add3A_439 = arith.addi %mul3A_302, %add3A_438 : i32
      %dma_start3A_440 = tpu.memref_slice %arg16[%add3A_439] : memref<2192xf32, #tpu.memory_space<vmem>> -> memref<16xf32, #tpu.memory_space<vmem>>
      %dma_start3A_441 = arith.constant 0 : i32
      %dma_start3A_442 = tpu.memref_slice %arg9[%dma_start3A_441] : memref<49168xf32, #tpu.memory_space<vmem_shared>> -> memref<49168xf32, #tpu.memory_space<vmem_shared>>
      tpu.enqueue_indirect_dma source(%dma_start3A_440 : memref<16xf32, #tpu.memory_space<vmem>>) target(%dma_start3A_442 : memref<49168xf32, #tpu.memory_space<vmem_shared>>) offsets(%get3A_431 : vector<16xi32>) semaphore(%arg20 : memref<!tpu.dma_semaphore, #tpu.memory_space<semaphore_mem>>) {add = true}
      %add3A_443 = arith.constant 0 : i32
      %add3A_444 = arith.addi %mul3A_302, %add3A_443 : i32
      %dma_start3A_445 = tpu.memref_slice %arg17[%add3A_444] : memref<2192xi32, #tpu.memory_space<vmem>> -> memref<16xi32, #tpu.memory_space<vmem>>
      %dma_start3A_446 = arith.constant 0 : i32
      %dma_start3A_447 = tpu.memref_slice %arg10[%dma_start3A_446] : memref<49168xi32, #tpu.memory_space<vmem_shared>> -> memref<49168xi32, #tpu.memory_space<vmem_shared>>
      tpu.enqueue_indirect_dma source(%dma_start3A_445 : memref<16xi32, #tpu.memory_space<vmem>>) target(%dma_start3A_447 : memref<49168xi32, #tpu.memory_space<vmem_shared>>) offsets(%get3A_431 : vector<16xi32>) semaphore(%arg20 : memref<!tpu.dma_semaphore, #tpu.memory_space<semaphore_mem>>) {add = true}
      %add3A_448 = arith.constant 16 : i32
      %add3A_449 = arith.addi %mul3A_302, %add3A_448 : i32
      %get3A_450 = arith.index_cast %add3A_449 : i32 to index
      %get3A_451 = tpu.vector_load %arg14[%get3A_450] {strides = array<i32>} : memref<2192xi32, #tpu.memory_space<vmem>>, vector<16xi32>,
      %dma_start3A_452 = arith.constant 16 : i32
      %dma_start3A_453 = arith.constant 0 : i32
      %dma_start3A_454 = tpu.memref_slice %arg18[%dma_start3A_452, %dma_start3A_453] : memref<128x32xf32, #tpu.memory_space<vmem>> -> memref<16x32xf32, #tpu.memory_space<vmem>>
      %dma_start3A_455 = arith.constant 0 : i32
      %dma_start3A_456 = arith.constant 0 : i32
      %dma_start3A_457 = tpu.memref_slice %arg8[%dma_start3A_455, %dma_start3A_456] : memref<49168x32xf32, #tpu.memory_space<vmem_shared>> -> memref<49168x32xf32, #tpu.memory_space<vmem_shared>>
      tpu.enqueue_indirect_dma source(%dma_start3A_454 : memref<16x32xf32, #tpu.memory_space<vmem>>) target(%dma_start3A_457 : memref<49168x32xf32, #tpu.memory_space<vmem_shared>>) offsets(%get3A_451 : vector<16xi32>) semaphore(%arg20 : memref<!tpu.dma_semaphore, #tpu.memory_space<semaphore_mem>>) {add = true}
      %add3A_458 = arith.constant 16 : i32
      %add3A_459 = arith.addi %mul3A_302, %add3A_458 : i32
      %dma_start3A_460 = tpu.memref_slice %arg16[%add3A_459] : memref<2192xf32, #tpu.memory_space<vmem>> -> memref<16xf32, #tpu.memory_space<vmem>>
      %dma_start3A_461 = arith.constant 0 : i32
      %dma_start3A_462 = tpu.memref_slice %arg9[%dma_start3A_461] : memref<49168xf32, #tpu.memory_space<vmem_shared>> -> memref<49168xf32, #tpu.memory_space<vmem_shared>>
      tpu.enqueue_indirect_dma source(%dma_start3A_460 : memref<16xf32, #tpu.memory_space<vmem>>) target(%dma_start3A_462 : memref<49168xf32, #tpu.memory_space<vmem_shared>>) offsets(%get3A_451 : vector<16xi32>) semaphore(%arg20 : memref<!tpu.dma_semaphore, #tpu.memory_space<semaphore_mem>>) {add = true}
      %add3A_463 = arith.constant 16 : i32
      %add3A_464 = arith.addi %mul3A_302, %add3A_463 : i32
      %dma_start3A_465 = tpu.memref_slice %arg17[%add3A_464] : memref<2192xi32, #tpu.memory_space<vmem>> -> memref<16xi32, #tpu.memory_space<vmem>>
      %dma_start3A_466 = arith.constant 0 : i32
      %dma_start3A_467 = tpu.memref_slice %arg10[%dma_start3A_466] : memref<49168xi32, #tpu.memory_space<vmem_shared>> -> memref<49168xi32, #tpu.memory_space<vmem_shared>>
      tpu.enqueue_indirect_dma source(%dma_start3A_465 : memref<16xi32, #tpu.memory_space<vmem>>) target(%dma_start3A_467 : memref<49168xi32, #tpu.memory_space<vmem_shared>>) offsets(%get3A_451 : vector<16xi32>) semaphore(%arg20 : memref<!tpu.dma_semaphore, #tpu.memory_space<semaphore_mem>>) {add = true}
      %add3A_468 = arith.constant 32 : i32
      %add3A_469 = arith.addi %mul3A_302, %add3A_468 : i32
      %get3A_470 = arith.index_cast %add3A_469 : i32 to index
      %get3A_471 = tpu.vector_load %arg14[%get3A_470] {strides = array<i32>} : memref<2192xi32, #tpu.memory_space<vmem>>, vector<16xi32>,
      %dma_start3A_472 = arith.constant 32 : i32
      %dma_start3A_473 = arith.constant 0 : i32
      %dma_start3A_474 = tpu.memref_slice %arg18[%dma_start3A_472, %dma_start3A_473] : memref<128x32xf32, #tpu.memory_space<vmem>> -> memref<16x32xf32, #tpu.memory_space<vmem>>
      %dma_start3A_475 = arith.constant 0 : i32
      %dma_start3A_476 = arith.constant 0 : i32
      %dma_start3A_477 = tpu.memref_slice %arg8[%dma_start3A_475, %dma_start3A_476] : memref<49168x32xf32, #tpu.memory_space<vmem_shared>> -> memref<49168x32xf32, #tpu.memory_space<vmem_shared>>
      tpu.enqueue_indirect_dma source(%dma_start3A_474 : memref<16x32xf32, #tpu.memory_space<vmem>>) target(%dma_start3A_477 : memref<49168x32xf32, #tpu.memory_space<vmem_shared>>) offsets(%get3A_471 : vector<16xi32>) semaphore(%arg20 : memref<!tpu.dma_semaphore, #tpu.memory_space<semaphore_mem>>) {add = true}
      %add3A_478 = arith.constant 32 : i32
      %add3A_479 = arith.addi %mul3A_302, %add3A_478 : i32
      %dma_start3A_480 = tpu.memref_slice %arg16[%add3A_479] : memref<2192xf32, #tpu.memory_space<vmem>> -> memref<16xf32, #tpu.memory_space<vmem>>
      %dma_start3A_481 = arith.constant 0 : i32
      %dma_start3A_482 = tpu.memref_slice %arg9[%dma_start3A_481] : memref<49168xf32, #tpu.memory_space<vmem_shared>> -> memref<49168xf32, #tpu.memory_space<vmem_shared>>
      tpu.enqueue_indirect_dma source(%dma_start3A_480 : memref<16xf32, #tpu.memory_space<vmem>>) target(%dma_start3A_482 : memref<49168xf32, #tpu.memory_space<vmem_shared>>) offsets(%get3A_471 : vector<16xi32>) semaphore(%arg20 : memref<!tpu.dma_semaphore, #tpu.memory_space<semaphore_mem>>) {add = true}
      %add3A_483 = arith.constant 32 : i32
      %add3A_484 = arith.addi %mul3A_302, %add3A_483 : i32
      %dma_start3A_485 = tpu.memref_slice %arg17[%add3A_484] : memref<2192xi32, #tpu.memory_space<vmem>> -> memref<16xi32, #tpu.memory_space<vmem>>
      %dma_start3A_486 = arith.constant 0 : i32
      %dma_start3A_487 = tpu.memref_slice %arg10[%dma_start3A_486] : memref<49168xi32, #tpu.memory_space<vmem_shared>> -> memref<49168xi32, #tpu.memory_space<vmem_shared>>
      tpu.enqueue_indirect_dma source(%dma_start3A_485 : memref<16xi32, #tpu.memory_space<vmem>>) target(%dma_start3A_487 : memref<49168xi32, #tpu.memory_space<vmem_shared>>) offsets(%get3A_471 : vector<16xi32>) semaphore(%arg20 : memref<!tpu.dma_semaphore, #tpu.memory_space<semaphore_mem>>) {add = true}
      %add3A_488 = arith.constant 48 : i32
      %add3A_489 = arith.addi %mul3A_302, %add3A_488 : i32
      %get3A_490 = arith.index_cast %add3A_489 : i32 to index
      %get3A_491 = tpu.vector_load %arg14[%get3A_490] {strides = array<i32>} : memref<2192xi32, #tpu.memory_space<vmem>>, vector<16xi32>,
      %dma_start3A_492 = arith.constant 48 : i32
      %dma_start3A_493 = arith.constant 0 : i32
      %dma_start3A_494 = tpu.memref_slice %arg18[%dma_start3A_492, %dma_start3A_493] : memref<128x32xf32, #tpu.memory_space<vmem>> -> memref<16x32xf32, #tpu.memory_space<vmem>>
      %dma_start3A_495 = arith.constant 0 : i32
      %dma_start3A_496 = arith.constant 0 : i32
      %dma_start3A_497 = tpu.memref_slice %arg8[%dma_start3A_495, %dma_start3A_496] : memref<49168x32xf32, #tpu.memory_space<vmem_shared>> -> memref<49168x32xf32, #tpu.memory_space<vmem_shared>>
      tpu.enqueue_indirect_dma source(%dma_start3A_494 : memref<16x32xf32, #tpu.memory_space<vmem>>) target(%dma_start3A_497 : memref<49168x32xf32, #tpu.memory_space<vmem_shared>>) offsets(%get3A_491 : vector<16xi32>) semaphore(%arg20 : memref<!tpu.dma_semaphore, #tpu.memory_space<semaphore_mem>>) {add = true}
      %add3A_498 = arith.constant 48 : i32
      %add3A_499 = arith.addi %mul3A_302, %add3A_498 : i32
      %dma_start3A_500 = tpu.memref_slice %arg16[%add3A_499] : memref<2192xf32, #tpu.memory_space<vmem>> -> memref<16xf32, #tpu.memory_space<vmem>>
      %dma_start3A_501 = arith.constant 0 : i32
      %dma_start3A_502 = tpu.memref_slice %arg9[%dma_start3A_501] : memref<49168xf32, #tpu.memory_space<vmem_shared>> -> memref<49168xf32, #tpu.memory_space<vmem_shared>>
      tpu.enqueue_indirect_dma source(%dma_start3A_500 : memref<16xf32, #tpu.memory_space<vmem>>) target(%dma_start3A_502 : memref<49168xf32, #tpu.memory_space<vmem_shared>>) offsets(%get3A_491 : vector<16xi32>) semaphore(%arg20 : memref<!tpu.dma_semaphore, #tpu.memory_space<semaphore_mem>>) {add = true}
      %add3A_503 = arith.constant 48 : i32
      %add3A_504 = arith.addi %mul3A_302, %add3A_503 : i32
      %dma_start3A_505 = tpu.memref_slice %arg17[%add3A_504] : memref<2192xi32, #tpu.memory_space<vmem>> -> memref<16xi32, #tpu.memory_space<vmem>>
      %dma_start3A_506 = arith.constant 0 : i32
      %dma_start3A_507 = tpu.memref_slice %arg10[%dma_start3A_506] : memref<49168xi32, #tpu.memory_space<vmem_shared>> -> memref<49168xi32, #tpu.memory_space<vmem_shared>>
      tpu.enqueue_indirect_dma source(%dma_start3A_505 : memref<16xi32, #tpu.memory_space<vmem>>) target(%dma_start3A_507 : memref<49168xi32, #tpu.memory_space<vmem_shared>>) offsets(%get3A_491 : vector<16xi32>) semaphore(%arg20 : memref<!tpu.dma_semaphore, #tpu.memory_space<semaphore_mem>>) {add = true}
      %add3A_508 = arith.constant 64 : i32
      %add3A_509 = arith.addi %mul3A_302, %add3A_508 : i32
      %get3A_510 = arith.index_cast %add3A_509 : i32 to index
      %get3A_511 = tpu.vector_load %arg14[%get3A_510] {strides = array<i32>} : memref<2192xi32, #tpu.memory_space<vmem>>, vector<16xi32>,
      %dma_start3A_512 = arith.constant 64 : i32
      %dma_start3A_513 = arith.constant 0 : i32
      %dma_start3A_514 = tpu.memref_slice %arg18[%dma_start3A_512, %dma_start3A_513] : memref<128x32xf32, #tpu.memory_space<vmem>> -> memref<16x32xf32, #tpu.memory_space<vmem>>
      %dma_start3A_515 = arith.constant 0 : i32
      %dma_start3A_516 = arith.constant 0 : i32
      %dma_start3A_517 = tpu.memref_slice %arg8[%dma_start3A_515, %dma_start3A_516] : memref<49168x32xf32, #tpu.memory_space<vmem_shared>> -> memref<49168x32xf32, #tpu.memory_space<vmem_shared>>
      tpu.enqueue_indirect_dma source(%dma_start3A_514 : memref<16x32xf32, #tpu.memory_space<vmem>>) target(%dma_start3A_517 : memref<49168x32xf32, #tpu.memory_space<vmem_shared>>) offsets(%get3A_511 : vector<16xi32>) semaphore(%arg20 : memref<!tpu.dma_semaphore, #tpu.memory_space<semaphore_mem>>) {add = true}
      %add3A_518 = arith.constant 64 : i32
      %add3A_519 = arith.addi %mul3A_302, %add3A_518 : i32
      %dma_start3A_520 = tpu.memref_slice %arg16[%add3A_519] : memref<2192xf32, #tpu.memory_space<vmem>> -> memref<16xf32, #tpu.memory_space<vmem>>
      %dma_start3A_521 = arith.constant 0 : i32
      %dma_start3A_522 = tpu.memref_slice %arg9[%dma_start3A_521] : memref<49168xf32, #tpu.memory_space<vmem_shared>> -> memref<49168xf32, #tpu.memory_space<vmem_shared>>
      tpu.enqueue_indirect_dma source(%dma_start3A_520 : memref<16xf32, #tpu.memory_space<vmem>>) target(%dma_start3A_522 : memref<49168xf32, #tpu.memory_space<vmem_shared>>) offsets(%get3A_511 : vector<16xi32>) semaphore(%arg20 : memref<!tpu.dma_semaphore, #tpu.memory_space<semaphore_mem>>) {add = true}
      %add3A_523 = arith.constant 64 : i32
      %add3A_524 = arith.addi %mul3A_302, %add3A_523 : i32
      %dma_start3A_525 = tpu.memref_slice %arg17[%add3A_524] : memref<2192xi32, #tpu.memory_space<vmem>> -> memref<16xi32, #tpu.memory_space<vmem>>
      %dma_start3A_526 = arith.constant 0 : i32
      %dma_start3A_527 = tpu.memref_slice %arg10[%dma_start3A_526] : memref<49168xi32, #tpu.memory_space<vmem_shared>> -> memref<49168xi32, #tpu.memory_space<vmem_shared>>
      tpu.enqueue_indirect_dma source(%dma_start3A_525 : memref<16xi32, #tpu.memory_space<vmem>>) target(%dma_start3A_527 : memref<49168xi32, #tpu.memory_space<vmem_shared>>) offsets(%get3A_511 : vector<16xi32>) semaphore(%arg20 : memref<!tpu.dma_semaphore, #tpu.memory_space<semaphore_mem>>) {add = true}
      %add3A_528 = arith.constant 80 : i32
      %add3A_529 = arith.addi %mul3A_302, %add3A_528 : i32
      %get3A_530 = arith.index_cast %add3A_529 : i32 to index
      %get3A_531 = tpu.vector_load %arg14[%get3A_530] {strides = array<i32>} : memref<2192xi32, #tpu.memory_space<vmem>>, vector<16xi32>,
      %dma_start3A_532 = arith.constant 80 : i32
      %dma_start3A_533 = arith.constant 0 : i32
      %dma_start3A_534 = tpu.memref_slice %arg18[%dma_start3A_532, %dma_start3A_533] : memref<128x32xf32, #tpu.memory_space<vmem>> -> memref<16x32xf32, #tpu.memory_space<vmem>>
      %dma_start3A_535 = arith.constant 0 : i32
      %dma_start3A_536 = arith.constant 0 : i32
      %dma_start3A_537 = tpu.memref_slice %arg8[%dma_start3A_535, %dma_start3A_536] : memref<49168x32xf32, #tpu.memory_space<vmem_shared>> -> memref<49168x32xf32, #tpu.memory_space<vmem_shared>>
      tpu.enqueue_indirect_dma source(%dma_start3A_534 : memref<16x32xf32, #tpu.memory_space<vmem>>) target(%dma_start3A_537 : memref<49168x32xf32, #tpu.memory_space<vmem_shared>>) offsets(%get3A_531 : vector<16xi32>) semaphore(%arg20 : memref<!tpu.dma_semaphore, #tpu.memory_space<semaphore_mem>>) {add = true}
      %add3A_538 = arith.constant 80 : i32
      %add3A_539 = arith.addi %mul3A_302, %add3A_538 : i32
      %dma_start3A_540 = tpu.memref_slice %arg16[%add3A_539] : memref<2192xf32, #tpu.memory_space<vmem>> -> memref<16xf32, #tpu.memory_space<vmem>>
      %dma_start3A_541 = arith.constant 0 : i32
      %dma_start3A_542 = tpu.memref_slice %arg9[%dma_start3A_541] : memref<49168xf32, #tpu.memory_space<vmem_shared>> -> memref<49168xf32, #tpu.memory_space<vmem_shared>>
      tpu.enqueue_indirect_dma source(%dma_start3A_540 : memref<16xf32, #tpu.memory_space<vmem>>) target(%dma_start3A_542 : memref<49168xf32, #tpu.memory_space<vmem_shared>>) offsets(%get3A_531 : vector<16xi32>) semaphore(%arg20 : memref<!tpu.dma_semaphore, #tpu.memory_space<semaphore_mem>>) {add = true}
      %add3A_543 = arith.constant 80 : i32
      %add3A_544 = arith.addi %mul3A_302, %add3A_543 : i32
      %dma_start3A_545 = tpu.memref_slice %arg17[%add3A_544] : memref<2192xi32, #tpu.memory_space<vmem>> -> memref<16xi32, #tpu.memory_space<vmem>>
      %dma_start3A_546 = arith.constant 0 : i32
      %dma_start3A_547 = tpu.memref_slice %arg10[%dma_start3A_546] : memref<49168xi32, #tpu.memory_space<vmem_shared>> -> memref<49168xi32, #tpu.memory_space<vmem_shared>>
      tpu.enqueue_indirect_dma source(%dma_start3A_545 : memref<16xi32, #tpu.memory_space<vmem>>) target(%dma_start3A_547 : memref<49168xi32, #tpu.memory_space<vmem_shared>>) offsets(%get3A_531 : vector<16xi32>) semaphore(%arg20 : memref<!tpu.dma_semaphore, #tpu.memory_space<semaphore_mem>>) {add = true}
      %add3A_548 = arith.constant 96 : i32
      %add3A_549 = arith.addi %mul3A_302, %add3A_548 : i32
      %get3A_550 = arith.index_cast %add3A_549 : i32 to index
      %get3A_551 = tpu.vector_load %arg14[%get3A_550] {strides = array<i32>} : memref<2192xi32, #tpu.memory_space<vmem>>, vector<16xi32>,
      %dma_start3A_552 = arith.constant 96 : i32
      %dma_start3A_553 = arith.constant 0 : i32
      %dma_start3A_554 = tpu.memref_slice %arg18[%dma_start3A_552, %dma_start3A_553] : memref<128x32xf32, #tpu.memory_space<vmem>> -> memref<16x32xf32, #tpu.memory_space<vmem>>
      %dma_start3A_555 = arith.constant 0 : i32
      %dma_start3A_556 = arith.constant 0 : i32
      %dma_start3A_557 = tpu.memref_slice %arg8[%dma_start3A_555, %dma_start3A_556] : memref<49168x32xf32, #tpu.memory_space<vmem_shared>> -> memref<49168x32xf32, #tpu.memory_space<vmem_shared>>
      tpu.enqueue_indirect_dma source(%dma_start3A_554 : memref<16x32xf32, #tpu.memory_space<vmem>>) target(%dma_start3A_557 : memref<49168x32xf32, #tpu.memory_space<vmem_shared>>) offsets(%get3A_551 : vector<16xi32>) semaphore(%arg20 : memref<!tpu.dma_semaphore, #tpu.memory_space<semaphore_mem>>) {add = true}
      %add3A_558 = arith.constant 96 : i32
      %add3A_559 = arith.addi %mul3A_302, %add3A_558 : i32
      %dma_start3A_560 = tpu.memref_slice %arg16[%add3A_559] : memref<2192xf32, #tpu.memory_space<vmem>> -> memref<16xf32, #tpu.memory_space<vmem>>
      %dma_start3A_561 = arith.constant 0 : i32
      %dma_start3A_562 = tpu.memref_slice %arg9[%dma_start3A_561] : memref<49168xf32, #tpu.memory_space<vmem_shared>> -> memref<49168xf32, #tpu.memory_space<vmem_shared>>
      tpu.enqueue_indirect_dma source(%dma_start3A_560 : memref<16xf32, #tpu.memory_space<vmem>>) target(%dma_start3A_562 : memref<49168xf32, #tpu.memory_space<vmem_shared>>) offsets(%get3A_551 : vector<16xi32>) semaphore(%arg20 : memref<!tpu.dma_semaphore, #tpu.memory_space<semaphore_mem>>) {add = true}
      %add3A_563 = arith.constant 96 : i32
      %add3A_564 = arith.addi %mul3A_302, %add3A_563 : i32
      %dma_start3A_565 = tpu.memref_slice %arg17[%add3A_564] : memref<2192xi32, #tpu.memory_space<vmem>> -> memref<16xi32, #tpu.memory_space<vmem>>
      %dma_start3A_566 = arith.constant 0 : i32
      %dma_start3A_567 = tpu.memref_slice %arg10[%dma_start3A_566] : memref<49168xi32, #tpu.memory_space<vmem_shared>> -> memref<49168xi32, #tpu.memory_space<vmem_shared>>
      tpu.enqueue_indirect_dma source(%dma_start3A_565 : memref<16xi32, #tpu.memory_space<vmem>>) target(%dma_start3A_567 : memref<49168xi32, #tpu.memory_space<vmem_shared>>) offsets(%get3A_551 : vector<16xi32>) semaphore(%arg20 : memref<!tpu.dma_semaphore, #tpu.memory_space<semaphore_mem>>) {add = true}
      %add3A_568 = arith.constant 112 : i32
      %add3A_569 = arith.addi %mul3A_302, %add3A_568 : i32
      %get3A_570 = arith.index_cast %add3A_569 : i32 to index
      %get3A_571 = tpu.vector_load %arg14[%get3A_570] {strides = array<i32>} : memref<2192xi32, #tpu.memory_space<vmem>>, vector<16xi32>,
      %dma_start3A_572 = arith.constant 112 : i32
      %dma_start3A_573 = arith.constant 0 : i32
      %dma_start3A_574 = tpu.memref_slice %arg18[%dma_start3A_572, %dma_start3A_573] : memref<128x32xf32, #tpu.memory_space<vmem>> -> memref<16x32xf32, #tpu.memory_space<vmem>>
      %dma_start3A_575 = arith.constant 0 : i32
      %dma_start3A_576 = arith.constant 0 : i32
      %dma_start3A_577 = tpu.memref_slice %arg8[%dma_start3A_575, %dma_start3A_576] : memref<49168x32xf32, #tpu.memory_space<vmem_shared>> -> memref<49168x32xf32, #tpu.memory_space<vmem_shared>>
      tpu.enqueue_indirect_dma source(%dma_start3A_574 : memref<16x32xf32, #tpu.memory_space<vmem>>) target(%dma_start3A_577 : memref<49168x32xf32, #tpu.memory_space<vmem_shared>>) offsets(%get3A_571 : vector<16xi32>) semaphore(%arg20 : memref<!tpu.dma_semaphore, #tpu.memory_space<semaphore_mem>>) {add = true}
      %add3A_578 = arith.constant 112 : i32
      %add3A_579 = arith.addi %mul3A_302, %add3A_578 : i32
      %dma_start3A_580 = tpu.memref_slice %arg16[%add3A_579] : memref<2192xf32, #tpu.memory_space<vmem>> -> memref<16xf32, #tpu.memory_space<vmem>>
      %dma_start3A_581 = arith.constant 0 : i32
      %dma_start3A_582 = tpu.memref_slice %arg9[%dma_start3A_581] : memref<49168xf32, #tpu.memory_space<vmem_shared>> -> memref<49168xf32, #tpu.memory_space<vmem_shared>>
      tpu.enqueue_indirect_dma source(%dma_start3A_580 : memref<16xf32, #tpu.memory_space<vmem>>) target(%dma_start3A_582 : memref<49168xf32, #tpu.memory_space<vmem_shared>>) offsets(%get3A_571 : vector<16xi32>) semaphore(%arg20 : memref<!tpu.dma_semaphore, #tpu.memory_space<semaphore_mem>>) {add = true}
      %add3A_583 = arith.constant 112 : i32
      %add3A_584 = arith.addi %mul3A_302, %add3A_583 : i32
      %dma_start3A_585 = tpu.memref_slice %arg17[%add3A_584] : memref<2192xi32, #tpu.memory_space<vmem>> -> memref<16xi32, #tpu.memory_space<vmem>>
      %dma_start3A_586 = arith.constant 0 : i32
      %dma_start3A_587 = tpu.memref_slice %arg10[%dma_start3A_586] : memref<49168xi32, #tpu.memory_space<vmem_shared>> -> memref<49168xi32, #tpu.memory_space<vmem_shared>>
      tpu.enqueue_indirect_dma source(%dma_start3A_585 : memref<16xi32, #tpu.memory_space<vmem>>) target(%dma_start3A_587 : memref<49168xi32, #tpu.memory_space<vmem_shared>>) offsets(%get3A_571 : vector<16xi32>) semaphore(%arg20 : memref<!tpu.dma_semaphore, #tpu.memory_space<semaphore_mem>>) {add = true}
      %dma_wait3A_588 = arith.constant 0 : i32
      %dma_wait3A_589 = arith.constant 0 : i32
      %dma_wait3A_590 = tpu.memref_slice %arg18[%dma_wait3A_588, %dma_wait3A_589] : memref<128x32xf32, #tpu.memory_space<vmem>> -> memref<16x32xf32, #tpu.memory_space<vmem>>
      %dma_wait3A_591 = arith.constant 0 : i32
      %dma_wait3A_592 = arith.constant 0 : i32
      %dma_wait3A_593 = tpu.memref_slice %arg8[%dma_wait3A_591, %dma_wait3A_592] : memref<49168x32xf32, #tpu.memory_space<vmem_shared>> -> memref<49168x32xf32, #tpu.memory_space<vmem_shared>>
      tpu.wait_indirect_dma semaphore(%arg20 : memref<!tpu.dma_semaphore, #tpu.memory_space<semaphore_mem>>) src(%dma_wait3A_590 : memref<16x32xf32, #tpu.memory_space<vmem>>) dst(%dma_wait3A_593 : memref<49168x32xf32, #tpu.memory_space<vmem_shared>>)
      %dma_wait3A_594 = tpu.memref_slice %arg16[%add3A_439] : memref<2192xf32, #tpu.memory_space<vmem>> -> memref<16xf32, #tpu.memory_space<vmem>>
      %dma_wait3A_595 = arith.constant 0 : i32
      %dma_wait3A_596 = tpu.memref_slice %arg9[%dma_wait3A_595] : memref<49168xf32, #tpu.memory_space<vmem_shared>> -> memref<49168xf32, #tpu.memory_space<vmem_shared>>
      tpu.wait_indirect_dma semaphore(%arg20 : memref<!tpu.dma_semaphore, #tpu.memory_space<semaphore_mem>>) src(%dma_wait3A_594 : memref<16xf32, #tpu.memory_space<vmem>>) dst(%dma_wait3A_596 : memref<49168xf32, #tpu.memory_space<vmem_shared>>)
      %dma_wait3A_597 = tpu.memref_slice %arg17[%add3A_444] : memref<2192xi32, #tpu.memory_space<vmem>> -> memref<16xi32, #tpu.memory_space<vmem>>
      %dma_wait3A_598 = arith.constant 0 : i32
      %dma_wait3A_599 = tpu.memref_slice %arg10[%dma_wait3A_598] : memref<49168xi32, #tpu.memory_space<vmem_shared>> -> memref<49168xi32, #tpu.memory_space<vmem_shared>>
      tpu.wait_indirect_dma semaphore(%arg20 : memref<!tpu.dma_semaphore, #tpu.memory_space<semaphore_mem>>) src(%dma_wait3A_597 : memref<16xi32, #tpu.memory_space<vmem>>) dst(%dma_wait3A_599 : memref<49168xi32, #tpu.memory_space<vmem_shared>>)
      %dma_wait3A_600 = arith.constant 16 : i32
      %dma_wait3A_601 = arith.constant 0 : i32
      %dma_wait3A_602 = tpu.memref_slice %arg18[%dma_wait3A_600, %dma_wait3A_601] : memref<128x32xf32, #tpu.memory_space<vmem>> -> memref<16x32xf32, #tpu.memory_space<vmem>>
      %dma_wait3A_603 = arith.constant 0 : i32
      %dma_wait3A_604 = arith.constant 0 : i32
      %dma_wait3A_605 = tpu.memref_slice %arg8[%dma_wait3A_603, %dma_wait3A_604] : memref<49168x32xf32, #tpu.memory_space<vmem_shared>> -> memref<49168x32xf32, #tpu.memory_space<vmem_shared>>
      tpu.wait_indirect_dma semaphore(%arg20 : memref<!tpu.dma_semaphore, #tpu.memory_space<semaphore_mem>>) src(%dma_wait3A_602 : memref<16x32xf32, #tpu.memory_space<vmem>>) dst(%dma_wait3A_605 : memref<49168x32xf32, #tpu.memory_space<vmem_shared>>)
      %dma_wait3A_606 = tpu.memref_slice %arg16[%add3A_459] : memref<2192xf32, #tpu.memory_space<vmem>> -> memref<16xf32, #tpu.memory_space<vmem>>
      %dma_wait3A_607 = arith.constant 0 : i32
      %dma_wait3A_608 = tpu.memref_slice %arg9[%dma_wait3A_607] : memref<49168xf32, #tpu.memory_space<vmem_shared>> -> memref<49168xf32, #tpu.memory_space<vmem_shared>>
      tpu.wait_indirect_dma semaphore(%arg20 : memref<!tpu.dma_semaphore, #tpu.memory_space<semaphore_mem>>) src(%dma_wait3A_606 : memref<16xf32, #tpu.memory_space<vmem>>) dst(%dma_wait3A_608 : memref<49168xf32, #tpu.memory_space<vmem_shared>>)
      %dma_wait3A_609 = tpu.memref_slice %arg17[%add3A_464] : memref<2192xi32, #tpu.memory_space<vmem>> -> memref<16xi32, #tpu.memory_space<vmem>>
      %dma_wait3A_610 = arith.constant 0 : i32
      %dma_wait3A_611 = tpu.memref_slice %arg10[%dma_wait3A_610] : memref<49168xi32, #tpu.memory_space<vmem_shared>> -> memref<49168xi32, #tpu.memory_space<vmem_shared>>
      tpu.wait_indirect_dma semaphore(%arg20 : memref<!tpu.dma_semaphore, #tpu.memory_space<semaphore_mem>>) src(%dma_wait3A_609 : memref<16xi32, #tpu.memory_space<vmem>>) dst(%dma_wait3A_611 : memref<49168xi32, #tpu.memory_space<vmem_shared>>)
      %dma_wait3A_612 = arith.constant 32 : i32
      %dma_wait3A_613 = arith.constant 0 : i32
      %dma_wait3A_614 = tpu.memref_slice %arg18[%dma_wait3A_612, %dma_wait3A_613] : memref<128x32xf32, #tpu.memory_space<vmem>> -> memref<16x32xf32, #tpu.memory_space<vmem>>
      %dma_wait3A_615 = arith.constant 0 : i32
      %dma_wait3A_616 = arith.constant 0 : i32
      %dma_wait3A_617 = tpu.memref_slice %arg8[%dma_wait3A_615, %dma_wait3A_616] : memref<49168x32xf32, #tpu.memory_space<vmem_shared>> -> memref<49168x32xf32, #tpu.memory_space<vmem_shared>>
      tpu.wait_indirect_dma semaphore(%arg20 : memref<!tpu.dma_semaphore, #tpu.memory_space<semaphore_mem>>) src(%dma_wait3A_614 : memref<16x32xf32, #tpu.memory_space<vmem>>) dst(%dma_wait3A_617 : memref<49168x32xf32, #tpu.memory_space<vmem_shared>>)
      %dma_wait3A_618 = tpu.memref_slice %arg16[%add3A_479] : memref<2192xf32, #tpu.memory_space<vmem>> -> memref<16xf32, #tpu.memory_space<vmem>>
      %dma_wait3A_619 = arith.constant 0 : i32
      %dma_wait3A_620 = tpu.memref_slice %arg9[%dma_wait3A_619] : memref<49168xf32, #tpu.memory_space<vmem_shared>> -> memref<49168xf32, #tpu.memory_space<vmem_shared>>
      tpu.wait_indirect_dma semaphore(%arg20 : memref<!tpu.dma_semaphore, #tpu.memory_space<semaphore_mem>>) src(%dma_wait3A_618 : memref<16xf32, #tpu.memory_space<vmem>>) dst(%dma_wait3A_620 : memref<49168xf32, #tpu.memory_space<vmem_shared>>)
      %dma_wait3A_621 = tpu.memref_slice %arg17[%add3A_484] : memref<2192xi32, #tpu.memory_space<vmem>> -> memref<16xi32, #tpu.memory_space<vmem>>
      %dma_wait3A_622 = arith.constant 0 : i32
      %dma_wait3A_623 = tpu.memref_slice %arg10[%dma_wait3A_622] : memref<49168xi32, #tpu.memory_space<vmem_shared>> -> memref<49168xi32, #tpu.memory_space<vmem_shared>>
      tpu.wait_indirect_dma semaphore(%arg20 : memref<!tpu.dma_semaphore, #tpu.memory_space<semaphore_mem>>) src(%dma_wait3A_621 : memref<16xi32, #tpu.memory_space<vmem>>) dst(%dma_wait3A_623 : memref<49168xi32, #tpu.memory_space<vmem_shared>>)
      %dma_wait3A_624 = arith.constant 48 : i32
      %dma_wait3A_625 = arith.constant 0 : i32
      %dma_wait3A_626 = tpu.memref_slice %arg18[%dma_wait3A_624, %dma_wait3A_625] : memref<128x32xf32, #tpu.memory_space<vmem>> -> memref<16x32xf32, #tpu.memory_space<vmem>>
      %dma_wait3A_627 = arith.constant 0 : i32
      %dma_wait3A_628 = arith.constant 0 : i32
      %dma_wait3A_629 = tpu.memref_slice %arg8[%dma_wait3A_627, %dma_wait3A_628] : memref<49168x32xf32, #tpu.memory_space<vmem_shared>> -> memref<49168x32xf32, #tpu.memory_space<vmem_shared>>
      tpu.wait_indirect_dma semaphore(%arg20 : memref<!tpu.dma_semaphore, #tpu.memory_space<semaphore_mem>>) src(%dma_wait3A_626 : memref<16x32xf32, #tpu.memory_space<vmem>>) dst(%dma_wait3A_629 : memref<49168x32xf32, #tpu.memory_space<vmem_shared>>)
      %dma_wait3A_630 = tpu.memref_slice %arg16[%add3A_499] : memref<2192xf32, #tpu.memory_space<vmem>> -> memref<16xf32, #tpu.memory_space<vmem>>
      %dma_wait3A_631 = arith.constant 0 : i32
      %dma_wait3A_632 = tpu.memref_slice %arg9[%dma_wait3A_631] : memref<49168xf32, #tpu.memory_space<vmem_shared>> -> memref<49168xf32, #tpu.memory_space<vmem_shared>>
      tpu.wait_indirect_dma semaphore(%arg20 : memref<!tpu.dma_semaphore, #tpu.memory_space<semaphore_mem>>) src(%dma_wait3A_630 : memref<16xf32, #tpu.memory_space<vmem>>) dst(%dma_wait3A_632 : memref<49168xf32, #tpu.memory_space<vmem_shared>>)
      %dma_wait3A_633 = tpu.memref_slice %arg17[%add3A_504] : memref<2192xi32, #tpu.memory_space<vmem>> -> memref<16xi32, #tpu.memory_space<vmem>>
      %dma_wait3A_634 = arith.constant 0 : i32
      %dma_wait3A_635 = tpu.memref_slice %arg10[%dma_wait3A_634] : memref<49168xi32, #tpu.memory_space<vmem_shared>> -> memref<49168xi32, #tpu.memory_space<vmem_shared>>
      tpu.wait_indirect_dma semaphore(%arg20 : memref<!tpu.dma_semaphore, #tpu.memory_space<semaphore_mem>>) src(%dma_wait3A_633 : memref<16xi32, #tpu.memory_space<vmem>>) dst(%dma_wait3A_635 : memref<49168xi32, #tpu.memory_space<vmem_shared>>)
      %dma_wait3A_636 = arith.constant 64 : i32
      %dma_wait3A_637 = arith.constant 0 : i32
      %dma_wait3A_638 = tpu.memref_slice %arg18[%dma_wait3A_636, %dma_wait3A_637] : memref<128x32xf32, #tpu.memory_space<vmem>> -> memref<16x32xf32, #tpu.memory_space<vmem>>
      %dma_wait3A_639 = arith.constant 0 : i32
      %dma_wait3A_640 = arith.constant 0 : i32
      %dma_wait3A_641 = tpu.memref_slice %arg8[%dma_wait3A_639, %dma_wait3A_640] : memref<49168x32xf32, #tpu.memory_space<vmem_shared>> -> memref<49168x32xf32, #tpu.memory_space<vmem_shared>>
      tpu.wait_indirect_dma semaphore(%arg20 : memref<!tpu.dma_semaphore, #tpu.memory_space<semaphore_mem>>) src(%dma_wait3A_638 : memref<16x32xf32, #tpu.memory_space<vmem>>) dst(%dma_wait3A_641 : memref<49168x32xf32, #tpu.memory_space<vmem_shared>>)
      %dma_wait3A_642 = tpu.memref_slice %arg16[%add3A_519] : memref<2192xf32, #tpu.memory_space<vmem>> -> memref<16xf32, #tpu.memory_space<vmem>>
      %dma_wait3A_643 = arith.constant 0 : i32
      %dma_wait3A_644 = tpu.memref_slice %arg9[%dma_wait3A_643] : memref<49168xf32, #tpu.memory_space<vmem_shared>> -> memref<49168xf32, #tpu.memory_space<vmem_shared>>
      tpu.wait_indirect_dma semaphore(%arg20 : memref<!tpu.dma_semaphore, #tpu.memory_space<semaphore_mem>>) src(%dma_wait3A_642 : memref<16xf32, #tpu.memory_space<vmem>>) dst(%dma_wait3A_644 : memref<49168xf32, #tpu.memory_space<vmem_shared>>)
      %dma_wait3A_645 = tpu.memref_slice %arg17[%add3A_524] : memref<2192xi32, #tpu.memory_space<vmem>> -> memref<16xi32, #tpu.memory_space<vmem>>
      %dma_wait3A_646 = arith.constant 0 : i32
      %dma_wait3A_647 = tpu.memref_slice %arg10[%dma_wait3A_646] : memref<49168xi32, #tpu.memory_space<vmem_shared>> -> memref<49168xi32, #tpu.memory_space<vmem_shared>>
      tpu.wait_indirect_dma semaphore(%arg20 : memref<!tpu.dma_semaphore, #tpu.memory_space<semaphore_mem>>) src(%dma_wait3A_645 : memref<16xi32, #tpu.memory_space<vmem>>) dst(%dma_wait3A_647 : memref<49168xi32, #tpu.memory_space<vmem_shared>>)
      %dma_wait3A_648 = arith.constant 80 : i32
      %dma_wait3A_649 = arith.constant 0 : i32
      %dma_wait3A_650 = tpu.memref_slice %arg18[%dma_wait3A_648, %dma_wait3A_649] : memref<128x32xf32, #tpu.memory_space<vmem>> -> memref<16x32xf32, #tpu.memory_space<vmem>>
      %dma_wait3A_651 = arith.constant 0 : i32
      %dma_wait3A_652 = arith.constant 0 : i32
      %dma_wait3A_653 = tpu.memref_slice %arg8[%dma_wait3A_651, %dma_wait3A_652] : memref<49168x32xf32, #tpu.memory_space<vmem_shared>> -> memref<49168x32xf32, #tpu.memory_space<vmem_shared>>
      tpu.wait_indirect_dma semaphore(%arg20 : memref<!tpu.dma_semaphore, #tpu.memory_space<semaphore_mem>>) src(%dma_wait3A_650 : memref<16x32xf32, #tpu.memory_space<vmem>>) dst(%dma_wait3A_653 : memref<49168x32xf32, #tpu.memory_space<vmem_shared>>)
      %dma_wait3A_654 = tpu.memref_slice %arg16[%add3A_539] : memref<2192xf32, #tpu.memory_space<vmem>> -> memref<16xf32, #tpu.memory_space<vmem>>
      %dma_wait3A_655 = arith.constant 0 : i32
      %dma_wait3A_656 = tpu.memref_slice %arg9[%dma_wait3A_655] : memref<49168xf32, #tpu.memory_space<vmem_shared>> -> memref<49168xf32, #tpu.memory_space<vmem_shared>>
      tpu.wait_indirect_dma semaphore(%arg20 : memref<!tpu.dma_semaphore, #tpu.memory_space<semaphore_mem>>) src(%dma_wait3A_654 : memref<16xf32, #tpu.memory_space<vmem>>) dst(%dma_wait3A_656 : memref<49168xf32, #tpu.memory_space<vmem_shared>>)
      %dma_wait3A_657 = tpu.memref_slice %arg17[%add3A_544] : memref<2192xi32, #tpu.memory_space<vmem>> -> memref<16xi32, #tpu.memory_space<vmem>>
      %dma_wait3A_658 = arith.constant 0 : i32
      %dma_wait3A_659 = tpu.memref_slice %arg10[%dma_wait3A_658] : memref<49168xi32, #tpu.memory_space<vmem_shared>> -> memref<49168xi32, #tpu.memory_space<vmem_shared>>
      tpu.wait_indirect_dma semaphore(%arg20 : memref<!tpu.dma_semaphore, #tpu.memory_space<semaphore_mem>>) src(%dma_wait3A_657 : memref<16xi32, #tpu.memory_space<vmem>>) dst(%dma_wait3A_659 : memref<49168xi32, #tpu.memory_space<vmem_shared>>)
      %dma_wait3A_660 = arith.constant 96 : i32
      %dma_wait3A_661 = arith.constant 0 : i32
      %dma_wait3A_662 = tpu.memref_slice %arg18[%dma_wait3A_660, %dma_wait3A_661] : memref<128x32xf32, #tpu.memory_space<vmem>> -> memref<16x32xf32, #tpu.memory_space<vmem>>
      %dma_wait3A_663 = arith.constant 0 : i32
      %dma_wait3A_664 = arith.constant 0 : i32
      %dma_wait3A_665 = tpu.memref_slice %arg8[%dma_wait3A_663, %dma_wait3A_664] : memref<49168x32xf32, #tpu.memory_space<vmem_shared>> -> memref<49168x32xf32, #tpu.memory_space<vmem_shared>>
      tpu.wait_indirect_dma semaphore(%arg20 : memref<!tpu.dma_semaphore, #tpu.memory_space<semaphore_mem>>) src(%dma_wait3A_662 : memref<16x32xf32, #tpu.memory_space<vmem>>) dst(%dma_wait3A_665 : memref<49168x32xf32, #tpu.memory_space<vmem_shared>>)
      %dma_wait3A_666 = tpu.memref_slice %arg16[%add3A_559] : memref<2192xf32, #tpu.memory_space<vmem>> -> memref<16xf32, #tpu.memory_space<vmem>>
      %dma_wait3A_667 = arith.constant 0 : i32
      %dma_wait3A_668 = tpu.memref_slice %arg9[%dma_wait3A_667] : memref<49168xf32, #tpu.memory_space<vmem_shared>> -> memref<49168xf32, #tpu.memory_space<vmem_shared>>
      tpu.wait_indirect_dma semaphore(%arg20 : memref<!tpu.dma_semaphore, #tpu.memory_space<semaphore_mem>>) src(%dma_wait3A_666 : memref<16xf32, #tpu.memory_space<vmem>>) dst(%dma_wait3A_668 : memref<49168xf32, #tpu.memory_space<vmem_shared>>)
      %dma_wait3A_669 = tpu.memref_slice %arg17[%add3A_564] : memref<2192xi32, #tpu.memory_space<vmem>> -> memref<16xi32, #tpu.memory_space<vmem>>
      %dma_wait3A_670 = arith.constant 0 : i32
      %dma_wait3A_671 = tpu.memref_slice %arg10[%dma_wait3A_670] : memref<49168xi32, #tpu.memory_space<vmem_shared>> -> memref<49168xi32, #tpu.memory_space<vmem_shared>>
      tpu.wait_indirect_dma semaphore(%arg20 : memref<!tpu.dma_semaphore, #tpu.memory_space<semaphore_mem>>) src(%dma_wait3A_669 : memref<16xi32, #tpu.memory_space<vmem>>) dst(%dma_wait3A_671 : memref<49168xi32, #tpu.memory_space<vmem_shared>>)
      %dma_wait3A_672 = arith.constant 112 : i32
      %dma_wait3A_673 = arith.constant 0 : i32
      %dma_wait3A_674 = tpu.memref_slice %arg18[%dma_wait3A_672, %dma_wait3A_673] : memref<128x32xf32, #tpu.memory_space<vmem>> -> memref<16x32xf32, #tpu.memory_space<vmem>>
      %dma_wait3A_675 = arith.constant 0 : i32
      %dma_wait3A_676 = arith.constant 0 : i32
      %dma_wait3A_677 = tpu.memref_slice %arg8[%dma_wait3A_675, %dma_wait3A_676] : memref<49168x32xf32, #tpu.memory_space<vmem_shared>> -> memref<49168x32xf32, #tpu.memory_space<vmem_shared>>
      tpu.wait_indirect_dma semaphore(%arg20 : memref<!tpu.dma_semaphore, #tpu.memory_space<semaphore_mem>>) src(%dma_wait3A_674 : memref<16x32xf32, #tpu.memory_space<vmem>>) dst(%dma_wait3A_677 : memref<49168x32xf32, #tpu.memory_space<vmem_shared>>)
      %dma_wait3A_678 = tpu.memref_slice %arg16[%add3A_579] : memref<2192xf32, #tpu.memory_space<vmem>> -> memref<16xf32, #tpu.memory_space<vmem>>
      %dma_wait3A_679 = arith.constant 0 : i32
      %dma_wait3A_680 = tpu.memref_slice %arg9[%dma_wait3A_679] : memref<49168xf32, #tpu.memory_space<vmem_shared>> -> memref<49168xf32, #tpu.memory_space<vmem_shared>>
      tpu.wait_indirect_dma semaphore(%arg20 : memref<!tpu.dma_semaphore, #tpu.memory_space<semaphore_mem>>) src(%dma_wait3A_678 : memref<16xf32, #tpu.memory_space<vmem>>) dst(%dma_wait3A_680 : memref<49168xf32, #tpu.memory_space<vmem_shared>>)
      %dma_wait3A_681 = tpu.memref_slice %arg17[%add3A_584] : memref<2192xi32, #tpu.memory_space<vmem>> -> memref<16xi32, #tpu.memory_space<vmem>>
      %dma_wait3A_682 = arith.constant 0 : i32
      %dma_wait3A_683 = tpu.memref_slice %arg10[%dma_wait3A_682] : memref<49168xi32, #tpu.memory_space<vmem_shared>> -> memref<49168xi32, #tpu.memory_space<vmem_shared>>
      tpu.wait_indirect_dma semaphore(%arg20 : memref<!tpu.dma_semaphore, #tpu.memory_space<semaphore_mem>>) src(%dma_wait3A_681 : memref<16xi32, #tpu.memory_space<vmem>>) dst(%dma_wait3A_683 : memref<49168xi32, #tpu.memory_space<vmem_shared>>)
      %while3A_684 = arith.constant 0 : i32
      scf.yield %while3A_684 : i32
    }
    %while3A_281 = arith.constant 1 : i32
    %while3A_282 = scf.for %while3A_299 = %while3A_278 to %while3A_274 step %while3A_281 iter_args(%while3A_300 = %while3A_280) -> (i32)  : i32 {
      %mul3A_301 = arith.constant 128 : i32
      %mul3A_302 = arith.muli %while3A_299, %mul3A_301 : i32
      %add3A_303 = arith.constant 0 : i32
      %add3A_304 = arith.addi %mul3A_302, %add3A_303 : i32
      %get3A = arith.index_cast %add3A_304 : i32 to index
      %get3A_305 = tpu.vector_load %arg15[%get3A] {strides = array<i32>} : memref<2192xi32, #tpu.memory_space<vmem>>, vector<16xi32>,
      %dma_start3A = arith.constant 0 : i32
      %dma_start3A_306 = arith.constant 0 : i32
      %dma_start3A_307 = tpu.memref_slice %arg18[%dma_start3A, %dma_start3A_306] : memref<128x32xf32, #tpu.memory_space<vmem>> -> memref<16x32xf32, #tpu.memory_space<vmem>>
      %dma_start3A_308 = arith.constant 0 : i32
      %dma_start3A_309 = arith.constant 0 : i32
      %dma_start3A_310 = tpu.memref_slice %arg2[%dma_start3A_308, %dma_start3A_309] : memref<1048576x32xf32, #tpu.memory_space<hbm>> -> memref<1048576x32xf32, #tpu.memory_space<hbm>>
      tpu.enqueue_indirect_dma source(%dma_start3A_310 : memref<1048576x32xf32, #tpu.memory_space<hbm>>) target(%dma_start3A_307 : memref<16x32xf32, #tpu.memory_space<vmem>>) offsets(%get3A_305 : vector<16xi32>) semaphore(%arg19 : memref<!tpu.dma_semaphore, #tpu.memory_space<semaphore_mem>>)
      %add3A_311 = arith.constant 16 : i32
      %add3A_312 = arith.addi %mul3A_302, %add3A_311 : i32
      %get3A_313 = arith.index_cast %add3A_312 : i32 to index
      %get3A_314 = tpu.vector_load %arg15[%get3A_313] {strides = array<i32>} : memref<2192xi32, #tpu.memory_space<vmem>>, vector<16xi32>,
      %dma_start3A_315 = arith.constant 16 : i32
      %dma_start3A_316 = arith.constant 0 : i32
      %dma_start3A_317 = tpu.memref_slice %arg18[%dma_start3A_315, %dma_start3A_316] : memref<128x32xf32, #tpu.memory_space<vmem>> -> memref<16x32xf32, #tpu.memory_space<vmem>>
      %dma_start3A_318 = arith.constant 0 : i32
      %dma_start3A_319 = arith.constant 0 : i32
      %dma_start3A_320 = tpu.memref_slice %arg2[%dma_start3A_318, %dma_start3A_319] : memref<1048576x32xf32, #tpu.memory_space<hbm>> -> memref<1048576x32xf32, #tpu.memory_space<hbm>>
      tpu.enqueue_indirect_dma source(%dma_start3A_320 : memref<1048576x32xf32, #tpu.memory_space<hbm>>) target(%dma_start3A_317 : memref<16x32xf32, #tpu.memory_space<vmem>>) offsets(%get3A_314 : vector<16xi32>) semaphore(%arg19 : memref<!tpu.dma_semaphore, #tpu.memory_space<semaphore_mem>>)
      %add3A_321 = arith.constant 32 : i32
      %add3A_322 = arith.addi %mul3A_302, %add3A_321 : i32
      %get3A_323 = arith.index_cast %add3A_322 : i32 to index
      %get3A_324 = tpu.vector_load %arg15[%get3A_323] {strides = array<i32>} : memref<2192xi32, #tpu.memory_space<vmem>>, vector<16xi32>,
      %dma_start3A_325 = arith.constant 32 : i32
      %dma_start3A_326 = arith.constant 0 : i32
      %dma_start3A_327 = tpu.memref_slice %arg18[%dma_start3A_325, %dma_start3A_326] : memref<128x32xf32, #tpu.memory_space<vmem>> -> memref<16x32xf32, #tpu.memory_space<vmem>>
      %dma_start3A_328 = arith.constant 0 : i32
      %dma_start3A_329 = arith.constant 0 : i32
      %dma_start3A_330 = tpu.memref_slice %arg2[%dma_start3A_328, %dma_start3A_329] : memref<1048576x32xf32, #tpu.memory_space<hbm>> -> memref<1048576x32xf32, #tpu.memory_space<hbm>>
      tpu.enqueue_indirect_dma source(%dma_start3A_330 : memref<1048576x32xf32, #tpu.memory_space<hbm>>) target(%dma_start3A_327 : memref<16x32xf32, #tpu.memory_space<vmem>>) offsets(%get3A_324 : vector<16xi32>) semaphore(%arg19 : memref<!tpu.dma_semaphore, #tpu.memory_space<semaphore_mem>>)
      %add3A_331 = arith.constant 48 : i32
      %add3A_332 = arith.addi %mul3A_302, %add3A_331 : i32
      %get3A_333 = arith.index_cast %add3A_332 : i32 to index
      %get3A_334 = tpu.vector_load %arg15[%get3A_333] {strides = array<i32>} : memref<2192xi32, #tpu.memory_space<vmem>>, vector<16xi32>,
      %dma_start3A_335 = arith.constant 48 : i32
      %dma_start3A_336 = arith.constant 0 : i32
      %dma_start3A_337 = tpu.memref_slice %arg18[%dma_start3A_335, %dma_start3A_336] : memref<128x32xf32, #tpu.memory_space<vmem>> -> memref<16x32xf32, #tpu.memory_space<vmem>>
      %dma_start3A_338 = arith.constant 0 : i32
      %dma_start3A_339 = arith.constant 0 : i32
      %dma_start3A_340 = tpu.memref_slice %arg2[%dma_start3A_338, %dma_start3A_339] : memref<1048576x32xf32, #tpu.memory_space<hbm>> -> memref<1048576x32xf32, #tpu.memory_space<hbm>>
      tpu.enqueue_indirect_dma source(%dma_start3A_340 : memref<1048576x32xf32, #tpu.memory_space<hbm>>) target(%dma_start3A_337 : memref<16x32xf32, #tpu.memory_space<vmem>>) offsets(%get3A_334 : vector<16xi32>) semaphore(%arg19 : memref<!tpu.dma_semaphore, #tpu.memory_space<semaphore_mem>>)
      %add3A_341 = arith.constant 64 : i32
      %add3A_342 = arith.addi %mul3A_302, %add3A_341 : i32
      %get3A_343 = arith.index_cast %add3A_342 : i32 to index
      %get3A_344 = tpu.vector_load %arg15[%get3A_343] {strides = array<i32>} : memref<2192xi32, #tpu.memory_space<vmem>>, vector<16xi32>,
      %dma_start3A_345 = arith.constant 64 : i32
      %dma_start3A_346 = arith.constant 0 : i32
      %dma_start3A_347 = tpu.memref_slice %arg18[%dma_start3A_345, %dma_start3A_346] : memref<128x32xf32, #tpu.memory_space<vmem>> -> memref<16x32xf32, #tpu.memory_space<vmem>>
      %dma_start3A_348 = arith.constant 0 : i32
      %dma_start3A_349 = arith.constant 0 : i32
      %dma_start3A_350 = tpu.memref_slice %arg2[%dma_start3A_348, %dma_start3A_349] : memref<1048576x32xf32, #tpu.memory_space<hbm>> -> memref<1048576x32xf32, #tpu.memory_space<hbm>>
      tpu.enqueue_indirect_dma source(%dma_start3A_350 : memref<1048576x32xf32, #tpu.memory_space<hbm>>) target(%dma_start3A_347 : memref<16x32xf32, #tpu.memory_space<vmem>>) offsets(%get3A_344 : vector<16xi32>) semaphore(%arg19 : memref<!tpu.dma_semaphore, #tpu.memory_space<semaphore_mem>>)
      %add3A_351 = arith.constant 80 : i32
      %add3A_352 = arith.addi %mul3A_302, %add3A_351 : i32
      %get3A_353 = arith.index_cast %add3A_352 : i32 to index
      %get3A_354 = tpu.vector_load %arg15[%get3A_353] {strides = array<i32>} : memref<2192xi32, #tpu.memory_space<vmem>>, vector<16xi32>,
      %dma_start3A_355 = arith.constant 80 : i32
      %dma_start3A_356 = arith.constant 0 : i32
      %dma_start3A_357 = tpu.memref_slice %arg18[%dma_start3A_355, %dma_start3A_356] : memref<128x32xf32, #tpu.memory_space<vmem>> -> memref<16x32xf32, #tpu.memory_space<vmem>>
      %dma_start3A_358 = arith.constant 0 : i32
      %dma_start3A_359 = arith.constant 0 : i32
      %dma_start3A_360 = tpu.memref_slice %arg2[%dma_start3A_358, %dma_start3A_359] : memref<1048576x32xf32, #tpu.memory_space<hbm>> -> memref<1048576x32xf32, #tpu.memory_space<hbm>>
      tpu.enqueue_indirect_dma source(%dma_start3A_360 : memref<1048576x32xf32, #tpu.memory_space<hbm>>) target(%dma_start3A_357 : memref<16x32xf32, #tpu.memory_space<vmem>>) offsets(%get3A_354 : vector<16xi32>) semaphore(%arg19 : memref<!tpu.dma_semaphore, #tpu.memory_space<semaphore_mem>>)
      %add3A_361 = arith.constant 96 : i32
      %add3A_362 = arith.addi %mul3A_302, %add3A_361 : i32
      %get3A_363 = arith.index_cast %add3A_362 : i32 to index
      %get3A_364 = tpu.vector_load %arg15[%get3A_363] {strides = array<i32>} : memref<2192xi32, #tpu.memory_space<vmem>>, vector<16xi32>,
      %dma_start3A_365 = arith.constant 96 : i32
      %dma_start3A_366 = arith.constant 0 : i32
      %dma_start3A_367 = tpu.memref_slice %arg18[%dma_start3A_365, %dma_start3A_366] : memref<128x32xf32, #tpu.memory_space<vmem>> -> memref<16x32xf32, #tpu.memory_space<vmem>>
      %dma_start3A_368 = arith.constant 0 : i32
      %dma_start3A_369 = arith.constant 0 : i32
      %dma_start3A_370 = tpu.memref_slice %arg2[%dma_start3A_368, %dma_start3A_369] : memref<1048576x32xf32, #tpu.memory_space<hbm>> -> memref<1048576x32xf32, #tpu.memory_space<hbm>>
      tpu.enqueue_indirect_dma source(%dma_start3A_370 : memref<1048576x32xf32, #tpu.memory_space<hbm>>) target(%dma_start3A_367 : memref<16x32xf32, #tpu.memory_space<vmem>>) offsets(%get3A_364 : vector<16xi32>) semaphore(%arg19 : memref<!tpu.dma_semaphore, #tpu.memory_space<semaphore_mem>>)
      %add3A_371 = arith.constant 112 : i32
      %add3A_372 = arith.addi %mul3A_302, %add3A_371 : i32
      %get3A_373 = arith.index_cast %add3A_372 : i32 to index
      %get3A_374 = tpu.vector_load %arg15[%get3A_373] {strides = array<i32>} : memref<2192xi32, #tpu.memory_space<vmem>>, vector<16xi32>,
      %dma_start3A_375 = arith.constant 112 : i32
      %dma_start3A_376 = arith.constant 0 : i32
      %dma_start3A_377 = tpu.memref_slice %arg18[%dma_start3A_375, %dma_start3A_376] : memref<128x32xf32, #tpu.memory_space<vmem>> -> memref<16x32xf32, #tpu.memory_space<vmem>>
      %dma_start3A_378 = arith.constant 0 : i32
      %dma_start3A_379 = arith.constant 0 : i32
      %dma_start3A_380 = tpu.memref_slice %arg2[%dma_start3A_378, %dma_start3A_379] : memref<1048576x32xf32, #tpu.memory_space<hbm>> -> memref<1048576x32xf32, #tpu.memory_space<hbm>>
      tpu.enqueue_indirect_dma source(%dma_start3A_380 : memref<1048576x32xf32, #tpu.memory_space<hbm>>) target(%dma_start3A_377 : memref<16x32xf32, #tpu.memory_space<vmem>>) offsets(%get3A_374 : vector<16xi32>) semaphore(%arg19 : memref<!tpu.dma_semaphore, #tpu.memory_space<semaphore_mem>>)
      %dma_wait3A = arith.constant 0 : i32
      %dma_wait3A_381 = arith.constant 0 : i32
      %dma_wait3A_382 = tpu.memref_slice %arg18[%dma_wait3A, %dma_wait3A_381] : memref<128x32xf32, #tpu.memory_space<vmem>> -> memref<16x32xf32, #tpu.memory_space<vmem>>
      %dma_wait3A_383 = arith.constant 0 : i32
      %dma_wait3A_384 = arith.constant 0 : i32
      %dma_wait3A_385 = tpu.memref_slice %arg2[%dma_wait3A_383, %dma_wait3A_384] : memref<1048576x32xf32, #tpu.memory_space<hbm>> -> memref<1048576x32xf32, #tpu.memory_space<hbm>>
      tpu.wait_indirect_dma semaphore(%arg19 : memref<!tpu.dma_semaphore, #tpu.memory_space<semaphore_mem>>) src(%dma_wait3A_385 : memref<1048576x32xf32, #tpu.memory_space<hbm>>) dst(%dma_wait3A_382 : memref<16x32xf32, #tpu.memory_space<vmem>>)
      %dma_wait3A_386 = arith.constant 16 : i32
      %dma_wait3A_387 = arith.constant 0 : i32
      %dma_wait3A_388 = tpu.memref_slice %arg18[%dma_wait3A_386, %dma_wait3A_387] : memref<128x32xf32, #tpu.memory_space<vmem>> -> memref<16x32xf32, #tpu.memory_space<vmem>>
      %dma_wait3A_389 = arith.constant 0 : i32
      %dma_wait3A_390 = arith.constant 0 : i32
      %dma_wait3A_391 = tpu.memref_slice %arg2[%dma_wait3A_389, %dma_wait3A_390] : memref<1048576x32xf32, #tpu.memory_space<hbm>> -> memref<1048576x32xf32, #tpu.memory_space<hbm>>
      tpu.wait_indirect_dma semaphore(%arg19 : memref<!tpu.dma_semaphore, #tpu.memory_space<semaphore_mem>>) src(%dma_wait3A_391 : memref<1048576x32xf32, #tpu.memory_space<hbm>>) dst(%dma_wait3A_388 : memref<16x32xf32, #tpu.memory_space<vmem>>)
      %dma_wait3A_392 = arith.constant 32 : i32
      %dma_wait3A_393 = arith.constant 0 : i32
      %dma_wait3A_394 = tpu.memref_slice %arg18[%dma_wait3A_392, %dma_wait3A_393] : memref<128x32xf32, #tpu.memory_space<vmem>> -> memref<16x32xf32, #tpu.memory_space<vmem>>
      %dma_wait3A_395 = arith.constant 0 : i32
      %dma_wait3A_396 = arith.constant 0 : i32
      %dma_wait3A_397 = tpu.memref_slice %arg2[%dma_wait3A_395, %dma_wait3A_396] : memref<1048576x32xf32, #tpu.memory_space<hbm>> -> memref<1048576x32xf32, #tpu.memory_space<hbm>>
      tpu.wait_indirect_dma semaphore(%arg19 : memref<!tpu.dma_semaphore, #tpu.memory_space<semaphore_mem>>) src(%dma_wait3A_397 : memref<1048576x32xf32, #tpu.memory_space<hbm>>) dst(%dma_wait3A_394 : memref<16x32xf32, #tpu.memory_space<vmem>>)
      %dma_wait3A_398 = arith.constant 48 : i32
      %dma_wait3A_399 = arith.constant 0 : i32
      %dma_wait3A_400 = tpu.memref_slice %arg18[%dma_wait3A_398, %dma_wait3A_399] : memref<128x32xf32, #tpu.memory_space<vmem>> -> memref<16x32xf32, #tpu.memory_space<vmem>>
      %dma_wait3A_401 = arith.constant 0 : i32
      %dma_wait3A_402 = arith.constant 0 : i32
      %dma_wait3A_403 = tpu.memref_slice %arg2[%dma_wait3A_401, %dma_wait3A_402] : memref<1048576x32xf32, #tpu.memory_space<hbm>> -> memref<1048576x32xf32, #tpu.memory_space<hbm>>
      tpu.wait_indirect_dma semaphore(%arg19 : memref<!tpu.dma_semaphore, #tpu.memory_space<semaphore_mem>>) src(%dma_wait3A_403 : memref<1048576x32xf32, #tpu.memory_space<hbm>>) dst(%dma_wait3A_400 : memref<16x32xf32, #tpu.memory_space<vmem>>)
      %dma_wait3A_404 = arith.constant 64 : i32
      %dma_wait3A_405 = arith.constant 0 : i32
      %dma_wait3A_406 = tpu.memref_slice %arg18[%dma_wait3A_404, %dma_wait3A_405] : memref<128x32xf32, #tpu.memory_space<vmem>> -> memref<16x32xf32, #tpu.memory_space<vmem>>
      %dma_wait3A_407 = arith.constant 0 : i32
      %dma_wait3A_408 = arith.constant 0 : i32
      %dma_wait3A_409 = tpu.memref_slice %arg2[%dma_wait3A_407, %dma_wait3A_408] : memref<1048576x32xf32, #tpu.memory_space<hbm>> -> memref<1048576x32xf32, #tpu.memory_space<hbm>>
      tpu.wait_indirect_dma semaphore(%arg19 : memref<!tpu.dma_semaphore, #tpu.memory_space<semaphore_mem>>) src(%dma_wait3A_409 : memref<1048576x32xf32, #tpu.memory_space<hbm>>) dst(%dma_wait3A_406 : memref<16x32xf32, #tpu.memory_space<vmem>>)
      %dma_wait3A_410 = arith.constant 80 : i32
      %dma_wait3A_411 = arith.constant 0 : i32
      %dma_wait3A_412 = tpu.memref_slice %arg18[%dma_wait3A_410, %dma_wait3A_411] : memref<128x32xf32, #tpu.memory_space<vmem>> -> memref<16x32xf32, #tpu.memory_space<vmem>>
      %dma_wait3A_413 = arith.constant 0 : i32
      %dma_wait3A_414 = arith.constant 0 : i32
      %dma_wait3A_415 = tpu.memref_slice %arg2[%dma_wait3A_413, %dma_wait3A_414] : memref<1048576x32xf32, #tpu.memory_space<hbm>> -> memref<1048576x32xf32, #tpu.memory_space<hbm>>
      tpu.wait_indirect_dma semaphore(%arg19 : memref<!tpu.dma_semaphore, #tpu.memory_space<semaphore_mem>>) src(%dma_wait3A_415 : memref<1048576x32xf32, #tpu.memory_space<hbm>>) dst(%dma_wait3A_412 : memref<16x32xf32, #tpu.memory_space<vmem>>)
      %dma_wait3A_416 = arith.constant 96 : i32
      %dma_wait3A_417 = arith.constant 0 : i32
      %dma_wait3A_418 = tpu.memref_slice %arg18[%dma_wait3A_416, %dma_wait3A_417] : memref<128x32xf32, #tpu.memory_space<vmem>> -> memref<16x32xf32, #tpu.memory_space<vmem>>
      %dma_wait3A_419 = arith.constant 0 : i32
      %dma_wait3A_420 = arith.constant 0 : i32
      %dma_wait3A_421 = tpu.memref_slice %arg2[%dma_wait3A_419, %dma_wait3A_420] : memref<1048576x32xf32, #tpu.memory_space<hbm>> -> memref<1048576x32xf32, #tpu.memory_space<hbm>>
      tpu.wait_indirect_dma semaphore(%arg19 : memref<!tpu.dma_semaphore, #tpu.memory_space<semaphore_mem>>) src(%dma_wait3A_421 : memref<1048576x32xf32, #tpu.memory_space<hbm>>) dst(%dma_wait3A_418 : memref<16x32xf32, #tpu.memory_space<vmem>>)
      %dma_wait3A_422 = arith.constant 112 : i32
      %dma_wait3A_423 = arith.constant 0 : i32
      %dma_wait3A_424 = tpu.memref_slice %arg18[%dma_wait3A_422, %dma_wait3A_423] : memref<128x32xf32, #tpu.memory_space<vmem>> -> memref<16x32xf32, #tpu.memory_space<vmem>>
      %dma_wait3A_425 = arith.constant 0 : i32
      %dma_wait3A_426 = arith.constant 0 : i32
      %dma_wait3A_427 = tpu.memref_slice %arg2[%dma_wait3A_425, %dma_wait3A_426] : memref<1048576x32xf32, #tpu.memory_space<hbm>> -> memref<1048576x32xf32, #tpu.memory_space<hbm>>
      tpu.wait_indirect_dma semaphore(%arg19 : memref<!tpu.dma_semaphore, #tpu.memory_space<semaphore_mem>>) src(%dma_wait3A_427 : memref<1048576x32xf32, #tpu.memory_space<hbm>>) dst(%dma_wait3A_424 : memref<16x32xf32, #tpu.memory_space<vmem>>)
      %add3A_428 = arith.constant 0 : i32
      %add3A_429 = arith.addi %mul3A_302, %add3A_428 : i32
      %get3A_430 = arith.index_cast %add3A_429 : i32 to index
      %get3A_431 = tpu.vector_load %arg14[%get3A_430] {strides = array<i32>} : memref<2192xi32, #tpu.memory_space<vmem>>, vector<16xi32>,
      %dma_start3A_432 = arith.constant 0 : i32
      %dma_start3A_433 = arith.constant 0 : i32
      %dma_start3A_434 = tpu.memref_slice %arg18[%dma_start3A_432, %dma_start3A_433] : memref<128x32xf32, #tpu.memory_space<vmem>> -> memref<16x32xf32, #tpu.memory_space<vmem>>
      %dma_start3A_435 = arith.constant 0 : i32
      %dma_start3A_436 = arith.constant 0 : i32
      %dma_start3A_437 = tpu.memref_slice %arg8[%dma_start3A_435, %dma_start3A_436] : memref<49168x32xf32, #tpu.memory_space<vmem_shared>> -> memref<49168x32xf32, #tpu.memory_space<vmem_shared>>
      tpu.enqueue_indirect_dma source(%dma_start3A_434 : memref<16x32xf32, #tpu.memory_space<vmem>>) target(%dma_start3A_437 : memref<49168x32xf32, #tpu.memory_space<vmem_shared>>) offsets(%get3A_431 : vector<16xi32>) semaphore(%arg20 : memref<!tpu.dma_semaphore, #tpu.memory_space<semaphore_mem>>) {add = true}
      %add3A_438 = arith.constant 0 : i32
      %add3A_439 = arith.addi %mul3A_302, %add3A_438 : i32
      %dma_start3A_440 = tpu.memref_slice %arg16[%add3A_439] : memref<2192xf32, #tpu.memory_space<vmem>> -> memref<16xf32, #tpu.memory_space<vmem>>
      %dma_start3A_441 = arith.constant 0 : i32
      %dma_start3A_442 = tpu.memref_slice %arg9[%dma_start3A_441] : memref<49168xf32, #tpu.memory_space<vmem_shared>> -> memref<49168xf32, #tpu.memory_space<vmem_shared>>
      tpu.enqueue_indirect_dma source(%dma_start3A_440 : memref<16xf32, #tpu.memory_space<vmem>>) target(%dma_start3A_442 : memref<49168xf32, #tpu.memory_space<vmem_shared>>) offsets(%get3A_431 : vector<16xi32>) semaphore(%arg20 : memref<!tpu.dma_semaphore, #tpu.memory_space<semaphore_mem>>) {add = true}
      %add3A_443 = arith.constant 0 : i32
      %add3A_444 = arith.addi %mul3A_302, %add3A_443 : i32
      %dma_start3A_445 = tpu.memref_slice %arg17[%add3A_444] : memref<2192xi32, #tpu.memory_space<vmem>> -> memref<16xi32, #tpu.memory_space<vmem>>
      %dma_start3A_446 = arith.constant 0 : i32
      %dma_start3A_447 = tpu.memref_slice %arg10[%dma_start3A_446] : memref<49168xi32, #tpu.memory_space<vmem_shared>> -> memref<49168xi32, #tpu.memory_space<vmem_shared>>
      tpu.enqueue_indirect_dma source(%dma_start3A_445 : memref<16xi32, #tpu.memory_space<vmem>>) target(%dma_start3A_447 : memref<49168xi32, #tpu.memory_space<vmem_shared>>) offsets(%get3A_431 : vector<16xi32>) semaphore(%arg20 : memref<!tpu.dma_semaphore, #tpu.memory_space<semaphore_mem>>) {add = true}
      %add3A_448 = arith.constant 16 : i32
      %add3A_449 = arith.addi %mul3A_302, %add3A_448 : i32
      %get3A_450 = arith.index_cast %add3A_449 : i32 to index
      %get3A_451 = tpu.vector_load %arg14[%get3A_450] {strides = array<i32>} : memref<2192xi32, #tpu.memory_space<vmem>>, vector<16xi32>,
      %dma_start3A_452 = arith.constant 16 : i32
      %dma_start3A_453 = arith.constant 0 : i32
      %dma_start3A_454 = tpu.memref_slice %arg18[%dma_start3A_452, %dma_start3A_453] : memref<128x32xf32, #tpu.memory_space<vmem>> -> memref<16x32xf32, #tpu.memory_space<vmem>>
      %dma_start3A_455 = arith.constant 0 : i32
      %dma_start3A_456 = arith.constant 0 : i32
      %dma_start3A_457 = tpu.memref_slice %arg8[%dma_start3A_455, %dma_start3A_456] : memref<49168x32xf32, #tpu.memory_space<vmem_shared>> -> memref<49168x32xf32, #tpu.memory_space<vmem_shared>>
      tpu.enqueue_indirect_dma source(%dma_start3A_454 : memref<16x32xf32, #tpu.memory_space<vmem>>) target(%dma_start3A_457 : memref<49168x32xf32, #tpu.memory_space<vmem_shared>>) offsets(%get3A_451 : vector<16xi32>) semaphore(%arg20 : memref<!tpu.dma_semaphore, #tpu.memory_space<semaphore_mem>>) {add = true}
      %add3A_458 = arith.constant 16 : i32
      %add3A_459 = arith.addi %mul3A_302, %add3A_458 : i32
      %dma_start3A_460 = tpu.memref_slice %arg16[%add3A_459] : memref<2192xf32, #tpu.memory_space<vmem>> -> memref<16xf32, #tpu.memory_space<vmem>>
      %dma_start3A_461 = arith.constant 0 : i32
      %dma_start3A_462 = tpu.memref_slice %arg9[%dma_start3A_461] : memref<49168xf32, #tpu.memory_space<vmem_shared>> -> memref<49168xf32, #tpu.memory_space<vmem_shared>>
      tpu.enqueue_indirect_dma source(%dma_start3A_460 : memref<16xf32, #tpu.memory_space<vmem>>) target(%dma_start3A_462 : memref<49168xf32, #tpu.memory_space<vmem_shared>>) offsets(%get3A_451 : vector<16xi32>) semaphore(%arg20 : memref<!tpu.dma_semaphore, #tpu.memory_space<semaphore_mem>>) {add = true}
      %add3A_463 = arith.constant 16 : i32
      %add3A_464 = arith.addi %mul3A_302, %add3A_463 : i32
      %dma_start3A_465 = tpu.memref_slice %arg17[%add3A_464] : memref<2192xi32, #tpu.memory_space<vmem>> -> memref<16xi32, #tpu.memory_space<vmem>>
      %dma_start3A_466 = arith.constant 0 : i32
      %dma_start3A_467 = tpu.memref_slice %arg10[%dma_start3A_466] : memref<49168xi32, #tpu.memory_space<vmem_shared>> -> memref<49168xi32, #tpu.memory_space<vmem_shared>>
      tpu.enqueue_indirect_dma source(%dma_start3A_465 : memref<16xi32, #tpu.memory_space<vmem>>) target(%dma_start3A_467 : memref<49168xi32, #tpu.memory_space<vmem_shared>>) offsets(%get3A_451 : vector<16xi32>) semaphore(%arg20 : memref<!tpu.dma_semaphore, #tpu.memory_space<semaphore_mem>>) {add = true}
      %add3A_468 = arith.constant 32 : i32
      %add3A_469 = arith.addi %mul3A_302, %add3A_468 : i32
      %get3A_470 = arith.index_cast %add3A_469 : i32 to index
      %get3A_471 = tpu.vector_load %arg14[%get3A_470] {strides = array<i32>} : memref<2192xi32, #tpu.memory_space<vmem>>, vector<16xi32>,
      %dma_start3A_472 = arith.constant 32 : i32
      %dma_start3A_473 = arith.constant 0 : i32
      %dma_start3A_474 = tpu.memref_slice %arg18[%dma_start3A_472, %dma_start3A_473] : memref<128x32xf32, #tpu.memory_space<vmem>> -> memref<16x32xf32, #tpu.memory_space<vmem>>
      %dma_start3A_475 = arith.constant 0 : i32
      %dma_start3A_476 = arith.constant 0 : i32
      %dma_start3A_477 = tpu.memref_slice %arg8[%dma_start3A_475, %dma_start3A_476] : memref<49168x32xf32, #tpu.memory_space<vmem_shared>> -> memref<49168x32xf32, #tpu.memory_space<vmem_shared>>
      tpu.enqueue_indirect_dma source(%dma_start3A_474 : memref<16x32xf32, #tpu.memory_space<vmem>>) target(%dma_start3A_477 : memref<49168x32xf32, #tpu.memory_space<vmem_shared>>) offsets(%get3A_471 : vector<16xi32>) semaphore(%arg20 : memref<!tpu.dma_semaphore, #tpu.memory_space<semaphore_mem>>) {add = true}
      %add3A_478 = arith.constant 32 : i32
      %add3A_479 = arith.addi %mul3A_302, %add3A_478 : i32
      %dma_start3A_480 = tpu.memref_slice %arg16[%add3A_479] : memref<2192xf32, #tpu.memory_space<vmem>> -> memref<16xf32, #tpu.memory_space<vmem>>
      %dma_start3A_481 = arith.constant 0 : i32
      %dma_start3A_482 = tpu.memref_slice %arg9[%dma_start3A_481] : memref<49168xf32, #tpu.memory_space<vmem_shared>> -> memref<49168xf32, #tpu.memory_space<vmem_shared>>
      tpu.enqueue_indirect_dma source(%dma_start3A_480 : memref<16xf32, #tpu.memory_space<vmem>>) target(%dma_start3A_482 : memref<49168xf32, #tpu.memory_space<vmem_shared>>) offsets(%get3A_471 : vector<16xi32>) semaphore(%arg20 : memref<!tpu.dma_semaphore, #tpu.memory_space<semaphore_mem>>) {add = true}
      %add3A_483 = arith.constant 32 : i32
      %add3A_484 = arith.addi %mul3A_302, %add3A_483 : i32
      %dma_start3A_485 = tpu.memref_slice %arg17[%add3A_484] : memref<2192xi32, #tpu.memory_space<vmem>> -> memref<16xi32, #tpu.memory_space<vmem>>
      %dma_start3A_486 = arith.constant 0 : i32
      %dma_start3A_487 = tpu.memref_slice %arg10[%dma_start3A_486] : memref<49168xi32, #tpu.memory_space<vmem_shared>> -> memref<49168xi32, #tpu.memory_space<vmem_shared>>
      tpu.enqueue_indirect_dma source(%dma_start3A_485 : memref<16xi32, #tpu.memory_space<vmem>>) target(%dma_start3A_487 : memref<49168xi32, #tpu.memory_space<vmem_shared>>) offsets(%get3A_471 : vector<16xi32>) semaphore(%arg20 : memref<!tpu.dma_semaphore, #tpu.memory_space<semaphore_mem>>) {add = true}
      %add3A_488 = arith.constant 48 : i32
      %add3A_489 = arith.addi %mul3A_302, %add3A_488 : i32
      %get3A_490 = arith.index_cast %add3A_489 : i32 to index
      %get3A_491 = tpu.vector_load %arg14[%get3A_490] {strides = array<i32>} : memref<2192xi32, #tpu.memory_space<vmem>>, vector<16xi32>,
      %dma_start3A_492 = arith.constant 48 : i32
      %dma_start3A_493 = arith.constant 0 : i32
      %dma_start3A_494 = tpu.memref_slice %arg18[%dma_start3A_492, %dma_start3A_493] : memref<128x32xf32, #tpu.memory_space<vmem>> -> memref<16x32xf32, #tpu.memory_space<vmem>>
      %dma_start3A_495 = arith.constant 0 : i32
      %dma_start3A_496 = arith.constant 0 : i32
      %dma_start3A_497 = tpu.memref_slice %arg8[%dma_start3A_495, %dma_start3A_496] : memref<49168x32xf32, #tpu.memory_space<vmem_shared>> -> memref<49168x32xf32, #tpu.memory_space<vmem_shared>>
      tpu.enqueue_indirect_dma source(%dma_start3A_494 : memref<16x32xf32, #tpu.memory_space<vmem>>) target(%dma_start3A_497 : memref<49168x32xf32, #tpu.memory_space<vmem_shared>>) offsets(%get3A_491 : vector<16xi32>) semaphore(%arg20 : memref<!tpu.dma_semaphore, #tpu.memory_space<semaphore_mem>>) {add = true}
      %add3A_498 = arith.constant 48 : i32
      %add3A_499 = arith.addi %mul3A_302, %add3A_498 : i32
      %dma_start3A_500 = tpu.memref_slice %arg16[%add3A_499] : memref<2192xf32, #tpu.memory_space<vmem>> -> memref<16xf32, #tpu.memory_space<vmem>>
      %dma_start3A_501 = arith.constant 0 : i32
      %dma_start3A_502 = tpu.memref_slice %arg9[%dma_start3A_501] : memref<49168xf32, #tpu.memory_space<vmem_shared>> -> memref<49168xf32, #tpu.memory_space<vmem_shared>>
      tpu.enqueue_indirect_dma source(%dma_start3A_500 : memref<16xf32, #tpu.memory_space<vmem>>) target(%dma_start3A_502 : memref<49168xf32, #tpu.memory_space<vmem_shared>>) offsets(%get3A_491 : vector<16xi32>) semaphore(%arg20 : memref<!tpu.dma_semaphore, #tpu.memory_space<semaphore_mem>>) {add = true}
      %add3A_503 = arith.constant 48 : i32
      %add3A_504 = arith.addi %mul3A_302, %add3A_503 : i32
      %dma_start3A_505 = tpu.memref_slice %arg17[%add3A_504] : memref<2192xi32, #tpu.memory_space<vmem>> -> memref<16xi32, #tpu.memory_space<vmem>>
      %dma_start3A_506 = arith.constant 0 : i32
      %dma_start3A_507 = tpu.memref_slice %arg10[%dma_start3A_506] : memref<49168xi32, #tpu.memory_space<vmem_shared>> -> memref<49168xi32, #tpu.memory_space<vmem_shared>>
      tpu.enqueue_indirect_dma source(%dma_start3A_505 : memref<16xi32, #tpu.memory_space<vmem>>) target(%dma_start3A_507 : memref<49168xi32, #tpu.memory_space<vmem_shared>>) offsets(%get3A_491 : vector<16xi32>) semaphore(%arg20 : memref<!tpu.dma_semaphore, #tpu.memory_space<semaphore_mem>>) {add = true}
      %add3A_508 = arith.constant 64 : i32
      %add3A_509 = arith.addi %mul3A_302, %add3A_508 : i32
      %get3A_510 = arith.index_cast %add3A_509 : i32 to index
      %get3A_511 = tpu.vector_load %arg14[%get3A_510] {strides = array<i32>} : memref<2192xi32, #tpu.memory_space<vmem>>, vector<16xi32>,
      %dma_start3A_512 = arith.constant 64 : i32
      %dma_start3A_513 = arith.constant 0 : i32
      %dma_start3A_514 = tpu.memref_slice %arg18[%dma_start3A_512, %dma_start3A_513] : memref<128x32xf32, #tpu.memory_space<vmem>> -> memref<16x32xf32, #tpu.memory_space<vmem>>
      %dma_start3A_515 = arith.constant 0 : i32
      %dma_start3A_516 = arith.constant 0 : i32
      %dma_start3A_517 = tpu.memref_slice %arg8[%dma_start3A_515, %dma_start3A_516] : memref<49168x32xf32, #tpu.memory_space<vmem_shared>> -> memref<49168x32xf32, #tpu.memory_space<vmem_shared>>
      tpu.enqueue_indirect_dma source(%dma_start3A_514 : memref<16x32xf32, #tpu.memory_space<vmem>>) target(%dma_start3A_517 : memref<49168x32xf32, #tpu.memory_space<vmem_shared>>) offsets(%get3A_511 : vector<16xi32>) semaphore(%arg20 : memref<!tpu.dma_semaphore, #tpu.memory_space<semaphore_mem>>) {add = true}
      %add3A_518 = arith.constant 64 : i32
      %add3A_519 = arith.addi %mul3A_302, %add3A_518 : i32
      %dma_start3A_520 = tpu.memref_slice %arg16[%add3A_519] : memref<2192xf32, #tpu.memory_space<vmem>> -> memref<16xf32, #tpu.memory_space<vmem>>
      %dma_start3A_521 = arith.constant 0 : i32
      %dma_start3A_522 = tpu.memref_slice %arg9[%dma_start3A_521] : memref<49168xf32, #tpu.memory_space<vmem_shared>> -> memref<49168xf32, #tpu.memory_space<vmem_shared>>
      tpu.enqueue_indirect_dma source(%dma_start3A_520 : memref<16xf32, #tpu.memory_space<vmem>>) target(%dma_start3A_522 : memref<49168xf32, #tpu.memory_space<vmem_shared>>) offsets(%get3A_511 : vector<16xi32>) semaphore(%arg20 : memref<!tpu.dma_semaphore, #tpu.memory_space<semaphore_mem>>) {add = true}
      %add3A_523 = arith.constant 64 : i32
      %add3A_524 = arith.addi %mul3A_302, %add3A_523 : i32
      %dma_start3A_525 = tpu.memref_slice %arg17[%add3A_524] : memref<2192xi32, #tpu.memory_space<vmem>> -> memref<16xi32, #tpu.memory_space<vmem>>
      %dma_start3A_526 = arith.constant 0 : i32
      %dma_start3A_527 = tpu.memref_slice %arg10[%dma_start3A_526] : memref<49168xi32, #tpu.memory_space<vmem_shared>> -> memref<49168xi32, #tpu.memory_space<vmem_shared>>
      tpu.enqueue_indirect_dma source(%dma_start3A_525 : memref<16xi32, #tpu.memory_space<vmem>>) target(%dma_start3A_527 : memref<49168xi32, #tpu.memory_space<vmem_shared>>) offsets(%get3A_511 : vector<16xi32>) semaphore(%arg20 : memref<!tpu.dma_semaphore, #tpu.memory_space<semaphore_mem>>) {add = true}
      %add3A_528 = arith.constant 80 : i32
      %add3A_529 = arith.addi %mul3A_302, %add3A_528 : i32
      %get3A_530 = arith.index_cast %add3A_529 : i32 to index
      %get3A_531 = tpu.vector_load %arg14[%get3A_530] {strides = array<i32>} : memref<2192xi32, #tpu.memory_space<vmem>>, vector<16xi32>,
      %dma_start3A_532 = arith.constant 80 : i32
      %dma_start3A_533 = arith.constant 0 : i32
      %dma_start3A_534 = tpu.memref_slice %arg18[%dma_start3A_532, %dma_start3A_533] : memref<128x32xf32, #tpu.memory_space<vmem>> -> memref<16x32xf32, #tpu.memory_space<vmem>>
      %dma_start3A_535 = arith.constant 0 : i32
      %dma_start3A_536 = arith.constant 0 : i32
      %dma_start3A_537 = tpu.memref_slice %arg8[%dma_start3A_535, %dma_start3A_536] : memref<49168x32xf32, #tpu.memory_space<vmem_shared>> -> memref<49168x32xf32, #tpu.memory_space<vmem_shared>>
      tpu.enqueue_indirect_dma source(%dma_start3A_534 : memref<16x32xf32, #tpu.memory_space<vmem>>) target(%dma_start3A_537 : memref<49168x32xf32, #tpu.memory_space<vmem_shared>>) offsets(%get3A_531 : vector<16xi32>) semaphore(%arg20 : memref<!tpu.dma_semaphore, #tpu.memory_space<semaphore_mem>>) {add = true}
      %add3A_538 = arith.constant 80 : i32
      %add3A_539 = arith.addi %mul3A_302, %add3A_538 : i32
      %dma_start3A_540 = tpu.memref_slice %arg16[%add3A_539] : memref<2192xf32, #tpu.memory_space<vmem>> -> memref<16xf32, #tpu.memory_space<vmem>>
      %dma_start3A_541 = arith.constant 0 : i32
      %dma_start3A_542 = tpu.memref_slice %arg9[%dma_start3A_541] : memref<49168xf32, #tpu.memory_space<vmem_shared>> -> memref<49168xf32, #tpu.memory_space<vmem_shared>>
      tpu.enqueue_indirect_dma source(%dma_start3A_540 : memref<16xf32, #tpu.memory_space<vmem>>) target(%dma_start3A_542 : memref<49168xf32, #tpu.memory_space<vmem_shared>>) offsets(%get3A_531 : vector<16xi32>) semaphore(%arg20 : memref<!tpu.dma_semaphore, #tpu.memory_space<semaphore_mem>>) {add = true}
      %add3A_543 = arith.constant 80 : i32
      %add3A_544 = arith.addi %mul3A_302, %add3A_543 : i32
      %dma_start3A_545 = tpu.memref_slice %arg17[%add3A_544] : memref<2192xi32, #tpu.memory_space<vmem>> -> memref<16xi32, #tpu.memory_space<vmem>>
      %dma_start3A_546 = arith.constant 0 : i32
      %dma_start3A_547 = tpu.memref_slice %arg10[%dma_start3A_546] : memref<49168xi32, #tpu.memory_space<vmem_shared>> -> memref<49168xi32, #tpu.memory_space<vmem_shared>>
      tpu.enqueue_indirect_dma source(%dma_start3A_545 : memref<16xi32, #tpu.memory_space<vmem>>) target(%dma_start3A_547 : memref<49168xi32, #tpu.memory_space<vmem_shared>>) offsets(%get3A_531 : vector<16xi32>) semaphore(%arg20 : memref<!tpu.dma_semaphore, #tpu.memory_space<semaphore_mem>>) {add = true}
      %add3A_548 = arith.constant 96 : i32
      %add3A_549 = arith.addi %mul3A_302, %add3A_548 : i32
      %get3A_550 = arith.index_cast %add3A_549 : i32 to index
      %get3A_551 = tpu.vector_load %arg14[%get3A_550] {strides = array<i32>} : memref<2192xi32, #tpu.memory_space<vmem>>, vector<16xi32>,
      %dma_start3A_552 = arith.constant 96 : i32
      %dma_start3A_553 = arith.constant 0 : i32
      %dma_start3A_554 = tpu.memref_slice %arg18[%dma_start3A_552, %dma_start3A_553] : memref<128x32xf32, #tpu.memory_space<vmem>> -> memref<16x32xf32, #tpu.memory_space<vmem>>
      %dma_start3A_555 = arith.constant 0 : i32
      %dma_start3A_556 = arith.constant 0 : i32
      %dma_start3A_557 = tpu.memref_slice %arg8[%dma_start3A_555, %dma_start3A_556] : memref<49168x32xf32, #tpu.memory_space<vmem_shared>> -> memref<49168x32xf32, #tpu.memory_space<vmem_shared>>
      tpu.enqueue_indirect_dma source(%dma_start3A_554 : memref<16x32xf32, #tpu.memory_space<vmem>>) target(%dma_start3A_557 : memref<49168x32xf32, #tpu.memory_space<vmem_shared>>) offsets(%get3A_551 : vector<16xi32>) semaphore(%arg20 : memref<!tpu.dma_semaphore, #tpu.memory_space<semaphore_mem>>) {add = true}
      %add3A_558 = arith.constant 96 : i32
      %add3A_559 = arith.addi %mul3A_302, %add3A_558 : i32
      %dma_start3A_560 = tpu.memref_slice %arg16[%add3A_559] : memref<2192xf32, #tpu.memory_space<vmem>> -> memref<16xf32, #tpu.memory_space<vmem>>
      %dma_start3A_561 = arith.constant 0 : i32
      %dma_start3A_562 = tpu.memref_slice %arg9[%dma_start3A_561] : memref<49168xf32, #tpu.memory_space<vmem_shared>> -> memref<49168xf32, #tpu.memory_space<vmem_shared>>
      tpu.enqueue_indirect_dma source(%dma_start3A_560 : memref<16xf32, #tpu.memory_space<vmem>>) target(%dma_start3A_562 : memref<49168xf32, #tpu.memory_space<vmem_shared>>) offsets(%get3A_551 : vector<16xi32>) semaphore(%arg20 : memref<!tpu.dma_semaphore, #tpu.memory_space<semaphore_mem>>) {add = true}
      %add3A_563 = arith.constant 96 : i32
      %add3A_564 = arith.addi %mul3A_302, %add3A_563 : i32
      %dma_start3A_565 = tpu.memref_slice %arg17[%add3A_564] : memref<2192xi32, #tpu.memory_space<vmem>> -> memref<16xi32, #tpu.memory_space<vmem>>
      %dma_start3A_566 = arith.constant 0 : i32
      %dma_start3A_567 = tpu.memref_slice %arg10[%dma_start3A_566] : memref<49168xi32, #tpu.memory_space<vmem_shared>> -> memref<49168xi32, #tpu.memory_space<vmem_shared>>
      tpu.enqueue_indirect_dma source(%dma_start3A_565 : memref<16xi32, #tpu.memory_space<vmem>>) target(%dma_start3A_567 : memref<49168xi32, #tpu.memory_space<vmem_shared>>) offsets(%get3A_551 : vector<16xi32>) semaphore(%arg20 : memref<!tpu.dma_semaphore, #tpu.memory_space<semaphore_mem>>) {add = true}
      %add3A_568 = arith.constant 112 : i32
      %add3A_569 = arith.addi %mul3A_302, %add3A_568 : i32
      %get3A_570 = arith.index_cast %add3A_569 : i32 to index
      %get3A_571 = tpu.vector_load %arg14[%get3A_570] {strides = array<i32>} : memref<2192xi32, #tpu.memory_space<vmem>>, vector<16xi32>,
      %dma_start3A_572 = arith.constant 112 : i32
      %dma_start3A_573 = arith.constant 0 : i32
      %dma_start3A_574 = tpu.memref_slice %arg18[%dma_start3A_572, %dma_start3A_573] : memref<128x32xf32, #tpu.memory_space<vmem>> -> memref<16x32xf32, #tpu.memory_space<vmem>>
      %dma_start3A_575 = arith.constant 0 : i32
      %dma_start3A_576 = arith.constant 0 : i32
      %dma_start3A_577 = tpu.memref_slice %arg8[%dma_start3A_575, %dma_start3A_576] : memref<49168x32xf32, #tpu.memory_space<vmem_shared>> -> memref<49168x32xf32, #tpu.memory_space<vmem_shared>>
      tpu.enqueue_indirect_dma source(%dma_start3A_574 : memref<16x32xf32, #tpu.memory_space<vmem>>) target(%dma_start3A_577 : memref<49168x32xf32, #tpu.memory_space<vmem_shared>>) offsets(%get3A_571 : vector<16xi32>) semaphore(%arg20 : memref<!tpu.dma_semaphore, #tpu.memory_space<semaphore_mem>>) {add = true}
      %add3A_578 = arith.constant 112 : i32
      %add3A_579 = arith.addi %mul3A_302, %add3A_578 : i32
      %dma_start3A_580 = tpu.memref_slice %arg16[%add3A_579] : memref<2192xf32, #tpu.memory_space<vmem>> -> memref<16xf32, #tpu.memory_space<vmem>>
      %dma_start3A_581 = arith.constant 0 : i32
      %dma_start3A_582 = tpu.memref_slice %arg9[%dma_start3A_581] : memref<49168xf32, #tpu.memory_space<vmem_shared>> -> memref<49168xf32, #tpu.memory_space<vmem_shared>>
      tpu.enqueue_indirect_dma source(%dma_start3A_580 : memref<16xf32, #tpu.memory_space<vmem>>) target(%dma_start3A_582 : memref<49168xf32, #tpu.memory_space<vmem_shared>>) offsets(%get3A_571 : vector<16xi32>) semaphore(%arg20 : memref<!tpu.dma_semaphore, #tpu.memory_space<semaphore_mem>>) {add = true}
      %add3A_583 = arith.constant 112 : i32
      %add3A_584 = arith.addi %mul3A_302, %add3A_583 : i32
      %dma_start3A_585 = tpu.memref_slice %arg17[%add3A_584] : memref<2192xi32, #tpu.memory_space<vmem>> -> memref<16xi32, #tpu.memory_space<vmem>>
      %dma_start3A_586 = arith.constant 0 : i32
      %dma_start3A_587 = tpu.memref_slice %arg10[%dma_start3A_586] : memref<49168xi32, #tpu.memory_space<vmem_shared>> -> memref<49168xi32, #tpu.memory_space<vmem_shared>>
      tpu.enqueue_indirect_dma source(%dma_start3A_585 : memref<16xi32, #tpu.memory_space<vmem>>) target(%dma_start3A_587 : memref<49168xi32, #tpu.memory_space<vmem_shared>>) offsets(%get3A_571 : vector<16xi32>) semaphore(%arg20 : memref<!tpu.dma_semaphore, #tpu.memory_space<semaphore_mem>>) {add = true}
      %dma_wait3A_588 = arith.constant 0 : i32
      %dma_wait3A_589 = arith.constant 0 : i32
      %dma_wait3A_590 = tpu.memref_slice %arg18[%dma_wait3A_588, %dma_wait3A_589] : memref<128x32xf32, #tpu.memory_space<vmem>> -> memref<16x32xf32, #tpu.memory_space<vmem>>
      %dma_wait3A_591 = arith.constant 0 : i32
      %dma_wait3A_592 = arith.constant 0 : i32
      %dma_wait3A_593 = tpu.memref_slice %arg8[%dma_wait3A_591, %dma_wait3A_592] : memref<49168x32xf32, #tpu.memory_space<vmem_shared>> -> memref<49168x32xf32, #tpu.memory_space<vmem_shared>>
      tpu.wait_indirect_dma semaphore(%arg20 : memref<!tpu.dma_semaphore, #tpu.memory_space<semaphore_mem>>) src(%dma_wait3A_590 : memref<16x32xf32, #tpu.memory_space<vmem>>) dst(%dma_wait3A_593 : memref<49168x32xf32, #tpu.memory_space<vmem_shared>>)
      %dma_wait3A_594 = tpu.memref_slice %arg16[%add3A_439] : memref<2192xf32, #tpu.memory_space<vmem>> -> memref<16xf32, #tpu.memory_space<vmem>>
      %dma_wait3A_595 = arith.constant 0 : i32
      %dma_wait3A_596 = tpu.memref_slice %arg9[%dma_wait3A_595] : memref<49168xf32, #tpu.memory_space<vmem_shared>> -> memref<49168xf32, #tpu.memory_space<vmem_shared>>
      tpu.wait_indirect_dma semaphore(%arg20 : memref<!tpu.dma_semaphore, #tpu.memory_space<semaphore_mem>>) src(%dma_wait3A_594 : memref<16xf32, #tpu.memory_space<vmem>>) dst(%dma_wait3A_596 : memref<49168xf32, #tpu.memory_space<vmem_shared>>)
      %dma_wait3A_597 = tpu.memref_slice %arg17[%add3A_444] : memref<2192xi32, #tpu.memory_space<vmem>> -> memref<16xi32, #tpu.memory_space<vmem>>
      %dma_wait3A_598 = arith.constant 0 : i32
      %dma_wait3A_599 = tpu.memref_slice %arg10[%dma_wait3A_598] : memref<49168xi32, #tpu.memory_space<vmem_shared>> -> memref<49168xi32, #tpu.memory_space<vmem_shared>>
      tpu.wait_indirect_dma semaphore(%arg20 : memref<!tpu.dma_semaphore, #tpu.memory_space<semaphore_mem>>) src(%dma_wait3A_597 : memref<16xi32, #tpu.memory_space<vmem>>) dst(%dma_wait3A_599 : memref<49168xi32, #tpu.memory_space<vmem_shared>>)
      %dma_wait3A_600 = arith.constant 16 : i32
      %dma_wait3A_601 = arith.constant 0 : i32
      %dma_wait3A_602 = tpu.memref_slice %arg18[%dma_wait3A_600, %dma_wait3A_601] : memref<128x32xf32, #tpu.memory_space<vmem>> -> memref<16x32xf32, #tpu.memory_space<vmem>>
      %dma_wait3A_603 = arith.constant 0 : i32
      %dma_wait3A_604 = arith.constant 0 : i32
      %dma_wait3A_605 = tpu.memref_slice %arg8[%dma_wait3A_603, %dma_wait3A_604] : memref<49168x32xf32, #tpu.memory_space<vmem_shared>> -> memref<49168x32xf32, #tpu.memory_space<vmem_shared>>
      tpu.wait_indirect_dma semaphore(%arg20 : memref<!tpu.dma_semaphore, #tpu.memory_space<semaphore_mem>>) src(%dma_wait3A_602 : memref<16x32xf32, #tpu.memory_space<vmem>>) dst(%dma_wait3A_605 : memref<49168x32xf32, #tpu.memory_space<vmem_shared>>)
      %dma_wait3A_606 = tpu.memref_slice %arg16[%add3A_459] : memref<2192xf32, #tpu.memory_space<vmem>> -> memref<16xf32, #tpu.memory_space<vmem>>
      %dma_wait3A_607 = arith.constant 0 : i32
      %dma_wait3A_608 = tpu.memref_slice %arg9[%dma_wait3A_607] : memref<49168xf32, #tpu.memory_space<vmem_shared>> -> memref<49168xf32, #tpu.memory_space<vmem_shared>>
      tpu.wait_indirect_dma semaphore(%arg20 : memref<!tpu.dma_semaphore, #tpu.memory_space<semaphore_mem>>) src(%dma_wait3A_606 : memref<16xf32, #tpu.memory_space<vmem>>) dst(%dma_wait3A_608 : memref<49168xf32, #tpu.memory_space<vmem_shared>>)
      %dma_wait3A_609 = tpu.memref_slice %arg17[%add3A_464] : memref<2192xi32, #tpu.memory_space<vmem>> -> memref<16xi32, #tpu.memory_space<vmem>>
      %dma_wait3A_610 = arith.constant 0 : i32
      %dma_wait3A_611 = tpu.memref_slice %arg10[%dma_wait3A_610] : memref<49168xi32, #tpu.memory_space<vmem_shared>> -> memref<49168xi32, #tpu.memory_space<vmem_shared>>
      tpu.wait_indirect_dma semaphore(%arg20 : memref<!tpu.dma_semaphore, #tpu.memory_space<semaphore_mem>>) src(%dma_wait3A_609 : memref<16xi32, #tpu.memory_space<vmem>>) dst(%dma_wait3A_611 : memref<49168xi32, #tpu.memory_space<vmem_shared>>)
      %dma_wait3A_612 = arith.constant 32 : i32
      %dma_wait3A_613 = arith.constant 0 : i32
      %dma_wait3A_614 = tpu.memref_slice %arg18[%dma_wait3A_612, %dma_wait3A_613] : memref<128x32xf32, #tpu.memory_space<vmem>> -> memref<16x32xf32, #tpu.memory_space<vmem>>
      %dma_wait3A_615 = arith.constant 0 : i32
      %dma_wait3A_616 = arith.constant 0 : i32
      %dma_wait3A_617 = tpu.memref_slice %arg8[%dma_wait3A_615, %dma_wait3A_616] : memref<49168x32xf32, #tpu.memory_space<vmem_shared>> -> memref<49168x32xf32, #tpu.memory_space<vmem_shared>>
      tpu.wait_indirect_dma semaphore(%arg20 : memref<!tpu.dma_semaphore, #tpu.memory_space<semaphore_mem>>) src(%dma_wait3A_614 : memref<16x32xf32, #tpu.memory_space<vmem>>) dst(%dma_wait3A_617 : memref<49168x32xf32, #tpu.memory_space<vmem_shared>>)
      %dma_wait3A_618 = tpu.memref_slice %arg16[%add3A_479] : memref<2192xf32, #tpu.memory_space<vmem>> -> memref<16xf32, #tpu.memory_space<vmem>>
      %dma_wait3A_619 = arith.constant 0 : i32
      %dma_wait3A_620 = tpu.memref_slice %arg9[%dma_wait3A_619] : memref<49168xf32, #tpu.memory_space<vmem_shared>> -> memref<49168xf32, #tpu.memory_space<vmem_shared>>
      tpu.wait_indirect_dma semaphore(%arg20 : memref<!tpu.dma_semaphore, #tpu.memory_space<semaphore_mem>>) src(%dma_wait3A_618 : memref<16xf32, #tpu.memory_space<vmem>>) dst(%dma_wait3A_620 : memref<49168xf32, #tpu.memory_space<vmem_shared>>)
      %dma_wait3A_621 = tpu.memref_slice %arg17[%add3A_484] : memref<2192xi32, #tpu.memory_space<vmem>> -> memref<16xi32, #tpu.memory_space<vmem>>
      %dma_wait3A_622 = arith.constant 0 : i32
      %dma_wait3A_623 = tpu.memref_slice %arg10[%dma_wait3A_622] : memref<49168xi32, #tpu.memory_space<vmem_shared>> -> memref<49168xi32, #tpu.memory_space<vmem_shared>>
      tpu.wait_indirect_dma semaphore(%arg20 : memref<!tpu.dma_semaphore, #tpu.memory_space<semaphore_mem>>) src(%dma_wait3A_621 : memref<16xi32, #tpu.memory_space<vmem>>) dst(%dma_wait3A_623 : memref<49168xi32, #tpu.memory_space<vmem_shared>>)
      %dma_wait3A_624 = arith.constant 48 : i32
      %dma_wait3A_625 = arith.constant 0 : i32
      %dma_wait3A_626 = tpu.memref_slice %arg18[%dma_wait3A_624, %dma_wait3A_625] : memref<128x32xf32, #tpu.memory_space<vmem>> -> memref<16x32xf32, #tpu.memory_space<vmem>>
      %dma_wait3A_627 = arith.constant 0 : i32
      %dma_wait3A_628 = arith.constant 0 : i32
      %dma_wait3A_629 = tpu.memref_slice %arg8[%dma_wait3A_627, %dma_wait3A_628] : memref<49168x32xf32, #tpu.memory_space<vmem_shared>> -> memref<49168x32xf32, #tpu.memory_space<vmem_shared>>
      tpu.wait_indirect_dma semaphore(%arg20 : memref<!tpu.dma_semaphore, #tpu.memory_space<semaphore_mem>>) src(%dma_wait3A_626 : memref<16x32xf32, #tpu.memory_space<vmem>>) dst(%dma_wait3A_629 : memref<49168x32xf32, #tpu.memory_space<vmem_shared>>)
      %dma_wait3A_630 = tpu.memref_slice %arg16[%add3A_499] : memref<2192xf32, #tpu.memory_space<vmem>> -> memref<16xf32, #tpu.memory_space<vmem>>
      %dma_wait3A_631 = arith.constant 0 : i32
      %dma_wait3A_632 = tpu.memref_slice %arg9[%dma_wait3A_631] : memref<49168xf32, #tpu.memory_space<vmem_shared>> -> memref<49168xf32, #tpu.memory_space<vmem_shared>>
      tpu.wait_indirect_dma semaphore(%arg20 : memref<!tpu.dma_semaphore, #tpu.memory_space<semaphore_mem>>) src(%dma_wait3A_630 : memref<16xf32, #tpu.memory_space<vmem>>) dst(%dma_wait3A_632 : memref<49168xf32, #tpu.memory_space<vmem_shared>>)
      %dma_wait3A_633 = tpu.memref_slice %arg17[%add3A_504] : memref<2192xi32, #tpu.memory_space<vmem>> -> memref<16xi32, #tpu.memory_space<vmem>>
      %dma_wait3A_634 = arith.constant 0 : i32
      %dma_wait3A_635 = tpu.memref_slice %arg10[%dma_wait3A_634] : memref<49168xi32, #tpu.memory_space<vmem_shared>> -> memref<49168xi32, #tpu.memory_space<vmem_shared>>
      tpu.wait_indirect_dma semaphore(%arg20 : memref<!tpu.dma_semaphore, #tpu.memory_space<semaphore_mem>>) src(%dma_wait3A_633 : memref<16xi32, #tpu.memory_space<vmem>>) dst(%dma_wait3A_635 : memref<49168xi32, #tpu.memory_space<vmem_shared>>)
      %dma_wait3A_636 = arith.constant 64 : i32
      %dma_wait3A_637 = arith.constant 0 : i32
      %dma_wait3A_638 = tpu.memref_slice %arg18[%dma_wait3A_636, %dma_wait3A_637] : memref<128x32xf32, #tpu.memory_space<vmem>> -> memref<16x32xf32, #tpu.memory_space<vmem>>
      %dma_wait3A_639 = arith.constant 0 : i32
      %dma_wait3A_640 = arith.constant 0 : i32
      %dma_wait3A_641 = tpu.memref_slice %arg8[%dma_wait3A_639, %dma_wait3A_640] : memref<49168x32xf32, #tpu.memory_space<vmem_shared>> -> memref<49168x32xf32, #tpu.memory_space<vmem_shared>>
      tpu.wait_indirect_dma semaphore(%arg20 : memref<!tpu.dma_semaphore, #tpu.memory_space<semaphore_mem>>) src(%dma_wait3A_638 : memref<16x32xf32, #tpu.memory_space<vmem>>) dst(%dma_wait3A_641 : memref<49168x32xf32, #tpu.memory_space<vmem_shared>>)
      %dma_wait3A_642 = tpu.memref_slice %arg16[%add3A_519] : memref<2192xf32, #tpu.memory_space<vmem>> -> memref<16xf32, #tpu.memory_space<vmem>>
      %dma_wait3A_643 = arith.constant 0 : i32
      %dma_wait3A_644 = tpu.memref_slice %arg9[%dma_wait3A_643] : memref<49168xf32, #tpu.memory_space<vmem_shared>> -> memref<49168xf32, #tpu.memory_space<vmem_shared>>
      tpu.wait_indirect_dma semaphore(%arg20 : memref<!tpu.dma_semaphore, #tpu.memory_space<semaphore_mem>>) src(%dma_wait3A_642 : memref<16xf32, #tpu.memory_space<vmem>>) dst(%dma_wait3A_644 : memref<49168xf32, #tpu.memory_space<vmem_shared>>)
      %dma_wait3A_645 = tpu.memref_slice %arg17[%add3A_524] : memref<2192xi32, #tpu.memory_space<vmem>> -> memref<16xi32, #tpu.memory_space<vmem>>
      %dma_wait3A_646 = arith.constant 0 : i32
      %dma_wait3A_647 = tpu.memref_slice %arg10[%dma_wait3A_646] : memref<49168xi32, #tpu.memory_space<vmem_shared>> -> memref<49168xi32, #tpu.memory_space<vmem_shared>>
      tpu.wait_indirect_dma semaphore(%arg20 : memref<!tpu.dma_semaphore, #tpu.memory_space<semaphore_mem>>) src(%dma_wait3A_645 : memref<16xi32, #tpu.memory_space<vmem>>) dst(%dma_wait3A_647 : memref<49168xi32, #tpu.memory_space<vmem_shared>>)
      %dma_wait3A_648 = arith.constant 80 : i32
      %dma_wait3A_649 = arith.constant 0 : i32
      %dma_wait3A_650 = tpu.memref_slice %arg18[%dma_wait3A_648, %dma_wait3A_649] : memref<128x32xf32, #tpu.memory_space<vmem>> -> memref<16x32xf32, #tpu.memory_space<vmem>>
      %dma_wait3A_651 = arith.constant 0 : i32
      %dma_wait3A_652 = arith.constant 0 : i32
      %dma_wait3A_653 = tpu.memref_slice %arg8[%dma_wait3A_651, %dma_wait3A_652] : memref<49168x32xf32, #tpu.memory_space<vmem_shared>> -> memref<49168x32xf32, #tpu.memory_space<vmem_shared>>
      tpu.wait_indirect_dma semaphore(%arg20 : memref<!tpu.dma_semaphore, #tpu.memory_space<semaphore_mem>>) src(%dma_wait3A_650 : memref<16x32xf32, #tpu.memory_space<vmem>>) dst(%dma_wait3A_653 : memref<49168x32xf32, #tpu.memory_space<vmem_shared>>)
      %dma_wait3A_654 = tpu.memref_slice %arg16[%add3A_539] : memref<2192xf32, #tpu.memory_space<vmem>> -> memref<16xf32, #tpu.memory_space<vmem>>
      %dma_wait3A_655 = arith.constant 0 : i32
      %dma_wait3A_656 = tpu.memref_slice %arg9[%dma_wait3A_655] : memref<49168xf32, #tpu.memory_space<vmem_shared>> -> memref<49168xf32, #tpu.memory_space<vmem_shared>>
      tpu.wait_indirect_dma semaphore(%arg20 : memref<!tpu.dma_semaphore, #tpu.memory_space<semaphore_mem>>) src(%dma_wait3A_654 : memref<16xf32, #tpu.memory_space<vmem>>) dst(%dma_wait3A_656 : memref<49168xf32, #tpu.memory_space<vmem_shared>>)
      %dma_wait3A_657 = tpu.memref_slice %arg17[%add3A_544] : memref<2192xi32, #tpu.memory_space<vmem>> -> memref<16xi32, #tpu.memory_space<vmem>>
      %dma_wait3A_658 = arith.constant 0 : i32
      %dma_wait3A_659 = tpu.memref_slice %arg10[%dma_wait3A_658] : memref<49168xi32, #tpu.memory_space<vmem_shared>> -> memref<49168xi32, #tpu.memory_space<vmem_shared>>
      tpu.wait_indirect_dma semaphore(%arg20 : memref<!tpu.dma_semaphore, #tpu.memory_space<semaphore_mem>>) src(%dma_wait3A_657 : memref<16xi32, #tpu.memory_space<vmem>>) dst(%dma_wait3A_659 : memref<49168xi32, #tpu.memory_space<vmem_shared>>)
      %dma_wait3A_660 = arith.constant 96 : i32
      %dma_wait3A_661 = arith.constant 0 : i32
      %dma_wait3A_662 = tpu.memref_slice %arg18[%dma_wait3A_660, %dma_wait3A_661] : memref<128x32xf32, #tpu.memory_space<vmem>> -> memref<16x32xf32, #tpu.memory_space<vmem>>
      %dma_wait3A_663 = arith.constant 0 : i32
      %dma_wait3A_664 = arith.constant 0 : i32
      %dma_wait3A_665 = tpu.memref_slice %arg8[%dma_wait3A_663, %dma_wait3A_664] : memref<49168x32xf32, #tpu.memory_space<vmem_shared>> -> memref<49168x32xf32, #tpu.memory_space<vmem_shared>>
      tpu.wait_indirect_dma semaphore(%arg20 : memref<!tpu.dma_semaphore, #tpu.memory_space<semaphore_mem>>) src(%dma_wait3A_662 : memref<16x32xf32, #tpu.memory_space<vmem>>) dst(%dma_wait3A_665 : memref<49168x32xf32, #tpu.memory_space<vmem_shared>>)
      %dma_wait3A_666 = tpu.memref_slice %arg16[%add3A_559] : memref<2192xf32, #tpu.memory_space<vmem>> -> memref<16xf32, #tpu.memory_space<vmem>>
      %dma_wait3A_667 = arith.constant 0 : i32
      %dma_wait3A_668 = tpu.memref_slice %arg9[%dma_wait3A_667] : memref<49168xf32, #tpu.memory_space<vmem_shared>> -> memref<49168xf32, #tpu.memory_space<vmem_shared>>
      tpu.wait_indirect_dma semaphore(%arg20 : memref<!tpu.dma_semaphore, #tpu.memory_space<semaphore_mem>>) src(%dma_wait3A_666 : memref<16xf32, #tpu.memory_space<vmem>>) dst(%dma_wait3A_668 : memref<49168xf32, #tpu.memory_space<vmem_shared>>)
      %dma_wait3A_669 = tpu.memref_slice %arg17[%add3A_564] : memref<2192xi32, #tpu.memory_space<vmem>> -> memref<16xi32, #tpu.memory_space<vmem>>
      %dma_wait3A_670 = arith.constant 0 : i32
      %dma_wait3A_671 = tpu.memref_slice %arg10[%dma_wait3A_670] : memref<49168xi32, #tpu.memory_space<vmem_shared>> -> memref<49168xi32, #tpu.memory_space<vmem_shared>>
      tpu.wait_indirect_dma semaphore(%arg20 : memref<!tpu.dma_semaphore, #tpu.memory_space<semaphore_mem>>) src(%dma_wait3A_669 : memref<16xi32, #tpu.memory_space<vmem>>) dst(%dma_wait3A_671 : memref<49168xi32, #tpu.memory_space<vmem_shared>>)
      %dma_wait3A_672 = arith.constant 112 : i32
      %dma_wait3A_673 = arith.constant 0 : i32
      %dma_wait3A_674 = tpu.memref_slice %arg18[%dma_wait3A_672, %dma_wait3A_673] : memref<128x32xf32, #tpu.memory_space<vmem>> -> memref<16x32xf32, #tpu.memory_space<vmem>>
      %dma_wait3A_675 = arith.constant 0 : i32
      %dma_wait3A_676 = arith.constant 0 : i32
      %dma_wait3A_677 = tpu.memref_slice %arg8[%dma_wait3A_675, %dma_wait3A_676] : memref<49168x32xf32, #tpu.memory_space<vmem_shared>> -> memref<49168x32xf32, #tpu.memory_space<vmem_shared>>
      tpu.wait_indirect_dma semaphore(%arg20 : memref<!tpu.dma_semaphore, #tpu.memory_space<semaphore_mem>>) src(%dma_wait3A_674 : memref<16x32xf32, #tpu.memory_space<vmem>>) dst(%dma_wait3A_677 : memref<49168x32xf32, #tpu.memory_space<vmem_shared>>)
      %dma_wait3A_678 = tpu.memref_slice %arg16[%add3A_579] : memref<2192xf32, #tpu.memory_space<vmem>> -> memref<16xf32, #tpu.memory_space<vmem>>
      %dma_wait3A_679 = arith.constant 0 : i32
      %dma_wait3A_680 = tpu.memref_slice %arg9[%dma_wait3A_679] : memref<49168xf32, #tpu.memory_space<vmem_shared>> -> memref<49168xf32, #tpu.memory_space<vmem_shared>>
      tpu.wait_indirect_dma semaphore(%arg20 : memref<!tpu.dma_semaphore, #tpu.memory_space<semaphore_mem>>) src(%dma_wait3A_678 : memref<16xf32, #tpu.memory_space<vmem>>) dst(%dma_wait3A_680 : memref<49168xf32, #tpu.memory_space<vmem_shared>>)
      %dma_wait3A_681 = tpu.memref_slice %arg17[%add3A_584] : memref<2192xi32, #tpu.memory_space<vmem>> -> memref<16xi32, #tpu.memory_space<vmem>>
      %dma_wait3A_682 = arith.constant 0 : i32
      %dma_wait3A_683 = tpu.memref_slice %arg10[%dma_wait3A_682] : memref<49168xi32, #tpu.memory_space<vmem_shared>> -> memref<49168xi32, #tpu.memory_space<vmem_shared>>
      tpu.wait_indirect_dma semaphore(%arg20 : memref<!tpu.dma_semaphore, #tpu.memory_space<semaphore_mem>>) src(%dma_wait3A_681 : memref<16xi32, #tpu.memory_space<vmem>>) dst(%dma_wait3A_683 : memref<49168xi32, #tpu.memory_space<vmem_shared>>)
      %while3A_684 = arith.constant 0 : i32
      scf.yield %while3A_684 : i32
    }
    %barrier3A_283 = arith.constant 0 : index
    tpu.barrier barrier_id(%barrier3A_283)
    %mul3A_284 = arith.constant 1024 : i32
    %mul3A_285 = arith.muli %arg1, %mul3A_284 : i32
    %mul3A_286 = arith.constant 1024 : i32
    %mul3A_287 = arith.muli %arg1, %mul3A_286 : i32
    %add3A_288 = arith.addi %add3A_20, %mul3A_287 : i32
    "tpu.region"() ({
      %run_scoped3A = tpu.sem_alloc : memref<!tpu.dma_semaphore, #tpu.memory_space<semaphore_mem>>
      %dma_start3A = arith.constant 0 : i32
      %dma_start3A_299 = tpu.memref_slice %arg5[%add3A_288, %dma_start3A] : memref<2097152x32xf32, #tpu.memory_space<hbm>> -> memref<1024x32xf32, #tpu.memory_space<hbm>>
      %dma_start3A_300 = arith.constant 0 : i32
      %dma_start3A_301 = tpu.memref_slice %arg8[%mul3A_285, %dma_start3A_300] : memref<49168x32xf32, #tpu.memory_space<vmem_shared>> -> memref<1024x32xf32, #tpu.memory_space<vmem_shared>>
      tpu.enqueue_dma source(%dma_start3A_301 : memref<1024x32xf32, #tpu.memory_space<vmem_shared>>) target(%dma_start3A_299 : memref<1024x32xf32, #tpu.memory_space<hbm>>) target_semaphore(%run_scoped3A : memref<!tpu.dma_semaphore, #tpu.memory_space<semaphore_mem>>)
      %dma_wait3A = arith.constant 0 : i32
      %dma_wait3A_302 = tpu.memref_slice %arg5[%add3A_288, %dma_wait3A] : memref<2097152x32xf32, #tpu.memory_space<hbm>> -> memref<1024x32xf32, #tpu.memory_space<hbm>>
      %dma_wait3A_303 = arith.constant 0 : i32
      %dma_wait3A_304 = tpu.memref_slice %arg8[%mul3A_285, %dma_wait3A_303] : memref<49168x32xf32, #tpu.memory_space<vmem_shared>> -> memref<1024x32xf32, #tpu.memory_space<vmem_shared>>
      tpu.wait_dma2 semaphore(%run_scoped3A : memref<!tpu.dma_semaphore, #tpu.memory_space<semaphore_mem>>) src(%dma_wait3A_304 : memref<1024x32xf32, #tpu.memory_space<vmem_shared>>) dst(%dma_wait3A_302 : memref<1024x32xf32, #tpu.memory_space<hbm>>)
      tpu.yield
    }) : () -> ()
    %mul3A_289 = arith.constant 1024 : i32
    %mul3A_290 = arith.muli %arg1, %mul3A_289 : i32
    %mul3A_291 = arith.constant 1024 : i32
    %mul3A_292 = arith.muli %arg1, %mul3A_291 : i32
    %add3A_293 = arith.addi %add3A_20, %mul3A_292 : i32
    "tpu.region"() ({
      %run_scoped3A = tpu.sem_alloc : memref<!tpu.dma_semaphore, #tpu.memory_space<semaphore_mem>>
      %dma_start3A = tpu.memref_slice %arg6[%add3A_293] : memref<2097152xf32, #tpu.memory_space<hbm>> -> memref<1024xf32, #tpu.memory_space<hbm>>
      %dma_start3A_299 = tpu.memref_slice %arg9[%mul3A_290] : memref<49168xf32, #tpu.memory_space<vmem_shared>> -> memref<1024xf32, #tpu.memory_space<vmem_shared>>
      tpu.enqueue_dma source(%dma_start3A_299 : memref<1024xf32, #tpu.memory_space<vmem_shared>>) target(%dma_start3A : memref<1024xf32, #tpu.memory_space<hbm>>) target_semaphore(%run_scoped3A : memref<!tpu.dma_semaphore, #tpu.memory_space<semaphore_mem>>)
      %dma_wait3A = tpu.memref_slice %arg6[%add3A_293] : memref<2097152xf32, #tpu.memory_space<hbm>> -> memref<1024xf32, #tpu.memory_space<hbm>>
      %dma_wait3A_300 = tpu.memref_slice %arg9[%mul3A_290] : memref<49168xf32, #tpu.memory_space<vmem_shared>> -> memref<1024xf32, #tpu.memory_space<vmem_shared>>
      tpu.wait_dma2 semaphore(%run_scoped3A : memref<!tpu.dma_semaphore, #tpu.memory_space<semaphore_mem>>) src(%dma_wait3A_300 : memref<1024xf32, #tpu.memory_space<vmem_shared>>) dst(%dma_wait3A : memref<1024xf32, #tpu.memory_space<hbm>>)
      tpu.yield
    }) : () -> ()
    %mul3A_294 = arith.constant 1024 : i32
    %mul3A_295 = arith.muli %arg1, %mul3A_294 : i32
    %mul3A_296 = arith.constant 1024 : i32
    %mul3A_297 = arith.muli %arg1, %mul3A_296 : i32
    %add3A_298 = arith.addi %add3A_20, %mul3A_297 : i32
    "tpu.region"() ({
      %run_scoped3A = tpu.sem_alloc : memref<!tpu.dma_semaphore, #tpu.memory_space<semaphore_mem>>
      %dma_start3A = tpu.memref_slice %arg7[%add3A_298] : memref<2097152xi32, #tpu.memory_space<hbm>> -> memref<1024xi32, #tpu.memory_space<hbm>>
      %dma_start3A_299 = tpu.memref_slice %arg10[%mul3A_295] : memref<49168xi32, #tpu.memory_space<vmem_shared>> -> memref<1024xi32, #tpu.memory_space<vmem_shared>>
      tpu.enqueue_dma source(%dma_start3A_299 : memref<1024xi32, #tpu.memory_space<vmem_shared>>) target(%dma_start3A : memref<1024xi32, #tpu.memory_space<hbm>>) target_semaphore(%run_scoped3A : memref<!tpu.dma_semaphore, #tpu.memory_space<semaphore_mem>>)
      %dma_wait3A = tpu.memref_slice %arg7[%add3A_298] : memref<2097152xi32, #tpu.memory_space<hbm>> -> memref<1024xi32, #tpu.memory_space<hbm>>
      %dma_wait3A_300 = tpu.memref_slice %arg10[%mul3A_295] : memref<49168xi32, #tpu.memory_space<vmem_shared>> -> memref<1024xi32, #tpu.memory_space<vmem_shared>>
      tpu.wait_dma2 semaphore(%run_scoped3A : memref<!tpu.dma_semaphore, #tpu.memory_space<semaphore_mem>>) src(%dma_wait3A_300 : memref<1024xi32, #tpu.memory_space<vmem_shared>>) dst(%dma_wait3A : memref<1024xi32, #tpu.memory_space<hbm>>)
      tpu.yield
    }) : () -> ()
    return
  }
}

</mosaic_0001>

<sc_bundles>
// kernel: mcts_scatter_add.3.cloned.1.call-start
scs
__scs_entry_jumppad:
0x0: {  	(pc) =	sbr.rel $0x88, $3  }
0x1: {  	(tag) =	ssettag $0x0;
	lr =	simm.s32 $0x1  }
0x2: {  	[smem:$0x3F9C] =	sst lr;
	_ =	strace $0xD0000000  }
0x3: {  	_ = 	snop  }
0x4: {  	_ = 	snop  }
0x5: {  	_ = 	snop  }
0x6: {  	_ = 	snop  }
0x7: {  	_ = 	snop  }
__scs_overlays_trampoline_lowered:
0x8: {  	[smem:$0x3FAB] =	sst s0  }
0x9: {  	[smem:$0x3FAC] =	sst s1  }
0xa: {  	[smem:$0x3FAD] =	sst s2  }
0xb: {  	[smem:$0x3FAE] =	sst s3  }
0xc: {  	[smem:$0x3FAF] =	sst s4  }
0xd: {  	[smem:$0x3FB0] =	sst s5  }
0xe: {  	[smem:$0x3FB1] =	sst s6  }
0xf: {  	[smem:$0x3FB2] =	sst s7  }
0x10: {  	[smem:$0x3FB3] =	sst s8  }
0x11: {  	[smem:$0x3FB4] =	sst s9;
	s0 =	simm.s32 @!p0 $0x0  }
0x12: {  	s1 =	sld [smem:$0x3F9A];
	s0 =	simm.s32 @p0 $0x1  }
0x13: {  	[smem:$0x3FB5] =	sst s0;
	s0 =	simm.s32 @!p1 $0x0  }
0x14: {  	s2 =	sld [smem:$0x3F99];
	s0 =	simm.s32 @p1 $0x1  }
0x15: {  	[smem:$0x3FB6] =	sst s0;
	s0 =	simm.s32 @!p2 $0x0  }
0x16: {  	s3 =	sld [smem:$0x3FDB];
	s0 =	simm.s32 @p2 $0x1  }
0x17: {  	s4 =	simm.s32 $0x1BF5;
	[smem:$0x3FB8] =	sst s0  }
0x18: {  	s0 =	sld [smem:$0x3F9B];
	_ =	swait.ge [sflag:s4], $0x0  }
0x19: {  	s7 =	sld [smem:$0x3F9C]  }
0x1a: {  	s8 =	sadd.s32 $0xFFFFE003, lr  }
0x1b: {  	s9 =	sadd.s32 $0xFFFFFEF7, lr;
	s5 =	simm.s32 $0xFFFFFFFF;
	p2 =	slt.u32 s8, $0xFFFFF086  }
0x1c: {  	p1 =	slt.u32 s9, $0xF7A;
	s5 =	simm.s32 @!p2 $0x0  }
0x1d: {  	s5 =	simm.s32 @p1 $0x1;
	p0 =	seq.s32 s7, s2  }
0x1e: {  	s7 =	smul.u32 @!p0 $0xF7A, s2;
	p2 =	seq.s32 @!p0 s5, $0x0  }
0x1f: {  	s9 =	smul.u32 $0xF7A, s1;
	s8 =	simm.s32 @!p0 $0x1BF5;
	p2 =	por !p2, p0  }
0x20: {  	[sflag:s8] =	ssyncset.s32 @!p0 $0xFFFFF086;
	s6 =	sadd.s32 @!p0 s3, s7;
	s7 =	simm.s32 @!p0 $0x108  }
0x21: {  	s3 =	sadd.s32 s3, s9;
	s6 =	sadd.s32 @!p0 $0x88, s6;
	s7 =	simm.s32 @p2 $0x1082  }
0x22: {  	[simem:s7], [sflag:s8] =	dma.local @!p0 [hbm:s6], $0xF7A  }
0x23: {  	s9 =	sor.u32 $0xD0000000, s2;
	s6 =	simm.s32 $0x108;
	_ =	swait.ge @!p0 [sflag:s8], $0x0  }
0x24: {  	s3 =	sadd.s32 $0x88, s3;
	s6 =	simm.s32 @!p1 $0x1082;
	[sflag:s4] =	ssyncset.s32 $0xFFFFF086  }
0x25: {  	[simem:s6], [sflag:s4] =	dma.local [hbm:s3], $0xF7A  }
0x26: {  	[smem:$0x3F9C] =	sst s1;
	(tag) =	ssettag s2;
	_ =	strace s9  }
0x27: {  	s1 =	sld [smem:$0x3FAC]  }
0x28: {  	s2 =	sld [smem:$0x3FAD]  }
0x29: {  	s4 =	sld [smem:$0x3FAF]  }
0x2a: {  	p0 =	seq.s32 s5, $0x0;
	s5 =	sld [smem:$0x3FB0]  }
0x2b: {  	s6 =	sld [smem:$0x3FB1]  }
0x2c: {  	s7 =	sld [smem:$0x3FB2]  }
0x2d: {  	s3 =	simm.s32 $0x108;
	s8 =	sld [smem:$0x3FB3]  }
0x2e: {  	s3 =	simm.s32 @!p0 $0x1082;
	s9 =	sld [smem:$0x3FB4]  }
0x2f: {  	lr =	sadd.s32 s0, s3;
	s0 =	sld [smem:$0x3FAB]  }
0x30: {  	s3 =	sld [smem:$0x3FAE]  }
0x31: {  	[smem:$0x3FB7] =	sst s10  }
0x32: {  	s10 =	sld [smem:$0x3FB5];
	_ =	sdelay $0x3  }
0x33: {  	p0 =	seq.s32 s10, $0x1;
	s10 =	sld [smem:$0x3FB7];
	_ =	sdelay $0x3  }
0x34: {  	[smem:$0x3FB7] =	sst s10  }
0x35: {  	s10 =	sld [smem:$0x3FB6];
	_ =	sdelay $0x3  }
0x36: {  	p1 =	seq.s32 s10, $0x1;
	s10 =	sld [smem:$0x3FB7];
	_ =	sdelay $0x3  }
0x37: {  	[smem:$0x3FB7] =	sst s10  }
0x38: {  	s10 =	sld [smem:$0x3FB8]  }
0x39: {  	_ = 	snop;
	(pc) =	sbr.ind lr, $3  }
0x3a: {  	_ = 	snop  }
0x3b: {  	_ = 	snop  }
0x3c: {  	p2 =	seq.s32 s10, $0x1;
	s10 =	sld [smem:$0x3FB7]  }
0x3d: {  	_ =	shalt  }
0x3e: {  	_ =	shalt  }
0x3f: {  	_ =	shalt  }
0x40: {  	_ =	shalt  }
0x41: {  	_ =	shalt  }
0x42: {  	_ =	shalt  }
0x43: {  	_ =	shalt  }
0x44: {  	_ =	shalt  }
0x45: {  	_ =	shalt  }
0x46: {  	_ =	shalt  }
0x47: {  	_ =	shalt  }
0x48: {  	_ =	shalt  }
0x49: {  	_ =	shalt  }
0x4a: {  	_ =	shalt  }
0x4b: {  	_ =	shalt  }
0x4c: {  	_ =	shalt  }
0x4d: {  	_ =	shalt  }
0x4e: {  	_ =	shalt  }
0x4f: {  	_ =	shalt  }
0x50: {  	_ =	shalt  }
0x51: {  	_ =	shalt  }
0x52: {  	_ =	shalt  }
0x53: {  	_ =	shalt  }
0x54: {  	_ =	shalt  }
0x55: {  	_ =	shalt  }
0x56: {  	_ =	shalt  }
0x57: {  	_ =	shalt  }
0x58: {  	_ =	shalt  }
0x59: {  	_ =	shalt  }
0x5a: {  	_ =	shalt  }
0x5b: {  	_ =	shalt  }
0x5c: {  	_ =	shalt  }
0x5d: {  	_ =	shalt  }
0x5e: {  	_ =	shalt  }
0x5f: {  	_ =	shalt  }
0x60: {  	_ =	shalt  }
0x61: {  	_ =	shalt  }
0x62: {  	_ =	shalt  }
0x63: {  	_ =	shalt  }
0x64: {  	_ =	shalt  }
0x65: {  	_ =	shalt  }
0x66: {  	_ =	shalt  }
0x67: {  	_ =	shalt  }
0x68: {  	_ =	shalt  }
0x69: {  	_ =	shalt  }
0x6a: {  	_ =	shalt  }
0x6b: {  	_ =	shalt  }
0x6c: {  	_ =	shalt  }
0x6d: {  	_ =	shalt  }
0x6e: {  	_ =	shalt  }
0x6f: {  	_ =	shalt  }
0x70: {  	_ =	shalt  }
0x71: {  	_ =	shalt  }
0x72: {  	_ =	shalt  }
0x73: {  	_ =	shalt  }
0x74: {  	_ =	shalt  }
0x75: {  	_ =	shalt  }
0x76: {  	_ =	shalt  }
0x77: {  	_ =	shalt  }
0x78: {  	_ =	shalt  }
0x79: {  	_ =	shalt  }
0x7a: {  	_ =	shalt  }
0x7b: {  	_ =	shalt  }
0x7c: {  	_ =	shalt  }
0x7d: {  	_ =	shalt  }
0x7e: {  	_ =	shalt  }
0x7f: {  	_ =	shalt  }
0x80: {  	_ =	shalt  }
0x81: {  	_ =	shalt  }
0x82: {  	_ =	shalt  }
0x83: {  	_ =	shalt  }
0x84: {  	_ =	shalt  }
0x85: {  	_ =	shalt  }
0x86: {  	_ =	shalt  }
0x87: {  	_ =	shalt  }
.Lfunc_end0:
.L_simem_size_0:
called_computation.1_lowered:
.L_overlay_start_0:
0x88: {  	s2 =	sld [smem:$0x3FD9]  }
0x89: {  	s3 =	sld [smem:$0x3FFE];
	_ =	sdelay $0x1  }
0x8a: {  	s1 =	srdreg.scid  }
0x8b: {  	s0 =	sand.u32 $0x1, s1  }
0x8c: {  	s14 =	sshll.u32 s0, $0xA;
	s2 =	sadd.s32 s3, s2  }
0x8d: {  	s2 =	sadd.s32 s2, s14  }
0x8e: {  	[smem:$0x3FC3] =	sst s2  }
0x8f: {  	_ = 	snop  }
0x90: {  	s2 =	sld [smem:$0x3FD0];
	_ =	sdelay $0x1  }
0x91: {  	s15 =	sld [smem:$0x3FC7]  }
0x92: {  	s5 =	simm.s32 $0xA;
	s6 =	simm.s32 $0x10;
	s4 =	sld [smem:$0x3FC5]  }
0x93: {  	[smem:s6], [sflag:s5] =	dma.local [hbm:s2], $0x1  }
0x94: {  	_ =	swait.eq [sflag:s5], $0x1  }
0x95: {  	s16 =	sld [smem:$0x10];
	[sflag:s5] =	ssyncset.done $0x0  }
0x96: {  	s17 =	sld [smem:$0x11];
	[sflag:s5] =	ssyncadd.s32 $0xFFFFFFFF  }
0x97: {  	s18 =	sld [smem:$0x12];
	(tm) =	ssettm $0x1  }
0x98: {  	s7 =	sld [smem:$0x3FFB];
	_ =	sdelay $0x3  }
0x99: {  	_ =	strace s7  }
0x9a: {  	s7 =	sld [smem:$0x3FFC];
	_ =	sdelay $0x3  }
0x9b: {  	_ =	strace s7  }
0x9c: {  	s7 =	sld [smem:$0x3FFD];
	_ =	sdelay $0x3  }
0x9d: {  	_ =	strace s7  }
0x9e: {  	_ =	strace $0x8FFFFFFF  }
0x9f: {  	s19 =	sld [smem:$0x3FDB];
	_ =	sdelay $0x1  }
0xa0: {  	s8 =	simm.s32 $_scs_section_size  }
0xa1: {  	s9 =	simm.s32 $_size__tile_overlayer_lowered;
	s10 =	simm.s32 $_tile_overlayer_lowered  }
0xa2: {  	s22 =	simm.s32 $0x1BFF;
	s21 =	sshll.u32 s10, $0x1;
	s7 =	sadd.s32 s8, s19  }
0xa3: {  	s11 =	simm.s32 $0x0;
	s20 =	sshll.u32 s9, $0x1;
	s9 =	sadd.s32 s21, s7  }
0xa4: {  	[timem:s11], [sflag:s22] =	dma.local [hbm:s9], s20  }
0xa5: {  	_ =	swait.ge [sflag:s22], s20  }
0xa6: {  	s8 =	ssub.s32 $0x0, s20;
	[sflag:s22] =	ssyncset.done $0x0  }
0xa7: {  	[sflag:s22] =	ssyncadd.s32 s8;
	_ =	sdelay $0x1  }
0xa8: {  	s23 =	simm.s32 $0x1B8B  }
0xa9: {  	_ =	swait.ge [sflag:s23], $0x1  }
0xaa: {  	[sflag:s23] =	ssyncset.done $0x0  }
0xab: {  	s25 =	simm.s32 $0x1B8E;
	s24 =	sld [smem:$0x3FFE];
	[sflag:s23] =	ssyncadd.s32 $0xFFFFFFFF  }
0xac: {  	s26 =	simm.s32 $execute0_lowered;
	[smem:$0x3FD2] =	sst s25  }
0xad: {  	s9 =	sshll.u32 s26, $0x1;
	_ =	strace $0x80000046;
	[dreg:$0x1] =	wrdreg $0xFFFFFFFF  }
0xae: {  	s28 =	simm.s32 $_size_execute0_lowered;
	s7 =	sadd.s32 s7, s9;
	[dreg:$0x0] =	wrdreg $0x0  }
0xaf: {  	s9 =	sshll.u32 s28, $0x1;
	[dreg:$0x2] =	wrdreg s7  }
0xb0: {  	[dreg:$0x3] =	wrdreg s9  }
0xb1: {  	[dreg:$0x4] =	wrdreg $0xC0  }
0xb2: {  	_ =	task [dreg:s11], $0x5FFFF  }
0xb3: {  	[dreg:$0x1] =	wrdreg $0xFFFFFFFF  }
0xb4: {  	[dreg:$0x0] =	wrdreg $0x60  }
0xb5: {  	[dreg:$0x2] =	wrdreg s24  }
0xb6: {  	[dreg:$0x3] =	wrdreg s15  }
0xb7: {  	[dreg:$0x4] =	wrdreg s4  }
0xb8: {  	[dreg:$0x5] =	wrdreg s16  }
0xb9: {  	[dreg:$0x6] =	wrdreg s17  }
0xba: {  	[dreg:$0x7] =	wrdreg s18  }
0xbb: {  	[dreg:$0x8] =	wrdreg $0x0  }
0xbc: {  	[dreg:$0x9] =	wrdreg $0x180200  }
0xbd: {  	[dreg:$0xa] =	wrdreg $0x18C280  }
0xbe: {  	[dreg:$0xb] =	wrdreg $0x9  }
0xbf: {  	_ =	task.clear_ibuf [dreg:s11], $0xCFFFF;
	_ =	strace $0x90000046  }
0xc0: {  	s29 =	simm.s32 $0x9;
	_ =	strace $0x80000048  }
0xc1: {  	_ =	swait.ge [sflag:s29], $0x1  }
0xc2: {  	[sflag:s29] =	ssyncadd.s32 $0xFFFFFFFF  }
0xc3: {  	_ =	strace $0x90000048  }
0xc4: {  	_ =	sfence  }
0xc5: {  	s30 =	sld [smem:$0x0];
	_ =	sdelay $0x2  }
0xc6: {  	s31 =	sshll.u32 s1, $0xD;
	s1 =	sshrl.u32 s1, $0x2  }
0xc7: {  	s3 =	sand.u32 $0x4000, s31;
	s1 =	sadd.s32 s1, s30  }
0xc8: {  	s0 =	sor.u32 s3, s0;
	s1 =	sshll.u32 s1, $0x11  }
0xc9: {  	s0 =	sor.u32 s1, s0  }
0xca: {  	s0 =	sadd.s32 $0x8F2B, s0  }
0xcb: {  	[sflag:s0] =	ssyncadd.remote.s32 $0x1  }
0xcc: {  	_ =	sfence.sel $0xFFFF  }
0xcd: {  	[dreg:$0x0] =	wrdreg $0xFFFFFFFF;
	(pc) =	sbr.abs _section_cstart, $3  }
0xce: {  	[dreg:$0x1] =	wrdreg $0xFFFFFFFF  }
0xcf: {  	_ =	task.clear_ibuf [dreg:s11], $0x2FFFF;
	_ =	strace $0x9FFFFFFF  }
0xd0: {  	(tm) =	ssettm $0x7FFFFFFF  }
0xd1: {  	_ =	shalt  }
tec
execute0_lowered:
.L_overlay_start_1:
0x0: {  	(tag) =	ssettag $0x1  }
0x1: {  	s0 =	rddreg [dreg:$0x0]  }
0x2: {  	s1 =	rddreg [dreg:$0x2]  }
0x3: {  	s9 =	rddreg [dreg:$0x3]  }
0x4: {  	s12 =	rddreg [dreg:$0x4]  }
0x5: {  	s13 =	rddreg [dreg:$0x5]  }
0x6: {  	s6 =	rddreg [dreg:$0x6]  }
0x7: {  	s7 =	rddreg [dreg:$0x7]  }
0x8: {  	s8 =	rddreg [dreg:$0x8]  }
0x9: {  	s10 =	simm.s32 $0x0;
	s2 =	srdreg.scid;
	s5 =	stileid.u32  }
0xa: {  	[smem:$0x7FF] =	sst s10;
	s4 =	smul.u32 $0x60000, s5  }
0xb: {  	s2 =	sand.u32 $0x1, s2;
	s11 =	sadd.s32 $0x1200, s0;
	s14 =	smul.u32 $0xC00, s5  }
0xc: {  	s20 =	sshll.u32 s5, $0xF;
	s21 =	sshll.u32 s5, $0xA;
	_ =	strace $0x80000047  }
0xd: {  	s3 =	ssub.s32 $0x2, s2;
	s18 =	sshll.u32 s2, $0x14;
	[dreg:$0xa] =	wrdreg s14  }
0xe: {  	s23 =	sadd.s32 s21, s7;
	s17 =	sshrl.u32 s3, $0x1;
	[dreg:$0xb] =	wrdreg s18  }
0xf: {  	s19 =	sshrl.u32 s4, $0x2;
	[dreg:$0x10] =	wrdreg s23;
	s4 =	sadd.s32 s21, s8  }
0x10: {  	s26 =	sadd.s32 s14, s8;
	s0 =	ssub.s32 s3, s17;
	[dreg:$0x11] =	wrdreg s4  }
0x11: {  	s17 =	sadd.s32 s14, s7;
	s14 =	sadd.s32 s20, s6;
	[dreg:$0xe] =	wrdreg s26  }
0x12: {  	s16 =	sadd.s32 s19, s6;
	[dreg:$0xf] =	wrdreg s14  }
0x13: {  	[dreg:$0xc] =	wrdreg s16  }
0x14: {  	s0 =	smax.u32 s0, $0x1;
	[dreg:$0xd] =	wrdreg s17  }
0x15: {  	s29 =	sshll.u32 s5, $0x10;
	s5 =	sadd.s32 $0x1000, s16;
	[dreg:$0x15] =	wrdreg s0  }
0x16: {  	s15 =	sadd.s32 $0x5000, s16;
	[dreg:$0x16] =	wrdreg s5  }
0x17: {  	s3 =	sor.u32 $0xFC000, s18;
	s18 =	sadd.s32 $0x6000, s16;
	[dreg:$0x1a] =	wrdreg s15  }
0x18: {  	s19 =	sadd.s32 $0x7000, s16;
	[dreg:$0x1b] =	wrdreg s18  }
0x19: {  	s20 =	sadd.s32 $0x8000, s16;
	[dreg:$0x1c] =	wrdreg s19  }
0x1a: {  	s22 =	sor.u32 s21, s3;
	s21 =	sadd.s32 $0x9000, s16;
	[dreg:$0x1d] =	wrdreg s20  }
0x1b: {  	s23 =	sadd.s32 $0xB000, s16;
	[dreg:$0x1e] =	wrdreg s21  }
0x1c: {  	s4 =	sadd.s32 $0x10000, s16;
	s24 =	sshll.u32 s22, $0x2;
	[smem:$0x7EA] =	sst s23  }
0x1d: {  	s2 =	sshrl.u32 s22, $0x3;
	s22 =	sadd.s32 $0xA000, s16;
	[smem:$0x7EF] =	sst s4  }
0x1e: {  	s5 =	sadd.s32 $0x11000, s16;
	[dreg:$0x1f] =	wrdreg s22  }
0x1f: {  	s15 =	sadd.s32 $0x15000, s16;
	[smem:$0x7F0] =	sst s5  }
0x20: {  	s18 =	sadd.s32 $0x16000, s16;
	[smem:$0x7F4] =	sst s15  }
0x21: {  	s19 =	sadd.s32 $0x17000, s16;
	[smem:$0x7F5] =	sst s18  }
0x22: {  	s20 =	sadd.s32 $0x1000, s14;
	[smem:$0x7F6] =	sst s19  }
0x23: {  	s21 =	sadd.s32 $0x2000, s14;
	[smem:$0x7F7] =	sst s20  }
0x24: {  	s23 =	sadd.s32 $0x4000, s14;
	[smem:$0x7F8] =	sst s21  }
0x25: {  	s25 =	sadd.s32 s9, s24;
	[smem:$0x7FA] =	sst s23  }
0x26: {  	s28 =	sadd.s32 s12, s2;
	[dreg:$0x12] =	wrdreg s25  }
0x27: {  	s2 =	sadd.s32 s13, s2;
	[dreg:$0x13] =	wrdreg s28  }
0x28: {  	s30 =	simm.s32 $0x3;
	s9 =	sadd.s32 $0x2000, s16;
	[dreg:$0x14] =	wrdreg s2  }
0x29: {  	s31 =	simm.s32 $0x1A830;
	s12 =	sadd.s32 $0x3000, s16;
	[dreg:$0x17] =	wrdreg s9  }
0x2a: {  	v0 =	vmov s3;
	s3 =	simm.s32 $0x1EE70;
	s13 =	sadd.s32 $0x4000, s16;
	[dreg:$0x18] =	wrdreg s12  }
0x2b: {  	s4 =	simm.s32 $0x1F070;
	s24 =	sadd.s32 $0xC000, s16;
	[dreg:$0x19] =	wrdreg s13  }
0x2c: {  	s22 =	sadd.s32 $0x3000, s14;
	s21 =	simm.s32 $0x1C830;
	[smem:$0x7EB] =	sst s24  }
0x2d: {  	s23 =	simm.s32 $0x1D950;
	s25 =	sadd.s32 $0xD000, s16;
	[smem:$0x7F9] =	sst s22  }
0x2e: {  	s19 =	simm.s32 $0x1;
	s28 =	sadd.s32 $0xE000, s16;
	[smem:$0x7EC] =	sst s25  }
0x2f: {  	s20 =	simm.s32 $0x1EA70;
	s2 =	sadd.s32 $0xF000, s16;
	[smem:$0x7ED] =	sst s28  }
0x30: {  	s18 =	simm.s32 $0x1EC70;
	s9 =	sadd.s32 $0x12000, s16;
	[smem:$0x7EE] =	sst s2  }
0x31: {  	s5 =	simm.s32 $0x1F270;
	s12 =	sadd.s32 $0x13000, s16;
	[smem:$0x7F1] =	sst s9  }
0x32: {  	s13 =	sadd.s32 $0x14000, s16;
	s24 =	sadd.s32 $0x5000, s14;
	[smem:$0x7F2] =	sst s12  }
.Ltmp0:
0x33: {  	v1 =	vimm.f32 $0.0e+00;
	v2 =	vlaneseq.u32;
	s22 =	simm.s32 $0x1D0C0;
	[smem:$0x7F3] =	sst s13;
	(pc) =	sbr.rel .LBB2_1-.Ltmp0, $4  }
0x34: {  	v3 =	vimm.s32 $0x0;
	vm0 =	vmmov $0xffff;
	v4 =	vor.u32 $0x880, v2;
	[smem:$0x7FB] =	sst s24;
	s25 =	sadd.s32 $0x6000, s14;
	s28 =	sadd.s32 $0x7000, s14  }
0x35: {  	v5 =	vor.u32 $0xC000, v2;
	v6 =	vor.u32 $0x10, v2;
	v7 =	vor.u32 $0x20, v2;
	s2 =	simm.s32 $0x19830;
	s24 =	simm.s32 $0x1E1E0;
	s9 =	simm.s32 $0x1F470  }
0x36: {  	v8 =	vor.u32 $0x30, v2;
	v9 =	vor.u32 $0x40, v2;
	v10 =	vor.u32 $0x50, v2;
	s12 =	simm.s32 $0x1F670;
	s13 =	simm.s32 $0x1F870;
	[smem:$0x7FC] =	sst s25  }
0x37: {  	v11 =	vor.u32 $0x60, v2;
	v12 =	vor.u32 $0x70, v2;
	v13 =	vor.u32 $0x4000, v2;
	s14 =	simm.s32 $0x0;
	[smem:$0x7FD] =	sst s28;
	s25 =	simm.s32 $0x2  }
.LBB2_23:
0x38: {  	[bflag:$0x0] =	sbarrier.arrive $0xFFFF  }
0x39: {  	s0 =	rddreg [dreg:$0xf]  }
0x3a: {  	s14 =	rddreg [dreg:$0x12];
	s0 =	sshrl.u32 s0, $0x3  }
0x3b: {  	[hbm:s14], [sflag:s28] =	dma.local [spmem:s0], $0x1000  }
0x3c: {  	_ =	swait.ge [sflag:s30], $0x1000  }
0x3d: {  	[sflag:s30] =	ssyncset.done $0x0;
	s16 =	rddreg [dreg:$0x10]  }
0x3e: {  	s17 =	rddreg [dreg:$0x13];
	[sflag:s30] =	ssyncadd.s32 $0xFFFFF000;
	s0 =	sshrl.u32 s16, $0x3  }
0x3f: {  	[hbm:s17], [sflag:s28] =	dma.local [spmem:s0], $0x80  }
0x40: {  	_ =	swait.ge [sflag:s30], $0x80  }
0x41: {  	[sflag:s30] =	ssyncset.done $0x0;
	s15 =	rddreg [dreg:$0x11]  }
0x42: {  	s16 =	rddreg [dreg:$0x14];
	[sflag:s30] =	ssyncadd.s32 $0xFFFFFF80;
	s0 =	sshrl.u32 s15, $0x3  }
0x43: {  	[hbm:s16], [sflag:s28] =	dma.local [spmem:s0], $0x80  }
0x44: {  	_ =	swait.ge [sflag:s30], $0x80  }
0x45: {  	s17 =	sld [smem:$0x7E9];
	_ =	sdelay $0x2  }
0x46: {  	s28 =	rddreg [dreg:$0x15];
	s14 =	sadd.s32 $0x1, s17  }
0x47: {  	p0 =	sne.s32 s14, s28  }
.Ltmp1:
0x48: {  	_ = 	snop;
	(pc) =	sbr.rel @!p0 .LBB2_24-.Ltmp1, $3  }
0x49: {  	_ =	sdelay $0x1  }
0x4a: {  	[sflag:s30] =	ssyncset.done $0x0;
	s16 =	rddreg [dreg:$0xc]  }
0x4b: {  	[sflag:s30] =	ssyncadd.s32 $0xFFFFFF80;
	s17 =	rddreg [dreg:$0xd]  }
.LBB2_1:
0x4c: {  	[smem:$0x7E9] =	sst s14;
	s0 =	simm.s32 $0x80;
	s14 =	simm.s32 $0x0  }
.LBB2_2:
0x4d: {  	p0 =	sne.s32 s0, $0x3F80;
	[tilespmem:s14+$0x1B830] =	vst v1;
	s15 =	smov.u32 s0;
	s0 =	sadd.s32 $0x80, s0  }
.Ltmp2:
0x4e: {  	[tilespmem:s14+$0x1B840] =	vst v1;
	(pc) =	sbr.rel @p0 .LBB2_2-.Ltmp2, $2  }
0x4f: {  	_ =	sdelay $0x2  }
0x50: {  	s14 =	sshra.s32 s15, $0x2  }
0x51: {  	[tilespmem:s14+$0x1B830] =	vst v1  }
0x52: {  	[tilespmem:s14+$0x1B840] =	vst v1;
	s0 =	simm.s32 $0x40;
	s14 =	simm.s32 $0x0  }
.LBB2_4:
0x53: {  	p0 =	sne.s32 s0, $0x3FC0;
	[tilespmem:s14+$0x19830] =	vst v3;
	s15 =	smov.u32 s0;
	s0 =	sadd.s32 $0x40, s0  }
.Ltmp3:
0x54: {  	[tilespmem:s14+$0x1A830] =	vst v1;
	(pc) =	sbr.rel @p0 .LBB2_4-.Ltmp3, $2  }
0x55: {  	_ =	sdelay $0x2  }
0x56: {  	s14 =	sshra.s32 s15, $0x2  }
.Ltmp4:
0x57: {  	(pc) =	sbr.rel .LBB2_6-.Ltmp4, $3  }
0x58: {  	_ =	sdelay $0x1  }
0x59: {  	[tilespmem:s14+$0x19830] =	vst v3  }
0x5a: {  	[tilespmem:s14+$0x1A830] =	vst v1;
	s15 =	simm.s32 $0x0  }
.LBB2_14:
0x5b: {  	s14 =	sld [smem:$0x7E8];
	_ =	sdelay $0x1  }
0x5c: {  	s0 =	rddreg [dreg:$0xa]  }
0x5d: {  	[bflag:$0x0] =	sbarrier.arrive $0xFFFF;
	s0 =	sadd.s32 s0, s14  }
0x5e: {  	s15 =	stileid.u32;
	s16 =	rddreg [dreg:$0x3];
	s14 =	sshll.u32 s0, $0x2  }
0x5f: {  	s15 =	sshll.u32 s15, $0x6;
	s14 =	sadd.s32 s16, s14;
	s16 =	rddreg [dreg:$0xc]  }
0x60: {  	s28 =	sor.u32 $0x1C03, s15;
	s17 =	sshrl.u32 s16, $0x3  }
0x61: {  	[hbm:s14], [sflag:s28] =	dma.local [spmem:s17], $0x3000  }
0x62: {  	_ =	swait.ge [sflag:s30], $0x3000  }
0x63: {  	[sflag:s30] =	ssyncset.done $0x0  }
0x64: {  	[sflag:s30] =	ssyncadd.s32 $0xFFFFD000  }
0x65: {  	s0 =	sshrl.u32 s0, $0x3;
	s17 =	rddreg [dreg:$0x4]  }
0x66: {  	s14 =	sadd.s32 s17, s0;
	s17 =	rddreg [dreg:$0xd]  }
0x67: {  	s15 =	sshrl.u32 s17, $0x3  }
0x68: {  	[hbm:s14], [sflag:s28] =	dma.local [spmem:s15], $0x180  }
0x69: {  	_ =	swait.ge [sflag:s30], $0x180  }
0x6a: {  	[sflag:s30] =	ssyncset.done $0x0  }
0x6b: {  	[sflag:s30] =	ssyncadd.s32 $0xFFFFFE80  }
0x6c: {  	s15 =	rddreg [dreg:$0x5]  }
0x6d: {  	s0 =	sadd.s32 s15, s0;
	s15 =	sshrl.u32 s26, $0x3  }
0x6e: {  	[hbm:s0], [sflag:s28] =	dma.local [spmem:s15], $0x180  }
0x6f: {  	_ =	swait.ge [sflag:s30], $0x180  }
0x70: {  	s14 =	sld [smem:$0x7E7];
	_ =	sdelay $0x2  }
0x71: {  	s15 =	sadd.s32 $0x1, s14  }
0x72: {  	p0 =	sne.s32 s15, $0x15  }
.Ltmp5:
0x73: {  	_ = 	snop;
	(pc) =	sbr.rel @!p0 .LBB2_15-.Ltmp5, $3  }
0x74: {  	_ =	sdelay $0x1  }
0x75: {  	[sflag:s30] =	ssyncset.done $0x0  }
0x76: {  	[sflag:s30] =	ssyncadd.s32 $0xFFFFFE80  }
.LBB2_6:
0x77: {  	s14 =	simm.s32 $0x1B830  }
0x78: {  	[spmem:s16] =	stream.linear.scatter [tilespmem:s14], [sflag:$0x3], $0x1000, $0x38;
	[tilespmem:$0x1FA70] =	vst v63  }
0x79: {  	_ =	swait.ge [sflag:s30], $0x1000  }
0x7a: {  	[sflag:s30] =	ssyncset.done $0x0  }
0x7b: {  	s0 =	rddreg [dreg:$0x16];
	[sflag:s30] =	ssyncadd.s32 $0xFFFFF000  }
0x7c: {  	[spmem:s0] =	stream.linear.scatter [tilespmem:s14], [sflag:$0x3], $0x1000, $0x38;
	[tilespmem:$0x1FA70] =	vst v63  }
0x7d: {  	_ =	swait.ge [sflag:s30], $0x1000  }
0x7e: {  	[sflag:s30] =	ssyncset.done $0x0  }
0x7f: {  	s16 =	rddreg [dreg:$0x17];
	[sflag:s30] =	ssyncadd.s32 $0xFFFFF000  }
0x80: {  	[spmem:s16] =	stream.linear.scatter [tilespmem:s14], [sflag:$0x3], $0x1000, $0x38;
	[tilespmem:$0x1FA70] =	vst v63  }
0x81: {  	_ =	swait.ge [sflag:s30], $0x1000  }
0x82: {  	[sflag:s30] =	ssyncset.done $0x0  }
0x83: {  	s16 =	rddreg [dreg:$0x18];
	[sflag:s30] =	ssyncadd.s32 $0xFFFFF000  }
0x84: {  	[spmem:s16] =	stream.linear.scatter [tilespmem:s14], [sflag:$0x3], $0x1000, $0x38;
	[tilespmem:$0x1FA70] =	vst v63  }
0x85: {  	_ =	swait.ge [sflag:s30], $0x1000  }
0x86: {  	[sflag:s30] =	ssyncset.done $0x0  }
0x87: {  	s16 =	rddreg [dreg:$0x19];
	[sflag:s30] =	ssyncadd.s32 $0xFFFFF000  }
0x88: {  	[spmem:s16] =	stream.linear.scatter [tilespmem:s14], [sflag:$0x3], $0x1000, $0x38;
	[tilespmem:$0x1FA70] =	vst v63  }
0x89: {  	_ =	swait.ge [sflag:s30], $0x1000  }
0x8a: {  	[sflag:s30] =	ssyncset.done $0x0  }
0x8b: {  	s16 =	rddreg [dreg:$0x1a];
	[sflag:s30] =	ssyncadd.s32 $0xFFFFF000  }
0x8c: {  	[spmem:s16] =	stream.linear.scatter [tilespmem:s14], [sflag:$0x3], $0x1000, $0x38;
	[tilespmem:$0x1FA70] =	vst v63  }
0x8d: {  	_ =	swait.ge [sflag:s30], $0x1000  }
0x8e: {  	[sflag:s30] =	ssyncset.done $0x0  }
0x8f: {  	s16 =	rddreg [dreg:$0x1b];
	[sflag:s30] =	ssyncadd.s32 $0xFFFFF000  }
0x90: {  	[spmem:s16] =	stream.linear.scatter [tilespmem:s14], [sflag:$0x3], $0x1000, $0x38;
	[tilespmem:$0x1FA70] =	vst v63  }
0x91: {  	_ =	swait.ge [sflag:s30], $0x1000  }
0x92: {  	[sflag:s30] =	ssyncset.done $0x0  }
0x93: {  	s16 =	rddreg [dreg:$0x1c];
	[sflag:s30] =	ssyncadd.s32 $0xFFFFF000  }
0x94: {  	[spmem:s16] =	stream.linear.scatter [tilespmem:s14], [sflag:$0x3], $0x1000, $0x38;
	[tilespmem:$0x1FA70] =	vst v63  }
0x95: {  	_ =	swait.ge [sflag:s30], $0x1000  }
0x96: {  	[sflag:s30] =	ssyncset.done $0x0  }
0x97: {  	s16 =	rddreg [dreg:$0x1d];
	[sflag:s30] =	ssyncadd.s32 $0xFFFFF000  }
0x98: {  	[spmem:s16] =	stream.linear.scatter [tilespmem:s14], [sflag:$0x3], $0x1000, $0x38;
	[tilespmem:$0x1FA70] =	vst v63  }
0x99: {  	_ =	swait.ge [sflag:s30], $0x1000  }
0x9a: {  	[sflag:s30] =	ssyncset.done $0x0  }
0x9b: {  	s16 =	rddreg [dreg:$0x1e];
	[sflag:s30] =	ssyncadd.s32 $0xFFFFF000  }
0x9c: {  	[spmem:s16] =	stream.linear.scatter [tilespmem:s14], [sflag:$0x3], $0x1000, $0x38;
	[tilespmem:$0x1FA70] =	vst v63  }
0x9d: {  	_ =	swait.ge [sflag:s30], $0x1000  }
0x9e: {  	[sflag:s30] =	ssyncset.done $0x0  }
0x9f: {  	s16 =	rddreg [dreg:$0x1f];
	[sflag:s30] =	ssyncadd.s32 $0xFFFFF000  }
0xa0: {  	[spmem:s16] =	stream.linear.scatter [tilespmem:s14], [sflag:$0x3], $0x1000, $0x38;
	[tilespmem:$0x1FA70] =	vst v63  }
0xa1: {  	_ =	swait.ge [sflag:s30], $0x1000  }
0xa2: {  	s16 =	sld [smem:$0x7EA]  }
0xa3: {  	[sflag:s30] =	ssyncset.done $0x0  }
0xa4: {  	[sflag:s30] =	ssyncadd.s32 $0xFFFFF000  }
0xa5: {  	[spmem:s16] =	stream.linear.scatter [tilespmem:s14], [sflag:$0x3], $0x1000, $0x38;
	[tilespmem:$0x1FA70] =	vst v63  }
0xa6: {  	_ =	swait.ge [sflag:s30], $0x1000  }
0xa7: {  	s16 =	sld [smem:$0x7EB]  }
0xa8: {  	[sflag:s30] =	ssyncset.done $0x0  }
0xa9: {  	[sflag:s30] =	ssyncadd.s32 $0xFFFFF000  }
0xaa: {  	[spmem:s16] =	stream.linear.scatter [tilespmem:s14], [sflag:$0x3], $0x1000, $0x38;
	[tilespmem:$0x1FA70] =	vst v63  }
0xab: {  	_ =	swait.ge [sflag:s30], $0x1000  }
0xac: {  	s16 =	sld [smem:$0x7EC]  }
0xad: {  	[sflag:s30] =	ssyncset.done $0x0  }
0xae: {  	[sflag:s30] =	ssyncadd.s32 $0xFFFFF000  }
0xaf: {  	[spmem:s16] =	stream.linear.scatter [tilespmem:s14], [sflag:$0x3], $0x1000, $0x38;
	[tilespmem:$0x1FA70] =	vst v63  }
0xb0: {  	_ =	swait.ge [sflag:s30], $0x1000  }
0xb1: {  	s16 =	sld [smem:$0x7ED]  }
0xb2: {  	[sflag:s30] =	ssyncset.done $0x0  }
0xb3: {  	[sflag:s30] =	ssyncadd.s32 $0xFFFFF000  }
0xb4: {  	[spmem:s16] =	stream.linear.scatter [tilespmem:s14], [sflag:$0x3], $0x1000, $0x38;
	[tilespmem:$0x1FA70] =	vst v63  }
0xb5: {  	_ =	swait.ge [sflag:s30], $0x1000  }
0xb6: {  	s16 =	sld [smem:$0x7EE]  }
0xb7: {  	[sflag:s30] =	ssyncset.done $0x0  }
0xb8: {  	[sflag:s30] =	ssyncadd.s32 $0xFFFFF000  }
0xb9: {  	[spmem:s16] =	stream.linear.scatter [tilespmem:s14], [sflag:$0x3], $0x1000, $0x38;
	[tilespmem:$0x1FA70] =	vst v63  }
0xba: {  	_ =	swait.ge [sflag:s30], $0x1000  }
0xbb: {  	s16 =	sld [smem:$0x7EF]  }
0xbc: {  	[sflag:s30] =	ssyncset.done $0x0  }
0xbd: {  	[sflag:s30] =	ssyncadd.s32 $0xFFFFF000  }
0xbe: {  	[spmem:s16] =	stream.linear.scatter [tilespmem:s14], [sflag:$0x3], $0x1000, $0x38;
	[tilespmem:$0x1FA70] =	vst v63  }
0xbf: {  	_ =	swait.ge [sflag:s30], $0x1000  }
0xc0: {  	s16 =	sld [smem:$0x7F0]  }
0xc1: {  	[sflag:s30] =	ssyncset.done $0x0  }
0xc2: {  	[sflag:s30] =	ssyncadd.s32 $0xFFFFF000  }
0xc3: {  	[spmem:s16] =	stream.linear.scatter [tilespmem:s14], [sflag:$0x3], $0x1000, $0x38;
	[tilespmem:$0x1FA70] =	vst v63  }
0xc4: {  	_ =	swait.ge [sflag:s30], $0x1000  }
0xc5: {  	s16 =	sld [smem:$0x7F1]  }
0xc6: {  	[sflag:s30] =	ssyncset.done $0x0  }
0xc7: {  	[sflag:s30] =	ssyncadd.s32 $0xFFFFF000  }
0xc8: {  	[spmem:s16] =	stream.linear.scatter [tilespmem:s14], [sflag:$0x3], $0x1000, $0x38;
	[tilespmem:$0x1FA70] =	vst v63  }
0xc9: {  	_ =	swait.ge [sflag:s30], $0x1000  }
0xca: {  	s16 =	sld [smem:$0x7F2]  }
0xcb: {  	[sflag:s30] =	ssyncset.done $0x0  }
0xcc: {  	[sflag:s30] =	ssyncadd.s32 $0xFFFFF000  }
0xcd: {  	[spmem:s16] =	stream.linear.scatter [tilespmem:s14], [sflag:$0x3], $0x1000, $0x38;
	[tilespmem:$0x1FA70] =	vst v63  }
0xce: {  	_ =	swait.ge [sflag:s30], $0x1000  }
0xcf: {  	s16 =	sld [smem:$0x7F3]  }
0xd0: {  	[sflag:s30] =	ssyncset.done $0x0  }
0xd1: {  	[sflag:s30] =	ssyncadd.s32 $0xFFFFF000  }
0xd2: {  	[spmem:s16] =	stream.linear.scatter [tilespmem:s14], [sflag:$0x3], $0x1000, $0x38;
	[tilespmem:$0x1FA70] =	vst v63  }
0xd3: {  	_ =	swait.ge [sflag:s30], $0x1000  }
0xd4: {  	s16 =	sld [smem:$0x7F4]  }
0xd5: {  	[sflag:s30] =	ssyncset.done $0x0  }
0xd6: {  	[sflag:s30] =	ssyncadd.s32 $0xFFFFF000  }
0xd7: {  	[spmem:s16] =	stream.linear.scatter [tilespmem:s14], [sflag:$0x3], $0x1000, $0x38;
	[tilespmem:$0x1FA70] =	vst v63  }
0xd8: {  	_ =	swait.ge [sflag:s30], $0x1000  }
0xd9: {  	s16 =	sld [smem:$0x7F5]  }
0xda: {  	[sflag:s30] =	ssyncset.done $0x0  }
0xdb: {  	[sflag:s30] =	ssyncadd.s32 $0xFFFFF000  }
0xdc: {  	[spmem:s16] =	stream.linear.scatter [tilespmem:s14], [sflag:$0x3], $0x1000, $0x38;
	[tilespmem:$0x1FA70] =	vst v63  }
0xdd: {  	_ =	swait.ge [sflag:s30], $0x1000  }
0xde: {  	s16 =	sld [smem:$0x7F6]  }
0xdf: {  	[sflag:s30] =	ssyncset.done $0x0  }
0xe0: {  	[sflag:s30] =	ssyncadd.s32 $0xFFFFF000  }
0xe1: {  	[spmem:s16] =	stream.linear.scatter [tilespmem:s14], [sflag:$0x3], $0x1000, $0x38;
	[tilespmem:$0x1FA70] =	vst v63  }
0xe2: {  	_ =	swait.ge [sflag:s30], $0x1000  }
0xe3: {  	[sflag:s30] =	ssyncset.done $0x0  }
0xe4: {  	[sflag:s30] =	ssyncadd.s32 $0xFFFFF000  }
0xe5: {  	[spmem:s17] =	stream.linear.scatter [tilespmem:s31], [sflag:$0x3], $0xC00, $0x38;
	[tilespmem:$0x1FA70] =	vst v63  }
0xe6: {  	_ =	swait.ge [sflag:s30], $0xC00  }
0xe7: {  	[sflag:s30] =	ssyncset.done $0x0  }
0xe8: {  	[sflag:s30] =	ssyncadd.s32 $0xFFFFF400  }
0xe9: {  	[spmem:s26] =	stream.linear.scatter [tilespmem:s2], [sflag:$0x3], $0xC00, $0x38;
	[tilespmem:$0x1FA70] =	vst v63  }
0xea: {  	_ =	swait.ge [sflag:s30], $0xC00  }
0xeb: {  	s17 =	smul.u32 $0xC000, s15;
	[smem:$0x7E7] =	sst s15;
	[sflag:s30] =	ssyncset.done $0x0  }
0xec: {  	s28 =	simm.s32 $0x0;
	s26 =	rddreg [dreg:$0xb];
	[sflag:s30] =	ssyncadd.s32 $0xFFFFF400  }
0xed: {  	s16 =	simm.s32 $0x0;
	s0 =	sadd.s32 s26, s17;
	[bflag:$0x0] =	sbarrier.arrive $0xFFFF  }
0xee: {  	s14 =	smov.u32 s29;
	s15 =	simm.s32 $0x0;
	v14 =	vmov s0;
	[smem:$0x7E8] =	sst s0  }
.LBB2_7:
0xef: {  	s0 =	sshll.u32 s28, $0xC  }
0xf0: {  	s0 =	sadd.s32 s29, s0  }
0xf1: {  	s0 =	sshrl.u32 s0, $0x3  }
0xf2: {  	s17 =	sadd.s32 s1, s0  }
0xf3: {  	[tilespmem:s2], [sflag:$0x3] =	stream.linear.gather [hbm4b:s17+s16], $0x1000, $0x38;
	[tilespmem:$0x1FA70] =	vst v63  }
0xf4: {  	_ =	swait.ge [sflag:s30], $0x1000  }
0xf5: {  	[sflag:s30] =	ssyncset.done $0x0  }
0xf6: {  	[sflag:s30] =	ssyncadd.s32 $0xFFFFF000  }
0xf7: {  	s26 =	rddreg [dreg:$0x1]  }
0xf8: {  	s0 =	sadd.s32 s26, s0  }
0xf9: {  	[tilespmem:s31], [sflag:$0x3] =	stream.linear.gather [hbm4b:s0+s16], $0x1000, $0x38;
	[tilespmem:$0x1FA70] =	vst v63  }
0xfa: {  	_ =	swait.ge [sflag:s30], $0x1000  }
0xfb: {  	[sflag:s30] =	ssyncset.done $0x0  }
0xfc: {  	s26 =	simm.s32 $0x0;
	[sflag:s30] =	ssyncadd.s32 $0xFFFFF000  }
0xfd: {  	v15 =	vld [tilespmem:s26+$0x19830];
	_ =	sdelay $0x4  }
0xfe: {  	v15 =	vsub.s32 v15, v14  }
0xff: {  	v16 =	vadd.s32 $0xFFFF4000, v15  }
0x100: {  	vm1 =	vlt.s32 v15, $0x0;
	v16 =	vshrl.u32 v16, $0x1F  }
0x101: {  	v16 =	vsel vm1, $0x0, v16  }
0x102: {  	(xrf0) =	vadd.scan.msk.s32 $0xffff, v16;
	_ =	sdelay $0x2  }
0x103: {  	v17 =	vmov s15  }
0x104: {  	v17 =	vadd.s32 $0xFFFFFFFF, v17  }
0x105: {  	v17 =	vbroadcast v17, $0x0  }
0x106: {  	v18, _, _ =	vpop (xrf0)  }
0x107: {  	v19 =	vxor.u32 $0x1, v16;
	v17 =	vadd.s32 v18, v17;
	(v2sf) =	vpush v18, $0xF  }
0x108: {  	v19 =	vmul.u32 v4, v19;
	v17 =	vmul.u32 v16, v17;
	_ =	sdelay $0x1  }
0x109: {  	v17 =	vadd.s32 v19, v17;
	_ =	sdelay $0x1  }
0x10a: {  	v63 =	vld [tilespmem:s26+$0x1A830];
	_ =	sdelay $0x2  }
0x10b: {  	v20 =	vor.u32 s14, v2;
	[tilespmem:v17+s21+$0x0] =	vst.idx.msk $0xffff, v15  }
0x10c: {  	[tilespmem:v17+s22+$0x0] =	vst.idx.msk $0xffff, v20  }
0x10d: {  	[tilespmem:v17+s23+$0x0] =	vst.idx.msk $0xffff, v63  }
0x10e: {  	s17 =	smov.u32 s14;
	s0 =	simm.s32 $0x10;
	s26 =	simm.s32 $0x80;
	[tilespmem:v17+s24+$0x0] =	vst.idx.msk $0xffff, v16  }
.LBB2_8:
0x10f: {  	p0 =	sne.s32 s26, $0x3FC0;
	v15 =	vld [tilespmem:s0+$0x19830]  }
0x110: {  	v16 =	vld [tilespmem:s0+$0x1A830];
	_ =	sdelay $0x1  }
0x111: {  	s0 =	spop (v2sf)  }
0x112: {  	s15 =	sadd.s32 s15, s0  }
0x113: {  	v15 =	vsub.s32 v15, v14;
	v17 =	vmov s15  }
0x114: {  	v18 =	vadd.s32 $0xFFFF4000, v15;
	v17 =	vadd.s32 $0xFFFFFFFF, v17  }
0x115: {  	vm1 =	vlt.s32 v15, $0x0;
	v18 =	vshrl.u32 v18, $0x1F;
	v17 =	vbroadcast v17, $0x0  }
0x116: {  	v18 =	vsel vm1, $0x0, v18  }
0x117: {  	v19 =	vxor.u32 $0x1, v18;
	(xrf0) =	vadd.scan.msk.s32 $0xffff, v18;
	_ =	sdelay $0x5  }
0x118: {  	v20, _, _ =	vpop (xrf0)  }
0x119: {  	v17 =	vadd.s32 v20, v17;
	(v2sf) =	vpush v20, $0xF  }
0x11a: {  	v19 =	vmul.u32 v4, v19;
	v17 =	vmul.u32 v18, v17;
	_ =	sdelay $0x1  }
0x11b: {  	v17 =	vadd.s32 v19, v17;
	_ =	sdelay $0x3  }
.Ltmp6:
0x11c: {  	s17 =	sadd.s32 $0x10, s17;
	(pc) =	sbr.rel @p0 .LBB2_8-.Ltmp6, $4  }
0x11d: {  	v19 =	vor.u32 s17, v2;
	[tilespmem:v17+s21+$0x0] =	vst.idx.msk $0xffff, v15  }
0x11e: {  	[tilespmem:v17+s22+$0x0] =	vst.idx.msk $0xffff, v19  }
0x11f: {  	[tilespmem:v17+s23+$0x0] =	vst.idx.msk $0xffff, v16  }
0x120: {  	s0 =	sshra.s32 s26, $0x2;
	s26 =	sadd.s32 $0x40, s26;
	[tilespmem:v17+s24+$0x0] =	vst.idx.msk $0xffff, v18  }
0x121: {  	v15 =	vld [tilespmem:s0+$0x19830];
	_ =	sdelay $0x4  }
0x122: {  	v15 =	vsub.s32 v15, v14  }
0x123: {  	v16 =	vadd.s32 $0xFFFF4000, v15  }
0x124: {  	vm1 =	vlt.s32 v15, $0x0;
	v16 =	vshrl.u32 v16, $0x1F  }
0x125: {  	v16 =	vsel vm1, $0x0, v16  }
0x126: {  	(xrf0) =	vadd.scan.msk.s32 $0xffff, v16;
	_ =	sdelay $0x5  }
0x127: {  	s26 =	spop (v2sf);
	v17, _, _ =	vpop (xrf0)  }
0x128: {  	s15 =	sadd.s32 s15, s26;
	(v2sf) =	vpush v17, $0xF  }
0x129: {  	v18 =	vmov s15  }
0x12a: {  	v18 =	vadd.s32 $0xFFFFFFFF, v18  }
0x12b: {  	v18 =	vbroadcast v18, $0x0;
	_ =	sdelay $0x1  }
0x12c: {  	v19 =	vxor.u32 $0x1, v16;
	v17 =	vadd.s32 v17, v18  }
0x12d: {  	v61 =	vmul.u32 v4, v19;
	v17 =	vmul.u32 v16, v17;
	_ =	sdelay $0x1  }
0x12e: {  	v17 =	vadd.s32 v61, v17;
	_ =	sdelay $0x1  }
0x12f: {  	v62 =	vld [tilespmem:s0+$0x1A830];
	s28 =	sadd.s32 $0x1, s28  }
0x130: {  	p0 =	sne.s32 s28, $0x10  }
.Ltmp7:
0x131: {  	s17 =	sadd.s32 $0x10, s17;
	(pc) =	sbr.rel @p0 .LBB2_7-.Ltmp7, $4  }
0x132: {  	v63 =	vor.u32 s17, v2;
	[tilespmem:v17+s21+$0x0] =	vst.idx.msk $0xffff, v15  }
0x133: {  	[tilespmem:v17+s22+$0x0] =	vst.idx.msk $0xffff, v63  }
0x134: {  	[tilespmem:v17+s23+$0x0] =	vst.idx.msk $0xffff, v62;
	s26 =	spop (v2sf)  }
0x135: {  	s14 =	sadd.s32 $0x1000, s14;
	[tilespmem:v17+s24+$0x0] =	vst.idx.msk $0xffff, v16;
	s15 =	sadd.s32 s15, s26  }
0x136: {  	s0 =	simm.s32 $0x40;
	s14 =	simm.s32 $0x0  }
.LBB2_11:
0x137: {  	p0 =	sne.s32 s0, $0x3FC0;
	[tilespmem:s14+$0x19830] =	vst v3;
	s16 =	smov.u32 s0;
	s0 =	sadd.s32 $0x40, s0  }
.Ltmp8:
0x138: {  	[tilespmem:s14+$0x1A830] =	vst v1;
	(pc) =	sbr.rel @p0 .LBB2_11-.Ltmp8, $2  }
0x139: {  	_ =	sdelay $0x2  }
0x13a: {  	s14 =	sshra.s32 s16, $0x2  }
0x13b: {  	[tilespmem:s14+$0x19830] =	vst v3  }
0x13c: {  	[tilespmem:s14+$0x1A830] =	vst v1  }
0x13d: {  	[tilespmem:s15+$0x1C830] =	vst v5  }
0x13e: {  	[tilespmem:s15+$0x1D0C0] =	vst v2  }
0x13f: {  	[tilespmem:s15+$0x1D950] =	vst v1  }
0x140: {  	[tilespmem:s15+$0x1E1E0] =	vst v3  }
0x141: {  	[tilespmem:s15+$0x1C840] =	vst v5  }
0x142: {  	[tilespmem:s15+$0x1D0D0] =	vst v6  }
0x143: {  	[tilespmem:s15+$0x1D960] =	vst v1  }
0x144: {  	[tilespmem:s15+$0x1E1F0] =	vst v3  }
0x145: {  	[tilespmem:s15+$0x1C850] =	vst v5  }
0x146: {  	[tilespmem:s15+$0x1D0E0] =	vst v7  }
0x147: {  	[tilespmem:s15+$0x1D970] =	vst v1  }
0x148: {  	[tilespmem:s15+$0x1E200] =	vst v3  }
0x149: {  	[tilespmem:s15+$0x1C860] =	vst v5  }
0x14a: {  	[tilespmem:s15+$0x1D0F0] =	vst v8  }
0x14b: {  	[tilespmem:s15+$0x1D980] =	vst v1  }
0x14c: {  	[tilespmem:s15+$0x1E210] =	vst v3  }
0x14d: {  	[tilespmem:s15+$0x1C870] =	vst v5  }
0x14e: {  	[tilespmem:s15+$0x1D100] =	vst v9  }
0x14f: {  	[tilespmem:s15+$0x1D990] =	vst v1  }
0x150: {  	s0 =	sadd.s32 $0x7F, s15;
	[tilespmem:s15+$0x1E220] =	vst v3  }
0x151: {  	[tilespmem:s15+$0x1C880] =	vst v5;
	s26 =	sand.u32 $0x7F, s0  }
0x152: {  	[tilespmem:s15+$0x1D110] =	vst v10;
	s28 =	sshra.s32 s0, $0x1F;
	p1 =	slt.s32 s0, $0x1;
	p0 =	sne.s32 s26, $0x0  }
0x153: {  	[tilespmem:s15+$0x1D9A0] =	vst v1;
	s14 =	sshrl.u32 s28, $0x19;
	p0 =	por !p1, !p0  }
0x154: {  	[tilespmem:s15+$0x1E230] =	vst v3;
	s0 =	sadd.s32 s14, s0;
	s14 =	simm.s32 $0x1;
	p0 =	por !p0, !p0  }
0x155: {  	[tilespmem:s15+$0x1C890] =	vst v5;
	s0 =	sshra.s32 s0, $0x7;
	s14 =	simm.s32 @!p0 $0x0  }
0x156: {  	[tilespmem:s15+$0x1D120] =	vst v11;
	s16 =	ssub.s32 s0, s14  }
0x157: {  	[tilespmem:s15+$0x1D9B0] =	vst v1;
	p0 =	slt.s32 s16, $0x1  }
.Ltmp9:
0x158: {  	[tilespmem:s15+$0x1E240] =	vst v3;
	(pc) =	sbr.rel @p0 .LBB2_14-.Ltmp9, $4  }
0x159: {  	[tilespmem:s15+$0x1C8A0] =	vst v5  }
0x15a: {  	[tilespmem:s15+$0x1D130] =	vst v12  }
0x15b: {  	[tilespmem:s15+$0x1D9C0] =	vst v1  }
0x15c: {  	[tilespmem:s15+$0x1E250] =	vst v3;
	s15 =	simm.s32 $0x0;
	s26 =	rddreg [dreg:$0xe]  }
.LBB2_13:
0x15d: {  	s17 =	sshra.s32 s15, $0x2  }
0x15e: {  	v14 =	vld [tilespmem:s17+$0x1D0C0];
	_ =	sdelay $0x7  }
0x15f: {  	[tilespmem:s20], [sflag:$0x1] =	stream.indirect_vreg.gather [hbm4b:s11+s10], $0x20, v14, vm0, $0xb8;
	[tilespmem:$0x1FA70] =	vst v63  }
0x160: {  	v14 =	vld [tilespmem:s17+$0x1D0D0];
	_ =	sdelay $0x7  }
0x161: {  	[tilespmem:s18], [sflag:$0x1] =	stream.indirect_vreg.gather [hbm4b:s11+s10], $0x20, v14, vm0, $0xb8;
	[tilespmem:$0x1FA70] =	vst v63  }
0x162: {  	v14 =	vld [tilespmem:s17+$0x1D0E0];
	_ =	sdelay $0x7  }
0x163: {  	[tilespmem:s3], [sflag:$0x1] =	stream.indirect_vreg.gather [hbm4b:s11+s10], $0x20, v14, vm0, $0xb8;
	[tilespmem:$0x1FA70] =	vst v63  }
0x164: {  	v14 =	vld [tilespmem:s17+$0x1D0F0];
	_ =	sdelay $0x7  }
0x165: {  	[tilespmem:s4], [sflag:$0x1] =	stream.indirect_vreg.gather [hbm4b:s11+s10], $0x20, v14, vm0, $0xb8;
	[tilespmem:$0x1FA70] =	vst v63  }
0x166: {  	v14 =	vld [tilespmem:s17+$0x1D100];
	_ =	sdelay $0x7  }
0x167: {  	[tilespmem:s5], [sflag:$0x1] =	stream.indirect_vreg.gather [hbm4b:s11+s10], $0x20, v14, vm0, $0xb8;
	[tilespmem:$0x1FA70] =	vst v63  }
0x168: {  	v14 =	vld [tilespmem:s17+$0x1D110];
	_ =	sdelay $0x7  }
0x169: {  	[tilespmem:s9], [sflag:$0x1] =	stream.indirect_vreg.gather [hbm4b:s11+s10], $0x20, v14, vm0, $0xb8;
	[tilespmem:$0x1FA70] =	vst v63  }
0x16a: {  	v14 =	vld [tilespmem:s17+$0x1D120];
	_ =	sdelay $0x7  }
0x16b: {  	[tilespmem:s12], [sflag:$0x1] =	stream.indirect_vreg.gather [hbm4b:s11+s10], $0x20, v14, vm0, $0xb8;
	[tilespmem:$0x1FA70] =	vst v63  }
0x16c: {  	v14 =	vld [tilespmem:s17+$0x1D130];
	_ =	sdelay $0x7  }
0x16d: {  	[tilespmem:s13], [sflag:$0x1] =	stream.indirect_vreg.gather [hbm4b:s11+s10], $0x20, v14, vm0, $0xb8;
	[tilespmem:$0x1FA70] =	vst v63  }
0x16e: {  	_ =	swait.ge [sflag:s19], $0x200  }
0x16f: {  	[sflag:s19] =	ssyncset.done $0x0  }
0x170: {  	[sflag:s19] =	ssyncadd.s32 $0xFFFFFE00  }
0x171: {  	_ =	swait.ge [sflag:s19], $0x200  }
0x172: {  	[sflag:s19] =	ssyncset.done $0x0  }
0x173: {  	[sflag:s19] =	ssyncadd.s32 $0xFFFFFE00  }
0x174: {  	_ =	swait.ge [sflag:s19], $0x200  }
0x175: {  	[sflag:s19] =	ssyncset.done $0x0  }
0x176: {  	[sflag:s19] =	ssyncadd.s32 $0xFFFFFE00  }
0x177: {  	_ =	swait.ge [sflag:s19], $0x200  }
0x178: {  	[sflag:s19] =	ssyncset.done $0x0  }
0x179: {  	[sflag:s19] =	ssyncadd.s32 $0xFFFFFE00  }
0x17a: {  	_ =	swait.ge [sflag:s19], $0x200  }
0x17b: {  	[sflag:s19] =	ssyncset.done $0x0  }
0x17c: {  	[sflag:s19] =	ssyncadd.s32 $0xFFFFFE00  }
0x17d: {  	_ =	swait.ge [sflag:s19], $0x200  }
0x17e: {  	[sflag:s19] =	ssyncset.done $0x0  }
0x17f: {  	[sflag:s19] =	ssyncadd.s32 $0xFFFFFE00  }
0x180: {  	_ =	swait.ge [sflag:s19], $0x200  }
0x181: {  	[sflag:s19] =	ssyncset.done $0x0  }
0x182: {  	[sflag:s19] =	ssyncadd.s32 $0xFFFFFE00  }
0x183: {  	_ =	swait.ge [sflag:s19], $0x200  }
0x184: {  	[sflag:s19] =	ssyncset.done $0x0  }
0x185: {  	[sflag:s19] =	ssyncadd.s32 $0xFFFFFE00  }
0x186: {  	v14 =	vld [tilespmem:s17+$0x1C830];
	_ =	sdelay $0x7  }
0x187: {  	[spmem:s6] =	stream.indirect_vreg.scatter.add.f32 [tilespmem:s20], [sflag:$0x2], $0x20, v14, vm0, $0xb8;
	[tilespmem:$0x1FA70] =	vst v63  }
0x188: {  	s0 =	sadd.s32 $0x1D950, s17  }
0x189: {  	[spmem:s7] =	stream.indirect_vreg.scatter.add.f32 [tilespmem:s0], [sflag:$0x2], $0x1, v14, vm0, $0xb8;
	[tilespmem:$0x1FA70] =	vst v63  }
0x18a: {  	s28 =	sadd.s32 $0x1E1E0, s17  }
0x18b: {  	[spmem:s8] =	stream.indirect_vreg.scatter.add.s32 [tilespmem:s28], [sflag:$0x2], $0x1, v14, vm0, $0xb8;
	[tilespmem:$0x1FA70] =	vst v63  }
0x18c: {  	v14 =	vld [tilespmem:s17+$0x1C840];
	_ =	sdelay $0x7  }
0x18d: {  	[spmem:s6] =	stream.indirect_vreg.scatter.add.f32 [tilespmem:s18], [sflag:$0x2], $0x20, v14, vm0, $0xb8;
	[tilespmem:$0x1FA70] =	vst v63  }
0x18e: {  	s14 =	sadd.s32 $0x1D960, s17  }
0x18f: {  	[spmem:s7] =	stream.indirect_vreg.scatter.add.f32 [tilespmem:s14], [sflag:$0x2], $0x1, v14, vm0, $0xb8;
	[tilespmem:$0x1FA70] =	vst v63  }
0x190: {  	s28 =	sadd.s32 $0x1E1F0, s17  }
0x191: {  	[spmem:s8] =	stream.indirect_vreg.scatter.add.s32 [tilespmem:s28], [sflag:$0x2], $0x1, v14, vm0, $0xb8;
	[tilespmem:$0x1FA70] =	vst v63  }
0x192: {  	v14 =	vld [tilespmem:s17+$0x1C850];
	_ =	sdelay $0x7  }
0x193: {  	[spmem:s6] =	stream.indirect_vreg.scatter.add.f32 [tilespmem:s3], [sflag:$0x2], $0x20, v14, vm0, $0xb8;
	[tilespmem:$0x1FA70] =	vst v63  }
0x194: {  	s14 =	sadd.s32 $0x1D970, s17  }
0x195: {  	[spmem:s7] =	stream.indirect_vreg.scatter.add.f32 [tilespmem:s14], [sflag:$0x2], $0x1, v14, vm0, $0xb8;
	[tilespmem:$0x1FA70] =	vst v63  }
0x196: {  	s28 =	sadd.s32 $0x1E200, s17  }
0x197: {  	[spmem:s8] =	stream.indirect_vreg.scatter.add.s32 [tilespmem:s28], [sflag:$0x2], $0x1, v14, vm0, $0xb8;
	[tilespmem:$0x1FA70] =	vst v63  }
0x198: {  	v14 =	vld [tilespmem:s17+$0x1C860];
	_ =	sdelay $0x7  }
0x199: {  	[spmem:s6] =	stream.indirect_vreg.scatter.add.f32 [tilespmem:s4], [sflag:$0x2], $0x20, v14, vm0, $0xb8;
	[tilespmem:$0x1FA70] =	vst v63  }
0x19a: {  	s14 =	sadd.s32 $0x1D980, s17  }
0x19b: {  	[spmem:s7] =	stream.indirect_vreg.scatter.add.f32 [tilespmem:s14], [sflag:$0x2], $0x1, v14, vm0, $0xb8;
	[tilespmem:$0x1FA70] =	vst v63  }
0x19c: {  	s28 =	sadd.s32 $0x1E210, s17  }
0x19d: {  	[spmem:s8] =	stream.indirect_vreg.scatter.add.s32 [tilespmem:s28], [sflag:$0x2], $0x1, v14, vm0, $0xb8;
	[tilespmem:$0x1FA70] =	vst v63  }
0x19e: {  	v14 =	vld [tilespmem:s17+$0x1C870];
	_ =	sdelay $0x7  }
0x19f: {  	[spmem:s6] =	stream.indirect_vreg.scatter.add.f32 [tilespmem:s5], [sflag:$0x2], $0x20, v14, vm0, $0xb8;
	[tilespmem:$0x1FA70] =	vst v63  }
0x1a0: {  	s14 =	sadd.s32 $0x1D990, s17  }
0x1a1: {  	[spmem:s7] =	stream.indirect_vreg.scatter.add.f32 [tilespmem:s14], [sflag:$0x2], $0x1, v14, vm0, $0xb8;
	[tilespmem:$0x1FA70] =	vst v63  }
0x1a2: {  	s28 =	sadd.s32 $0x1E220, s17  }
0x1a3: {  	[spmem:s8] =	stream.indirect_vreg.scatter.add.s32 [tilespmem:s28], [sflag:$0x2], $0x1, v14, vm0, $0xb8;
	[tilespmem:$0x1FA70] =	vst v63  }
0x1a4: {  	v14 =	vld [tilespmem:s17+$0x1C880];
	_ =	sdelay $0x7  }
0x1a5: {  	[spmem:s6] =	stream.indirect_vreg.scatter.add.f32 [tilespmem:s9], [sflag:$0x2], $0x20, v14, vm0, $0xb8;
	[tilespmem:$0x1FA70] =	vst v63  }
0x1a6: {  	s14 =	sadd.s32 $0x1D9A0, s17  }
0x1a7: {  	[spmem:s7] =	stream.indirect_vreg.scatter.add.f32 [tilespmem:s14], [sflag:$0x2], $0x1, v14, vm0, $0xb8;
	[tilespmem:$0x1FA70] =	vst v63  }
0x1a8: {  	s28 =	sadd.s32 $0x1E230, s17  }
0x1a9: {  	[spmem:s8] =	stream.indirect_vreg.scatter.add.s32 [tilespmem:s28], [sflag:$0x2], $0x1, v14, vm0, $0xb8;
	[tilespmem:$0x1FA70] =	vst v63  }
0x1aa: {  	v14 =	vld [tilespmem:s17+$0x1C890];
	_ =	sdelay $0x7  }
0x1ab: {  	[spmem:s6] =	stream.indirect_vreg.scatter.add.f32 [tilespmem:s12], [sflag:$0x2], $0x20, v14, vm0, $0xb8;
	[tilespmem:$0x1FA70] =	vst v63  }
0x1ac: {  	s14 =	sadd.s32 $0x1D9B0, s17  }
0x1ad: {  	[spmem:s7] =	stream.indirect_vreg.scatter.add.f32 [tilespmem:s14], [sflag:$0x2], $0x1, v14, vm0, $0xb8;
	[tilespmem:$0x1FA70] =	vst v63  }
0x1ae: {  	s28 =	sadd.s32 $0x1E240, s17  }
0x1af: {  	[spmem:s8] =	stream.indirect_vreg.scatter.add.s32 [tilespmem:s28], [sflag:$0x2], $0x1, v14, vm0, $0xb8;
	[tilespmem:$0x1FA70] =	vst v63  }
0x1b0: {  	v14 =	vld [tilespmem:s17+$0x1C8A0];
	_ =	sdelay $0x7  }
0x1b1: {  	[spmem:s6] =	stream.indirect_vreg.scatter.add.f32 [tilespmem:s13], [sflag:$0x2], $0x20, v14, vm0, $0xb8;
	[tilespmem:$0x1FA70] =	vst v63  }
0x1b2: {  	s14 =	sadd.s32 $0x1D9C0, s17  }
0x1b3: {  	[spmem:s7] =	stream.indirect_vreg.scatter.add.f32 [tilespmem:s14], [sflag:$0x2], $0x1, v14, vm0, $0xb8;
	[tilespmem:$0x1FA70] =	vst v63  }
0x1b4: {  	s28 =	sadd.s32 $0x1E250, s17  }
0x1b5: {  	[spmem:s8] =	stream.indirect_vreg.scatter.add.s32 [tilespmem:s28], [sflag:$0x2], $0x1, v14, vm0, $0xb8;
	[tilespmem:$0x1FA70] =	vst v63  }
0x1b6: {  	_ =	swait.ge [sflag:s25], $0x200  }
0x1b7: {  	[sflag:s25] =	ssyncset.done $0x0  }
0x1b8: {  	[sflag:s25] =	ssyncadd.s32 $0xFFFFFE00  }
0x1b9: {  	_ =	swait.ge [sflag:s25], $0x10  }
0x1ba: {  	[sflag:s25] =	ssyncset.done $0x0  }
0x1bb: {  	[sflag:s25] =	ssyncadd.s32 $0xFFFFFFF0  }
0x1bc: {  	_ =	swait.ge [sflag:s25], $0x10  }
0x1bd: {  	[sflag:s25] =	ssyncset.done $0x0  }
0x1be: {  	[sflag:s25] =	ssyncadd.s32 $0xFFFFFFF0  }
0x1bf: {  	_ =	swait.ge [sflag:s25], $0x200  }
0x1c0: {  	[sflag:s25] =	ssyncset.done $0x0  }
0x1c1: {  	[sflag:s25] =	ssyncadd.s32 $0xFFFFFE00  }
0x1c2: {  	_ =	swait.ge [sflag:s25], $0x10  }
0x1c3: {  	[sflag:s25] =	ssyncset.done $0x0  }
0x1c4: {  	[sflag:s25] =	ssyncadd.s32 $0xFFFFFFF0  }
0x1c5: {  	_ =	swait.ge [sflag:s25], $0x10  }
0x1c6: {  	[sflag:s25] =	ssyncset.done $0x0  }
0x1c7: {  	[sflag:s25] =	ssyncadd.s32 $0xFFFFFFF0  }
0x1c8: {  	_ =	swait.ge [sflag:s25], $0x200  }
0x1c9: {  	[sflag:s25] =	ssyncset.done $0x0  }
0x1ca: {  	[sflag:s25] =	ssyncadd.s32 $0xFFFFFE00  }
0x1cb: {  	_ =	swait.ge [sflag:s25], $0x10  }
0x1cc: {  	[sflag:s25] =	ssyncset.done $0x0  }
0x1cd: {  	[sflag:s25] =	ssyncadd.s32 $0xFFFFFFF0  }
0x1ce: {  	_ =	swait.ge [sflag:s25], $0x10  }
0x1cf: {  	[sflag:s25] =	ssyncset.done $0x0  }
0x1d0: {  	[sflag:s25] =	ssyncadd.s32 $0xFFFFFFF0  }
0x1d1: {  	_ =	swait.ge [sflag:s25], $0x200  }
0x1d2: {  	[sflag:s25] =	ssyncset.done $0x0  }
0x1d3: {  	[sflag:s25] =	ssyncadd.s32 $0xFFFFFE00  }
0x1d4: {  	_ =	swait.ge [sflag:s25], $0x10  }
0x1d5: {  	[sflag:s25] =	ssyncset.done $0x0  }
0x1d6: {  	[sflag:s25] =	ssyncadd.s32 $0xFFFFFFF0  }
0x1d7: {  	_ =	swait.ge [sflag:s25], $0x10  }
0x1d8: {  	[sflag:s25] =	ssyncset.done $0x0  }
0x1d9: {  	[sflag:s25] =	ssyncadd.s32 $0xFFFFFFF0  }
0x1da: {  	_ =	swait.ge [sflag:s25], $0x200  }
0x1db: {  	[sflag:s25] =	ssyncset.done $0x0  }
0x1dc: {  	[sflag:s25] =	ssyncadd.s32 $0xFFFFFE00  }
0x1dd: {  	_ =	swait.ge [sflag:s25], $0x10  }
0x1de: {  	[sflag:s25] =	ssyncset.done $0x0  }
0x1df: {  	[sflag:s25] =	ssyncadd.s32 $0xFFFFFFF0  }
0x1e0: {  	_ =	swait.ge [sflag:s25], $0x10  }
0x1e1: {  	[sflag:s25] =	ssyncset.done $0x0  }
0x1e2: {  	[sflag:s25] =	ssyncadd.s32 $0xFFFFFFF0  }
0x1e3: {  	_ =	swait.ge [sflag:s25], $0x200  }
0x1e4: {  	[sflag:s25] =	ssyncset.done $0x0  }
0x1e5: {  	[sflag:s25] =	ssyncadd.s32 $0xFFFFFE00  }
0x1e6: {  	_ =	swait.ge [sflag:s25], $0x10  }
0x1e7: {  	[sflag:s25] =	ssyncset.done $0x0  }
0x1e8: {  	[sflag:s25] =	ssyncadd.s32 $0xFFFFFFF0  }
0x1e9: {  	_ =	swait.ge [sflag:s25], $0x10  }
0x1ea: {  	[sflag:s25] =	ssyncset.done $0x0  }
0x1eb: {  	[sflag:s25] =	ssyncadd.s32 $0xFFFFFFF0  }
0x1ec: {  	_ =	swait.ge [sflag:s25], $0x200  }
0x1ed: {  	[sflag:s25] =	ssyncset.done $0x0  }
0x1ee: {  	[sflag:s25] =	ssyncadd.s32 $0xFFFFFE00  }
0x1ef: {  	_ =	swait.ge [sflag:s25], $0x10  }
0x1f0: {  	[sflag:s25] =	ssyncset.done $0x0  }
0x1f1: {  	[sflag:s25] =	ssyncadd.s32 $0xFFFFFFF0  }
0x1f2: {  	_ =	swait.ge [sflag:s25], $0x10  }
0x1f3: {  	[sflag:s25] =	ssyncset.done $0x0  }
0x1f4: {  	[sflag:s25] =	ssyncadd.s32 $0xFFFFFFF0  }
0x1f5: {  	_ =	swait.ge [sflag:s25], $0x200  }
0x1f6: {  	[sflag:s25] =	ssyncset.done $0x0  }
0x1f7: {  	[sflag:s25] =	ssyncadd.s32 $0xFFFFFE00  }
0x1f8: {  	p0 =	sne.s32 s16, $0x1;
	_ =	swait.ge [sflag:s25], $0x10  }
.Ltmp10:
0x1f9: {  	[sflag:s25] =	ssyncset.done $0x0;
	(pc) =	sbr.rel @p0 .LBB2_13-.Ltmp10, $4  }
0x1fa: {  	[sflag:s25] =	ssyncadd.s32 $0xFFFFFFF0  }
0x1fb: {  	_ =	swait.ge [sflag:s25], $0x10  }
0x1fc: {  	[sflag:s25] =	ssyncset.done $0x0  }
0x1fd: {  	s15 =	sadd.s32 $0x200, s15;
	s16 =	sadd.s32 $0xFFFFFFFF, s16;
	[sflag:s25] =	ssyncadd.s32 $0xFFFFFFF0  }
.Ltmp11:
0x1fe: {  	_ = 	snop;
	(pc) =	sbr.rel .LBB2_14-.Ltmp11, $1  }
0x1ff: {  	_ =	sdelay $0x3  }
.LBB2_15:
0x200: {  	s0 =	rddreg [dreg:$0xf];
	s14 =	simm.s32 $0x1B830  }
0x201: {  	[spmem:s0] =	stream.linear.scatter [tilespmem:s14], [sflag:$0x3], $0x1000, $0x38;
	[tilespmem:$0x1FA70] =	vst v63  }
0x202: {  	_ =	swait.ge [sflag:s30], $0x1000  }
0x203: {  	s26 =	sld [smem:$0x7F7]  }
0x204: {  	[sflag:s30] =	ssyncset.done $0x0  }
0x205: {  	[sflag:s30] =	ssyncadd.s32 $0xFFFFF000  }
0x206: {  	[spmem:s26] =	stream.linear.scatter [tilespmem:s14], [sflag:$0x3], $0x1000, $0x38;
	[tilespmem:$0x1FA70] =	vst v63  }
0x207: {  	_ =	swait.ge [sflag:s30], $0x1000  }
0x208: {  	s15 =	sld [smem:$0x7F8]  }
0x209: {  	[sflag:s30] =	ssyncset.done $0x0  }
0x20a: {  	[sflag:s30] =	ssyncadd.s32 $0xFFFFF000  }
0x20b: {  	[spmem:s15] =	stream.linear.scatter [tilespmem:s14], [sflag:$0x3], $0x1000, $0x38;
	[tilespmem:$0x1FA70] =	vst v63  }
0x20c: {  	_ =	swait.ge [sflag:s30], $0x1000  }
0x20d: {  	s16 =	sld [smem:$0x7F9]  }
0x20e: {  	[sflag:s30] =	ssyncset.done $0x0  }
0x20f: {  	[sflag:s30] =	ssyncadd.s32 $0xFFFFF000  }
0x210: {  	[spmem:s16] =	stream.linear.scatter [tilespmem:s14], [sflag:$0x3], $0x1000, $0x38;
	[tilespmem:$0x1FA70] =	vst v63  }
0x211: {  	_ =	swait.ge [sflag:s30], $0x1000  }
0x212: {  	s17 =	sld [smem:$0x7FA]  }
0x213: {  	[sflag:s30] =	ssyncset.done $0x0  }
0x214: {  	[sflag:s30] =	ssyncadd.s32 $0xFFFFF000  }
0x215: {  	[spmem:s17] =	stream.linear.scatter [tilespmem:s14], [sflag:$0x3], $0x1000, $0x38;
	[tilespmem:$0x1FA70] =	vst v63  }
0x216: {  	_ =	swait.ge [sflag:s30], $0x1000  }
0x217: {  	s26 =	sld [smem:$0x7FB]  }
0x218: {  	[sflag:s30] =	ssyncset.done $0x0  }
0x219: {  	[sflag:s30] =	ssyncadd.s32 $0xFFFFF000  }
0x21a: {  	[spmem:s26] =	stream.linear.scatter [tilespmem:s14], [sflag:$0x3], $0x1000, $0x38;
	[tilespmem:$0x1FA70] =	vst v63  }
0x21b: {  	_ =	swait.ge [sflag:s30], $0x1000  }
0x21c: {  	s15 =	sld [smem:$0x7FC]  }
0x21d: {  	[sflag:s30] =	ssyncset.done $0x0  }
0x21e: {  	[sflag:s30] =	ssyncadd.s32 $0xFFFFF000  }
0x21f: {  	[spmem:s15] =	stream.linear.scatter [tilespmem:s14], [sflag:$0x3], $0x1000, $0x38;
	[tilespmem:$0x1FA70] =	vst v63  }
0x220: {  	_ =	swait.ge [sflag:s30], $0x1000  }
0x221: {  	s16 =	sld [smem:$0x7FD]  }
0x222: {  	[sflag:s30] =	ssyncset.done $0x0  }
0x223: {  	[sflag:s30] =	ssyncadd.s32 $0xFFFFF000  }
0x224: {  	[spmem:s16] =	stream.linear.scatter [tilespmem:s14], [sflag:$0x3], $0x1000, $0x38;
	[tilespmem:$0x1FA70] =	vst v63  }
0x225: {  	_ =	swait.ge [sflag:s30], $0x1000  }
0x226: {  	[sflag:s30] =	ssyncset.done $0x0  }
0x227: {  	s17 =	rddreg [dreg:$0x10];
	[sflag:s30] =	ssyncadd.s32 $0xFFFFF000  }
0x228: {  	[spmem:s17] =	stream.linear.scatter [tilespmem:s31], [sflag:$0x3], $0x400, $0x38;
	[tilespmem:$0x1FA70] =	vst v63  }
0x229: {  	_ =	swait.ge [sflag:s30], $0x400  }
0x22a: {  	[sflag:s30] =	ssyncset.done $0x0  }
0x22b: {  	s26 =	rddreg [dreg:$0x11];
	[sflag:s30] =	ssyncadd.s32 $0xFFFFFC00  }
0x22c: {  	[spmem:s26] =	stream.linear.scatter [tilespmem:s2], [sflag:$0x3], $0x400, $0x38;
	[tilespmem:$0x1FA70] =	vst v63  }
0x22d: {  	_ =	swait.ge [sflag:s30], $0x400  }
0x22e: {  	[sflag:s30] =	ssyncset.done $0x0  }
0x22f: {  	s15 =	simm.s32 $0x0;
	[sflag:s30] =	ssyncadd.s32 $0xFFFFFC00  }
0x230: {  	s17 =	smov.u32 s29;
	s26 =	simm.s32 $0x0;
	[bflag:$0x0] =	sbarrier.arrive $0xFFFF  }
.LBB2_16:
0x231: {  	s0 =	sshll.u32 s26, $0xC  }
0x232: {  	s0 =	sadd.s32 s29, s0  }
0x233: {  	s0 =	sshrl.u32 s0, $0x3  }
0x234: {  	s16 =	simm.s32 $0x0;
	s14 =	sadd.s32 s1, s0  }
0x235: {  	[tilespmem:s2], [sflag:$0x3] =	stream.linear.gather [hbm4b:s14+s16], $0x1000, $0x38;
	[tilespmem:$0x1FA70] =	vst v63  }
0x236: {  	_ =	swait.ge [sflag:s30], $0x1000  }
0x237: {  	[sflag:s30] =	ssyncset.done $0x0  }
0x238: {  	[sflag:s30] =	ssyncadd.s32 $0xFFFFF000  }
0x239: {  	s14 =	rddreg [dreg:$0x1]  }
0x23a: {  	s0 =	sadd.s32 s14, s0  }
0x23b: {  	[tilespmem:s31], [sflag:$0x3] =	stream.linear.gather [hbm4b:s0+s16], $0x1000, $0x38;
	[tilespmem:$0x1FA70] =	vst v63  }
0x23c: {  	_ =	swait.ge [sflag:s30], $0x1000  }
0x23d: {  	[sflag:s30] =	ssyncset.done $0x0  }
0x23e: {  	s16 =	simm.s32 $0x0;
	[sflag:s30] =	ssyncadd.s32 $0xFFFFF000  }
0x23f: {  	v14 =	vld [tilespmem:s16+$0x19830];
	_ =	sdelay $0x4  }
0x240: {  	v14 =	vsub.s32 v14, v0  }
0x241: {  	v15 =	vadd.s32 $0xFFFFC000, v14  }
0x242: {  	vm1 =	vlt.s32 v14, $0x0;
	v15 =	vshrl.u32 v15, $0x1F  }
0x243: {  	v15 =	vsel vm1, $0x0, v15  }
0x244: {  	(xrf0) =	vadd.scan.msk.s32 $0xffff, v15;
	_ =	sdelay $0x2  }
0x245: {  	v16 =	vmov s15  }
0x246: {  	v16 =	vadd.s32 $0xFFFFFFFF, v16  }
0x247: {  	v16 =	vbroadcast v16, $0x0  }
0x248: {  	v17, _, _ =	vpop (xrf0)  }
0x249: {  	v18 =	vxor.u32 $0x1, v15;
	v16 =	vadd.s32 v17, v16;
	(v2sf) =	vpush v17, $0xF  }
0x24a: {  	v18 =	vmul.u32 v4, v18;
	v16 =	vmul.u32 v15, v16;
	_ =	sdelay $0x1  }
0x24b: {  	v16 =	vadd.s32 v18, v16;
	_ =	sdelay $0x1  }
0x24c: {  	v63 =	vld [tilespmem:s16+$0x1A830];
	_ =	sdelay $0x2  }
0x24d: {  	v19 =	vor.u32 s17, v2;
	[tilespmem:v16+s21+$0x0] =	vst.idx.msk $0xffff, v14  }
0x24e: {  	[tilespmem:v16+s22+$0x0] =	vst.idx.msk $0xffff, v19  }
0x24f: {  	[tilespmem:v16+s23+$0x0] =	vst.idx.msk $0xffff, v63  }
0x250: {  	s14 =	smov.u32 s17;
	s0 =	simm.s32 $0x10;
	s16 =	simm.s32 $0x80;
	[tilespmem:v16+s24+$0x0] =	vst.idx.msk $0xffff, v15  }
.LBB2_17:
0x251: {  	p0 =	sne.s32 s16, $0x3FC0;
	v14 =	vld [tilespmem:s0+$0x19830]  }
0x252: {  	v15 =	vld [tilespmem:s0+$0x1A830];
	_ =	sdelay $0x1  }
0x253: {  	s0 =	spop (v2sf)  }
0x254: {  	s15 =	sadd.s32 s15, s0  }
0x255: {  	v14 =	vsub.s32 v14, v0;
	v16 =	vmov s15  }
0x256: {  	v17 =	vadd.s32 $0xFFFFC000, v14;
	v16 =	vadd.s32 $0xFFFFFFFF, v16  }
0x257: {  	vm1 =	vlt.s32 v14, $0x0;
	v17 =	vshrl.u32 v17, $0x1F;
	v16 =	vbroadcast v16, $0x0  }
0x258: {  	v17 =	vsel vm1, $0x0, v17  }
0x259: {  	v18 =	vxor.u32 $0x1, v17;
	(xrf0) =	vadd.scan.msk.s32 $0xffff, v17;
	_ =	sdelay $0x5  }
0x25a: {  	v19, _, _ =	vpop (xrf0)  }
0x25b: {  	v16 =	vadd.s32 v19, v16;
	(v2sf) =	vpush v19, $0xF  }
0x25c: {  	v18 =	vmul.u32 v4, v18;
	v16 =	vmul.u32 v17, v16;
	_ =	sdelay $0x1  }
0x25d: {  	v16 =	vadd.s32 v18, v16;
	_ =	sdelay $0x3  }
.Ltmp12:
0x25e: {  	s14 =	sadd.s32 $0x10, s14;
	(pc) =	sbr.rel @p0 .LBB2_17-.Ltmp12, $4  }
0x25f: {  	v18 =	vor.u32 s14, v2;
	[tilespmem:v16+s21+$0x0] =	vst.idx.msk $0xffff, v14  }
0x260: {  	[tilespmem:v16+s22+$0x0] =	vst.idx.msk $0xffff, v18  }
0x261: {  	[tilespmem:v16+s23+$0x0] =	vst.idx.msk $0xffff, v15  }
0x262: {  	s0 =	sshra.s32 s16, $0x2;
	s16 =	sadd.s32 $0x40, s16;
	[tilespmem:v16+s24+$0x0] =	vst.idx.msk $0xffff, v17  }
0x263: {  	v14 =	vld [tilespmem:s0+$0x19830];
	_ =	sdelay $0x4  }
0x264: {  	v14 =	vsub.s32 v14, v0  }
0x265: {  	v15 =	vadd.s32 $0xFFFFC000, v14  }
0x266: {  	vm1 =	vlt.s32 v14, $0x0;
	v15 =	vshrl.u32 v15, $0x1F  }
0x267: {  	v15 =	vsel vm1, $0x0, v15  }
0x268: {  	(xrf0) =	vadd.scan.msk.s32 $0xffff, v15;
	_ =	sdelay $0x5  }
0x269: {  	s16 =	spop (v2sf);
	v16, _, _ =	vpop (xrf0)  }
0x26a: {  	s15 =	sadd.s32 s15, s16;
	(v2sf) =	vpush v16, $0xF  }
0x26b: {  	v17 =	vmov s15  }
0x26c: {  	v17 =	vadd.s32 $0xFFFFFFFF, v17  }
0x26d: {  	v17 =	vbroadcast v17, $0x0;
	_ =	sdelay $0x1  }
0x26e: {  	v18 =	vxor.u32 $0x1, v15;
	v16 =	vadd.s32 v16, v17  }
0x26f: {  	v61 =	vmul.u32 v4, v18;
	v16 =	vmul.u32 v15, v16;
	_ =	sdelay $0x1  }
0x270: {  	v16 =	vadd.s32 v61, v16;
	_ =	sdelay $0x1  }
0x271: {  	v62 =	vld [tilespmem:s0+$0x1A830];
	s26 =	sadd.s32 $0x1, s26  }
0x272: {  	p0 =	sne.s32 s26, $0x10  }
.Ltmp13:
0x273: {  	s14 =	sadd.s32 $0x10, s14;
	(pc) =	sbr.rel @p0 .LBB2_16-.Ltmp13, $4  }
0x274: {  	v63 =	vor.u32 s14, v2;
	[tilespmem:v16+s21+$0x0] =	vst.idx.msk $0xffff, v14  }
0x275: {  	[tilespmem:v16+s22+$0x0] =	vst.idx.msk $0xffff, v63  }
0x276: {  	[tilespmem:v16+s23+$0x0] =	vst.idx.msk $0xffff, v62;
	s16 =	spop (v2sf)  }
0x277: {  	s17 =	sadd.s32 $0x1000, s17;
	[tilespmem:v16+s24+$0x0] =	vst.idx.msk $0xffff, v15;
	s15 =	sadd.s32 s15, s16  }
0x278: {  	s0 =	simm.s32 $0x40;
	s14 =	simm.s32 $0x0  }
.LBB2_20:
0x279: {  	p0 =	sne.s32 s0, $0x3FC0;
	[tilespmem:s14+$0x19830] =	vst v3;
	s16 =	smov.u32 s0;
	s0 =	sadd.s32 $0x40, s0  }
.Ltmp14:
0x27a: {  	[tilespmem:s14+$0x1A830] =	vst v1;
	(pc) =	sbr.rel @p0 .LBB2_20-.Ltmp14, $2  }
0x27b: {  	_ =	sdelay $0x2  }
0x27c: {  	s14 =	sshra.s32 s16, $0x2  }
0x27d: {  	[tilespmem:s14+$0x19830] =	vst v3  }
0x27e: {  	[tilespmem:s14+$0x1A830] =	vst v1  }
0x27f: {  	[tilespmem:s15+$0x1C830] =	vst v13  }
0x280: {  	[tilespmem:s15+$0x1D0C0] =	vst v2  }
0x281: {  	[tilespmem:s15+$0x1D950] =	vst v1  }
0x282: {  	[tilespmem:s15+$0x1E1E0] =	vst v3  }
0x283: {  	[tilespmem:s15+$0x1C840] =	vst v13  }
0x284: {  	[tilespmem:s15+$0x1D0D0] =	vst v6  }
0x285: {  	[tilespmem:s15+$0x1D960] =	vst v1  }
0x286: {  	[tilespmem:s15+$0x1E1F0] =	vst v3  }
0x287: {  	[tilespmem:s15+$0x1C850] =	vst v13  }
0x288: {  	[tilespmem:s15+$0x1D0E0] =	vst v7  }
0x289: {  	[tilespmem:s15+$0x1D970] =	vst v1  }
0x28a: {  	[tilespmem:s15+$0x1E200] =	vst v3  }
0x28b: {  	[tilespmem:s15+$0x1C860] =	vst v13  }
0x28c: {  	[tilespmem:s15+$0x1D0F0] =	vst v8  }
0x28d: {  	[tilespmem:s15+$0x1D980] =	vst v1  }
0x28e: {  	[tilespmem:s15+$0x1E210] =	vst v3  }
0x28f: {  	[tilespmem:s15+$0x1C870] =	vst v13  }
0x290: {  	[tilespmem:s15+$0x1D100] =	vst v9  }
0x291: {  	[tilespmem:s15+$0x1D990] =	vst v1  }
0x292: {  	s0 =	sadd.s32 $0x7F, s15;
	[tilespmem:s15+$0x1E220] =	vst v3  }
0x293: {  	[tilespmem:s15+$0x1C880] =	vst v13;
	s17 =	sand.u32 $0x7F, s0  }
0x294: {  	[tilespmem:s15+$0x1D110] =	vst v10;
	s26 =	sshra.s32 s0, $0x1F;
	p1 =	slt.s32 s0, $0x1;
	p0 =	sne.s32 s17, $0x0  }
0x295: {  	[tilespmem:s15+$0x1D9A0] =	vst v1;
	s14 =	sshrl.u32 s26, $0x19;
	p0 =	por !p1, !p0  }
0x296: {  	[tilespmem:s15+$0x1E230] =	vst v3;
	s0 =	sadd.s32 s14, s0;
	s14 =	simm.s32 $0x1;
	p0 =	por !p0, !p0  }
0x297: {  	[tilespmem:s15+$0x1C890] =	vst v13;
	s0 =	sshra.s32 s0, $0x7;
	s14 =	simm.s32 @!p0 $0x0  }
0x298: {  	[tilespmem:s15+$0x1D120] =	vst v11;
	s16 =	ssub.s32 s0, s14  }
0x299: {  	[tilespmem:s15+$0x1D9B0] =	vst v1;
	p0 =	slt.s32 s16, $0x1  }
.Ltmp15:
0x29a: {  	[tilespmem:s15+$0x1E240] =	vst v3;
	(pc) =	sbr.rel @p0 .LBB2_23-.Ltmp15, $4  }
0x29b: {  	[tilespmem:s15+$0x1C8A0] =	vst v13  }
0x29c: {  	[tilespmem:s15+$0x1D130] =	vst v12  }
0x29d: {  	[tilespmem:s15+$0x1D9C0] =	vst v1  }
0x29e: {  	[tilespmem:s15+$0x1E250] =	vst v3;
	s15 =	simm.s32 $0x0;
	s26 =	rddreg [dreg:$0xe]  }
.LBB2_22:
0x29f: {  	s17 =	sshra.s32 s15, $0x2  }
0x2a0: {  	v14 =	vld [tilespmem:s17+$0x1D0C0];
	_ =	sdelay $0x7  }
0x2a1: {  	[tilespmem:s20], [sflag:$0x1] =	stream.indirect_vreg.gather [hbm4b:s11+s10], $0x20, v14, vm0, $0xb8;
	[tilespmem:$0x1FA70] =	vst v63  }
0x2a2: {  	v14 =	vld [tilespmem:s17+$0x1D0D0];
	_ =	sdelay $0x7  }
0x2a3: {  	[tilespmem:s18], [sflag:$0x1] =	stream.indirect_vreg.gather [hbm4b:s11+s10], $0x20, v14, vm0, $0xb8;
	[tilespmem:$0x1FA70] =	vst v63  }
0x2a4: {  	v14 =	vld [tilespmem:s17+$0x1D0E0];
	_ =	sdelay $0x7  }
0x2a5: {  	[tilespmem:s3], [sflag:$0x1] =	stream.indirect_vreg.gather [hbm4b:s11+s10], $0x20, v14, vm0, $0xb8;
	[tilespmem:$0x1FA70] =	vst v63  }
0x2a6: {  	v14 =	vld [tilespmem:s17+$0x1D0F0];
	_ =	sdelay $0x7  }
0x2a7: {  	[tilespmem:s4], [sflag:$0x1] =	stream.indirect_vreg.gather [hbm4b:s11+s10], $0x20, v14, vm0, $0xb8;
	[tilespmem:$0x1FA70] =	vst v63  }
0x2a8: {  	v14 =	vld [tilespmem:s17+$0x1D100];
	_ =	sdelay $0x7  }
0x2a9: {  	[tilespmem:s5], [sflag:$0x1] =	stream.indirect_vreg.gather [hbm4b:s11+s10], $0x20, v14, vm0, $0xb8;
	[tilespmem:$0x1FA70] =	vst v63  }
0x2aa: {  	v14 =	vld [tilespmem:s17+$0x1D110];
	_ =	sdelay $0x7  }
0x2ab: {  	[tilespmem:s9], [sflag:$0x1] =	stream.indirect_vreg.gather [hbm4b:s11+s10], $0x20, v14, vm0, $0xb8;
	[tilespmem:$0x1FA70] =	vst v63  }
0x2ac: {  	v14 =	vld [tilespmem:s17+$0x1D120];
	_ =	sdelay $0x7  }
0x2ad: {  	[tilespmem:s12], [sflag:$0x1] =	stream.indirect_vreg.gather [hbm4b:s11+s10], $0x20, v14, vm0, $0xb8;
	[tilespmem:$0x1FA70] =	vst v63  }
0x2ae: {  	v14 =	vld [tilespmem:s17+$0x1D130];
	_ =	sdelay $0x7  }
0x2af: {  	[tilespmem:s13], [sflag:$0x1] =	stream.indirect_vreg.gather [hbm4b:s11+s10], $0x20, v14, vm0, $0xb8;
	[tilespmem:$0x1FA70] =	vst v63  }
0x2b0: {  	_ =	swait.ge [sflag:s19], $0x200  }
0x2b1: {  	[sflag:s19] =	ssyncset.done $0x0  }
0x2b2: {  	[sflag:s19] =	ssyncadd.s32 $0xFFFFFE00  }
0x2b3: {  	_ =	swait.ge [sflag:s19], $0x200  }
0x2b4: {  	[sflag:s19] =	ssyncset.done $0x0  }
0x2b5: {  	[sflag:s19] =	ssyncadd.s32 $0xFFFFFE00  }
0x2b6: {  	_ =	swait.ge [sflag:s19], $0x200  }
0x2b7: {  	[sflag:s19] =	ssyncset.done $0x0  }
0x2b8: {  	[sflag:s19] =	ssyncadd.s32 $0xFFFFFE00  }
0x2b9: {  	_ =	swait.ge [sflag:s19], $0x200  }
0x2ba: {  	[sflag:s19] =	ssyncset.done $0x0  }
0x2bb: {  	[sflag:s19] =	ssyncadd.s32 $0xFFFFFE00  }
0x2bc: {  	_ =	swait.ge [sflag:s19], $0x200  }
0x2bd: {  	[sflag:s19] =	ssyncset.done $0x0  }
0x2be: {  	[sflag:s19] =	ssyncadd.s32 $0xFFFFFE00  }
0x2bf: {  	_ =	swait.ge [sflag:s19], $0x200  }
0x2c0: {  	[sflag:s19] =	ssyncset.done $0x0  }
0x2c1: {  	[sflag:s19] =	ssyncadd.s32 $0xFFFFFE00  }
0x2c2: {  	_ =	swait.ge [sflag:s19], $0x200  }
0x2c3: {  	[sflag:s19] =	ssyncset.done $0x0  }
0x2c4: {  	[sflag:s19] =	ssyncadd.s32 $0xFFFFFE00  }
0x2c5: {  	_ =	swait.ge [sflag:s19], $0x200  }
0x2c6: {  	[sflag:s19] =	ssyncset.done $0x0  }
0x2c7: {  	[sflag:s19] =	ssyncadd.s32 $0xFFFFFE00  }
0x2c8: {  	v14 =	vld [tilespmem:s17+$0x1C830];
	_ =	sdelay $0x7  }
0x2c9: {  	[spmem:s6] =	stream.indirect_vreg.scatter.add.f32 [tilespmem:s20], [sflag:$0x2], $0x20, v14, vm0, $0xb8;
	[tilespmem:$0x1FA70] =	vst v63  }
0x2ca: {  	s0 =	sadd.s32 $0x1D950, s17  }
0x2cb: {  	[spmem:s7] =	stream.indirect_vreg.scatter.add.f32 [tilespmem:s0], [sflag:$0x2], $0x1, v14, vm0, $0xb8;
	[tilespmem:$0x1FA70] =	vst v63  }
0x2cc: {  	s14 =	sadd.s32 $0x1E1E0, s17  }
0x2cd: {  	[spmem:s8] =	stream.indirect_vreg.scatter.add.s32 [tilespmem:s14], [sflag:$0x2], $0x1, v14, vm0, $0xb8;
	[tilespmem:$0x1FA70] =	vst v63  }
0x2ce: {  	v14 =	vld [tilespmem:s17+$0x1C840];
	_ =	sdelay $0x7  }
0x2cf: {  	[spmem:s6] =	stream.indirect_vreg.scatter.add.f32 [tilespmem:s18], [sflag:$0x2], $0x20, v14, vm0, $0xb8;
	[tilespmem:$0x1FA70] =	vst v63  }
0x2d0: {  	s14 =	sadd.s32 $0x1D960, s17  }
0x2d1: {  	[spmem:s7] =	stream.indirect_vreg.scatter.add.f32 [tilespmem:s14], [sflag:$0x2], $0x1, v14, vm0, $0xb8;
	[tilespmem:$0x1FA70] =	vst v63  }
0x2d2: {  	s14 =	sadd.s32 $0x1E1F0, s17  }
0x2d3: {  	[spmem:s8] =	stream.indirect_vreg.scatter.add.s32 [tilespmem:s14], [sflag:$0x2], $0x1, v14, vm0, $0xb8;
	[tilespmem:$0x1FA70] =	vst v63  }
0x2d4: {  	v14 =	vld [tilespmem:s17+$0x1C850];
	_ =	sdelay $0x7  }
0x2d5: {  	[spmem:s6] =	stream.indirect_vreg.scatter.add.f32 [tilespmem:s3], [sflag:$0x2], $0x20, v14, vm0, $0xb8;
	[tilespmem:$0x1FA70] =	vst v63  }
0x2d6: {  	s14 =	sadd.s32 $0x1D970, s17  }
0x2d7: {  	[spmem:s7] =	stream.indirect_vreg.scatter.add.f32 [tilespmem:s14], [sflag:$0x2], $0x1, v14, vm0, $0xb8;
	[tilespmem:$0x1FA70] =	vst v63  }
0x2d8: {  	s14 =	sadd.s32 $0x1E200, s17  }
0x2d9: {  	[spmem:s8] =	stream.indirect_vreg.scatter.add.s32 [tilespmem:s14], [sflag:$0x2], $0x1, v14, vm0, $0xb8;
	[tilespmem:$0x1FA70] =	vst v63  }
0x2da: {  	v14 =	vld [tilespmem:s17+$0x1C860];
	_ =	sdelay $0x7  }
0x2db: {  	[spmem:s6] =	stream.indirect_vreg.scatter.add.f32 [tilespmem:s4], [sflag:$0x2], $0x20, v14, vm0, $0xb8;
	[tilespmem:$0x1FA70] =	vst v63  }
0x2dc: {  	s14 =	sadd.s32 $0x1D980, s17  }
0x2dd: {  	[spmem:s7] =	stream.indirect_vreg.scatter.add.f32 [tilespmem:s14], [sflag:$0x2], $0x1, v14, vm0, $0xb8;
	[tilespmem:$0x1FA70] =	vst v63  }
0x2de: {  	s14 =	sadd.s32 $0x1E210, s17  }
0x2df: {  	[spmem:s8] =	stream.indirect_vreg.scatter.add.s32 [tilespmem:s14], [sflag:$0x2], $0x1, v14, vm0, $0xb8;
	[tilespmem:$0x1FA70] =	vst v63  }
0x2e0: {  	v14 =	vld [tilespmem:s17+$0x1C870];
	_ =	sdelay $0x7  }
0x2e1: {  	[spmem:s6] =	stream.indirect_vreg.scatter.add.f32 [tilespmem:s5], [sflag:$0x2], $0x20, v14, vm0, $0xb8;
	[tilespmem:$0x1FA70] =	vst v63  }
0x2e2: {  	s14 =	sadd.s32 $0x1D990, s17  }
0x2e3: {  	[spmem:s7] =	stream.indirect_vreg.scatter.add.f32 [tilespmem:s14], [sflag:$0x2], $0x1, v14, vm0, $0xb8;
	[tilespmem:$0x1FA70] =	vst v63  }
0x2e4: {  	s14 =	sadd.s32 $0x1E220, s17  }
0x2e5: {  	[spmem:s8] =	stream.indirect_vreg.scatter.add.s32 [tilespmem:s14], [sflag:$0x2], $0x1, v14, vm0, $0xb8;
	[tilespmem:$0x1FA70] =	vst v63  }
0x2e6: {  	v14 =	vld [tilespmem:s17+$0x1C880];
	_ =	sdelay $0x7  }
0x2e7: {  	[spmem:s6] =	stream.indirect_vreg.scatter.add.f32 [tilespmem:s9], [sflag:$0x2], $0x20, v14, vm0, $0xb8;
	[tilespmem:$0x1FA70] =	vst v63  }
0x2e8: {  	s14 =	sadd.s32 $0x1D9A0, s17  }
0x2e9: {  	[spmem:s7] =	stream.indirect_vreg.scatter.add.f32 [tilespmem:s14], [sflag:$0x2], $0x1, v14, vm0, $0xb8;
	[tilespmem:$0x1FA70] =	vst v63  }
0x2ea: {  	s14 =	sadd.s32 $0x1E230, s17  }
0x2eb: {  	[spmem:s8] =	stream.indirect_vreg.scatter.add.s32 [tilespmem:s14], [sflag:$0x2], $0x1, v14, vm0, $0xb8;
	[tilespmem:$0x1FA70] =	vst v63  }
0x2ec: {  	v14 =	vld [tilespmem:s17+$0x1C890];
	_ =	sdelay $0x7  }
0x2ed: {  	[spmem:s6] =	stream.indirect_vreg.scatter.add.f32 [tilespmem:s12], [sflag:$0x2], $0x20, v14, vm0, $0xb8;
	[tilespmem:$0x1FA70] =	vst v63  }
0x2ee: {  	s14 =	sadd.s32 $0x1D9B0, s17  }
0x2ef: {  	[spmem:s7] =	stream.indirect_vreg.scatter.add.f32 [tilespmem:s14], [sflag:$0x2], $0x1, v14, vm0, $0xb8;
	[tilespmem:$0x1FA70] =	vst v63  }
0x2f0: {  	s14 =	sadd.s32 $0x1E240, s17  }
0x2f1: {  	[spmem:s8] =	stream.indirect_vreg.scatter.add.s32 [tilespmem:s14], [sflag:$0x2], $0x1, v14, vm0, $0xb8;
	[tilespmem:$0x1FA70] =	vst v63  }
0x2f2: {  	v14 =	vld [tilespmem:s17+$0x1C8A0];
	_ =	sdelay $0x7  }
0x2f3: {  	[spmem:s6] =	stream.indirect_vreg.scatter.add.f32 [tilespmem:s13], [sflag:$0x2], $0x20, v14, vm0, $0xb8;
	[tilespmem:$0x1FA70] =	vst v63  }
0x2f4: {  	s14 =	sadd.s32 $0x1D9C0, s17  }
0x2f5: {  	[spmem:s7] =	stream.indirect_vreg.scatter.add.f32 [tilespmem:s14], [sflag:$0x2], $0x1, v14, vm0, $0xb8;
	[tilespmem:$0x1FA70] =	vst v63  }
0x2f6: {  	s17 =	sadd.s32 $0x1E250, s17  }
0x2f7: {  	[spmem:s8] =	stream.indirect_vreg.scatter.add.s32 [tilespmem:s17], [sflag:$0x2], $0x1, v14, vm0, $0xb8;
	[tilespmem:$0x1FA70] =	vst v63  }
0x2f8: {  	_ =	swait.ge [sflag:s25], $0x200  }
0x2f9: {  	[sflag:s25] =	ssyncset.done $0x0  }
0x2fa: {  	[sflag:s25] =	ssyncadd.s32 $0xFFFFFE00  }
0x2fb: {  	_ =	swait.ge [sflag:s25], $0x10  }
0x2fc: {  	[sflag:s25] =	ssyncset.done $0x0  }
0x2fd: {  	[sflag:s25] =	ssyncadd.s32 $0xFFFFFFF0  }
0x2fe: {  	_ =	swait.ge [sflag:s25], $0x10  }
0x2ff: {  	[sflag:s25] =	ssyncset.done $0x0  }
0x300: {  	[sflag:s25] =	ssyncadd.s32 $0xFFFFFFF0  }
0x301: {  	_ =	swait.ge [sflag:s25], $0x200  }
0x302: {  	[sflag:s25] =	ssyncset.done $0x0  }
0x303: {  	[sflag:s25] =	ssyncadd.s32 $0xFFFFFE00  }
0x304: {  	_ =	swait.ge [sflag:s25], $0x10  }
0x305: {  	[sflag:s25] =	ssyncset.done $0x0  }
0x306: {  	[sflag:s25] =	ssyncadd.s32 $0xFFFFFFF0  }
0x307: {  	_ =	swait.ge [sflag:s25], $0x10  }
0x308: {  	[sflag:s25] =	ssyncset.done $0x0  }
0x309: {  	[sflag:s25] =	ssyncadd.s32 $0xFFFFFFF0  }
0x30a: {  	_ =	swait.ge [sflag:s25], $0x200  }
0x30b: {  	[sflag:s25] =	ssyncset.done $0x0  }
0x30c: {  	[sflag:s25] =	ssyncadd.s32 $0xFFFFFE00  }
0x30d: {  	_ =	swait.ge [sflag:s25], $0x10  }
0x30e: {  	[sflag:s25] =	ssyncset.done $0x0  }
0x30f: {  	[sflag:s25] =	ssyncadd.s32 $0xFFFFFFF0  }
0x310: {  	_ =	swait.ge [sflag:s25], $0x10  }
0x311: {  	[sflag:s25] =	ssyncset.done $0x0  }
0x312: {  	[sflag:s25] =	ssyncadd.s32 $0xFFFFFFF0  }
0x313: {  	_ =	swait.ge [sflag:s25], $0x200  }
0x314: {  	[sflag:s25] =	ssyncset.done $0x0  }
0x315: {  	[sflag:s25] =	ssyncadd.s32 $0xFFFFFE00  }
0x316: {  	_ =	swait.ge [sflag:s25], $0x10  }
0x317: {  	[sflag:s25] =	ssyncset.done $0x0  }
0x318: {  	[sflag:s25] =	ssyncadd.s32 $0xFFFFFFF0  }
0x319: {  	_ =	swait.ge [sflag:s25], $0x10  }
0x31a: {  	[sflag:s25] =	ssyncset.done $0x0  }
0x31b: {  	[sflag:s25] =	ssyncadd.s32 $0xFFFFFFF0  }
0x31c: {  	_ =	swait.ge [sflag:s25], $0x200  }
0x31d: {  	[sflag:s25] =	ssyncset.done $0x0  }
0x31e: {  	[sflag:s25] =	ssyncadd.s32 $0xFFFFFE00  }
0x31f: {  	_ =	swait.ge [sflag:s25], $0x10  }
0x320: {  	[sflag:s25] =	ssyncset.done $0x0  }
0x321: {  	[sflag:s25] =	ssyncadd.s32 $0xFFFFFFF0  }
0x322: {  	_ =	swait.ge [sflag:s25], $0x10  }
0x323: {  	[sflag:s25] =	ssyncset.done $0x0  }
0x324: {  	[sflag:s25] =	ssyncadd.s32 $0xFFFFFFF0  }
0x325: {  	_ =	swait.ge [sflag:s25], $0x200  }
0x326: {  	[sflag:s25] =	ssyncset.done $0x0  }
0x327: {  	[sflag:s25] =	ssyncadd.s32 $0xFFFFFE00  }
0x328: {  	_ =	swait.ge [sflag:s25], $0x10  }
0x329: {  	[sflag:s25] =	ssyncset.done $0x0  }
0x32a: {  	[sflag:s25] =	ssyncadd.s32 $0xFFFFFFF0  }
0x32b: {  	_ =	swait.ge [sflag:s25], $0x10  }
0x32c: {  	[sflag:s25] =	ssyncset.done $0x0  }
0x32d: {  	[sflag:s25] =	ssyncadd.s32 $0xFFFFFFF0  }
0x32e: {  	_ =	swait.ge [sflag:s25], $0x200  }
0x32f: {  	[sflag:s25] =	ssyncset.done $0x0  }
0x330: {  	[sflag:s25] =	ssyncadd.s32 $0xFFFFFE00  }
0x331: {  	_ =	swait.ge [sflag:s25], $0x10  }
0x332: {  	[sflag:s25] =	ssyncset.done $0x0  }
0x333: {  	[sflag:s25] =	ssyncadd.s32 $0xFFFFFFF0  }
0x334: {  	_ =	swait.ge [sflag:s25], $0x10  }
0x335: {  	[sflag:s25] =	ssyncset.done $0x0  }
0x336: {  	[sflag:s25] =	ssyncadd.s32 $0xFFFFFFF0  }
0x337: {  	_ =	swait.ge [sflag:s25], $0x200  }
0x338: {  	[sflag:s25] =	ssyncset.done $0x0  }
0x339: {  	[sflag:s25] =	ssyncadd.s32 $0xFFFFFE00  }
0x33a: {  	p0 =	sne.s32 s16, $0x1;
	_ =	swait.ge [sflag:s25], $0x10  }
.Ltmp16:
0x33b: {  	[sflag:s25] =	ssyncset.done $0x0;
	(pc) =	sbr.rel @p0 .LBB2_22-.Ltmp16, $4  }
0x33c: {  	[sflag:s25] =	ssyncadd.s32 $0xFFFFFFF0  }
0x33d: {  	_ =	swait.ge [sflag:s25], $0x10  }
0x33e: {  	[sflag:s25] =	ssyncset.done $0x0  }
0x33f: {  	s15 =	sadd.s32 $0x200, s15;
	s16 =	sadd.s32 $0xFFFFFFFF, s16;
	[sflag:s25] =	ssyncadd.s32 $0xFFFFFFF0  }
.Ltmp17:
0x340: {  	_ = 	snop;
	(pc) =	sbr.rel .LBB2_23-.Ltmp17, $1  }
0x341: {  	_ =	sdelay $0x3  }
.LBB2_24:
0x342: {  	_ =	sfence.sel $0x180000  }
0x343: {  	[bflag:$0x0] =	sbarrier.arrive $0xFFFF  }
0x344: {  	_ =	strace $0x90000047  }
0x345: {  	s0 =	stileid.u32;
	[bflag:$0x2] =	sbarrier.arrive $0xFFFF  }
0x346: {  	p0 =	sne.s32 s0, $0x0;
	s0 =	rddreg [dreg:$0x9]  }
0x347: {  	s0 =	sadd.s32 @!p0 $0x100000, s0  }
0x348: {  	[sflag:s0] =	ssyncadd.tile.s32 @!p0 $0x1;
	_ =	shalt  }
.Lfunc_end2:
_tile_overlayer_lowered:
.L_overlay_start_2:
0x349: {  	(tag) =	ssettag $0x2  }
0x34a: {  	s0 =	rddreg [dreg:$0x0];
	s2 =	stileid.u32  }
0x34b: {  	s1 =	rddreg [dreg:$0x1];
	p0 =	sne.s32 s2, $0x0  }
0x34c: {  	s3 =	rddreg [dreg:$0x2];
	[bflag:$0x3] =	sbarrier.arrive $0xFFFF;
	s2 =	simm.s32 @!p0 $0x1C03  }
0x34d: {  	[timem:s3], [sflag:s2] =	dma.local @!p0 [hbm:s0], s1  }
0x34e: {  	s0 =	simm.s32 @!p0 $0x3  }
0x34f: {  	_ =	swait.ge @!p0 [sflag:s0], s1  }
0x350: {  	s1 =	ssub.s32 @!p0 $0x0, s1;
	[sflag:s0] =	ssyncset.done @!p0 $0x0  }
0x351: {  	[sflag:s0] =	ssyncadd.s32 @!p0 s1  }
0x352: {  	[bflag:$0x3] =	sbarrier.arrive $0xFFFF  }
0x353: {  	_ =	shalt  }

// kernel: sparse-core-data-format-call.cloned.1.call-start
scs
called_computation_lowered:
.L_overlay_start_0:
0x0: {  	s2 =	sld [smem:$0x3FD9]  }
0x1: {  	s3 =	sld [smem:$0x3FFE];
	_ =	sdelay $0x1  }
0x2: {  	s1 =	srdreg.scid  }
0x3: {  	s0 =	sand.u32 $0x1, s1  }
0x4: {  	s15 =	sshll.u32 s0, $0xA;
	s2 =	sadd.s32 s3, s2  }
0x5: {  	s2 =	sadd.s32 s2, s15  }
0x6: {  	[smem:$0x3FC3] =	sst s2  }
0x7: {  	_ = 	snop  }
0x8: {  	s2 =	sld [smem:$0x3FD0];
	_ =	sdelay $0x2  }
0x9: {  	s16 =	simm.s32 $0xA;
	s4 =	simm.s32 $0x10  }
0xa: {  	[smem:s4], [sflag:s16] =	dma.local [hbm:s2], $0x1  }
0xb: {  	_ =	swait.eq [sflag:s16], $0x1  }
0xc: {  	[sflag:s16] =	ssyncset.done $0x0  }
0xd: {  	[sflag:s16] =	ssyncadd.s32 $0xFFFFFFFF  }
0xe: {  	s17 =	sld [smem:$0x10];
	(tm) =	ssettm $0x1  }
0xf: {  	s18 =	sld [smem:$0x3FFB];
	_ =	sdelay $0x3  }
0x10: {  	_ =	strace s18  }
0x11: {  	s3 =	sld [smem:$0x3FFC];
	_ =	sdelay $0x3  }
0x12: {  	_ =	strace s3  }
0x13: {  	s3 =	sld [smem:$0x3FFD];
	_ =	sdelay $0x3  }
0x14: {  	_ =	strace s3  }
0x15: {  	_ =	strace $0x8FFFFFFF  }
0x16: {  	s19 =	sld [smem:$0x3FDB];
	_ =	sdelay $0x1  }
0x17: {  	s20 =	simm.s32 $_scs_section_size  }
0x18: {  	s5 =	simm.s32 $_size__tile_overlayer_lowered;
	s6 =	simm.s32 $_tile_overlayer_lowered  }
0x19: {  	s23 =	simm.s32 $0x1BFF;
	s22 =	sshll.u32 s6, $0x1;
	s3 =	sadd.s32 s20, s19  }
0x1a: {  	s7 =	simm.s32 $0x0;
	s21 =	sshll.u32 s5, $0x1;
	s5 =	sadd.s32 s22, s3  }
0x1b: {  	[timem:s7], [sflag:s23] =	dma.local [hbm:s5], s21  }
0x1c: {  	_ =	swait.ge [sflag:s23], s21  }
0x1d: {  	s4 =	ssub.s32 $0x0, s21;
	[sflag:s23] =	ssyncset.done $0x0  }
0x1e: {  	[sflag:s23] =	ssyncadd.s32 s4;
	_ =	sdelay $0x1  }
0x1f: {  	s24 =	simm.s32 $0x1B8B  }
0x20: {  	_ =	swait.ge [sflag:s24], $0x1  }
0x21: {  	[sflag:s24] =	ssyncset.done $0x0  }
0x22: {  	s26 =	simm.s32 $0x1B8E;
	s25 =	sld [smem:$0x3FFE];
	[sflag:s24] =	ssyncadd.s32 $0xFFFFFFFF  }
0x23: {  	s27 =	simm.s32 $execute0_lowered;
	[smem:$0x3FD2] =	sst s26  }
0x24: {  	s5 =	sshll.u32 s27, $0x1;
	_ =	strace $0x80000049;
	[dreg:$0x1] =	wrdreg $0xFFFFFFFF  }
0x25: {  	s28 =	simm.s32 $_size_execute0_lowered;
	s3 =	sadd.s32 s3, s5;
	[dreg:$0x0] =	wrdreg $0x0  }
0x26: {  	s5 =	sshll.u32 s28, $0x1;
	[dreg:$0x2] =	wrdreg s3  }
0x27: {  	[dreg:$0x3] =	wrdreg s5  }
0x28: {  	[dreg:$0x4] =	wrdreg $0xC0  }
0x29: {  	_ =	task [dreg:s7], $0x5FFFF  }
0x2a: {  	[dreg:$0x1] =	wrdreg $0xFFFFFFFF  }
0x2b: {  	[dreg:$0x0] =	wrdreg $0x60  }
0x2c: {  	[dreg:$0x2] =	wrdreg s25  }
0x2d: {  	[dreg:$0x3] =	wrdreg s17  }
0x2e: {  	[dreg:$0x4] =	wrdreg $0x9  }
0x2f: {  	_ =	task.clear_ibuf [dreg:s7], $0x5FFFF;
	_ =	strace $0x90000049  }
0x30: {  	s29 =	simm.s32 $0x9;
	_ =	strace $0x8000004B  }
0x31: {  	_ =	swait.ge [sflag:s29], $0x1  }
0x32: {  	[sflag:s29] =	ssyncadd.s32 $0xFFFFFFFF  }
0x33: {  	_ =	strace $0x9000004B  }
0x34: {  	_ =	sfence  }
0x35: {  	s30 =	sld [smem:$0x0];
	_ =	sdelay $0x2  }
0x36: {  	s31 =	sshll.u32 s1, $0xD;
	s1 =	sshrl.u32 s1, $0x2  }
0x37: {  	s3 =	sand.u32 $0x4000, s31;
	s1 =	sadd.s32 s1, s30  }
0x38: {  	s0 =	sor.u32 s3, s0;
	s1 =	sshll.u32 s1, $0x11  }
0x39: {  	s0 =	sor.u32 s1, s0  }
0x3a: {  	s0 =	sadd.s32 $0x8F2B, s0  }
0x3b: {  	[sflag:s0] =	ssyncadd.remote.s32 $0x1  }
0x3c: {  	_ =	sfence.sel $0xFFFF  }
0x3d: {  	[dreg:$0x0] =	wrdreg $0xFFFFFFFF;
	(pc) =	sbr.abs _section_cstart, $3  }
0x3e: {  	[dreg:$0x1] =	wrdreg $0xFFFFFFFF  }
0x3f: {  	_ =	task.clear_ibuf [dreg:s7], $0x2FFFF;
	_ =	strace $0x9FFFFFFF  }
0x40: {  	(tm) =	ssettm $0x7FFFFFFF  }
0x41: {  	_ =	shalt  }
tec
execute0_lowered:
.L_overlay_start_1:
0x0: {  	(tag) =	ssettag $0x1  }
0x1: {  	s0 =	srdreg.scid  }
0x2: {  	s1 =	sshll.u32 s0, $0x4  }
0x3: {  	s4 =	rddreg [dreg:$0x0];
	s0 =	stileid.u32;
	s1 =	sand.u32 $0x10, s1  }
0x4: {  	s2 =	rddreg [dreg:$0x1];
	s7 =	simm.s32 $0x1;
	s1 =	sor.u32 s0, s1  }
0x5: {  	s8 =	simm.s32 $0x2;
	s11 =	simm.s32 $0x0;
	s3 =	sshll.u32 s1, $0x7  }
0x6: {  	s10 =	simm.s32 $0x0;
	s4 =	sadd.s32 $0x401200, s4;
	s6 =	ssub.s32 $0x200000, s3  }
.Ltmp0:
0x7: {  	s1 =	rddreg [dreg:$0x2];
	s5 =	sand.u32 $0xF80, s6;
	(pc) =	sbr.rel .LBB1_1-.Ltmp0, $4  }
0x8: {  	_ =	strace $0x8000004A;
	s9 =	smov.u32 s3;
	p0 =	sne.s32 s5, $0x0  }
0x9: {  	s6 =	sshrl.u32 s6, $0xC;
	s5 =	simm.s32 $0x1;
	s7 =	simm.s32 @!p0 $0x0  }
0xa: {  	[sflag:s5] =	ssyncpa.u1 $0x0;
	p0 =	por $0x0, $0x0;
	s6 =	sadd.s32 s7, s6  }
0xb: {  	[sflag:s8] =	ssyncpa.u1 $0x0;
	s8 =	simm.s32 $0x1000000;
	s7 =	sadd.s32 $0x1, s6  }
.LBB1_4:
0xc: {  	s13 =	sshll.u32 s11, $0x3  }
0xd: {  	s15 =	sand.u32 $0x78, s11;
	s13 =	sand.u32 $0x1FFC00, s13  }
0xe: {  	s30 =	sand.u32 $0x7C0000, s11;
	s31 =	sand.u32 $0x7, s11;
	s13 =	sor.u32 s15, s13  }
0xf: {  	s11 =	sshll.u32 s31, $0x12;
	s15 =	sadd.s32 s2, s30;
	s13 =	sshrl.u32 s13, $0x3  }
0x10: {  	[tilespmem:s14+$0x0 ss:$0x81] =	vst.msk $0xffff, v0;
	s11 =	sor.u32 $0x400, s11;
	s13 =	sadd.s32 s13, s15  }
0x11: {  	[hbm4b:s13+s11] =	stream.strided.scatter [tilespmem:s12], [sflag:$0x2], $0x1000, s8, s11, $0x20;
	[tilespmem:$0x4040] =	vst v63  }
.LBB1_5:
0x12: {  	s13 =	sadd.s32 $0x1000, s9  }
0x13: {  	p2 =	sgt.s32 s13, $0x1FFFFF  }
0x14: {  	s13 =	smov.u32 @p2 s3;
	p2 =	sne.s32 s10, s7  }
.Ltmp1:
0x15: {  	p1 =	slt.u32 s10, $0x2;
	(pc) =	sbr.rel @!p2 .LBB1_6-.Ltmp1, $4  }
0x16: {  	s12 =	simm.s32 @!p1 $0x2  }
0x17: {  	s14 =	sadd.s32 $0x1, s10;
	_ =	swait.ge @!p1 [sflag:s12], $0x1000  }
0x18: {  	s11 =	smov.u32 s9;
	p0 =	por !p0, !p0;
	[sflag:s12] =	ssyncset.done @!p1 $0x0  }
0x19: {  	s10 =	smov.u32 s14;
	s9 =	smov.u32 s13;
	[sflag:s12] =	ssyncadd.s32 @!p1 $0xFFFFF000  }
.LBB1_1:
0x1a: {  	p1 =	sge.u32 s10, s6  }
0x1b: {  	s31 =	sadd.s32 $0xFFFFFFFF, s10;
	s12 =	sxor.u32 @!p1 $0xFFFFFFFF, s10;
	s13 =	sshll.u32 @!p1 s9, $0x4  }
0x1c: {  	s14 =	simm.s32 @!p1 $0x20;
	s12 =	sshll.u32 @!p1 s12, $0xC;
	s13 =	sand.u32 @!p1 $0x1FFFFF0, s13  }
0x1d: {  	s15 =	simm.s32 @!p1 $0x80;
	s12 =	sand.u32 @!p1 $0x1000, s12;
	s13 =	sadd.s32 @!p1 s4, s13  }
0x1e: {  	[tilespmem:s12], [sflag:$0x1] =	stream.strided.gather @!p1 [hbm4b:s13+s14], $0x1000, s15, s14, $0x38;
	[tilespmem:$0x4040] =	vst v63  }
0x1f: {  	p1 =	sge.u32 s31, s6  }
.Ltmp2:
0x20: {  	_ = 	snop;
	(pc) =	sbr.rel @p1 .LBB1_5-.Ltmp2, $1  }
0x21: {  	_ =	sdelay $0x3  }
0x22: {  	s12 =	simm.s32 $0x1  }
0x23: {  	_ =	swait.ge [sflag:s5], $0x1000;
	s12 =	simm.s32 @!p0 $0x0  }
0x24: {  	[sflag:s5] =	ssyncset.done $0x0;
	s13 =	sshll.u32 s12, $0xC  }
0x25: {  	[sflag:s5] =	ssyncadd.s32 $0xFFFFF000;
	s16 =	sor.u32 $0x10, s13  }
0x26: {  	s12 =	smul.u32 $0x4080, s12;
	v1 =	vld [tilespmem:s16+$0x0]  }
0x27: {  	s30 =	sand.u32 $0x1, s10;
	v0 =	vld [tilespmem:s16+$0xFFFFFFF0]  }
0x28: {  	s14 =	smul.u32 $0x4080, s30;
	s12 =	sshrl.u32 s12, $0x2  }
0x29: {  	s13 =	sor.u32 $0x2000, s12  }
0x2a: {  	s31 =	sshrl.u32 s14, $0x2;
	s14 =	sadd.s32 $0x0, s13  }
0x2b: {  	s15 =	simm.s32 $0x4;
	s16 =	sadd.s32 $0x20, s16;
	s12 =	sor.u32 $0x2000, s31;
	[tilespmem:s14+$0x810 ss:$0x81] =	vst.msk $0xffff, v1  }
.LBB1_3:
0x2c: {  	v1 =	vld [tilespmem:s16+$0x0];
	p1 =	sne.s32 s15, $0x1FC;
	[tilespmem:s14+$0x0 ss:$0x81] =	vst.msk $0xffff, v0;
	s14 =	smov.u32 s15;
	s15 =	sadd.s32 $0x4, s15  }
.Ltmp3:
0x2d: {  	v0 =	vld [tilespmem:s16+$0xFFFFFFF0];
	(pc) =	sbr.rel @p1 .LBB1_3-.Ltmp3, $4  }
0x2e: {  	_ = 	snop  }
0x2f: {  	s14 =	sshra.s32 s14, $0x2  }
0x30: {  	s14 =	sadd.s32 s14, s13  }
0x31: {  	s16 =	sadd.s32 $0x20, s16;
	[tilespmem:s14+$0x810 ss:$0x81] =	vst.msk $0xffff, v1  }
.Ltmp4:
0x32: {  	_ = 	snop;
	(pc) =	sbr.rel .LBB1_4-.Ltmp4, $1  }
0x33: {  	_ =	sdelay $0x3  }
.LBB1_6:
0x34: {  	_ =	sfence.sel $0x180000  }
0x35: {  	s2 =	simm.s32 $0x1;
	[bflag:$0x0] =	sbarrier.arrive $0xFFFF  }
0x36: {  	s31 =	simm.s32 $0x2;
	[sflag:s2] =	ssyncpa.u1 $0x1  }
0x37: {  	[sflag:s31] =	ssyncpa.u1 $0x1  }
0x38: {  	p0 =	sne.s32 s0, $0x0;
	_ =	strace $0x9000004A  }
0x39: {  	s0 =	sadd.s32 @!p0 $0x100000, s1;
	[bflag:$0x2] =	sbarrier.arrive $0xFFFF  }
0x3a: {  	[sflag:s0] =	ssyncadd.tile.s32 @!p0 $0x1;
	_ =	shalt  }
.Lfunc_end1:
_tile_overlayer_lowered:
.L_overlay_start_2:
0x3b: {  	(tag) =	ssettag $0x2  }
0x3c: {  	s0 =	rddreg [dreg:$0x0];
	s2 =	stileid.u32  }
0x3d: {  	s1 =	rddreg [dreg:$0x1];
	p0 =	sne.s32 s2, $0x0  }
0x3e: {  	s3 =	rddreg [dreg:$0x2];
	[bflag:$0x3] =	sbarrier.arrive $0xFFFF;
	s2 =	simm.s32 @!p0 $0x1C01  }
0x3f: {  	[timem:s3], [sflag:s2] =	dma.local @!p0 [hbm:s0], s1  }
0x40: {  	s0 =	simm.s32 @!p0 $0x1  }
0x41: {  	_ =	swait.ge @!p0 [sflag:s0], s1  }
0x42: {  	s1 =	ssub.s32 @!p0 $0x0, s1;
	[sflag:s0] =	ssyncset.done @!p0 $0x0  }
0x43: {  	[sflag:s0] =	ssyncadd.s32 @!p0 s1  }
0x44: {  	[bflag:$0x3] =	sbarrier.arrive $0xFFFF  }
0x45: {  	_ =	shalt  }

</sc_bundles>
